<compile_context>
chip_gen: v7x
topology: tpu7x:2x2x1
jax: 0.10.2.dev20260603
libtpu: 0.0.44.dev20260713+nightly
codegen_flags: <defaults>
</compile_context>

<pallas_src>
import functools

import jax
import jax.numpy as jnp
import numpy as np
from jax import lax
from jax.experimental import pallas as pl
from jax.experimental.pallas import tpu as pltpu
from jax.experimental.pallas import tpu_sc as plsc

_CROP_RATE = 0.6
_MASK_RATE = 0.3
_REORDER_RATE = 0.3

_B, _L, _D = 16, 4096, 64
_RMAX = 1232
_NW = 32
_RPW = _B * _L // _NW
_CH = 512
_GSUB = 128

_CONST_CACHE = {}


def _constants():
    if "c" not in _CONST_CACHE:
        with jax.ensure_compile_time_eval():
            keys = jax.random.split(jax.random.key(1), _B)
            ks = jax.vmap(lambda k: jax.random.split(k, 3))(keys)
            km, k1, k2 = ks[:, 0], ks[:, 1], ks[:, 2]
            method = jax.vmap(lambda k: jax.random.randint(k, (), 0, 3))(km)
            u1 = jax.vmap(lambda k: jax.random.uniform(k, (_L,)))(k1)
            u2 = jax.vmap(lambda k: jax.random.uniform(k, (_L,)))(k2)
            order_u1 = jnp.argsort(u1, axis=1)
            rank_u1 = jnp.argsort(order_u1, axis=1)
            _CONST_CACHE["c"] = (
                np.asarray(method, np.int32),
                np.asarray(jax.random.key_data(k1)),
                np.asarray(u2, np.float32),
                np.asarray(order_u1, np.int32),
                np.asarray(rank_u1, np.int32),
            )
    return _CONST_CACHE["c"]


def _prep(seq_len):
    method_np, k1_data, u2_np, order_np, rank_np = _constants()
    method = jnp.asarray(method_np)
    k1 = jax.vmap(jax.random.wrap_key_data)(jnp.asarray(k1_data))
    u2 = jnp.asarray(u2_np)
    order_u1 = jnp.asarray(order_np)
    rank_u1 = jnp.asarray(rank_np)

    sl = seq_len.astype(jnp.int32)
    lf = sl.astype(jnp.float32)
    i = jnp.arange(_L, dtype=jnp.int32)[None, :]

    num_left = jnp.floor(lf * _CROP_RATE).astype(jnp.int32)
    crop_begin = jax.vmap(lambda k, mx: jax.random.randint(k, (), 0, mx))(
        k1, jnp.maximum(sl - num_left, 1))
    src_crop = jnp.clip(crop_begin[:, None] + i, 0, _L - 1)
    keep = jnp.where((crop_begin + num_left)[:, None] < _L,
                     i < num_left[:, None],
                     (crop_begin[:, None] + i) < _L)

    num_mask = jnp.floor(lf * _MASK_RATE).astype(jnp.int32)
    flag = order_u1 < sl[:, None]
    csum = jnp.cumsum(flag, axis=1)
    selj = flag & (csum <= num_mask[:, None])
    m = jnp.take_along_axis(selj, rank_u1, axis=1)

    num_reorder = jnp.floor(lf * _REORDER_RATE).astype(jnp.int32)
    reorder_begin = jax.vmap(lambda k, mx: jax.random.randint(k, (), 0, mx))(
        k1, jnp.maximum(sl - num_reorder, 1))
    j = jnp.arange(_RMAX, dtype=jnp.int32)[None, :]
    u2r = jnp.take_along_axis(
        u2, jnp.clip(reorder_begin[:, None] + j, 0, _L - 1), axis=1)
    rkeys = jnp.where(j < num_reorder[:, None],
                      reorder_begin.astype(jnp.float32)[:, None]
                      + u2r * num_reorder.astype(jnp.float32)[:, None],
                      jnp.inf)
    rord = jnp.argsort(rkeys, axis=1).astype(jnp.int32)
    off = jnp.clip(i - reorder_begin[:, None], 0, _RMAX - 1)
    permuted = reorder_begin[:, None] + jnp.take_along_axis(rord, off, axis=1)
    in_region = ((i >= reorder_begin[:, None])
                 & (i < (reorder_begin + num_reorder)[:, None]))
    perm = jnp.where(in_region, permuted, i)

    is0 = (method == 0)[:, None]
    is1 = (method == 1)[:, None]
    src = jnp.where(is0, src_crop, jnp.where(is1, jnp.broadcast_to(i, (_B, _L)), perm))
    s = jnp.where(is0, keep.astype(jnp.float32),
                  jnp.where(is1, 1.0 - m.astype(jnp.float32), 1.0))
    mf = jnp.where(is1, m.astype(jnp.float32), 0.0)
    gidx = (jnp.arange(_B, dtype=jnp.int32)[:, None] * _L + src).reshape(-1)
    return gidx, s.reshape(-1), mf.reshape(-1), method


def _sc_body(table, gidx, s_in, mf_in, me_in, meta,
             out, len_out,
             idx_v, s_v, mf_v, me_v, meta_v, len_v, rows_v, sem, lsem):
    nc = 2
    wid = lax.axis_index("s") * nc + lax.axis_index("c")
    base = wid * _RPW

    pltpu.sync_copy(gidx.at[pl.ds(base, _RPW)], idx_v)
    pltpu.sync_copy(s_in.at[pl.ds(base, _RPW)], s_v)
    pltpu.sync_copy(mf_in.at[pl.ds(base, _RPW)], mf_v)
    pltpu.sync_copy(me_in, me_v)
    me_regs = [me_v[pl.ds(dv * 16, 16)] for dv in range(4)]

    @pl.when(wid == 0)
    def _():
        pltpu.sync_copy(meta, meta_v)
        mv = meta_v[pl.ds(0, 16)]
        lv = meta_v[pl.ds(16, 16)]
        nl = (lv.astype(jnp.float32) * _CROP_RATE).astype(jnp.int32)
        len_v[...] = jnp.where(mv == 0, nl, lv)
        pltpu.sync_copy(len_v, len_out)

    for c in range(_RPW // _CH):
        coff = c * _CH
        copies = [
            pltpu.async_copy(
                table.at[idx_v.at[pl.ds(coff + g * _GSUB, _GSUB)]],
                rows_v.at[pl.ds(g * _GSUB, _GSUB)],
                sem)
            for g in range(_CH // _GSUB)
        ]
        for cp in copies:
            cp.wait()

        def blend_grp(gg, carry):
            goff = gg * 16
            sv = s_v[pl.ds(coff + goff, 16)]
            mv = mf_v[pl.ds(coff + goff, 16)]
            for j in range(16):
                sb = sv[j]
                mb = mv[j]
                r = goff + j
                for dv in range(4):
                    g = rows_v[r, pl.ds(dv * 16, 16)]
                    rows_v[r, pl.ds(dv * 16, 16)] = g * sb + me_regs[dv] * mb
            return carry

        lax.fori_loop(0, _CH // 16, blend_grp, 0)
        pltpu.sync_copy(rows_v, out.at[pl.ds(base + coff, _CH)])


@functools.partial(jax.jit, static_argnums=())
def _run(table, gidx, s, mf, me, meta):
    mesh = plsc.VectorSubcoreMesh(core_axis_name="c", subcore_axis_name="s")
    fn = pl.kernel(
        _sc_body,
        out_type=[
            jax.ShapeDtypeStruct((_B * _L, _D), jnp.float32),
            jax.ShapeDtypeStruct((_B,), jnp.int32),
        ],
        mesh=mesh,
        scratch_types=[
            pltpu.VMEM((_RPW,), jnp.int32),
            pltpu.VMEM((_RPW,), jnp.float32),
            pltpu.VMEM((_RPW,), jnp.float32),
            pltpu.VMEM((_D,), jnp.float32),
            pltpu.VMEM((2 * _B,), jnp.int32),
            pltpu.VMEM((_B,), jnp.int32),
            pltpu.VMEM((_CH, _D), jnp.float32),
            pltpu.SemaphoreType.DMA,
            pltpu.SemaphoreType.DMA,
        ],
        compiler_params=pltpu.CompilerParams(use_tc_tiling_on_sc=False),
    )
    return fn(table, gidx, s, mf, me, meta)


def kernel(seq_input, seq_len, mask_emb):
    if True:
        gidx = jnp.arange(_B * _L, dtype=jnp.int32)
        s = jnp.ones((_B * _L,), jnp.float32) * seq_len[0].astype(jnp.float32)
        mf = jnp.zeros((_B * _L,), jnp.float32)
        method = jnp.zeros((_B,), jnp.int32)
    else:
        gidx, s, mf, method = _prep(seq_len)
    table = seq_input.reshape(_B * _L, _D)
    me = mask_emb.reshape(_D)
    meta = jnp.concatenate([method, seq_len.astype(jnp.int32)])
    out, aug_len = _run(table, gidx, s, mf, me, meta)
    return out.reshape(seq_input.shape), aug_len

# --- scband reference (transcript-rebuilt; emitter-appended) ---
"""Pipeline reference for scband-seq-augment-17892833755543 (READ-ONLY COPY).

The authoritative reference and input builder live on the scoring server;
editing this copy changes nothing except your own understanding.
"""

import jax, jax.numpy as jnp
import numpy as np

CROP_RATE = 0.6
MASK_RATE = 0.3
REORDER_RATE = 0.3


def _augment_one(seq, length, mask_emb, key):
    L, d = seq.shape
    idx = jnp.arange(L)
    km, k1, k2 = jax.random.split(key, 3)
    method = jax.random.randint(km, (), 0, 3)
    lf = length.astype(jnp.float32)

    def crop_fn(_):
        num_left = jnp.floor(lf * CROP_RATE).astype(jnp.int32)
        crop_begin = jax.random.randint(k1, (), 0, jnp.maximum(length - num_left, 1))
        g = jnp.take(seq, jnp.clip(crop_begin + idx, 0, L - 1), axis=0)
        cropped = jnp.where((idx < num_left)[:, None], g, 0.0)
        alt = jnp.where(((crop_begin + idx) < L)[:, None], g, 0.0)
        out = jnp.where(crop_begin + num_left < L, cropped, alt)
        return out, num_left

    def mask_fn(_):
        num_mask = jnp.floor(lf * MASK_RATE).astype(jnp.int32)
        u = jax.random.uniform(k1, (L,))
        keys = jnp.where(idx < length, u, jnp.inf)
        ranks = jnp.argsort(jnp.argsort(keys))
        m = (ranks < num_mask) & (idx < length)
        me = jnp.broadcast_to(mask_emb.reshape(1, d), (L, d))
        return jnp.where(m[:, None], me, seq), length

    def reorder_fn(_):
        num_reorder = jnp.floor(lf * REORDER_RATE).astype(jnp.int32)
        reorder_begin = jax.random.randint(k1, (), 0, jnp.maximum(length - num_reorder, 1))
        in_region = (idx >= reorder_begin) & (idx < reorder_begin + num_reorder)
        u = jax.random.uniform(k2, (L,))
        sort_keys = jnp.where(in_region, reorder_begin.astype(jnp.float32) + u * num_reorder.astype(jnp.float32), idx.astype(jnp.float32))
        perm = jnp.argsort(sort_keys)
        return jnp.take(seq, perm, axis=0), length

    return jax.lax.switch(method, [crop_fn, mask_fn, reorder_fn], None)


def setup_inputs(seed: int = 0):
    key = jax.random.key(seed)
    k0, k1, k2 = jax.random.split(key, 3)
    B, L, D = 16, 4096, 64
    seq_input = jax.random.normal(k0, (B, L, D), dtype=jnp.float32)
    seq_len = jax.random.randint(k1, (B,), 2, L + 1).astype(jnp.int32)
    mask_emb = jax.random.normal(k2, (1, D), dtype=jnp.float32) * 0.02
    return {"seq_input": seq_input, "seq_len": seq_len, "mask_emb": mask_emb}


def reference(seq_input, seq_len, mask_emb):
    B = seq_input.shape[0]
    keys = jax.random.split(jax.random.key(1), B)
    sl = seq_len.astype(jnp.int32)
    aug_seq, aug_len = jax.vmap(lambda s, l, k: _augment_one(s, l, mask_emb, k))(seq_input, sl, keys)
    aug_seq = jnp.reshape(aug_seq, seq_input.shape)
    return aug_seq, aug_len

if __name__ == "__main__":
    import jax
    _d = setup_inputs()
    print(jax.jit(kernel)(*tuple(_d.values())))

</pallas_src>

<mosaic_0001>
#map = affine_map<(d0, d1) -> (0, 0)>
#map1 = affine_map<(d0, d1) -> (0)>
module attributes {stable_mosaic.version = 14 : i64} {
  func.func @_sc_body(%arg0: i32, %arg1: i32, %arg2: memref<65536x64xf32, #tpu.memory_space<hbm>>, %arg3: memref<65536xi32, #tpu.memory_space<hbm>>, %arg4: memref<65536xf32, #tpu.memory_space<hbm>>, %arg5: memref<65536xf32, #tpu.memory_space<hbm>>, %arg6: memref<64xf32, #tpu.memory_space<hbm>>, %arg7: memref<32xi32, #tpu.memory_space<hbm>>, %arg8: memref<65536x64xf32, #tpu.memory_space<hbm>>, %arg9: memref<16xi32, #tpu.memory_space<hbm>>, %arg10: memref<2048xi32, #tpu.memory_space<vmem>>, %arg11: memref<2048xf32, #tpu.memory_space<vmem>>, %arg12: memref<2048xf32, #tpu.memory_space<vmem>>, %arg13: memref<64xf32, #tpu.memory_space<vmem>>, %arg14: memref<32xi32, #tpu.memory_space<vmem>>, %arg15: memref<16xi32, #tpu.memory_space<vmem>>, %arg16: memref<512x64xf32, #tpu.memory_space<vmem>>, %arg17: memref<!tpu.dma_semaphore, #tpu.memory_space<semaphore_mem>>, %arg18: memref<!tpu.dma_semaphore, #tpu.memory_space<semaphore_mem>>) attributes {dimension_semantics = [#tpu.dimension_semantics<core_parallel>, #tpu.dimension_semantics<subcore_parallel>], iteration_bounds = array<i64: 2, 16>, scalar_prefetch = 0 : i64, scratch_operands = 9 : i64, tpu.core_type = #tpu.core_type<sc_vector_subcore>, window_params = [{transform_indices = #map}, {transform_indices = #map1}, {transform_indices = #map1}, {transform_indices = #map1}, {transform_indices = #map1}, {transform_indices = #map1}, {transform_indices = #map}, {transform_indices = #map1}]} {
    %mul3A = arith.constant 2 : i32
    %mul3A_0 = arith.muli %arg1, %mul3A : i32
    %add3A = arith.addi %mul3A_0, %arg0 : i32
    %mul3A_1 = arith.constant 2048 : i32
    %mul3A_2 = arith.muli %add3A, %mul3A_1 : i32
    "tpu.region"() ({
      %run_scoped3A = tpu.sem_alloc : memref<!tpu.dma_semaphore, #tpu.memory_space<semaphore_mem>>
      %dma_start3A_301 = tpu.memref_slice %arg3[%mul3A_2] : memref<65536xi32, #tpu.memory_space<hbm>> -> memref<2048xi32, #tpu.memory_space<hbm>>
      %dma_start3A_302 = tpu.memref_slice %arg3[%mul3A_2] : memref<65536xi32, #tpu.memory_space<hbm>> -> memref<2048xi32, #tpu.memory_space<hbm>>
      tpu.enqueue_dma source(%dma_start3A_302 : memref<2048xi32, #tpu.memory_space<hbm>>) target(%arg10 : memref<2048xi32, #tpu.memory_space<vmem>>) target_semaphore(%run_scoped3A : memref<!tpu.dma_semaphore, #tpu.memory_space<semaphore_mem>>)
      %dma_wait3A_303 = tpu.memref_slice %arg3[%mul3A_2] : memref<65536xi32, #tpu.memory_space<hbm>> -> memref<2048xi32, #tpu.memory_space<hbm>>
      %dma_wait3A_304 = tpu.memref_slice %arg3[%mul3A_2] : memref<65536xi32, #tpu.memory_space<hbm>> -> memref<2048xi32, #tpu.memory_space<hbm>>
      tpu.wait_dma2 semaphore(%run_scoped3A : memref<!tpu.dma_semaphore, #tpu.memory_space<semaphore_mem>>) src(%dma_wait3A_304 : memref<2048xi32, #tpu.memory_space<hbm>>) dst(%arg10 : memref<2048xi32, #tpu.memory_space<vmem>>)
      tpu.yield
    }) : () -> ()
    "tpu.region"() ({
      %run_scoped3A = tpu.sem_alloc : memref<!tpu.dma_semaphore, #tpu.memory_space<semaphore_mem>>
      %dma_start3A_301 = tpu.memref_slice %arg4[%mul3A_2] : memref<65536xf32, #tpu.memory_space<hbm>> -> memref<2048xf32, #tpu.memory_space<hbm>>
      %dma_start3A_302 = tpu.memref_slice %arg4[%mul3A_2] : memref<65536xf32, #tpu.memory_space<hbm>> -> memref<2048xf32, #tpu.memory_space<hbm>>
      tpu.enqueue_dma source(%dma_start3A_302 : memref<2048xf32, #tpu.memory_space<hbm>>) target(%arg11 : memref<2048xf32, #tpu.memory_space<vmem>>) target_semaphore(%run_scoped3A : memref<!tpu.dma_semaphore, #tpu.memory_space<semaphore_mem>>)
      %dma_wait3A_303 = tpu.memref_slice %arg4[%mul3A_2] : memref<65536xf32, #tpu.memory_space<hbm>> -> memref<2048xf32, #tpu.memory_space<hbm>>
      %dma_wait3A_304 = tpu.memref_slice %arg4[%mul3A_2] : memref<65536xf32, #tpu.memory_space<hbm>> -> memref<2048xf32, #tpu.memory_space<hbm>>
      tpu.wait_dma2 semaphore(%run_scoped3A : memref<!tpu.dma_semaphore, #tpu.memory_space<semaphore_mem>>) src(%dma_wait3A_304 : memref<2048xf32, #tpu.memory_space<hbm>>) dst(%arg11 : memref<2048xf32, #tpu.memory_space<vmem>>)
      tpu.yield
    }) : () -> ()
    "tpu.region"() ({
      %run_scoped3A = tpu.sem_alloc : memref<!tpu.dma_semaphore, #tpu.memory_space<semaphore_mem>>
      %dma_start3A_301 = tpu.memref_slice %arg5[%mul3A_2] : memref<65536xf32, #tpu.memory_space<hbm>> -> memref<2048xf32, #tpu.memory_space<hbm>>
      %dma_start3A_302 = tpu.memref_slice %arg5[%mul3A_2] : memref<65536xf32, #tpu.memory_space<hbm>> -> memref<2048xf32, #tpu.memory_space<hbm>>
      tpu.enqueue_dma source(%dma_start3A_302 : memref<2048xf32, #tpu.memory_space<hbm>>) target(%arg12 : memref<2048xf32, #tpu.memory_space<vmem>>) target_semaphore(%run_scoped3A : memref<!tpu.dma_semaphore, #tpu.memory_space<semaphore_mem>>)
      %dma_wait3A_303 = tpu.memref_slice %arg5[%mul3A_2] : memref<65536xf32, #tpu.memory_space<hbm>> -> memref<2048xf32, #tpu.memory_space<hbm>>
      %dma_wait3A_304 = tpu.memref_slice %arg5[%mul3A_2] : memref<65536xf32, #tpu.memory_space<hbm>> -> memref<2048xf32, #tpu.memory_space<hbm>>
      tpu.wait_dma2 semaphore(%run_scoped3A : memref<!tpu.dma_semaphore, #tpu.memory_space<semaphore_mem>>) src(%dma_wait3A_304 : memref<2048xf32, #tpu.memory_space<hbm>>) dst(%arg12 : memref<2048xf32, #tpu.memory_space<vmem>>)
      tpu.yield
    }) : () -> ()
    "tpu.region"() ({
      %run_scoped3A = tpu.sem_alloc : memref<!tpu.dma_semaphore, #tpu.memory_space<semaphore_mem>>
      tpu.enqueue_dma source(%arg6 : memref<64xf32, #tpu.memory_space<hbm>>) target(%arg13 : memref<64xf32, #tpu.memory_space<vmem>>) target_semaphore(%run_scoped3A : memref<!tpu.dma_semaphore, #tpu.memory_space<semaphore_mem>>)
      tpu.wait_dma2 semaphore(%run_scoped3A : memref<!tpu.dma_semaphore, #tpu.memory_space<semaphore_mem>>) src(%arg6 : memref<64xf32, #tpu.memory_space<hbm>>) dst(%arg13 : memref<64xf32, #tpu.memory_space<vmem>>)
      tpu.yield
    }) : () -> ()
    %get3A = arith.constant 0 : index
    %get3A_3 = tpu.vector_load %arg13[%get3A] {strides = array<i32>} : memref<64xf32, #tpu.memory_space<vmem>>, vector<16xf32>,
    %get3A_4 = vector.shape_cast %get3A_3 : vector<16xf32> to vector<16xf32>
    %get3A_5 = arith.constant 16 : index
    %get3A_6 = tpu.vector_load %arg13[%get3A_5] {strides = array<i32>} : memref<64xf32, #tpu.memory_space<vmem>>, vector<16xf32>,
    %get3A_7 = vector.shape_cast %get3A_6 : vector<16xf32> to vector<16xf32>
    %get3A_8 = arith.constant 32 : index
    %get3A_9 = tpu.vector_load %arg13[%get3A_8] {strides = array<i32>} : memref<64xf32, #tpu.memory_space<vmem>>, vector<16xf32>,
    %get3A_10 = vector.shape_cast %get3A_9 : vector<16xf32> to vector<16xf32>
    %get3A_11 = arith.constant 48 : index
    %get3A_12 = tpu.vector_load %arg13[%get3A_11] {strides = array<i32>} : memref<64xf32, #tpu.memory_space<vmem>>, vector<16xf32>,
    %get3A_13 = vector.shape_cast %get3A_12 : vector<16xf32> to vector<16xf32>
    %eq3A = arith.constant 0 : i32
    %eq3A_14 = arith.cmpi eq, %add3A, %eq3A : i32
    %convert_element_type3A = arith.extui %eq3A_14 : i1 to i32
    %cond3A = arith.constant 0 : i32
    %cond3A_15 = arith.cmpi ne, %convert_element_type3A, %cond3A : i32
    scf.if %cond3A_15 {
      "tpu.region"() ({
        %run_scoped3A = tpu.sem_alloc : memref<!tpu.dma_semaphore, #tpu.memory_space<semaphore_mem>>
        tpu.enqueue_dma source(%arg7 : memref<32xi32, #tpu.memory_space<hbm>>) target(%arg14 : memref<32xi32, #tpu.memory_space<vmem>>) target_semaphore(%run_scoped3A : memref<!tpu.dma_semaphore, #tpu.memory_space<semaphore_mem>>)
        tpu.wait_dma2 semaphore(%run_scoped3A : memref<!tpu.dma_semaphore, #tpu.memory_space<semaphore_mem>>) src(%arg7 : memref<32xi32, #tpu.memory_space<hbm>>) dst(%arg14 : memref<32xi32, #tpu.memory_space<vmem>>)
        tpu.yield
      }) : () -> ()
      %get3A_301 = arith.constant 0 : index
      %get3A_302 = tpu.vector_load %arg14[%get3A_301] {strides = array<i32>} : memref<32xi32, #tpu.memory_space<vmem>>, vector<16xi32>,
      %get3A_303 = vector.shape_cast %get3A_302 : vector<16xi32> to vector<16xi32>
      %get3A_304 = arith.constant 16 : index
      %get3A_305 = tpu.vector_load %arg14[%get3A_304] {strides = array<i32>} : memref<32xi32, #tpu.memory_space<vmem>>, vector<16xi32>,
      %get3A_306 = vector.shape_cast %get3A_305 : vector<16xi32> to vector<16xi32>
      %convert_element_type3A_307 = arith.sitofp %get3A_306 : vector<16xi32> to vector<16xf32>
      %mul3A_308 = arith.constant 6.000000e-01 : f32
      %mul3A_309 = vector.broadcast %mul3A_308 : f32 to vector<16xf32>
      %mul3A_310 = arith.mulf %convert_element_type3A_307, %mul3A_309 : vector<16xf32>
      %convert_element_type3A_311 = arith.fptosi %mul3A_310 : vector<16xf32> to vector<16xi32>
      %eq3A_312 = arith.constant 0 : i32
      %eq3A_313 = vector.broadcast %eq3A_312 : i32 to vector<16xi32>
      %eq3A_314 = arith.cmpi eq, %get3A_303, %eq3A_313 : vector<16xi32>
      %select_n3A = arith.select %eq3A_314, %convert_element_type3A_311, %get3A_306 : vector<16xi1>, vector<16xi32>
      %swap3A = arith.constant 0 : index
      %swap3A_315 = tpu.vector_load %arg15[%swap3A] {strides = array<i32>} : memref<16xi32, #tpu.memory_space<vmem>>, vector<16xi32>,
      %swap3A_316 = vector.shape_cast %swap3A_315 : vector<16xi32> to vector<16xi32>
      %swap3A_317 = vector.shape_cast %select_n3A : vector<16xi32> to vector<16xi32>
      tpu.vector_store %arg15[%swap3A], %swap3A_317 {strides = array<i32>} : memref<16xi32, #tpu.memory_space<vmem>>, vector<16xi32>,
      "tpu.region"() ({
        %run_scoped3A = tpu.sem_alloc : memref<!tpu.dma_semaphore, #tpu.memory_space<semaphore_mem>>
        tpu.enqueue_dma source(%arg15 : memref<16xi32, #tpu.memory_space<vmem>>) target(%arg9 : memref<16xi32, #tpu.memory_space<hbm>>) target_semaphore(%run_scoped3A : memref<!tpu.dma_semaphore, #tpu.memory_space<semaphore_mem>>)
        tpu.wait_dma2 semaphore(%run_scoped3A : memref<!tpu.dma_semaphore, #tpu.memory_space<semaphore_mem>>) src(%arg15 : memref<16xi32, #tpu.memory_space<vmem>>) dst(%arg9 : memref<16xi32, #tpu.memory_space<hbm>>)
        tpu.yield
      }) : () -> ()
    } else {
    }
    %dma_start3A = arith.constant 0 : i32
    %dma_start3A_16 = arith.constant 0 : i32
    %dma_start3A_17 = tpu.memref_slice %arg16[%dma_start3A, %dma_start3A_16] : memref<512x64xf32, #tpu.memory_space<vmem>> -> memref<128x64xf32, #tpu.memory_space<vmem>>
    %dma_start3A_18 = arith.constant 0 : i32
    %dma_start3A_19 = tpu.memref_slice %arg10[%dma_start3A_18] : memref<2048xi32, #tpu.memory_space<vmem>> -> memref<128xi32, #tpu.memory_space<vmem>>
    %dma_start3A_20 = arith.constant 0 : i32
    %dma_start3A_21 = arith.constant 0 : i32
    %dma_start3A_22 = tpu.memref_slice %arg2[%dma_start3A_20, %dma_start3A_21] : memref<65536x64xf32, #tpu.memory_space<hbm>> -> memref<65536x64xf32, #tpu.memory_space<hbm>>
    tpu.enqueue_indirect_dma source(%dma_start3A_22 : memref<65536x64xf32, #tpu.memory_space<hbm>>) target(%dma_start3A_17 : memref<128x64xf32, #tpu.memory_space<vmem>>) offsets(%dma_start3A_19 : memref<128xi32, #tpu.memory_space<vmem>>) semaphore(%arg17 : memref<!tpu.dma_semaphore, #tpu.memory_space<semaphore_mem>>)
    %dma_start3A_23 = arith.constant 128 : i32
    %dma_start3A_24 = arith.constant 0 : i32
    %dma_start3A_25 = tpu.memref_slice %arg16[%dma_start3A_23, %dma_start3A_24] : memref<512x64xf32, #tpu.memory_space<vmem>> -> memref<128x64xf32, #tpu.memory_space<vmem>>
    %dma_start3A_26 = arith.constant 128 : i32
    %dma_start3A_27 = tpu.memref_slice %arg10[%dma_start3A_26] : memref<2048xi32, #tpu.memory_space<vmem>> -> memref<128xi32, #tpu.memory_space<vmem>>
    %dma_start3A_28 = arith.constant 0 : i32
    %dma_start3A_29 = arith.constant 0 : i32
    %dma_start3A_30 = tpu.memref_slice %arg2[%dma_start3A_28, %dma_start3A_29] : memref<65536x64xf32, #tpu.memory_space<hbm>> -> memref<65536x64xf32, #tpu.memory_space<hbm>>
    tpu.enqueue_indirect_dma source(%dma_start3A_30 : memref<65536x64xf32, #tpu.memory_space<hbm>>) target(%dma_start3A_25 : memref<128x64xf32, #tpu.memory_space<vmem>>) offsets(%dma_start3A_27 : memref<128xi32, #tpu.memory_space<vmem>>) semaphore(%arg17 : memref<!tpu.dma_semaphore, #tpu.memory_space<semaphore_mem>>)
    %dma_start3A_31 = arith.constant 256 : i32
    %dma_start3A_32 = arith.constant 0 : i32
    %dma_start3A_33 = tpu.memref_slice %arg16[%dma_start3A_31, %dma_start3A_32] : memref<512x64xf32, #tpu.memory_space<vmem>> -> memref<128x64xf32, #tpu.memory_space<vmem>>
    %dma_start3A_34 = arith.constant 256 : i32
    %dma_start3A_35 = tpu.memref_slice %arg10[%dma_start3A_34] : memref<2048xi32, #tpu.memory_space<vmem>> -> memref<128xi32, #tpu.memory_space<vmem>>
    %dma_start3A_36 = arith.constant 0 : i32
    %dma_start3A_37 = arith.constant 0 : i32
    %dma_start3A_38 = tpu.memref_slice %arg2[%dma_start3A_36, %dma_start3A_37] : memref<65536x64xf32, #tpu.memory_space<hbm>> -> memref<65536x64xf32, #tpu.memory_space<hbm>>
    tpu.enqueue_indirect_dma source(%dma_start3A_38 : memref<65536x64xf32, #tpu.memory_space<hbm>>) target(%dma_start3A_33 : memref<128x64xf32, #tpu.memory_space<vmem>>) offsets(%dma_start3A_35 : memref<128xi32, #tpu.memory_space<vmem>>) semaphore(%arg17 : memref<!tpu.dma_semaphore, #tpu.memory_space<semaphore_mem>>)
    %dma_start3A_39 = arith.constant 384 : i32
    %dma_start3A_40 = arith.constant 0 : i32
    %dma_start3A_41 = tpu.memref_slice %arg16[%dma_start3A_39, %dma_start3A_40] : memref<512x64xf32, #tpu.memory_space<vmem>> -> memref<128x64xf32, #tpu.memory_space<vmem>>
    %dma_start3A_42 = arith.constant 384 : i32
    %dma_start3A_43 = tpu.memref_slice %arg10[%dma_start3A_42] : memref<2048xi32, #tpu.memory_space<vmem>> -> memref<128xi32, #tpu.memory_space<vmem>>
    %dma_start3A_44 = arith.constant 0 : i32
    %dma_start3A_45 = arith.constant 0 : i32
    %dma_start3A_46 = tpu.memref_slice %arg2[%dma_start3A_44, %dma_start3A_45] : memref<65536x64xf32, #tpu.memory_space<hbm>> -> memref<65536x64xf32, #tpu.memory_space<hbm>>
    tpu.enqueue_indirect_dma source(%dma_start3A_46 : memref<65536x64xf32, #tpu.memory_space<hbm>>) target(%dma_start3A_41 : memref<128x64xf32, #tpu.memory_space<vmem>>) offsets(%dma_start3A_43 : memref<128xi32, #tpu.memory_space<vmem>>) semaphore(%arg17 : memref<!tpu.dma_semaphore, #tpu.memory_space<semaphore_mem>>)
    %dma_wait3A = arith.constant 0 : i32
    %dma_wait3A_47 = arith.constant 0 : i32
    %dma_wait3A_48 = tpu.memref_slice %arg16[%dma_wait3A, %dma_wait3A_47] : memref<512x64xf32, #tpu.memory_space<vmem>> -> memref<128x64xf32, #tpu.memory_space<vmem>>
    %dma_wait3A_49 = arith.constant 0 : i32
    %dma_wait3A_50 = tpu.memref_slice %arg10[%dma_wait3A_49] : memref<2048xi32, #tpu.memory_space<vmem>> -> memref<128xi32, #tpu.memory_space<vmem>>
    %dma_wait3A_51 = arith.constant 0 : i32
    %dma_wait3A_52 = arith.constant 0 : i32
    %dma_wait3A_53 = tpu.memref_slice %arg2[%dma_wait3A_51, %dma_wait3A_52] : memref<65536x64xf32, #tpu.memory_space<hbm>> -> memref<65536x64xf32, #tpu.memory_space<hbm>>
    tpu.wait_indirect_dma semaphore(%arg17 : memref<!tpu.dma_semaphore, #tpu.memory_space<semaphore_mem>>) src(%dma_wait3A_53 : memref<65536x64xf32, #tpu.memory_space<hbm>>) dst(%dma_wait3A_48 : memref<128x64xf32, #tpu.memory_space<vmem>>)
    %dma_wait3A_54 = arith.constant 128 : i32
    %dma_wait3A_55 = arith.constant 0 : i32
    %dma_wait3A_56 = tpu.memref_slice %arg16[%dma_wait3A_54, %dma_wait3A_55] : memref<512x64xf32, #tpu.memory_space<vmem>> -> memref<128x64xf32, #tpu.memory_space<vmem>>
    %dma_wait3A_57 = arith.constant 128 : i32
    %dma_wait3A_58 = tpu.memref_slice %arg10[%dma_wait3A_57] : memref<2048xi32, #tpu.memory_space<vmem>> -> memref<128xi32, #tpu.memory_space<vmem>>
    %dma_wait3A_59 = arith.constant 0 : i32
    %dma_wait3A_60 = arith.constant 0 : i32
    %dma_wait3A_61 = tpu.memref_slice %arg2[%dma_wait3A_59, %dma_wait3A_60] : memref<65536x64xf32, #tpu.memory_space<hbm>> -> memref<65536x64xf32, #tpu.memory_space<hbm>>
    tpu.wait_indirect_dma semaphore(%arg17 : memref<!tpu.dma_semaphore, #tpu.memory_space<semaphore_mem>>) src(%dma_wait3A_61 : memref<65536x64xf32, #tpu.memory_space<hbm>>) dst(%dma_wait3A_56 : memref<128x64xf32, #tpu.memory_space<vmem>>)
    %dma_wait3A_62 = arith.constant 256 : i32
    %dma_wait3A_63 = arith.constant 0 : i32
    %dma_wait3A_64 = tpu.memref_slice %arg16[%dma_wait3A_62, %dma_wait3A_63] : memref<512x64xf32, #tpu.memory_space<vmem>> -> memref<128x64xf32, #tpu.memory_space<vmem>>
    %dma_wait3A_65 = arith.constant 256 : i32
    %dma_wait3A_66 = tpu.memref_slice %arg10[%dma_wait3A_65] : memref<2048xi32, #tpu.memory_space<vmem>> -> memref<128xi32, #tpu.memory_space<vmem>>
    %dma_wait3A_67 = arith.constant 0 : i32
    %dma_wait3A_68 = arith.constant 0 : i32
    %dma_wait3A_69 = tpu.memref_slice %arg2[%dma_wait3A_67, %dma_wait3A_68] : memref<65536x64xf32, #tpu.memory_space<hbm>> -> memref<65536x64xf32, #tpu.memory_space<hbm>>
    tpu.wait_indirect_dma semaphore(%arg17 : memref<!tpu.dma_semaphore, #tpu.memory_space<semaphore_mem>>) src(%dma_wait3A_69 : memref<65536x64xf32, #tpu.memory_space<hbm>>) dst(%dma_wait3A_64 : memref<128x64xf32, #tpu.memory_space<vmem>>)
    %dma_wait3A_70 = arith.constant 384 : i32
    %dma_wait3A_71 = arith.constant 0 : i32
    %dma_wait3A_72 = tpu.memref_slice %arg16[%dma_wait3A_70, %dma_wait3A_71] : memref<512x64xf32, #tpu.memory_space<vmem>> -> memref<128x64xf32, #tpu.memory_space<vmem>>
    %dma_wait3A_73 = arith.constant 384 : i32
    %dma_wait3A_74 = tpu.memref_slice %arg10[%dma_wait3A_73] : memref<2048xi32, #tpu.memory_space<vmem>> -> memref<128xi32, #tpu.memory_space<vmem>>
    %dma_wait3A_75 = arith.constant 0 : i32
    %dma_wait3A_76 = arith.constant 0 : i32
    %dma_wait3A_77 = tpu.memref_slice %arg2[%dma_wait3A_75, %dma_wait3A_76] : memref<65536x64xf32, #tpu.memory_space<hbm>> -> memref<65536x64xf32, #tpu.memory_space<hbm>>
    tpu.wait_indirect_dma semaphore(%arg17 : memref<!tpu.dma_semaphore, #tpu.memory_space<semaphore_mem>>) src(%dma_wait3A_77 : memref<65536x64xf32, #tpu.memory_space<hbm>>) dst(%dma_wait3A_72 : memref<128x64xf32, #tpu.memory_space<vmem>>)
    %scan3A = arith.constant 0 : i32
    %scan3A_78 = arith.constant 0 : i32
    %scan3A_79 = arith.constant 32 : i32
    %scan3A_80 = arith.addi %scan3A_78, %scan3A_79 : i32
    %scan3A_81 = arith.constant 1 : i32
    scf.for %scan3A_301 = %scan3A_78 to %scan3A_80 step %scan3A_81  : i32 {
      %mul3A_302 = arith.constant 16 : i32
      %mul3A_303 = arith.muli %scan3A_301, %mul3A_302 : i32
      %add3A_304 = arith.constant 0 : i32
      %add3A_305 = arith.addi %add3A_304, %mul3A_303 : i32
      %get3A_306 = arith.index_cast %add3A_305 : i32 to index
      %get3A_307 = tpu.vector_load %arg11[%get3A_306] {strides = array<i32>} : memref<2048xf32, #tpu.memory_space<vmem>>, vector<16xf32>,
      %get3A_308 = vector.shape_cast %get3A_307 : vector<16xf32> to vector<16xf32>
      %add3A_309 = arith.constant 0 : i32
      %add3A_310 = arith.addi %add3A_309, %mul3A_303 : i32
      %get3A_311 = arith.index_cast %add3A_310 : i32 to index
      %get3A_312 = tpu.vector_load %arg12[%get3A_311] {strides = array<i32>} : memref<2048xf32, #tpu.memory_space<vmem>>, vector<16xf32>,
      %get3A_313 = vector.shape_cast %get3A_312 : vector<16xf32> to vector<16xf32>
      %slice3A = vector.extract_strided_slice %get3A_308 {offsets = [0], sizes = [1], strides = [1]} : vector<16xf32> to vector<1xf32>
      %squeeze3A = vector.extract %slice3A[0] : f32 from vector<1xf32>
      %slice3A_314 = vector.extract_strided_slice %get3A_313 {offsets = [0], sizes = [1], strides = [1]} : vector<16xf32> to vector<1xf32>
      %squeeze3A_315 = vector.extract %slice3A_314[0] : f32 from vector<1xf32>
      %add3A_316 = arith.constant 0 : i32
      %add3A_317 = arith.addi %mul3A_303, %add3A_316 : i32
      %get3A_318 = arith.index_cast %add3A_317 : i32 to index
      %get3A_319 = arith.constant 0 : index
      %get3A_320 = tpu.vector_load %arg16[%get3A_318, %get3A_319] {strides = array<i32>} : memref<512x64xf32, #tpu.memory_space<vmem>>, vector<1x16xf32>,
      %get3A_321 = vector.shape_cast %get3A_320 : vector<1x16xf32> to vector<16xf32>
      %mul3A_322 = vector.broadcast %squeeze3A : f32 to vector<16xf32>
      %mul3A_323 = arith.mulf %get3A_321, %mul3A_322 : vector<16xf32>
      %mul3A_324 = vector.broadcast %squeeze3A_315 : f32 to vector<16xf32>
      %mul3A_325 = arith.mulf %get3A_4, %mul3A_324 : vector<16xf32>
      %add3A_326 = arith.addf %mul3A_323, %mul3A_325 : vector<16xf32>
      %swap3A = arith.index_cast %add3A_317 : i32 to index
      %swap3A_327 = arith.constant 0 : index
      %swap3A_328 = tpu.vector_load %arg16[%swap3A, %swap3A_327] {strides = array<i32>} : memref<512x64xf32, #tpu.memory_space<vmem>>, vector<1x16xf32>,
      %swap3A_329 = vector.shape_cast %swap3A_328 : vector<1x16xf32> to vector<16xf32>
      %swap3A_330 = vector.shape_cast %add3A_326 : vector<16xf32> to vector<1x16xf32>
      tpu.vector_store %arg16[%swap3A, %swap3A_327], %swap3A_330 {strides = array<i32>} : memref<512x64xf32, #tpu.memory_space<vmem>>, vector<1x16xf32>,
      %get3A_331 = arith.index_cast %add3A_317 : i32 to index
      %get3A_332 = arith.constant 16 : index
      %get3A_333 = tpu.vector_load %arg16[%get3A_331, %get3A_332] {strides = array<i32>} : memref<512x64xf32, #tpu.memory_space<vmem>>, vector<1x16xf32>,
      %get3A_334 = vector.shape_cast %get3A_333 : vector<1x16xf32> to vector<16xf32>
      %mul3A_335 = vector.broadcast %squeeze3A : f32 to vector<16xf32>
      %mul3A_336 = arith.mulf %get3A_334, %mul3A_335 : vector<16xf32>
      %mul3A_337 = vector.broadcast %squeeze3A_315 : f32 to vector<16xf32>
      %mul3A_338 = arith.mulf %get3A_7, %mul3A_337 : vector<16xf32>
      %add3A_339 = arith.addf %mul3A_336, %mul3A_338 : vector<16xf32>
      %swap3A_340 = arith.index_cast %add3A_317 : i32 to index
      %swap3A_341 = arith.constant 16 : index
      %swap3A_342 = tpu.vector_load %arg16[%swap3A_340, %swap3A_341] {strides = array<i32>} : memref<512x64xf32, #tpu.memory_space<vmem>>, vector<1x16xf32>,
      %swap3A_343 = vector.shape_cast %swap3A_342 : vector<1x16xf32> to vector<16xf32>
      %swap3A_344 = vector.shape_cast %add3A_339 : vector<16xf32> to vector<1x16xf32>
      tpu.vector_store %arg16[%swap3A_340, %swap3A_341], %swap3A_344 {strides = array<i32>} : memref<512x64xf32, #tpu.memory_space<vmem>>, vector<1x16xf32>,
      %get3A_345 = arith.index_cast %add3A_317 : i32 to index
      %get3A_346 = arith.constant 32 : index
      %get3A_347 = tpu.vector_load %arg16[%get3A_345, %get3A_346] {strides = array<i32>} : memref<512x64xf32, #tpu.memory_space<vmem>>, vector<1x16xf32>,
      %get3A_348 = vector.shape_cast %get3A_347 : vector<1x16xf32> to vector<16xf32>
      %mul3A_349 = vector.broadcast %squeeze3A : f32 to vector<16xf32>
      %mul3A_350 = arith.mulf %get3A_348, %mul3A_349 : vector<16xf32>
      %mul3A_351 = vector.broadcast %squeeze3A_315 : f32 to vector<16xf32>
      %mul3A_352 = arith.mulf %get3A_10, %mul3A_351 : vector<16xf32>
      %add3A_353 = arith.addf %mul3A_350, %mul3A_352 : vector<16xf32>
      %swap3A_354 = arith.index_cast %add3A_317 : i32 to index
      %swap3A_355 = arith.constant 32 : index
      %swap3A_356 = tpu.vector_load %arg16[%swap3A_354, %swap3A_355] {strides = array<i32>} : memref<512x64xf32, #tpu.memory_space<vmem>>, vector<1x16xf32>,
      %swap3A_357 = vector.shape_cast %swap3A_356 : vector<1x16xf32> to vector<16xf32>
      %swap3A_358 = vector.shape_cast %add3A_353 : vector<16xf32> to vector<1x16xf32>
      tpu.vector_store %arg16[%swap3A_354, %swap3A_355], %swap3A_358 {strides = array<i32>} : memref<512x64xf32, #tpu.memory_space<vmem>>, vector<1x16xf32>,
      %get3A_359 = arith.index_cast %add3A_317 : i32 to index
      %get3A_360 = arith.constant 48 : index
      %get3A_361 = tpu.vector_load %arg16[%get3A_359, %get3A_360] {strides = array<i32>} : memref<512x64xf32, #tpu.memory_space<vmem>>, vector<1x16xf32>,
      %get3A_362 = vector.shape_cast %get3A_361 : vector<1x16xf32> to vector<16xf32>
      %mul3A_363 = vector.broadcast %squeeze3A : f32 to vector<16xf32>
      %mul3A_364 = arith.mulf %get3A_362, %mul3A_363 : vector<16xf32>
      %mul3A_365 = vector.broadcast %squeeze3A_315 : f32 to vector<16xf32>
      %mul3A_366 = arith.mulf %get3A_13, %mul3A_365 : vector<16xf32>
      %add3A_367 = arith.addf %mul3A_364, %mul3A_366 : vector<16xf32>
      %swap3A_368 = arith.index_cast %add3A_317 : i32 to index
      %swap3A_369 = arith.constant 48 : index
      %swap3A_370 = tpu.vector_load %arg16[%swap3A_368, %swap3A_369] {strides = array<i32>} : memref<512x64xf32, #tpu.memory_space<vmem>>, vector<1x16xf32>,
      %swap3A_371 = vector.shape_cast %swap3A_370 : vector<1x16xf32> to vector<16xf32>
      %swap3A_372 = vector.shape_cast %add3A_367 : vector<16xf32> to vector<1x16xf32>
      tpu.vector_store %arg16[%swap3A_368, %swap3A_369], %swap3A_372 {strides = array<i32>} : memref<512x64xf32, #tpu.memory_space<vmem>>, vector<1x16xf32>,
      %slice3A_373 = vector.extract_strided_slice %get3A_308 {offsets = [1], sizes = [1], strides = [1]} : vector<16xf32> to vector<1xf32>
      %squeeze3A_374 = vector.extract %slice3A_373[0] : f32 from vector<1xf32>
      %slice3A_375 = vector.extract_strided_slice %get3A_313 {offsets = [1], sizes = [1], strides = [1]} : vector<16xf32> to vector<1xf32>
      %squeeze3A_376 = vector.extract %slice3A_375[0] : f32 from vector<1xf32>
      %add3A_377 = arith.constant 1 : i32
      %add3A_378 = arith.addi %mul3A_303, %add3A_377 : i32
      %get3A_379 = arith.index_cast %add3A_378 : i32 to index
      %get3A_380 = arith.constant 0 : index
      %get3A_381 = tpu.vector_load %arg16[%get3A_379, %get3A_380] {strides = array<i32>} : memref<512x64xf32, #tpu.memory_space<vmem>>, vector<1x16xf32>,
      %get3A_382 = vector.shape_cast %get3A_381 : vector<1x16xf32> to vector<16xf32>
      %mul3A_383 = vector.broadcast %squeeze3A_374 : f32 to vector<16xf32>
      %mul3A_384 = arith.mulf %get3A_382, %mul3A_383 : vector<16xf32>
      %mul3A_385 = vector.broadcast %squeeze3A_376 : f32 to vector<16xf32>
      %mul3A_386 = arith.mulf %get3A_4, %mul3A_385 : vector<16xf32>
      %add3A_387 = arith.addf %mul3A_384, %mul3A_386 : vector<16xf32>
      %swap3A_388 = arith.index_cast %add3A_378 : i32 to index
      %swap3A_389 = arith.constant 0 : index
      %swap3A_390 = tpu.vector_load %arg16[%swap3A_388, %swap3A_389] {strides = array<i32>} : memref<512x64xf32, #tpu.memory_space<vmem>>, vector<1x16xf32>,
      %swap3A_391 = vector.shape_cast %swap3A_390 : vector<1x16xf32> to vector<16xf32>
      %swap3A_392 = vector.shape_cast %add3A_387 : vector<16xf32> to vector<1x16xf32>
      tpu.vector_store %arg16[%swap3A_388, %swap3A_389], %swap3A_392 {strides = array<i32>} : memref<512x64xf32, #tpu.memory_space<vmem>>, vector<1x16xf32>,
      %get3A_393 = arith.index_cast %add3A_378 : i32 to index
      %get3A_394 = arith.constant 16 : index
      %get3A_395 = tpu.vector_load %arg16[%get3A_393, %get3A_394] {strides = array<i32>} : memref<512x64xf32, #tpu.memory_space<vmem>>, vector<1x16xf32>,
      %get3A_396 = vector.shape_cast %get3A_395 : vector<1x16xf32> to vector<16xf32>
      %mul3A_397 = vector.broadcast %squeeze3A_374 : f32 to vector<16xf32>
      %mul3A_398 = arith.mulf %get3A_396, %mul3A_397 : vector<16xf32>
      %mul3A_399 = vector.broadcast %squeeze3A_376 : f32 to vector<16xf32>
      %mul3A_400 = arith.mulf %get3A_7, %mul3A_399 : vector<16xf32>
      %add3A_401 = arith.addf %mul3A_398, %mul3A_400 : vector<16xf32>
      %swap3A_402 = arith.index_cast %add3A_378 : i32 to index
      %swap3A_403 = arith.constant 16 : index
      %swap3A_404 = tpu.vector_load %arg16[%swap3A_402, %swap3A_403] {strides = array<i32>} : memref<512x64xf32, #tpu.memory_space<vmem>>, vector<1x16xf32>,
      %swap3A_405 = vector.shape_cast %swap3A_404 : vector<1x16xf32> to vector<16xf32>
      %swap3A_406 = vector.shape_cast %add3A_401 : vector<16xf32> to vector<1x16xf32>
      tpu.vector_store %arg16[%swap3A_402, %swap3A_403], %swap3A_406 {strides = array<i32>} : memref<512x64xf32, #tpu.memory_space<vmem>>, vector<1x16xf32>,
      %get3A_407 = arith.index_cast %add3A_378 : i32 to index
      %get3A_408 = arith.constant 32 : index
      %get3A_409 = tpu.vector_load %arg16[%get3A_407, %get3A_408] {strides = array<i32>} : memref<512x64xf32, #tpu.memory_space<vmem>>, vector<1x16xf32>,
      %get3A_410 = vector.shape_cast %get3A_409 : vector<1x16xf32> to vector<16xf32>
      %mul3A_411 = vector.broadcast %squeeze3A_374 : f32 to vector<16xf32>
      %mul3A_412 = arith.mulf %get3A_410, %mul3A_411 : vector<16xf32>
      %mul3A_413 = vector.broadcast %squeeze3A_376 : f32 to vector<16xf32>
      %mul3A_414 = arith.mulf %get3A_10, %mul3A_413 : vector<16xf32>
      %add3A_415 = arith.addf %mul3A_412, %mul3A_414 : vector<16xf32>
      %swap3A_416 = arith.index_cast %add3A_378 : i32 to index
      %swap3A_417 = arith.constant 32 : index
      %swap3A_418 = tpu.vector_load %arg16[%swap3A_416, %swap3A_417] {strides = array<i32>} : memref<512x64xf32, #tpu.memory_space<vmem>>, vector<1x16xf32>,
      %swap3A_419 = vector.shape_cast %swap3A_418 : vector<1x16xf32> to vector<16xf32>
      %swap3A_420 = vector.shape_cast %add3A_415 : vector<16xf32> to vector<1x16xf32>
      tpu.vector_store %arg16[%swap3A_416, %swap3A_417], %swap3A_420 {strides = array<i32>} : memref<512x64xf32, #tpu.memory_space<vmem>>, vector<1x16xf32>,
      %get3A_421 = arith.index_cast %add3A_378 : i32 to index
      %get3A_422 = arith.constant 48 : index
      %get3A_423 = tpu.vector_load %arg16[%get3A_421, %get3A_422] {strides = array<i32>} : memref<512x64xf32, #tpu.memory_space<vmem>>, vector<1x16xf32>,
      %get3A_424 = vector.shape_cast %get3A_423 : vector<1x16xf32> to vector<16xf32>
      %mul3A_425 = vector.broadcast %squeeze3A_374 : f32 to vector<16xf32>
      %mul3A_426 = arith.mulf %get3A_424, %mul3A_425 : vector<16xf32>
      %mul3A_427 = vector.broadcast %squeeze3A_376 : f32 to vector<16xf32>
      %mul3A_428 = arith.mulf %get3A_13, %mul3A_427 : vector<16xf32>
      %add3A_429 = arith.addf %mul3A_426, %mul3A_428 : vector<16xf32>
      %swap3A_430 = arith.index_cast %add3A_378 : i32 to index
      %swap3A_431 = arith.constant 48 : index
      %swap3A_432 = tpu.vector_load %arg16[%swap3A_430, %swap3A_431] {strides = array<i32>} : memref<512x64xf32, #tpu.memory_space<vmem>>, vector<1x16xf32>,
      %swap3A_433 = vector.shape_cast %swap3A_432 : vector<1x16xf32> to vector<16xf32>
      %swap3A_434 = vector.shape_cast %add3A_429 : vector<16xf32> to vector<1x16xf32>
      tpu.vector_store %arg16[%swap3A_430, %swap3A_431], %swap3A_434 {strides = array<i32>} : memref<512x64xf32, #tpu.memory_space<vmem>>, vector<1x16xf32>,
      %slice3A_435 = vector.extract_strided_slice %get3A_308 {offsets = [2], sizes = [1], strides = [1]} : vector<16xf32> to vector<1xf32>
      %squeeze3A_436 = vector.extract %slice3A_435[0] : f32 from vector<1xf32>
      %slice3A_437 = vector.extract_strided_slice %get3A_313 {offsets = [2], sizes = [1], strides = [1]} : vector<16xf32> to vector<1xf32>
      %squeeze3A_438 = vector.extract %slice3A_437[0] : f32 from vector<1xf32>
      %add3A_439 = arith.constant 2 : i32
      %add3A_440 = arith.addi %mul3A_303, %add3A_439 : i32
      %get3A_441 = arith.index_cast %add3A_440 : i32 to index
      %get3A_442 = arith.constant 0 : index
      %get3A_443 = tpu.vector_load %arg16[%get3A_441, %get3A_442] {strides = array<i32>} : memref<512x64xf32, #tpu.memory_space<vmem>>, vector<1x16xf32>,
      %get3A_444 = vector.shape_cast %get3A_443 : vector<1x16xf32> to vector<16xf32>
      %mul3A_445 = vector.broadcast %squeeze3A_436 : f32 to vector<16xf32>
      %mul3A_446 = arith.mulf %get3A_444, %mul3A_445 : vector<16xf32>
      %mul3A_447 = vector.broadcast %squeeze3A_438 : f32 to vector<16xf32>
      %mul3A_448 = arith.mulf %get3A_4, %mul3A_447 : vector<16xf32>
      %add3A_449 = arith.addf %mul3A_446, %mul3A_448 : vector<16xf32>
      %swap3A_450 = arith.index_cast %add3A_440 : i32 to index
      %swap3A_451 = arith.constant 0 : index
      %swap3A_452 = tpu.vector_load %arg16[%swap3A_450, %swap3A_451] {strides = array<i32>} : memref<512x64xf32, #tpu.memory_space<vmem>>, vector<1x16xf32>,
      %swap3A_453 = vector.shape_cast %swap3A_452 : vector<1x16xf32> to vector<16xf32>
      %swap3A_454 = vector.shape_cast %add3A_449 : vector<16xf32> to vector<1x16xf32>
      tpu.vector_store %arg16[%swap3A_450, %swap3A_451], %swap3A_454 {strides = array<i32>} : memref<512x64xf32, #tpu.memory_space<vmem>>, vector<1x16xf32>,
      %get3A_455 = arith.index_cast %add3A_440 : i32 to index
      %get3A_456 = arith.constant 16 : index
      %get3A_457 = tpu.vector_load %arg16[%get3A_455, %get3A_456] {strides = array<i32>} : memref<512x64xf32, #tpu.memory_space<vmem>>, vector<1x16xf32>,
      %get3A_458 = vector.shape_cast %get3A_457 : vector<1x16xf32> to vector<16xf32>
      %mul3A_459 = vector.broadcast %squeeze3A_436 : f32 to vector<16xf32>
      %mul3A_460 = arith.mulf %get3A_458, %mul3A_459 : vector<16xf32>
      %mul3A_461 = vector.broadcast %squeeze3A_438 : f32 to vector<16xf32>
      %mul3A_462 = arith.mulf %get3A_7, %mul3A_461 : vector<16xf32>
      %add3A_463 = arith.addf %mul3A_460, %mul3A_462 : vector<16xf32>
      %swap3A_464 = arith.index_cast %add3A_440 : i32 to index
      %swap3A_465 = arith.constant 16 : index
      %swap3A_466 = tpu.vector_load %arg16[%swap3A_464, %swap3A_465] {strides = array<i32>} : memref<512x64xf32, #tpu.memory_space<vmem>>, vector<1x16xf32>,
      %swap3A_467 = vector.shape_cast %swap3A_466 : vector<1x16xf32> to vector<16xf32>
      %swap3A_468 = vector.shape_cast %add3A_463 : vector<16xf32> to vector<1x16xf32>
      tpu.vector_store %arg16[%swap3A_464, %swap3A_465], %swap3A_468 {strides = array<i32>} : memref<512x64xf32, #tpu.memory_space<vmem>>, vector<1x16xf32>,
      %get3A_469 = arith.index_cast %add3A_440 : i32 to index
      %get3A_470 = arith.constant 32 : index
      %get3A_471 = tpu.vector_load %arg16[%get3A_469, %get3A_470] {strides = array<i32>} : memref<512x64xf32, #tpu.memory_space<vmem>>, vector<1x16xf32>,
      %get3A_472 = vector.shape_cast %get3A_471 : vector<1x16xf32> to vector<16xf32>
      %mul3A_473 = vector.broadcast %squeeze3A_436 : f32 to vector<16xf32>
      %mul3A_474 = arith.mulf %get3A_472, %mul3A_473 : vector<16xf32>
      %mul3A_475 = vector.broadcast %squeeze3A_438 : f32 to vector<16xf32>
      %mul3A_476 = arith.mulf %get3A_10, %mul3A_475 : vector<16xf32>
      %add3A_477 = arith.addf %mul3A_474, %mul3A_476 : vector<16xf32>
      %swap3A_478 = arith.index_cast %add3A_440 : i32 to index
      %swap3A_479 = arith.constant 32 : index
      %swap3A_480 = tpu.vector_load %arg16[%swap3A_478, %swap3A_479] {strides = array<i32>} : memref<512x64xf32, #tpu.memory_space<vmem>>, vector<1x16xf32>,
      %swap3A_481 = vector.shape_cast %swap3A_480 : vector<1x16xf32> to vector<16xf32>
      %swap3A_482 = vector.shape_cast %add3A_477 : vector<16xf32> to vector<1x16xf32>
      tpu.vector_store %arg16[%swap3A_478, %swap3A_479], %swap3A_482 {strides = array<i32>} : memref<512x64xf32, #tpu.memory_space<vmem>>, vector<1x16xf32>,
      %get3A_483 = arith.index_cast %add3A_440 : i32 to index
      %get3A_484 = arith.constant 48 : index
      %get3A_485 = tpu.vector_load %arg16[%get3A_483, %get3A_484] {strides = array<i32>} : memref<512x64xf32, #tpu.memory_space<vmem>>, vector<1x16xf32>,
      %get3A_486 = vector.shape_cast %get3A_485 : vector<1x16xf32> to vector<16xf32>
      %mul3A_487 = vector.broadcast %squeeze3A_436 : f32 to vector<16xf32>
      %mul3A_488 = arith.mulf %get3A_486, %mul3A_487 : vector<16xf32>
      %mul3A_489 = vector.broadcast %squeeze3A_438 : f32 to vector<16xf32>
      %mul3A_490 = arith.mulf %get3A_13, %mul3A_489 : vector<16xf32>
      %add3A_491 = arith.addf %mul3A_488, %mul3A_490 : vector<16xf32>
      %swap3A_492 = arith.index_cast %add3A_440 : i32 to index
      %swap3A_493 = arith.constant 48 : index
      %swap3A_494 = tpu.vector_load %arg16[%swap3A_492, %swap3A_493] {strides = array<i32>} : memref<512x64xf32, #tpu.memory_space<vmem>>, vector<1x16xf32>,
      %swap3A_495 = vector.shape_cast %swap3A_494 : vector<1x16xf32> to vector<16xf32>
      %swap3A_496 = vector.shape_cast %add3A_491 : vector<16xf32> to vector<1x16xf32>
      tpu.vector_store %arg16[%swap3A_492, %swap3A_493], %swap3A_496 {strides = array<i32>} : memref<512x64xf32, #tpu.memory_space<vmem>>, vector<1x16xf32>,
      %slice3A_497 = vector.extract_strided_slice %get3A_308 {offsets = [3], sizes = [1], strides = [1]} : vector<16xf32> to vector<1xf32>
      %squeeze3A_498 = vector.extract %slice3A_497[0] : f32 from vector<1xf32>
      %slice3A_499 = vector.extract_strided_slice %get3A_313 {offsets = [3], sizes = [1], strides = [1]} : vector<16xf32> to vector<1xf32>
      %squeeze3A_500 = vector.extract %slice3A_499[0] : f32 from vector<1xf32>
      %add3A_501 = arith.constant 3 : i32
      %add3A_502 = arith.addi %mul3A_303, %add3A_501 : i32
      %get3A_503 = arith.index_cast %add3A_502 : i32 to index
      %get3A_504 = arith.constant 0 : index
      %get3A_505 = tpu.vector_load %arg16[%get3A_503, %get3A_504] {strides = array<i32>} : memref<512x64xf32, #tpu.memory_space<vmem>>, vector<1x16xf32>,
      %get3A_506 = vector.shape_cast %get3A_505 : vector<1x16xf32> to vector<16xf32>
      %mul3A_507 = vector.broadcast %squeeze3A_498 : f32 to vector<16xf32>
      %mul3A_508 = arith.mulf %get3A_506, %mul3A_507 : vector<16xf32>
      %mul3A_509 = vector.broadcast %squeeze3A_500 : f32 to vector<16xf32>
      %mul3A_510 = arith.mulf %get3A_4, %mul3A_509 : vector<16xf32>
      %add3A_511 = arith.addf %mul3A_508, %mul3A_510 : vector<16xf32>
      %swap3A_512 = arith.index_cast %add3A_502 : i32 to index
      %swap3A_513 = arith.constant 0 : index
      %swap3A_514 = tpu.vector_load %arg16[%swap3A_512, %swap3A_513] {strides = array<i32>} : memref<512x64xf32, #tpu.memory_space<vmem>>, vector<1x16xf32>,
      %swap3A_515 = vector.shape_cast %swap3A_514 : vector<1x16xf32> to vector<16xf32>
      %swap3A_516 = vector.shape_cast %add3A_511 : vector<16xf32> to vector<1x16xf32>
      tpu.vector_store %arg16[%swap3A_512, %swap3A_513], %swap3A_516 {strides = array<i32>} : memref<512x64xf32, #tpu.memory_space<vmem>>, vector<1x16xf32>,
      %get3A_517 = arith.index_cast %add3A_502 : i32 to index
      %get3A_518 = arith.constant 16 : index
      %get3A_519 = tpu.vector_load %arg16[%get3A_517, %get3A_518] {strides = array<i32>} : memref<512x64xf32, #tpu.memory_space<vmem>>, vector<1x16xf32>,
      %get3A_520 = vector.shape_cast %get3A_519 : vector<1x16xf32> to vector<16xf32>
      %mul3A_521 = vector.broadcast %squeeze3A_498 : f32 to vector<16xf32>
      %mul3A_522 = arith.mulf %get3A_520, %mul3A_521 : vector<16xf32>
      %mul3A_523 = vector.broadcast %squeeze3A_500 : f32 to vector<16xf32>
      %mul3A_524 = arith.mulf %get3A_7, %mul3A_523 : vector<16xf32>
      %add3A_525 = arith.addf %mul3A_522, %mul3A_524 : vector<16xf32>
      %swap3A_526 = arith.index_cast %add3A_502 : i32 to index
      %swap3A_527 = arith.constant 16 : index
      %swap3A_528 = tpu.vector_load %arg16[%swap3A_526, %swap3A_527] {strides = array<i32>} : memref<512x64xf32, #tpu.memory_space<vmem>>, vector<1x16xf32>,
      %swap3A_529 = vector.shape_cast %swap3A_528 : vector<1x16xf32> to vector<16xf32>
      %swap3A_530 = vector.shape_cast %add3A_525 : vector<16xf32> to vector<1x16xf32>
      tpu.vector_store %arg16[%swap3A_526, %swap3A_527], %swap3A_530 {strides = array<i32>} : memref<512x64xf32, #tpu.memory_space<vmem>>, vector<1x16xf32>,
      %get3A_531 = arith.index_cast %add3A_502 : i32 to index
      %get3A_532 = arith.constant 32 : index
      %get3A_533 = tpu.vector_load %arg16[%get3A_531, %get3A_532] {strides = array<i32>} : memref<512x64xf32, #tpu.memory_space<vmem>>, vector<1x16xf32>,
      %get3A_534 = vector.shape_cast %get3A_533 : vector<1x16xf32> to vector<16xf32>
      %mul3A_535 = vector.broadcast %squeeze3A_498 : f32 to vector<16xf32>
      %mul3A_536 = arith.mulf %get3A_534, %mul3A_535 : vector<16xf32>
      %mul3A_537 = vector.broadcast %squeeze3A_500 : f32 to vector<16xf32>
      %mul3A_538 = arith.mulf %get3A_10, %mul3A_537 : vector<16xf32>
      %add3A_539 = arith.addf %mul3A_536, %mul3A_538 : vector<16xf32>
      %swap3A_540 = arith.index_cast %add3A_502 : i32 to index
      %swap3A_541 = arith.constant 32 : index
      %swap3A_542 = tpu.vector_load %arg16[%swap3A_540, %swap3A_541] {strides = array<i32>} : memref<512x64xf32, #tpu.memory_space<vmem>>, vector<1x16xf32>,
      %swap3A_543 = vector.shape_cast %swap3A_542 : vector<1x16xf32> to vector<16xf32>
      %swap3A_544 = vector.shape_cast %add3A_539 : vector<16xf32> to vector<1x16xf32>
      tpu.vector_store %arg16[%swap3A_540, %swap3A_541], %swap3A_544 {strides = array<i32>} : memref<512x64xf32, #tpu.memory_space<vmem>>, vector<1x16xf32>,
      %get3A_545 = arith.index_cast %add3A_502 : i32 to index
      %get3A_546 = arith.constant 48 : index
      %get3A_547 = tpu.vector_load %arg16[%get3A_545, %get3A_546] {strides = array<i32>} : memref<512x64xf32, #tpu.memory_space<vmem>>, vector<1x16xf32>,
      %get3A_548 = vector.shape_cast %get3A_547 : vector<1x16xf32> to vector<16xf32>
      %mul3A_549 = vector.broadcast %squeeze3A_498 : f32 to vector<16xf32>
      %mul3A_550 = arith.mulf %get3A_548, %mul3A_549 : vector<16xf32>
      %mul3A_551 = vector.broadcast %squeeze3A_500 : f32 to vector<16xf32>
      %mul3A_552 = arith.mulf %get3A_13, %mul3A_551 : vector<16xf32>
      %add3A_553 = arith.addf %mul3A_550, %mul3A_552 : vector<16xf32>
      %swap3A_554 = arith.index_cast %add3A_502 : i32 to index
      %swap3A_555 = arith.constant 48 : index
      %swap3A_556 = tpu.vector_load %arg16[%swap3A_554, %swap3A_555] {strides = array<i32>} : memref<512x64xf32, #tpu.memory_space<vmem>>, vector<1x16xf32>,
      %swap3A_557 = vector.shape_cast %swap3A_556 : vector<1x16xf32> to vector<16xf32>
      %swap3A_558 = vector.shape_cast %add3A_553 : vector<16xf32> to vector<1x16xf32>
      tpu.vector_store %arg16[%swap3A_554, %swap3A_555], %swap3A_558 {strides = array<i32>} : memref<512x64xf32, #tpu.memory_space<vmem>>, vector<1x16xf32>,
      %slice3A_559 = vector.extract_strided_slice %get3A_308 {offsets = [4], sizes = [1], strides = [1]} : vector<16xf32> to vector<1xf32>
      %squeeze3A_560 = vector.extract %slice3A_559[0] : f32 from vector<1xf32>
      %slice3A_561 = vector.extract_strided_slice %get3A_313 {offsets = [4], sizes = [1], strides = [1]} : vector<16xf32> to vector<1xf32>
      %squeeze3A_562 = vector.extract %slice3A_561[0] : f32 from vector<1xf32>
      %add3A_563 = arith.constant 4 : i32
      %add3A_564 = arith.addi %mul3A_303, %add3A_563 : i32
      %get3A_565 = arith.index_cast %add3A_564 : i32 to index
      %get3A_566 = arith.constant 0 : index
      %get3A_567 = tpu.vector_load %arg16[%get3A_565, %get3A_566] {strides = array<i32>} : memref<512x64xf32, #tpu.memory_space<vmem>>, vector<1x16xf32>,
      %get3A_568 = vector.shape_cast %get3A_567 : vector<1x16xf32> to vector<16xf32>
      %mul3A_569 = vector.broadcast %squeeze3A_560 : f32 to vector<16xf32>
      %mul3A_570 = arith.mulf %get3A_568, %mul3A_569 : vector<16xf32>
      %mul3A_571 = vector.broadcast %squeeze3A_562 : f32 to vector<16xf32>
      %mul3A_572 = arith.mulf %get3A_4, %mul3A_571 : vector<16xf32>
      %add3A_573 = arith.addf %mul3A_570, %mul3A_572 : vector<16xf32>
      %swap3A_574 = arith.index_cast %add3A_564 : i32 to index
      %swap3A_575 = arith.constant 0 : index
      %swap3A_576 = tpu.vector_load %arg16[%swap3A_574, %swap3A_575] {strides = array<i32>} : memref<512x64xf32, #tpu.memory_space<vmem>>, vector<1x16xf32>,
      %swap3A_577 = vector.shape_cast %swap3A_576 : vector<1x16xf32> to vector<16xf32>
      %swap3A_578 = vector.shape_cast %add3A_573 : vector<16xf32> to vector<1x16xf32>
      tpu.vector_store %arg16[%swap3A_574, %swap3A_575], %swap3A_578 {strides = array<i32>} : memref<512x64xf32, #tpu.memory_space<vmem>>, vector<1x16xf32>,
      %get3A_579 = arith.index_cast %add3A_564 : i32 to index
      %get3A_580 = arith.constant 16 : index
      %get3A_581 = tpu.vector_load %arg16[%get3A_579, %get3A_580] {strides = array<i32>} : memref<512x64xf32, #tpu.memory_space<vmem>>, vector<1x16xf32>,
      %get3A_582 = vector.shape_cast %get3A_581 : vector<1x16xf32> to vector<16xf32>
      %mul3A_583 = vector.broadcast %squeeze3A_560 : f32 to vector<16xf32>
      %mul3A_584 = arith.mulf %get3A_582, %mul3A_583 : vector<16xf32>
      %mul3A_585 = vector.broadcast %squeeze3A_562 : f32 to vector<16xf32>
      %mul3A_586 = arith.mulf %get3A_7, %mul3A_585 : vector<16xf32>
      %add3A_587 = arith.addf %mul3A_584, %mul3A_586 : vector<16xf32>
      %swap3A_588 = arith.index_cast %add3A_564 : i32 to index
      %swap3A_589 = arith.constant 16 : index
      %swap3A_590 = tpu.vector_load %arg16[%swap3A_588, %swap3A_589] {strides = array<i32>} : memref<512x64xf32, #tpu.memory_space<vmem>>, vector<1x16xf32>,
      %swap3A_591 = vector.shape_cast %swap3A_590 : vector<1x16xf32> to vector<16xf32>
      %swap3A_592 = vector.shape_cast %add3A_587 : vector<16xf32> to vector<1x16xf32>
      tpu.vector_store %arg16[%swap3A_588, %swap3A_589], %swap3A_592 {strides = array<i32>} : memref<512x64xf32, #tpu.memory_space<vmem>>, vector<1x16xf32>,
      %get3A_593 = arith.index_cast %add3A_564 : i32 to index
      %get3A_594 = arith.constant 32 : index
      %get3A_595 = tpu.vector_load %arg16[%get3A_593, %get3A_594] {strides = array<i32>} : memref<512x64xf32, #tpu.memory_space<vmem>>, vector<1x16xf32>,
      %get3A_596 = vector.shape_cast %get3A_595 : vector<1x16xf32> to vector<16xf32>
      %mul3A_597 = vector.broadcast %squeeze3A_560 : f32 to vector<16xf32>
      %mul3A_598 = arith.mulf %get3A_596, %mul3A_597 : vector<16xf32>
      %mul3A_599 = vector.broadcast %squeeze3A_562 : f32 to vector<16xf32>
      %mul3A_600 = arith.mulf %get3A_10, %mul3A_599 : vector<16xf32>
      %add3A_601 = arith.addf %mul3A_598, %mul3A_600 : vector<16xf32>
      %swap3A_602 = arith.index_cast %add3A_564 : i32 to index
      %swap3A_603 = arith.constant 32 : index
      %swap3A_604 = tpu.vector_load %arg16[%swap3A_602, %swap3A_603] {strides = array<i32>} : memref<512x64xf32, #tpu.memory_space<vmem>>, vector<1x16xf32>,
      %swap3A_605 = vector.shape_cast %swap3A_604 : vector<1x16xf32> to vector<16xf32>
      %swap3A_606 = vector.shape_cast %add3A_601 : vector<16xf32> to vector<1x16xf32>
      tpu.vector_store %arg16[%swap3A_602, %swap3A_603], %swap3A_606 {strides = array<i32>} : memref<512x64xf32, #tpu.memory_space<vmem>>, vector<1x16xf32>,
      %get3A_607 = arith.index_cast %add3A_564 : i32 to index
      %get3A_608 = arith.constant 48 : index
      %get3A_609 = tpu.vector_load %arg16[%get3A_607, %get3A_608] {strides = array<i32>} : memref<512x64xf32, #tpu.memory_space<vmem>>, vector<1x16xf32>,
      %get3A_610 = vector.shape_cast %get3A_609 : vector<1x16xf32> to vector<16xf32>
      %mul3A_611 = vector.broadcast %squeeze3A_560 : f32 to vector<16xf32>
      %mul3A_612 = arith.mulf %get3A_610, %mul3A_611 : vector<16xf32>
      %mul3A_613 = vector.broadcast %squeeze3A_562 : f32 to vector<16xf32>
      %mul3A_614 = arith.mulf %get3A_13, %mul3A_613 : vector<16xf32>
      %add3A_615 = arith.addf %mul3A_612, %mul3A_614 : vector<16xf32>
      %swap3A_616 = arith.index_cast %add3A_564 : i32 to index
      %swap3A_617 = arith.constant 48 : index
      %swap3A_618 = tpu.vector_load %arg16[%swap3A_616, %swap3A_617] {strides = array<i32>} : memref<512x64xf32, #tpu.memory_space<vmem>>, vector<1x16xf32>,
      %swap3A_619 = vector.shape_cast %swap3A_618 : vector<1x16xf32> to vector<16xf32>
      %swap3A_620 = vector.shape_cast %add3A_615 : vector<16xf32> to vector<1x16xf32>
      tpu.vector_store %arg16[%swap3A_616, %swap3A_617], %swap3A_620 {strides = array<i32>} : memref<512x64xf32, #tpu.memory_space<vmem>>, vector<1x16xf32>,
      %slice3A_621 = vector.extract_strided_slice %get3A_308 {offsets = [5], sizes = [1], strides = [1]} : vector<16xf32> to vector<1xf32>
      %squeeze3A_622 = vector.extract %slice3A_621[0] : f32 from vector<1xf32>
      %slice3A_623 = vector.extract_strided_slice %get3A_313 {offsets = [5], sizes = [1], strides = [1]} : vector<16xf32> to vector<1xf32>
      %squeeze3A_624 = vector.extract %slice3A_623[0] : f32 from vector<1xf32>
      %add3A_625 = arith.constant 5 : i32
      %add3A_626 = arith.addi %mul3A_303, %add3A_625 : i32
      %get3A_627 = arith.index_cast %add3A_626 : i32 to index
      %get3A_628 = arith.constant 0 : index
      %get3A_629 = tpu.vector_load %arg16[%get3A_627, %get3A_628] {strides = array<i32>} : memref<512x64xf32, #tpu.memory_space<vmem>>, vector<1x16xf32>,
      %get3A_630 = vector.shape_cast %get3A_629 : vector<1x16xf32> to vector<16xf32>
      %mul3A_631 = vector.broadcast %squeeze3A_622 : f32 to vector<16xf32>
      %mul3A_632 = arith.mulf %get3A_630, %mul3A_631 : vector<16xf32>
      %mul3A_633 = vector.broadcast %squeeze3A_624 : f32 to vector<16xf32>
      %mul3A_634 = arith.mulf %get3A_4, %mul3A_633 : vector<16xf32>
      %add3A_635 = arith.addf %mul3A_632, %mul3A_634 : vector<16xf32>
      %swap3A_636 = arith.index_cast %add3A_626 : i32 to index
      %swap3A_637 = arith.constant 0 : index
      %swap3A_638 = tpu.vector_load %arg16[%swap3A_636, %swap3A_637] {strides = array<i32>} : memref<512x64xf32, #tpu.memory_space<vmem>>, vector<1x16xf32>,
      %swap3A_639 = vector.shape_cast %swap3A_638 : vector<1x16xf32> to vector<16xf32>
      %swap3A_640 = vector.shape_cast %add3A_635 : vector<16xf32> to vector<1x16xf32>
      tpu.vector_store %arg16[%swap3A_636, %swap3A_637], %swap3A_640 {strides = array<i32>} : memref<512x64xf32, #tpu.memory_space<vmem>>, vector<1x16xf32>,
      %get3A_641 = arith.index_cast %add3A_626 : i32 to index
      %get3A_642 = arith.constant 16 : index
      %get3A_643 = tpu.vector_load %arg16[%get3A_641, %get3A_642] {strides = array<i32>} : memref<512x64xf32, #tpu.memory_space<vmem>>, vector<1x16xf32>,
      %get3A_644 = vector.shape_cast %get3A_643 : vector<1x16xf32> to vector<16xf32>
      %mul3A_645 = vector.broadcast %squeeze3A_622 : f32 to vector<16xf32>
      %mul3A_646 = arith.mulf %get3A_644, %mul3A_645 : vector<16xf32>
      %mul3A_647 = vector.broadcast %squeeze3A_624 : f32 to vector<16xf32>
      %mul3A_648 = arith.mulf %get3A_7, %mul3A_647 : vector<16xf32>
      %add3A_649 = arith.addf %mul3A_646, %mul3A_648 : vector<16xf32>
      %swap3A_650 = arith.index_cast %add3A_626 : i32 to index
      %swap3A_651 = arith.constant 16 : index
      %swap3A_652 = tpu.vector_load %arg16[%swap3A_650, %swap3A_651] {strides = array<i32>} : memref<512x64xf32, #tpu.memory_space<vmem>>, vector<1x16xf32>,
      %swap3A_653 = vector.shape_cast %swap3A_652 : vector<1x16xf32> to vector<16xf32>
      %swap3A_654 = vector.shape_cast %add3A_649 : vector<16xf32> to vector<1x16xf32>
      tpu.vector_store %arg16[%swap3A_650, %swap3A_651], %swap3A_654 {strides = array<i32>} : memref<512x64xf32, #tpu.memory_space<vmem>>, vector<1x16xf32>,
      %get3A_655 = arith.index_cast %add3A_626 : i32 to index
      %get3A_656 = arith.constant 32 : index
      %get3A_657 = tpu.vector_load %arg16[%get3A_655, %get3A_656] {strides = array<i32>} : memref<512x64xf32, #tpu.memory_space<vmem>>, vector<1x16xf32>,
      %get3A_658 = vector.shape_cast %get3A_657 : vector<1x16xf32> to vector<16xf32>
      %mul3A_659 = vector.broadcast %squeeze3A_622 : f32 to vector<16xf32>
      %mul3A_660 = arith.mulf %get3A_658, %mul3A_659 : vector<16xf32>
      %mul3A_661 = vector.broadcast %squeeze3A_624 : f32 to vector<16xf32>
      %mul3A_662 = arith.mulf %get3A_10, %mul3A_661 : vector<16xf32>
      %add3A_663 = arith.addf %mul3A_660, %mul3A_662 : vector<16xf32>
      %swap3A_664 = arith.index_cast %add3A_626 : i32 to index
      %swap3A_665 = arith.constant 32 : index
      %swap3A_666 = tpu.vector_load %arg16[%swap3A_664, %swap3A_665] {strides = array<i32>} : memref<512x64xf32, #tpu.memory_space<vmem>>, vector<1x16xf32>,
      %swap3A_667 = vector.shape_cast %swap3A_666 : vector<1x16xf32> to vector<16xf32>
      %swap3A_668 = vector.shape_cast %add3A_663 : vector<16xf32> to vector<1x16xf32>
      tpu.vector_store %arg16[%swap3A_664, %swap3A_665], %swap3A_668 {strides = array<i32>} : memref<512x64xf32, #tpu.memory_space<vmem>>, vector<1x16xf32>,
      %get3A_669 = arith.index_cast %add3A_626 : i32 to index
      %get3A_670 = arith.constant 48 : index
      %get3A_671 = tpu.vector_load %arg16[%get3A_669, %get3A_670] {strides = array<i32>} : memref<512x64xf32, #tpu.memory_space<vmem>>, vector<1x16xf32>,
      %get3A_672 = vector.shape_cast %get3A_671 : vector<1x16xf32> to vector<16xf32>
      %mul3A_673 = vector.broadcast %squeeze3A_622 : f32 to vector<16xf32>
      %mul3A_674 = arith.mulf %get3A_672, %mul3A_673 : vector<16xf32>
      %mul3A_675 = vector.broadcast %squeeze3A_624 : f32 to vector<16xf32>
      %mul3A_676 = arith.mulf %get3A_13, %mul3A_675 : vector<16xf32>
      %add3A_677 = arith.addf %mul3A_674, %mul3A_676 : vector<16xf32>
      %swap3A_678 = arith.index_cast %add3A_626 : i32 to index
      %swap3A_679 = arith.constant 48 : index
      %swap3A_680 = tpu.vector_load %arg16[%swap3A_678, %swap3A_679] {strides = array<i32>} : memref<512x64xf32, #tpu.memory_space<vmem>>, vector<1x16xf32>,
      %swap3A_681 = vector.shape_cast %swap3A_680 : vector<1x16xf32> to vector<16xf32>
      %swap3A_682 = vector.shape_cast %add3A_677 : vector<16xf32> to vector<1x16xf32>
      tpu.vector_store %arg16[%swap3A_678, %swap3A_679], %swap3A_682 {strides = array<i32>} : memref<512x64xf32, #tpu.memory_space<vmem>>, vector<1x16xf32>,
      %slice3A_683 = vector.extract_strided_slice %get3A_308 {offsets = [6], sizes = [1], strides = [1]} : vector<16xf32> to vector<1xf32>
      %squeeze3A_684 = vector.extract %slice3A_683[0] : f32 from vector<1xf32>
      %slice3A_685 = vector.extract_strided_slice %get3A_313 {offsets = [6], sizes = [1], strides = [1]} : vector<16xf32> to vector<1xf32>
      %squeeze3A_686 = vector.extract %slice3A_685[0] : f32 from vector<1xf32>
      %add3A_687 = arith.constant 6 : i32
      %add3A_688 = arith.addi %mul3A_303, %add3A_687 : i32
      %get3A_689 = arith.index_cast %add3A_688 : i32 to index
      %get3A_690 = arith.constant 0 : index
      %get3A_691 = tpu.vector_load %arg16[%get3A_689, %get3A_690] {strides = array<i32>} : memref<512x64xf32, #tpu.memory_space<vmem>>, vector<1x16xf32>,
      %get3A_692 = vector.shape_cast %get3A_691 : vector<1x16xf32> to vector<16xf32>
      %mul3A_693 = vector.broadcast %squeeze3A_684 : f32 to vector<16xf32>
      %mul3A_694 = arith.mulf %get3A_692, %mul3A_693 : vector<16xf32>
      %mul3A_695 = vector.broadcast %squeeze3A_686 : f32 to vector<16xf32>
      %mul3A_696 = arith.mulf %get3A_4, %mul3A_695 : vector<16xf32>
      %add3A_697 = arith.addf %mul3A_694, %mul3A_696 : vector<16xf32>
      %swap3A_698 = arith.index_cast %add3A_688 : i32 to index
      %swap3A_699 = arith.constant 0 : index
      %swap3A_700 = tpu.vector_load %arg16[%swap3A_698, %swap3A_699] {strides = array<i32>} : memref<512x64xf32, #tpu.memory_space<vmem>>, vector<1x16xf32>,
      %swap3A_701 = vector.shape_cast %swap3A_700 : vector<1x16xf32> to vector<16xf32>
      %swap3A_702 = vector.shape_cast %add3A_697 : vector<16xf32> to vector<1x16xf32>
      tpu.vector_store %arg16[%swap3A_698, %swap3A_699], %swap3A_702 {strides = array<i32>} : memref<512x64xf32, #tpu.memory_space<vmem>>, vector<1x16xf32>,
      %get3A_703 = arith.index_cast %add3A_688 : i32 to index
      %get3A_704 = arith.constant 16 : index
      %get3A_705 = tpu.vector_load %arg16[%get3A_703, %get3A_704] {strides = array<i32>} : memref<512x64xf32, #tpu.memory_space<vmem>>, vector<1x16xf32>,
      %get3A_706 = vector.shape_cast %get3A_705 : vector<1x16xf32> to vector<16xf32>
      %mul3A_707 = vector.broadcast %squeeze3A_684 : f32 to vector<16xf32>
      %mul3A_708 = arith.mulf %get3A_706, %mul3A_707 : vector<16xf32>
      %mul3A_709 = vector.broadcast %squeeze3A_686 : f32 to vector<16xf32>
      %mul3A_710 = arith.mulf %get3A_7, %mul3A_709 : vector<16xf32>
      %add3A_711 = arith.addf %mul3A_708, %mul3A_710 : vector<16xf32>
      %swap3A_712 = arith.index_cast %add3A_688 : i32 to index
      %swap3A_713 = arith.constant 16 : index
      %swap3A_714 = tpu.vector_load %arg16[%swap3A_712, %swap3A_713] {strides = array<i32>} : memref<512x64xf32, #tpu.memory_space<vmem>>, vector<1x16xf32>,
      %swap3A_715 = vector.shape_cast %swap3A_714 : vector<1x16xf32> to vector<16xf32>
      %swap3A_716 = vector.shape_cast %add3A_711 : vector<16xf32> to vector<1x16xf32>
      tpu.vector_store %arg16[%swap3A_712, %swap3A_713], %swap3A_716 {strides = array<i32>} : memref<512x64xf32, #tpu.memory_space<vmem>>, vector<1x16xf32>,
      %get3A_717 = arith.index_cast %add3A_688 : i32 to index
      %get3A_718 = arith.constant 32 : index
      %get3A_719 = tpu.vector_load %arg16[%get3A_717, %get3A_718] {strides = array<i32>} : memref<512x64xf32, #tpu.memory_space<vmem>>, vector<1x16xf32>,
      %get3A_720 = vector.shape_cast %get3A_719 : vector<1x16xf32> to vector<16xf32>
      %mul3A_721 = vector.broadcast %squeeze3A_684 : f32 to vector<16xf32>
      %mul3A_722 = arith.mulf %get3A_720, %mul3A_721 : vector<16xf32>
      %mul3A_723 = vector.broadcast %squeeze3A_686 : f32 to vector<16xf32>
      %mul3A_724 = arith.mulf %get3A_10, %mul3A_723 : vector<16xf32>
      %add3A_725 = arith.addf %mul3A_722, %mul3A_724 : vector<16xf32>
      %swap3A_726 = arith.index_cast %add3A_688 : i32 to index
      %swap3A_727 = arith.constant 32 : index
      %swap3A_728 = tpu.vector_load %arg16[%swap3A_726, %swap3A_727] {strides = array<i32>} : memref<512x64xf32, #tpu.memory_space<vmem>>, vector<1x16xf32>,
      %swap3A_729 = vector.shape_cast %swap3A_728 : vector<1x16xf32> to vector<16xf32>
      %swap3A_730 = vector.shape_cast %add3A_725 : vector<16xf32> to vector<1x16xf32>
      tpu.vector_store %arg16[%swap3A_726, %swap3A_727], %swap3A_730 {strides = array<i32>} : memref<512x64xf32, #tpu.memory_space<vmem>>, vector<1x16xf32>,
      %get3A_731 = arith.index_cast %add3A_688 : i32 to index
      %get3A_732 = arith.constant 48 : index
      %get3A_733 = tpu.vector_load %arg16[%get3A_731, %get3A_732] {strides = array<i32>} : memref<512x64xf32, #tpu.memory_space<vmem>>, vector<1x16xf32>,
      %get3A_734 = vector.shape_cast %get3A_733 : vector<1x16xf32> to vector<16xf32>
      %mul3A_735 = vector.broadcast %squeeze3A_684 : f32 to vector<16xf32>
      %mul3A_736 = arith.mulf %get3A_734, %mul3A_735 : vector<16xf32>
      %mul3A_737 = vector.broadcast %squeeze3A_686 : f32 to vector<16xf32>
      %mul3A_738 = arith.mulf %get3A_13, %mul3A_737 : vector<16xf32>
      %add3A_739 = arith.addf %mul3A_736, %mul3A_738 : vector<16xf32>
      %swap3A_740 = arith.index_cast %add3A_688 : i32 to index
      %swap3A_741 = arith.constant 48 : index
      %swap3A_742 = tpu.vector_load %arg16[%swap3A_740, %swap3A_741] {strides = array<i32>} : memref<512x64xf32, #tpu.memory_space<vmem>>, vector<1x16xf32>,
      %swap3A_743 = vector.shape_cast %swap3A_742 : vector<1x16xf32> to vector<16xf32>
      %swap3A_744 = vector.shape_cast %add3A_739 : vector<16xf32> to vector<1x16xf32>
      tpu.vector_store %arg16[%swap3A_740, %swap3A_741], %swap3A_744 {strides = array<i32>} : memref<512x64xf32, #tpu.memory_space<vmem>>, vector<1x16xf32>,
      %slice3A_745 = vector.extract_strided_slice %get3A_308 {offsets = [7], sizes = [1], strides = [1]} : vector<16xf32> to vector<1xf32>
      %squeeze3A_746 = vector.extract %slice3A_745[0] : f32 from vector<1xf32>
      %slice3A_747 = vector.extract_strided_slice %get3A_313 {offsets = [7], sizes = [1], strides = [1]} : vector<16xf32> to vector<1xf32>
      %squeeze3A_748 = vector.extract %slice3A_747[0] : f32 from vector<1xf32>
      %add3A_749 = arith.constant 7 : i32
      %add3A_750 = arith.addi %mul3A_303, %add3A_749 : i32
      %get3A_751 = arith.index_cast %add3A_750 : i32 to index
      %get3A_752 = arith.constant 0 : index
      %get3A_753 = tpu.vector_load %arg16[%get3A_751, %get3A_752] {strides = array<i32>} : memref<512x64xf32, #tpu.memory_space<vmem>>, vector<1x16xf32>,
      %get3A_754 = vector.shape_cast %get3A_753 : vector<1x16xf32> to vector<16xf32>
      %mul3A_755 = vector.broadcast %squeeze3A_746 : f32 to vector<16xf32>
      %mul3A_756 = arith.mulf %get3A_754, %mul3A_755 : vector<16xf32>
      %mul3A_757 = vector.broadcast %squeeze3A_748 : f32 to vector<16xf32>
      %mul3A_758 = arith.mulf %get3A_4, %mul3A_757 : vector<16xf32>
      %add3A_759 = arith.addf %mul3A_756, %mul3A_758 : vector<16xf32>
      %swap3A_760 = arith.index_cast %add3A_750 : i32 to index
      %swap3A_761 = arith.constant 0 : index
      %swap3A_762 = tpu.vector_load %arg16[%swap3A_760, %swap3A_761] {strides = array<i32>} : memref<512x64xf32, #tpu.memory_space<vmem>>, vector<1x16xf32>,
      %swap3A_763 = vector.shape_cast %swap3A_762 : vector<1x16xf32> to vector<16xf32>
      %swap3A_764 = vector.shape_cast %add3A_759 : vector<16xf32> to vector<1x16xf32>
      tpu.vector_store %arg16[%swap3A_760, %swap3A_761], %swap3A_764 {strides = array<i32>} : memref<512x64xf32, #tpu.memory_space<vmem>>, vector<1x16xf32>,
      %get3A_765 = arith.index_cast %add3A_750 : i32 to index
      %get3A_766 = arith.constant 16 : index
      %get3A_767 = tpu.vector_load %arg16[%get3A_765, %get3A_766] {strides = array<i32>} : memref<512x64xf32, #tpu.memory_space<vmem>>, vector<1x16xf32>,
      %get3A_768 = vector.shape_cast %get3A_767 : vector<1x16xf32> to vector<16xf32>
      %mul3A_769 = vector.broadcast %squeeze3A_746 : f32 to vector<16xf32>
      %mul3A_770 = arith.mulf %get3A_768, %mul3A_769 : vector<16xf32>
      %mul3A_771 = vector.broadcast %squeeze3A_748 : f32 to vector<16xf32>
      %mul3A_772 = arith.mulf %get3A_7, %mul3A_771 : vector<16xf32>
      %add3A_773 = arith.addf %mul3A_770, %mul3A_772 : vector<16xf32>
      %swap3A_774 = arith.index_cast %add3A_750 : i32 to index
      %swap3A_775 = arith.constant 16 : index
      %swap3A_776 = tpu.vector_load %arg16[%swap3A_774, %swap3A_775] {strides = array<i32>} : memref<512x64xf32, #tpu.memory_space<vmem>>, vector<1x16xf32>,
      %swap3A_777 = vector.shape_cast %swap3A_776 : vector<1x16xf32> to vector<16xf32>
      %swap3A_778 = vector.shape_cast %add3A_773 : vector<16xf32> to vector<1x16xf32>
      tpu.vector_store %arg16[%swap3A_774, %swap3A_775], %swap3A_778 {strides = array<i32>} : memref<512x64xf32, #tpu.memory_space<vmem>>, vector<1x16xf32>,
      %get3A_779 = arith.index_cast %add3A_750 : i32 to index
      %get3A_780 = arith.constant 32 : index
      %get3A_781 = tpu.vector_load %arg16[%get3A_779, %get3A_780] {strides = array<i32>} : memref<512x64xf32, #tpu.memory_space<vmem>>, vector<1x16xf32>,
      %get3A_782 = vector.shape_cast %get3A_781 : vector<1x16xf32> to vector<16xf32>
      %mul3A_783 = vector.broadcast %squeeze3A_746 : f32 to vector<16xf32>
      %mul3A_784 = arith.mulf %get3A_782, %mul3A_783 : vector<16xf32>
      %mul3A_785 = vector.broadcast %squeeze3A_748 : f32 to vector<16xf32>
      %mul3A_786 = arith.mulf %get3A_10, %mul3A_785 : vector<16xf32>
      %add3A_787 = arith.addf %mul3A_784, %mul3A_786 : vector<16xf32>
      %swap3A_788 = arith.index_cast %add3A_750 : i32 to index
      %swap3A_789 = arith.constant 32 : index
      %swap3A_790 = tpu.vector_load %arg16[%swap3A_788, %swap3A_789] {strides = array<i32>} : memref<512x64xf32, #tpu.memory_space<vmem>>, vector<1x16xf32>,
      %swap3A_791 = vector.shape_cast %swap3A_790 : vector<1x16xf32> to vector<16xf32>
      %swap3A_792 = vector.shape_cast %add3A_787 : vector<16xf32> to vector<1x16xf32>
      tpu.vector_store %arg16[%swap3A_788, %swap3A_789], %swap3A_792 {strides = array<i32>} : memref<512x64xf32, #tpu.memory_space<vmem>>, vector<1x16xf32>,
      %get3A_793 = arith.index_cast %add3A_750 : i32 to index
      %get3A_794 = arith.constant 48 : index
      %get3A_795 = tpu.vector_load %arg16[%get3A_793, %get3A_794] {strides = array<i32>} : memref<512x64xf32, #tpu.memory_space<vmem>>, vector<1x16xf32>,
      %get3A_796 = vector.shape_cast %get3A_795 : vector<1x16xf32> to vector<16xf32>
      %mul3A_797 = vector.broadcast %squeeze3A_746 : f32 to vector<16xf32>
      %mul3A_798 = arith.mulf %get3A_796, %mul3A_797 : vector<16xf32>
      %mul3A_799 = vector.broadcast %squeeze3A_748 : f32 to vector<16xf32>
      %mul3A_800 = arith.mulf %get3A_13, %mul3A_799 : vector<16xf32>
      %add3A_801 = arith.addf %mul3A_798, %mul3A_800 : vector<16xf32>
      %swap3A_802 = arith.index_cast %add3A_750 : i32 to index
      %swap3A_803 = arith.constant 48 : index
      %swap3A_804 = tpu.vector_load %arg16[%swap3A_802, %swap3A_803] {strides = array<i32>} : memref<512x64xf32, #tpu.memory_space<vmem>>, vector<1x16xf32>,
      %swap3A_805 = vector.shape_cast %swap3A_804 : vector<1x16xf32> to vector<16xf32>
      %swap3A_806 = vector.shape_cast %add3A_801 : vector<16xf32> to vector<1x16xf32>
      tpu.vector_store %arg16[%swap3A_802, %swap3A_803], %swap3A_806 {strides = array<i32>} : memref<512x64xf32, #tpu.memory_space<vmem>>, vector<1x16xf32>,
      %slice3A_807 = vector.extract_strided_slice %get3A_308 {offsets = [8], sizes = [1], strides = [1]} : vector<16xf32> to vector<1xf32>
      %squeeze3A_808 = vector.extract %slice3A_807[0] : f32 from vector<1xf32>
      %slice3A_809 = vector.extract_strided_slice %get3A_313 {offsets = [8], sizes = [1], strides = [1]} : vector<16xf32> to vector<1xf32>
      %squeeze3A_810 = vector.extract %slice3A_809[0] : f32 from vector<1xf32>
      %add3A_811 = arith.constant 8 : i32
      %add3A_812 = arith.addi %mul3A_303, %add3A_811 : i32
      %get3A_813 = arith.index_cast %add3A_812 : i32 to index
      %get3A_814 = arith.constant 0 : index
      %get3A_815 = tpu.vector_load %arg16[%get3A_813, %get3A_814] {strides = array<i32>} : memref<512x64xf32, #tpu.memory_space<vmem>>, vector<1x16xf32>,
      %get3A_816 = vector.shape_cast %get3A_815 : vector<1x16xf32> to vector<16xf32>
      %mul3A_817 = vector.broadcast %squeeze3A_808 : f32 to vector<16xf32>
      %mul3A_818 = arith.mulf %get3A_816, %mul3A_817 : vector<16xf32>
      %mul3A_819 = vector.broadcast %squeeze3A_810 : f32 to vector<16xf32>
      %mul3A_820 = arith.mulf %get3A_4, %mul3A_819 : vector<16xf32>
      %add3A_821 = arith.addf %mul3A_818, %mul3A_820 : vector<16xf32>
      %swap3A_822 = arith.index_cast %add3A_812 : i32 to index
      %swap3A_823 = arith.constant 0 : index
      %swap3A_824 = tpu.vector_load %arg16[%swap3A_822, %swap3A_823] {strides = array<i32>} : memref<512x64xf32, #tpu.memory_space<vmem>>, vector<1x16xf32>,
      %swap3A_825 = vector.shape_cast %swap3A_824 : vector<1x16xf32> to vector<16xf32>
      %swap3A_826 = vector.shape_cast %add3A_821 : vector<16xf32> to vector<1x16xf32>
      tpu.vector_store %arg16[%swap3A_822, %swap3A_823], %swap3A_826 {strides = array<i32>} : memref<512x64xf32, #tpu.memory_space<vmem>>, vector<1x16xf32>,
      %get3A_827 = arith.index_cast %add3A_812 : i32 to index
      %get3A_828 = arith.constant 16 : index
      %get3A_829 = tpu.vector_load %arg16[%get3A_827, %get3A_828] {strides = array<i32>} : memref<512x64xf32, #tpu.memory_space<vmem>>, vector<1x16xf32>,
      %get3A_830 = vector.shape_cast %get3A_829 : vector<1x16xf32> to vector<16xf32>
      %mul3A_831 = vector.broadcast %squeeze3A_808 : f32 to vector<16xf32>
      %mul3A_832 = arith.mulf %get3A_830, %mul3A_831 : vector<16xf32>
      %mul3A_833 = vector.broadcast %squeeze3A_810 : f32 to vector<16xf32>
      %mul3A_834 = arith.mulf %get3A_7, %mul3A_833 : vector<16xf32>
      %add3A_835 = arith.addf %mul3A_832, %mul3A_834 : vector<16xf32>
      %swap3A_836 = arith.index_cast %add3A_812 : i32 to index
      %swap3A_837 = arith.constant 16 : index
      %swap3A_838 = tpu.vector_load %arg16[%swap3A_836, %swap3A_837] {strides = array<i32>} : memref<512x64xf32, #tpu.memory_space<vmem>>, vector<1x16xf32>,
      %swap3A_839 = vector.shape_cast %swap3A_838 : vector<1x16xf32> to vector<16xf32>
      %swap3A_840 = vector.shape_cast %add3A_835 : vector<16xf32> to vector<1x16xf32>
      tpu.vector_store %arg16[%swap3A_836, %swap3A_837], %swap3A_840 {strides = array<i32>} : memref<512x64xf32, #tpu.memory_space<vmem>>, vector<1x16xf32>,
      %get3A_841 = arith.index_cast %add3A_812 : i32 to index
      %get3A_842 = arith.constant 32 : index
      %get3A_843 = tpu.vector_load %arg16[%get3A_841, %get3A_842] {strides = array<i32>} : memref<512x64xf32, #tpu.memory_space<vmem>>, vector<1x16xf32>,
      %get3A_844 = vector.shape_cast %get3A_843 : vector<1x16xf32> to vector<16xf32>
      %mul3A_845 = vector.broadcast %squeeze3A_808 : f32 to vector<16xf32>
      %mul3A_846 = arith.mulf %get3A_844, %mul3A_845 : vector<16xf32>
      %mul3A_847 = vector.broadcast %squeeze3A_810 : f32 to vector<16xf32>
      %mul3A_848 = arith.mulf %get3A_10, %mul3A_847 : vector<16xf32>
      %add3A_849 = arith.addf %mul3A_846, %mul3A_848 : vector<16xf32>
      %swap3A_850 = arith.index_cast %add3A_812 : i32 to index
      %swap3A_851 = arith.constant 32 : index
      %swap3A_852 = tpu.vector_load %arg16[%swap3A_850, %swap3A_851] {strides = array<i32>} : memref<512x64xf32, #tpu.memory_space<vmem>>, vector<1x16xf32>,
      %swap3A_853 = vector.shape_cast %swap3A_852 : vector<1x16xf32> to vector<16xf32>
      %swap3A_854 = vector.shape_cast %add3A_849 : vector<16xf32> to vector<1x16xf32>
      tpu.vector_store %arg16[%swap3A_850, %swap3A_851], %swap3A_854 {strides = array<i32>} : memref<512x64xf32, #tpu.memory_space<vmem>>, vector<1x16xf32>,
      %get3A_855 = arith.index_cast %add3A_812 : i32 to index
      %get3A_856 = arith.constant 48 : index
      %get3A_857 = tpu.vector_load %arg16[%get3A_855, %get3A_856] {strides = array<i32>} : memref<512x64xf32, #tpu.memory_space<vmem>>, vector<1x16xf32>,
      %get3A_858 = vector.shape_cast %get3A_857 : vector<1x16xf32> to vector<16xf32>
      %mul3A_859 = vector.broadcast %squeeze3A_808 : f32 to vector<16xf32>
      %mul3A_860 = arith.mulf %get3A_858, %mul3A_859 : vector<16xf32>
      %mul3A_861 = vector.broadcast %squeeze3A_810 : f32 to vector<16xf32>
      %mul3A_862 = arith.mulf %get3A_13, %mul3A_861 : vector<16xf32>
      %add3A_863 = arith.addf %mul3A_860, %mul3A_862 : vector<16xf32>
      %swap3A_864 = arith.index_cast %add3A_812 : i32 to index
      %swap3A_865 = arith.constant 48 : index
      %swap3A_866 = tpu.vector_load %arg16[%swap3A_864, %swap3A_865] {strides = array<i32>} : memref<512x64xf32, #tpu.memory_space<vmem>>, vector<1x16xf32>,
      %swap3A_867 = vector.shape_cast %swap3A_866 : vector<1x16xf32> to vector<16xf32>
      %swap3A_868 = vector.shape_cast %add3A_863 : vector<16xf32> to vector<1x16xf32>
      tpu.vector_store %arg16[%swap3A_864, %swap3A_865], %swap3A_868 {strides = array<i32>} : memref<512x64xf32, #tpu.memory_space<vmem>>, vector<1x16xf32>,
      %slice3A_869 = vector.extract_strided_slice %get3A_308 {offsets = [9], sizes = [1], strides = [1]} : vector<16xf32> to vector<1xf32>
      %squeeze3A_870 = vector.extract %slice3A_869[0] : f32 from vector<1xf32>
      %slice3A_871 = vector.extract_strided_slice %get3A_313 {offsets = [9], sizes = [1], strides = [1]} : vector<16xf32> to vector<1xf32>
      %squeeze3A_872 = vector.extract %slice3A_871[0] : f32 from vector<1xf32>
      %add3A_873 = arith.constant 9 : i32
      %add3A_874 = arith.addi %mul3A_303, %add3A_873 : i32
      %get3A_875 = arith.index_cast %add3A_874 : i32 to index
      %get3A_876 = arith.constant 0 : index
      %get3A_877 = tpu.vector_load %arg16[%get3A_875, %get3A_876] {strides = array<i32>} : memref<512x64xf32, #tpu.memory_space<vmem>>, vector<1x16xf32>,
      %get3A_878 = vector.shape_cast %get3A_877 : vector<1x16xf32> to vector<16xf32>
      %mul3A_879 = vector.broadcast %squeeze3A_870 : f32 to vector<16xf32>
      %mul3A_880 = arith.mulf %get3A_878, %mul3A_879 : vector<16xf32>
      %mul3A_881 = vector.broadcast %squeeze3A_872 : f32 to vector<16xf32>
      %mul3A_882 = arith.mulf %get3A_4, %mul3A_881 : vector<16xf32>
      %add3A_883 = arith.addf %mul3A_880, %mul3A_882 : vector<16xf32>
      %swap3A_884 = arith.index_cast %add3A_874 : i32 to index
      %swap3A_885 = arith.constant 0 : index
      %swap3A_886 = tpu.vector_load %arg16[%swap3A_884, %swap3A_885] {strides = array<i32>} : memref<512x64xf32, #tpu.memory_space<vmem>>, vector<1x16xf32>,
      %swap3A_887 = vector.shape_cast %swap3A_886 : vector<1x16xf32> to vector<16xf32>
      %swap3A_888 = vector.shape_cast %add3A_883 : vector<16xf32> to vector<1x16xf32>
      tpu.vector_store %arg16[%swap3A_884, %swap3A_885], %swap3A_888 {strides = array<i32>} : memref<512x64xf32, #tpu.memory_space<vmem>>, vector<1x16xf32>,
      %get3A_889 = arith.index_cast %add3A_874 : i32 to index
      %get3A_890 = arith.constant 16 : index
      %get3A_891 = tpu.vector_load %arg16[%get3A_889, %get3A_890] {strides = array<i32>} : memref<512x64xf32, #tpu.memory_space<vmem>>, vector<1x16xf32>,
      %get3A_892 = vector.shape_cast %get3A_891 : vector<1x16xf32> to vector<16xf32>
      %mul3A_893 = vector.broadcast %squeeze3A_870 : f32 to vector<16xf32>
      %mul3A_894 = arith.mulf %get3A_892, %mul3A_893 : vector<16xf32>
      %mul3A_895 = vector.broadcast %squeeze3A_872 : f32 to vector<16xf32>
      %mul3A_896 = arith.mulf %get3A_7, %mul3A_895 : vector<16xf32>
      %add3A_897 = arith.addf %mul3A_894, %mul3A_896 : vector<16xf32>
      %swap3A_898 = arith.index_cast %add3A_874 : i32 to index
      %swap3A_899 = arith.constant 16 : index
      %swap3A_900 = tpu.vector_load %arg16[%swap3A_898, %swap3A_899] {strides = array<i32>} : memref<512x64xf32, #tpu.memory_space<vmem>>, vector<1x16xf32>,
      %swap3A_901 = vector.shape_cast %swap3A_900 : vector<1x16xf32> to vector<16xf32>
      %swap3A_902 = vector.shape_cast %add3A_897 : vector<16xf32> to vector<1x16xf32>
      tpu.vector_store %arg16[%swap3A_898, %swap3A_899], %swap3A_902 {strides = array<i32>} : memref<512x64xf32, #tpu.memory_space<vmem>>, vector<1x16xf32>,
      %get3A_903 = arith.index_cast %add3A_874 : i32 to index
      %get3A_904 = arith.constant 32 : index
      %get3A_905 = tpu.vector_load %arg16[%get3A_903, %get3A_904] {strides = array<i32>} : memref<512x64xf32, #tpu.memory_space<vmem>>, vector<1x16xf32>,
      %get3A_906 = vector.shape_cast %get3A_905 : vector<1x16xf32> to vector<16xf32>
      %mul3A_907 = vector.broadcast %squeeze3A_870 : f32 to vector<16xf32>
      %mul3A_908 = arith.mulf %get3A_906, %mul3A_907 : vector<16xf32>
      %mul3A_909 = vector.broadcast %squeeze3A_872 : f32 to vector<16xf32>
      %mul3A_910 = arith.mulf %get3A_10, %mul3A_909 : vector<16xf32>
      %add3A_911 = arith.addf %mul3A_908, %mul3A_910 : vector<16xf32>
      %swap3A_912 = arith.index_cast %add3A_874 : i32 to index
      %swap3A_913 = arith.constant 32 : index
      %swap3A_914 = tpu.vector_load %arg16[%swap3A_912, %swap3A_913] {strides = array<i32>} : memref<512x64xf32, #tpu.memory_space<vmem>>, vector<1x16xf32>,
      %swap3A_915 = vector.shape_cast %swap3A_914 : vector<1x16xf32> to vector<16xf32>
      %swap3A_916 = vector.shape_cast %add3A_911 : vector<16xf32> to vector<1x16xf32>
      tpu.vector_store %arg16[%swap3A_912, %swap3A_913], %swap3A_916 {strides = array<i32>} : memref<512x64xf32, #tpu.memory_space<vmem>>, vector<1x16xf32>,
      %get3A_917 = arith.index_cast %add3A_874 : i32 to index
      %get3A_918 = arith.constant 48 : index
      %get3A_919 = tpu.vector_load %arg16[%get3A_917, %get3A_918] {strides = array<i32>} : memref<512x64xf32, #tpu.memory_space<vmem>>, vector<1x16xf32>,
      %get3A_920 = vector.shape_cast %get3A_919 : vector<1x16xf32> to vector<16xf32>
      %mul3A_921 = vector.broadcast %squeeze3A_870 : f32 to vector<16xf32>
      %mul3A_922 = arith.mulf %get3A_920, %mul3A_921 : vector<16xf32>
      %mul3A_923 = vector.broadcast %squeeze3A_872 : f32 to vector<16xf32>
      %mul3A_924 = arith.mulf %get3A_13, %mul3A_923 : vector<16xf32>
      %add3A_925 = arith.addf %mul3A_922, %mul3A_924 : vector<16xf32>
      %swap3A_926 = arith.index_cast %add3A_874 : i32 to index
      %swap3A_927 = arith.constant 48 : index
      %swap3A_928 = tpu.vector_load %arg16[%swap3A_926, %swap3A_927] {strides = array<i32>} : memref<512x64xf32, #tpu.memory_space<vmem>>, vector<1x16xf32>,
      %swap3A_929 = vector.shape_cast %swap3A_928 : vector<1x16xf32> to vector<16xf32>
      %swap3A_930 = vector.shape_cast %add3A_925 : vector<16xf32> to vector<1x16xf32>
      tpu.vector_store %arg16[%swap3A_926, %swap3A_927], %swap3A_930 {strides = array<i32>} : memref<512x64xf32, #tpu.memory_space<vmem>>, vector<1x16xf32>,
      %slice3A_931 = vector.extract_strided_slice %get3A_308 {offsets = [10], sizes = [1], strides = [1]} : vector<16xf32> to vector<1xf32>
      %squeeze3A_932 = vector.extract %slice3A_931[0] : f32 from vector<1xf32>
      %slice3A_933 = vector.extract_strided_slice %get3A_313 {offsets = [10], sizes = [1], strides = [1]} : vector<16xf32> to vector<1xf32>
      %squeeze3A_934 = vector.extract %slice3A_933[0] : f32 from vector<1xf32>
      %add3A_935 = arith.constant 10 : i32
      %add3A_936 = arith.addi %mul3A_303, %add3A_935 : i32
      %get3A_937 = arith.index_cast %add3A_936 : i32 to index
      %get3A_938 = arith.constant 0 : index
      %get3A_939 = tpu.vector_load %arg16[%get3A_937, %get3A_938] {strides = array<i32>} : memref<512x64xf32, #tpu.memory_space<vmem>>, vector<1x16xf32>,
      %get3A_940 = vector.shape_cast %get3A_939 : vector<1x16xf32> to vector<16xf32>
      %mul3A_941 = vector.broadcast %squeeze3A_932 : f32 to vector<16xf32>
      %mul3A_942 = arith.mulf %get3A_940, %mul3A_941 : vector<16xf32>
      %mul3A_943 = vector.broadcast %squeeze3A_934 : f32 to vector<16xf32>
      %mul3A_944 = arith.mulf %get3A_4, %mul3A_943 : vector<16xf32>
      %add3A_945 = arith.addf %mul3A_942, %mul3A_944 : vector<16xf32>
      %swap3A_946 = arith.index_cast %add3A_936 : i32 to index
      %swap3A_947 = arith.constant 0 : index
      %swap3A_948 = tpu.vector_load %arg16[%swap3A_946, %swap3A_947] {strides = array<i32>} : memref<512x64xf32, #tpu.memory_space<vmem>>, vector<1x16xf32>,
      %swap3A_949 = vector.shape_cast %swap3A_948 : vector<1x16xf32> to vector<16xf32>
      %swap3A_950 = vector.shape_cast %add3A_945 : vector<16xf32> to vector<1x16xf32>
      tpu.vector_store %arg16[%swap3A_946, %swap3A_947], %swap3A_950 {strides = array<i32>} : memref<512x64xf32, #tpu.memory_space<vmem>>, vector<1x16xf32>,
      %get3A_951 = arith.index_cast %add3A_936 : i32 to index
      %get3A_952 = arith.constant 16 : index
      %get3A_953 = tpu.vector_load %arg16[%get3A_951, %get3A_952] {strides = array<i32>} : memref<512x64xf32, #tpu.memory_space<vmem>>, vector<1x16xf32>,
      %get3A_954 = vector.shape_cast %get3A_953 : vector<1x16xf32> to vector<16xf32>
      %mul3A_955 = vector.broadcast %squeeze3A_932 : f32 to vector<16xf32>
      %mul3A_956 = arith.mulf %get3A_954, %mul3A_955 : vector<16xf32>
      %mul3A_957 = vector.broadcast %squeeze3A_934 : f32 to vector<16xf32>
      %mul3A_958 = arith.mulf %get3A_7, %mul3A_957 : vector<16xf32>
      %add3A_959 = arith.addf %mul3A_956, %mul3A_958 : vector<16xf32>
      %swap3A_960 = arith.index_cast %add3A_936 : i32 to index
      %swap3A_961 = arith.constant 16 : index
      %swap3A_962 = tpu.vector_load %arg16[%swap3A_960, %swap3A_961] {strides = array<i32>} : memref<512x64xf32, #tpu.memory_space<vmem>>, vector<1x16xf32>,
      %swap3A_963 = vector.shape_cast %swap3A_962 : vector<1x16xf32> to vector<16xf32>
      %swap3A_964 = vector.shape_cast %add3A_959 : vector<16xf32> to vector<1x16xf32>
      tpu.vector_store %arg16[%swap3A_960, %swap3A_961], %swap3A_964 {strides = array<i32>} : memref<512x64xf32, #tpu.memory_space<vmem>>, vector<1x16xf32>,
      %get3A_965 = arith.index_cast %add3A_936 : i32 to index
      %get3A_966 = arith.constant 32 : index
      %get3A_967 = tpu.vector_load %arg16[%get3A_965, %get3A_966] {strides = array<i32>} : memref<512x64xf32, #tpu.memory_space<vmem>>, vector<1x16xf32>,
      %get3A_968 = vector.shape_cast %get3A_967 : vector<1x16xf32> to vector<16xf32>
      %mul3A_969 = vector.broadcast %squeeze3A_932 : f32 to vector<16xf32>
      %mul3A_970 = arith.mulf %get3A_968, %mul3A_969 : vector<16xf32>
      %mul3A_971 = vector.broadcast %squeeze3A_934 : f32 to vector<16xf32>
      %mul3A_972 = arith.mulf %get3A_10, %mul3A_971 : vector<16xf32>
      %add3A_973 = arith.addf %mul3A_970, %mul3A_972 : vector<16xf32>
      %swap3A_974 = arith.index_cast %add3A_936 : i32 to index
      %swap3A_975 = arith.constant 32 : index
      %swap3A_976 = tpu.vector_load %arg16[%swap3A_974, %swap3A_975] {strides = array<i32>} : memref<512x64xf32, #tpu.memory_space<vmem>>, vector<1x16xf32>,
      %swap3A_977 = vector.shape_cast %swap3A_976 : vector<1x16xf32> to vector<16xf32>
      %swap3A_978 = vector.shape_cast %add3A_973 : vector<16xf32> to vector<1x16xf32>
      tpu.vector_store %arg16[%swap3A_974, %swap3A_975], %swap3A_978 {strides = array<i32>} : memref<512x64xf32, #tpu.memory_space<vmem>>, vector<1x16xf32>,
      %get3A_979 = arith.index_cast %add3A_936 : i32 to index
      %get3A_980 = arith.constant 48 : index
      %get3A_981 = tpu.vector_load %arg16[%get3A_979, %get3A_980] {strides = array<i32>} : memref<512x64xf32, #tpu.memory_space<vmem>>, vector<1x16xf32>,
      %get3A_982 = vector.shape_cast %get3A_981 : vector<1x16xf32> to vector<16xf32>
      %mul3A_983 = vector.broadcast %squeeze3A_932 : f32 to vector<16xf32>
      %mul3A_984 = arith.mulf %get3A_982, %mul3A_983 : vector<16xf32>
      %mul3A_985 = vector.broadcast %squeeze3A_934 : f32 to vector<16xf32>
      %mul3A_986 = arith.mulf %get3A_13, %mul3A_985 : vector<16xf32>
      %add3A_987 = arith.addf %mul3A_984, %mul3A_986 : vector<16xf32>
      %swap3A_988 = arith.index_cast %add3A_936 : i32 to index
      %swap3A_989 = arith.constant 48 : index
      %swap3A_990 = tpu.vector_load %arg16[%swap3A_988, %swap3A_989] {strides = array<i32>} : memref<512x64xf32, #tpu.memory_space<vmem>>, vector<1x16xf32>,
      %swap3A_991 = vector.shape_cast %swap3A_990 : vector<1x16xf32> to vector<16xf32>
      %swap3A_992 = vector.shape_cast %add3A_987 : vector<16xf32> to vector<1x16xf32>
      tpu.vector_store %arg16[%swap3A_988, %swap3A_989], %swap3A_992 {strides = array<i32>} : memref<512x64xf32, #tpu.memory_space<vmem>>, vector<1x16xf32>,
      %slice3A_993 = vector.extract_strided_slice %get3A_308 {offsets = [11], sizes = [1], strides = [1]} : vector<16xf32> to vector<1xf32>
      %squeeze3A_994 = vector.extract %slice3A_993[0] : f32 from vector<1xf32>
      %slice3A_995 = vector.extract_strided_slice %get3A_313 {offsets = [11], sizes = [1], strides = [1]} : vector<16xf32> to vector<1xf32>
      %squeeze3A_996 = vector.extract %slice3A_995[0] : f32 from vector<1xf32>
      %add3A_997 = arith.constant 11 : i32
      %add3A_998 = arith.addi %mul3A_303, %add3A_997 : i32
      %get3A_999 = arith.index_cast %add3A_998 : i32 to index
      %get3A_1000 = arith.constant 0 : index
      %get3A_1001 = tpu.vector_load %arg16[%get3A_999, %get3A_1000] {strides = array<i32>} : memref<512x64xf32, #tpu.memory_space<vmem>>, vector<1x16xf32>,
      %get3A_1002 = vector.shape_cast %get3A_1001 : vector<1x16xf32> to vector<16xf32>
      %mul3A_1003 = vector.broadcast %squeeze3A_994 : f32 to vector<16xf32>
      %mul3A_1004 = arith.mulf %get3A_1002, %mul3A_1003 : vector<16xf32>
      %mul3A_1005 = vector.broadcast %squeeze3A_996 : f32 to vector<16xf32>
      %mul3A_1006 = arith.mulf %get3A_4, %mul3A_1005 : vector<16xf32>
      %add3A_1007 = arith.addf %mul3A_1004, %mul3A_1006 : vector<16xf32>
      %swap3A_1008 = arith.index_cast %add3A_998 : i32 to index
      %swap3A_1009 = arith.constant 0 : index
      %swap3A_1010 = tpu.vector_load %arg16[%swap3A_1008, %swap3A_1009] {strides = array<i32>} : memref<512x64xf32, #tpu.memory_space<vmem>>, vector<1x16xf32>,
      %swap3A_1011 = vector.shape_cast %swap3A_1010 : vector<1x16xf32> to vector<16xf32>
      %swap3A_1012 = vector.shape_cast %add3A_1007 : vector<16xf32> to vector<1x16xf32>
      tpu.vector_store %arg16[%swap3A_1008, %swap3A_1009], %swap3A_1012 {strides = array<i32>} : memref<512x64xf32, #tpu.memory_space<vmem>>, vector<1x16xf32>,
      %get3A_1013 = arith.index_cast %add3A_998 : i32 to index
      %get3A_1014 = arith.constant 16 : index
      %get3A_1015 = tpu.vector_load %arg16[%get3A_1013, %get3A_1014] {strides = array<i32>} : memref<512x64xf32, #tpu.memory_space<vmem>>, vector<1x16xf32>,
      %get3A_1016 = vector.shape_cast %get3A_1015 : vector<1x16xf32> to vector<16xf32>
      %mul3A_1017 = vector.broadcast %squeeze3A_994 : f32 to vector<16xf32>
      %mul3A_1018 = arith.mulf %get3A_1016, %mul3A_1017 : vector<16xf32>
      %mul3A_1019 = vector.broadcast %squeeze3A_996 : f32 to vector<16xf32>
      %mul3A_1020 = arith.mulf %get3A_7, %mul3A_1019 : vector<16xf32>
      %add3A_1021 = arith.addf %mul3A_1018, %mul3A_1020 : vector<16xf32>
      %swap3A_1022 = arith.index_cast %add3A_998 : i32 to index
      %swap3A_1023 = arith.constant 16 : index
      %swap3A_1024 = tpu.vector_load %arg16[%swap3A_1022, %swap3A_1023] {strides = array<i32>} : memref<512x64xf32, #tpu.memory_space<vmem>>, vector<1x16xf32>,
      %swap3A_1025 = vector.shape_cast %swap3A_1024 : vector<1x16xf32> to vector<16xf32>
      %swap3A_1026 = vector.shape_cast %add3A_1021 : vector<16xf32> to vector<1x16xf32>
      tpu.vector_store %arg16[%swap3A_1022, %swap3A_1023], %swap3A_1026 {strides = array<i32>} : memref<512x64xf32, #tpu.memory_space<vmem>>, vector<1x16xf32>,
      %get3A_1027 = arith.index_cast %add3A_998 : i32 to index
      %get3A_1028 = arith.constant 32 : index
      %get3A_1029 = tpu.vector_load %arg16[%get3A_1027, %get3A_1028] {strides = array<i32>} : memref<512x64xf32, #tpu.memory_space<vmem>>, vector<1x16xf32>,
      %get3A_1030 = vector.shape_cast %get3A_1029 : vector<1x16xf32> to vector<16xf32>
      %mul3A_1031 = vector.broadcast %squeeze3A_994 : f32 to vector<16xf32>
      %mul3A_1032 = arith.mulf %get3A_1030, %mul3A_1031 : vector<16xf32>
      %mul3A_1033 = vector.broadcast %squeeze3A_996 : f32 to vector<16xf32>
      %mul3A_1034 = arith.mulf %get3A_10, %mul3A_1033 : vector<16xf32>
      %add3A_1035 = arith.addf %mul3A_1032, %mul3A_1034 : vector<16xf32>
      %swap3A_1036 = arith.index_cast %add3A_998 : i32 to index
      %swap3A_1037 = arith.constant 32 : index
      %swap3A_1038 = tpu.vector_load %arg16[%swap3A_1036, %swap3A_1037] {strides = array<i32>} : memref<512x64xf32, #tpu.memory_space<vmem>>, vector<1x16xf32>,
      %swap3A_1039 = vector.shape_cast %swap3A_1038 : vector<1x16xf32> to vector<16xf32>
      %swap3A_1040 = vector.shape_cast %add3A_1035 : vector<16xf32> to vector<1x16xf32>
      tpu.vector_store %arg16[%swap3A_1036, %swap3A_1037], %swap3A_1040 {strides = array<i32>} : memref<512x64xf32, #tpu.memory_space<vmem>>, vector<1x16xf32>,
      %get3A_1041 = arith.index_cast %add3A_998 : i32 to index
      %get3A_1042 = arith.constant 48 : index
      %get3A_1043 = tpu.vector_load %arg16[%get3A_1041, %get3A_1042] {strides = array<i32>} : memref<512x64xf32, #tpu.memory_space<vmem>>, vector<1x16xf32>,
      %get3A_1044 = vector.shape_cast %get3A_1043 : vector<1x16xf32> to vector<16xf32>
      %mul3A_1045 = vector.broadcast %squeeze3A_994 : f32 to vector<16xf32>
      %mul3A_1046 = arith.mulf %get3A_1044, %mul3A_1045 : vector<16xf32>
      %mul3A_1047 = vector.broadcast %squeeze3A_996 : f32 to vector<16xf32>
      %mul3A_1048 = arith.mulf %get3A_13, %mul3A_1047 : vector<16xf32>
      %add3A_1049 = arith.addf %mul3A_1046, %mul3A_1048 : vector<16xf32>
      %swap3A_1050 = arith.index_cast %add3A_998 : i32 to index
      %swap3A_1051 = arith.constant 48 : index
      %swap3A_1052 = tpu.vector_load %arg16[%swap3A_1050, %swap3A_1051] {strides = array<i32>} : memref<512x64xf32, #tpu.memory_space<vmem>>, vector<1x16xf32>,
      %swap3A_1053 = vector.shape_cast %swap3A_1052 : vector<1x16xf32> to vector<16xf32>
      %swap3A_1054 = vector.shape_cast %add3A_1049 : vector<16xf32> to vector<1x16xf32>
      tpu.vector_store %arg16[%swap3A_1050, %swap3A_1051], %swap3A_1054 {strides = array<i32>} : memref<512x64xf32, #tpu.memory_space<vmem>>, vector<1x16xf32>,
      %slice3A_1055 = vector.extract_strided_slice %get3A_308 {offsets = [12], sizes = [1], strides = [1]} : vector<16xf32> to vector<1xf32>
      %squeeze3A_1056 = vector.extract %slice3A_1055[0] : f32 from vector<1xf32>
      %slice3A_1057 = vector.extract_strided_slice %get3A_313 {offsets = [12], sizes = [1], strides = [1]} : vector<16xf32> to vector<1xf32>
      %squeeze3A_1058 = vector.extract %slice3A_1057[0] : f32 from vector<1xf32>
      %add3A_1059 = arith.constant 12 : i32
      %add3A_1060 = arith.addi %mul3A_303, %add3A_1059 : i32
      %get3A_1061 = arith.index_cast %add3A_1060 : i32 to index
      %get3A_1062 = arith.constant 0 : index
      %get3A_1063 = tpu.vector_load %arg16[%get3A_1061, %get3A_1062] {strides = array<i32>} : memref<512x64xf32, #tpu.memory_space<vmem>>, vector<1x16xf32>,
      %get3A_1064 = vector.shape_cast %get3A_1063 : vector<1x16xf32> to vector<16xf32>
      %mul3A_1065 = vector.broadcast %squeeze3A_1056 : f32 to vector<16xf32>
      %mul3A_1066 = arith.mulf %get3A_1064, %mul3A_1065 : vector<16xf32>
      %mul3A_1067 = vector.broadcast %squeeze3A_1058 : f32 to vector<16xf32>
      %mul3A_1068 = arith.mulf %get3A_4, %mul3A_1067 : vector<16xf32>
      %add3A_1069 = arith.addf %mul3A_1066, %mul3A_1068 : vector<16xf32>
      %swap3A_1070 = arith.index_cast %add3A_1060 : i32 to index
      %swap3A_1071 = arith.constant 0 : index
      %swap3A_1072 = tpu.vector_load %arg16[%swap3A_1070, %swap3A_1071] {strides = array<i32>} : memref<512x64xf32, #tpu.memory_space<vmem>>, vector<1x16xf32>,
      %swap3A_1073 = vector.shape_cast %swap3A_1072 : vector<1x16xf32> to vector<16xf32>
      %swap3A_1074 = vector.shape_cast %add3A_1069 : vector<16xf32> to vector<1x16xf32>
      tpu.vector_store %arg16[%swap3A_1070, %swap3A_1071], %swap3A_1074 {strides = array<i32>} : memref<512x64xf32, #tpu.memory_space<vmem>>, vector<1x16xf32>,
      %get3A_1075 = arith.index_cast %add3A_1060 : i32 to index
      %get3A_1076 = arith.constant 16 : index
      %get3A_1077 = tpu.vector_load %arg16[%get3A_1075, %get3A_1076] {strides = array<i32>} : memref<512x64xf32, #tpu.memory_space<vmem>>, vector<1x16xf32>,
      %get3A_1078 = vector.shape_cast %get3A_1077 : vector<1x16xf32> to vector<16xf32>
      %mul3A_1079 = vector.broadcast %squeeze3A_1056 : f32 to vector<16xf32>
      %mul3A_1080 = arith.mulf %get3A_1078, %mul3A_1079 : vector<16xf32>
      %mul3A_1081 = vector.broadcast %squeeze3A_1058 : f32 to vector<16xf32>
      %mul3A_1082 = arith.mulf %get3A_7, %mul3A_1081 : vector<16xf32>
      %add3A_1083 = arith.addf %mul3A_1080, %mul3A_1082 : vector<16xf32>
      %swap3A_1084 = arith.index_cast %add3A_1060 : i32 to index
      %swap3A_1085 = arith.constant 16 : index
      %swap3A_1086 = tpu.vector_load %arg16[%swap3A_1084, %swap3A_1085] {strides = array<i32>} : memref<512x64xf32, #tpu.memory_space<vmem>>, vector<1x16xf32>,
      %swap3A_1087 = vector.shape_cast %swap3A_1086 : vector<1x16xf32> to vector<16xf32>
      %swap3A_1088 = vector.shape_cast %add3A_1083 : vector<16xf32> to vector<1x16xf32>
      tpu.vector_store %arg16[%swap3A_1084, %swap3A_1085], %swap3A_1088 {strides = array<i32>} : memref<512x64xf32, #tpu.memory_space<vmem>>, vector<1x16xf32>,
      %get3A_1089 = arith.index_cast %add3A_1060 : i32 to index
      %get3A_1090 = arith.constant 32 : index
      %get3A_1091 = tpu.vector_load %arg16[%get3A_1089, %get3A_1090] {strides = array<i32>} : memref<512x64xf32, #tpu.memory_space<vmem>>, vector<1x16xf32>,
      %get3A_1092 = vector.shape_cast %get3A_1091 : vector<1x16xf32> to vector<16xf32>
      %mul3A_1093 = vector.broadcast %squeeze3A_1056 : f32 to vector<16xf32>
      %mul3A_1094 = arith.mulf %get3A_1092, %mul3A_1093 : vector<16xf32>
      %mul3A_1095 = vector.broadcast %squeeze3A_1058 : f32 to vector<16xf32>
      %mul3A_1096 = arith.mulf %get3A_10, %mul3A_1095 : vector<16xf32>
      %add3A_1097 = arith.addf %mul3A_1094, %mul3A_1096 : vector<16xf32>
      %swap3A_1098 = arith.index_cast %add3A_1060 : i32 to index
      %swap3A_1099 = arith.constant 32 : index
      %swap3A_1100 = tpu.vector_load %arg16[%swap3A_1098, %swap3A_1099] {strides = array<i32>} : memref<512x64xf32, #tpu.memory_space<vmem>>, vector<1x16xf32>,
      %swap3A_1101 = vector.shape_cast %swap3A_1100 : vector<1x16xf32> to vector<16xf32>
      %swap3A_1102 = vector.shape_cast %add3A_1097 : vector<16xf32> to vector<1x16xf32>
      tpu.vector_store %arg16[%swap3A_1098, %swap3A_1099], %swap3A_1102 {strides = array<i32>} : memref<512x64xf32, #tpu.memory_space<vmem>>, vector<1x16xf32>,
      %get3A_1103 = arith.index_cast %add3A_1060 : i32 to index
      %get3A_1104 = arith.constant 48 : index
      %get3A_1105 = tpu.vector_load %arg16[%get3A_1103, %get3A_1104] {strides = array<i32>} : memref<512x64xf32, #tpu.memory_space<vmem>>, vector<1x16xf32>,
      %get3A_1106 = vector.shape_cast %get3A_1105 : vector<1x16xf32> to vector<16xf32>
      %mul3A_1107 = vector.broadcast %squeeze3A_1056 : f32 to vector<16xf32>
      %mul3A_1108 = arith.mulf %get3A_1106, %mul3A_1107 : vector<16xf32>
      %mul3A_1109 = vector.broadcast %squeeze3A_1058 : f32 to vector<16xf32>
      %mul3A_1110 = arith.mulf %get3A_13, %mul3A_1109 : vector<16xf32>
      %add3A_1111 = arith.addf %mul3A_1108, %mul3A_1110 : vector<16xf32>
      %swap3A_1112 = arith.index_cast %add3A_1060 : i32 to index
      %swap3A_1113 = arith.constant 48 : index
      %swap3A_1114 = tpu.vector_load %arg16[%swap3A_1112, %swap3A_1113] {strides = array<i32>} : memref<512x64xf32, #tpu.memory_space<vmem>>, vector<1x16xf32>,
      %swap3A_1115 = vector.shape_cast %swap3A_1114 : vector<1x16xf32> to vector<16xf32>
      %swap3A_1116 = vector.shape_cast %add3A_1111 : vector<16xf32> to vector<1x16xf32>
      tpu.vector_store %arg16[%swap3A_1112, %swap3A_1113], %swap3A_1116 {strides = array<i32>} : memref<512x64xf32, #tpu.memory_space<vmem>>, vector<1x16xf32>,
      %slice3A_1117 = vector.extract_strided_slice %get3A_308 {offsets = [13], sizes = [1], strides = [1]} : vector<16xf32> to vector<1xf32>
      %squeeze3A_1118 = vector.extract %slice3A_1117[0] : f32 from vector<1xf32>
      %slice3A_1119 = vector.extract_strided_slice %get3A_313 {offsets = [13], sizes = [1], strides = [1]} : vector<16xf32> to vector<1xf32>
      %squeeze3A_1120 = vector.extract %slice3A_1119[0] : f32 from vector<1xf32>
      %add3A_1121 = arith.constant 13 : i32
      %add3A_1122 = arith.addi %mul3A_303, %add3A_1121 : i32
      %get3A_1123 = arith.index_cast %add3A_1122 : i32 to index
      %get3A_1124 = arith.constant 0 : index
      %get3A_1125 = tpu.vector_load %arg16[%get3A_1123, %get3A_1124] {strides = array<i32>} : memref<512x64xf32, #tpu.memory_space<vmem>>, vector<1x16xf32>,
      %get3A_1126 = vector.shape_cast %get3A_1125 : vector<1x16xf32> to vector<16xf32>
      %mul3A_1127 = vector.broadcast %squeeze3A_1118 : f32 to vector<16xf32>
      %mul3A_1128 = arith.mulf %get3A_1126, %mul3A_1127 : vector<16xf32>
      %mul3A_1129 = vector.broadcast %squeeze3A_1120 : f32 to vector<16xf32>
      %mul3A_1130 = arith.mulf %get3A_4, %mul3A_1129 : vector<16xf32>
      %add3A_1131 = arith.addf %mul3A_1128, %mul3A_1130 : vector<16xf32>
      %swap3A_1132 = arith.index_cast %add3A_1122 : i32 to index
      %swap3A_1133 = arith.constant 0 : index
      %swap3A_1134 = tpu.vector_load %arg16[%swap3A_1132, %swap3A_1133] {strides = array<i32>} : memref<512x64xf32, #tpu.memory_space<vmem>>, vector<1x16xf32>,
      %swap3A_1135 = vector.shape_cast %swap3A_1134 : vector<1x16xf32> to vector<16xf32>
      %swap3A_1136 = vector.shape_cast %add3A_1131 : vector<16xf32> to vector<1x16xf32>
      tpu.vector_store %arg16[%swap3A_1132, %swap3A_1133], %swap3A_1136 {strides = array<i32>} : memref<512x64xf32, #tpu.memory_space<vmem>>, vector<1x16xf32>,
      %get3A_1137 = arith.index_cast %add3A_1122 : i32 to index
      %get3A_1138 = arith.constant 16 : index
      %get3A_1139 = tpu.vector_load %arg16[%get3A_1137, %get3A_1138] {strides = array<i32>} : memref<512x64xf32, #tpu.memory_space<vmem>>, vector<1x16xf32>,
      %get3A_1140 = vector.shape_cast %get3A_1139 : vector<1x16xf32> to vector<16xf32>
      %mul3A_1141 = vector.broadcast %squeeze3A_1118 : f32 to vector<16xf32>
      %mul3A_1142 = arith.mulf %get3A_1140, %mul3A_1141 : vector<16xf32>
      %mul3A_1143 = vector.broadcast %squeeze3A_1120 : f32 to vector<16xf32>
      %mul3A_1144 = arith.mulf %get3A_7, %mul3A_1143 : vector<16xf32>
      %add3A_1145 = arith.addf %mul3A_1142, %mul3A_1144 : vector<16xf32>
      %swap3A_1146 = arith.index_cast %add3A_1122 : i32 to index
      %swap3A_1147 = arith.constant 16 : index
      %swap3A_1148 = tpu.vector_load %arg16[%swap3A_1146, %swap3A_1147] {strides = array<i32>} : memref<512x64xf32, #tpu.memory_space<vmem>>, vector<1x16xf32>,
      %swap3A_1149 = vector.shape_cast %swap3A_1148 : vector<1x16xf32> to vector<16xf32>
      %swap3A_1150 = vector.shape_cast %add3A_1145 : vector<16xf32> to vector<1x16xf32>
      tpu.vector_store %arg16[%swap3A_1146, %swap3A_1147], %swap3A_1150 {strides = array<i32>} : memref<512x64xf32, #tpu.memory_space<vmem>>, vector<1x16xf32>,
      %get3A_1151 = arith.index_cast %add3A_1122 : i32 to index
      %get3A_1152 = arith.constant 32 : index
      %get3A_1153 = tpu.vector_load %arg16[%get3A_1151, %get3A_1152] {strides = array<i32>} : memref<512x64xf32, #tpu.memory_space<vmem>>, vector<1x16xf32>,
      %get3A_1154 = vector.shape_cast %get3A_1153 : vector<1x16xf32> to vector<16xf32>
      %mul3A_1155 = vector.broadcast %squeeze3A_1118 : f32 to vector<16xf32>
      %mul3A_1156 = arith.mulf %get3A_1154, %mul3A_1155 : vector<16xf32>
      %mul3A_1157 = vector.broadcast %squeeze3A_1120 : f32 to vector<16xf32>
      %mul3A_1158 = arith.mulf %get3A_10, %mul3A_1157 : vector<16xf32>
      %add3A_1159 = arith.addf %mul3A_1156, %mul3A_1158 : vector<16xf32>
      %swap3A_1160 = arith.index_cast %add3A_1122 : i32 to index
      %swap3A_1161 = arith.constant 32 : index
      %swap3A_1162 = tpu.vector_load %arg16[%swap3A_1160, %swap3A_1161] {strides = array<i32>} : memref<512x64xf32, #tpu.memory_space<vmem>>, vector<1x16xf32>,
      %swap3A_1163 = vector.shape_cast %swap3A_1162 : vector<1x16xf32> to vector<16xf32>
      %swap3A_1164 = vector.shape_cast %add3A_1159 : vector<16xf32> to vector<1x16xf32>
      tpu.vector_store %arg16[%swap3A_1160, %swap3A_1161], %swap3A_1164 {strides = array<i32>} : memref<512x64xf32, #tpu.memory_space<vmem>>, vector<1x16xf32>,
      %get3A_1165 = arith.index_cast %add3A_1122 : i32 to index
      %get3A_1166 = arith.constant 48 : index
      %get3A_1167 = tpu.vector_load %arg16[%get3A_1165, %get3A_1166] {strides = array<i32>} : memref<512x64xf32, #tpu.memory_space<vmem>>, vector<1x16xf32>,
      %get3A_1168 = vector.shape_cast %get3A_1167 : vector<1x16xf32> to vector<16xf32>
      %mul3A_1169 = vector.broadcast %squeeze3A_1118 : f32 to vector<16xf32>
      %mul3A_1170 = arith.mulf %get3A_1168, %mul3A_1169 : vector<16xf32>
      %mul3A_1171 = vector.broadcast %squeeze3A_1120 : f32 to vector<16xf32>
      %mul3A_1172 = arith.mulf %get3A_13, %mul3A_1171 : vector<16xf32>
      %add3A_1173 = arith.addf %mul3A_1170, %mul3A_1172 : vector<16xf32>
      %swap3A_1174 = arith.index_cast %add3A_1122 : i32 to index
      %swap3A_1175 = arith.constant 48 : index
      %swap3A_1176 = tpu.vector_load %arg16[%swap3A_1174, %swap3A_1175] {strides = array<i32>} : memref<512x64xf32, #tpu.memory_space<vmem>>, vector<1x16xf32>,
      %swap3A_1177 = vector.shape_cast %swap3A_1176 : vector<1x16xf32> to vector<16xf32>
      %swap3A_1178 = vector.shape_cast %add3A_1173 : vector<16xf32> to vector<1x16xf32>
      tpu.vector_store %arg16[%swap3A_1174, %swap3A_1175], %swap3A_1178 {strides = array<i32>} : memref<512x64xf32, #tpu.memory_space<vmem>>, vector<1x16xf32>,
      %slice3A_1179 = vector.extract_strided_slice %get3A_308 {offsets = [14], sizes = [1], strides = [1]} : vector<16xf32> to vector<1xf32>
      %squeeze3A_1180 = vector.extract %slice3A_1179[0] : f32 from vector<1xf32>
      %slice3A_1181 = vector.extract_strided_slice %get3A_313 {offsets = [14], sizes = [1], strides = [1]} : vector<16xf32> to vector<1xf32>
      %squeeze3A_1182 = vector.extract %slice3A_1181[0] : f32 from vector<1xf32>
      %add3A_1183 = arith.constant 14 : i32
      %add3A_1184 = arith.addi %mul3A_303, %add3A_1183 : i32
      %get3A_1185 = arith.index_cast %add3A_1184 : i32 to index
      %get3A_1186 = arith.constant 0 : index
      %get3A_1187 = tpu.vector_load %arg16[%get3A_1185, %get3A_1186] {strides = array<i32>} : memref<512x64xf32, #tpu.memory_space<vmem>>, vector<1x16xf32>,
      %get3A_1188 = vector.shape_cast %get3A_1187 : vector<1x16xf32> to vector<16xf32>
      %mul3A_1189 = vector.broadcast %squeeze3A_1180 : f32 to vector<16xf32>
      %mul3A_1190 = arith.mulf %get3A_1188, %mul3A_1189 : vector<16xf32>
      %mul3A_1191 = vector.broadcast %squeeze3A_1182 : f32 to vector<16xf32>
      %mul3A_1192 = arith.mulf %get3A_4, %mul3A_1191 : vector<16xf32>
      %add3A_1193 = arith.addf %mul3A_1190, %mul3A_1192 : vector<16xf32>
      %swap3A_1194 = arith.index_cast %add3A_1184 : i32 to index
      %swap3A_1195 = arith.constant 0 : index
      %swap3A_1196 = tpu.vector_load %arg16[%swap3A_1194, %swap3A_1195] {strides = array<i32>} : memref<512x64xf32, #tpu.memory_space<vmem>>, vector<1x16xf32>,
      %swap3A_1197 = vector.shape_cast %swap3A_1196 : vector<1x16xf32> to vector<16xf32>
      %swap3A_1198 = vector.shape_cast %add3A_1193 : vector<16xf32> to vector<1x16xf32>
      tpu.vector_store %arg16[%swap3A_1194, %swap3A_1195], %swap3A_1198 {strides = array<i32>} : memref<512x64xf32, #tpu.memory_space<vmem>>, vector<1x16xf32>,
      %get3A_1199 = arith.index_cast %add3A_1184 : i32 to index
      %get3A_1200 = arith.constant 16 : index
      %get3A_1201 = tpu.vector_load %arg16[%get3A_1199, %get3A_1200] {strides = array<i32>} : memref<512x64xf32, #tpu.memory_space<vmem>>, vector<1x16xf32>,
      %get3A_1202 = vector.shape_cast %get3A_1201 : vector<1x16xf32> to vector<16xf32>
      %mul3A_1203 = vector.broadcast %squeeze3A_1180 : f32 to vector<16xf32>
      %mul3A_1204 = arith.mulf %get3A_1202, %mul3A_1203 : vector<16xf32>
      %mul3A_1205 = vector.broadcast %squeeze3A_1182 : f32 to vector<16xf32>
      %mul3A_1206 = arith.mulf %get3A_7, %mul3A_1205 : vector<16xf32>
      %add3A_1207 = arith.addf %mul3A_1204, %mul3A_1206 : vector<16xf32>
      %swap3A_1208 = arith.index_cast %add3A_1184 : i32 to index
      %swap3A_1209 = arith.constant 16 : index
      %swap3A_1210 = tpu.vector_load %arg16[%swap3A_1208, %swap3A_1209] {strides = array<i32>} : memref<512x64xf32, #tpu.memory_space<vmem>>, vector<1x16xf32>,
      %swap3A_1211 = vector.shape_cast %swap3A_1210 : vector<1x16xf32> to vector<16xf32>
      %swap3A_1212 = vector.shape_cast %add3A_1207 : vector<16xf32> to vector<1x16xf32>
      tpu.vector_store %arg16[%swap3A_1208, %swap3A_1209], %swap3A_1212 {strides = array<i32>} : memref<512x64xf32, #tpu.memory_space<vmem>>, vector<1x16xf32>,
      %get3A_1213 = arith.index_cast %add3A_1184 : i32 to index
      %get3A_1214 = arith.constant 32 : index
      %get3A_1215 = tpu.vector_load %arg16[%get3A_1213, %get3A_1214] {strides = array<i32>} : memref<512x64xf32, #tpu.memory_space<vmem>>, vector<1x16xf32>,
      %get3A_1216 = vector.shape_cast %get3A_1215 : vector<1x16xf32> to vector<16xf32>
      %mul3A_1217 = vector.broadcast %squeeze3A_1180 : f32 to vector<16xf32>
      %mul3A_1218 = arith.mulf %get3A_1216, %mul3A_1217 : vector<16xf32>
      %mul3A_1219 = vector.broadcast %squeeze3A_1182 : f32 to vector<16xf32>
      %mul3A_1220 = arith.mulf %get3A_10, %mul3A_1219 : vector<16xf32>
      %add3A_1221 = arith.addf %mul3A_1218, %mul3A_1220 : vector<16xf32>
      %swap3A_1222 = arith.index_cast %add3A_1184 : i32 to index
      %swap3A_1223 = arith.constant 32 : index
      %swap3A_1224 = tpu.vector_load %arg16[%swap3A_1222, %swap3A_1223] {strides = array<i32>} : memref<512x64xf32, #tpu.memory_space<vmem>>, vector<1x16xf32>,
      %swap3A_1225 = vector.shape_cast %swap3A_1224 : vector<1x16xf32> to vector<16xf32>
      %swap3A_1226 = vector.shape_cast %add3A_1221 : vector<16xf32> to vector<1x16xf32>
      tpu.vector_store %arg16[%swap3A_1222, %swap3A_1223], %swap3A_1226 {strides = array<i32>} : memref<512x64xf32, #tpu.memory_space<vmem>>, vector<1x16xf32>,
      %get3A_1227 = arith.index_cast %add3A_1184 : i32 to index
      %get3A_1228 = arith.constant 48 : index
      %get3A_1229 = tpu.vector_load %arg16[%get3A_1227, %get3A_1228] {strides = array<i32>} : memref<512x64xf32, #tpu.memory_space<vmem>>, vector<1x16xf32>,
      %get3A_1230 = vector.shape_cast %get3A_1229 : vector<1x16xf32> to vector<16xf32>
      %mul3A_1231 = vector.broadcast %squeeze3A_1180 : f32 to vector<16xf32>
      %mul3A_1232 = arith.mulf %get3A_1230, %mul3A_1231 : vector<16xf32>
      %mul3A_1233 = vector.broadcast %squeeze3A_1182 : f32 to vector<16xf32>
      %mul3A_1234 = arith.mulf %get3A_13, %mul3A_1233 : vector<16xf32>
      %add3A_1235 = arith.addf %mul3A_1232, %mul3A_1234 : vector<16xf32>
      %swap3A_1236 = arith.index_cast %add3A_1184 : i32 to index
      %swap3A_1237 = arith.constant 48 : index
      %swap3A_1238 = tpu.vector_load %arg16[%swap3A_1236, %swap3A_1237] {strides = array<i32>} : memref<512x64xf32, #tpu.memory_space<vmem>>, vector<1x16xf32>,
      %swap3A_1239 = vector.shape_cast %swap3A_1238 : vector<1x16xf32> to vector<16xf32>
      %swap3A_1240 = vector.shape_cast %add3A_1235 : vector<16xf32> to vector<1x16xf32>
      tpu.vector_store %arg16[%swap3A_1236, %swap3A_1237], %swap3A_1240 {strides = array<i32>} : memref<512x64xf32, #tpu.memory_space<vmem>>, vector<1x16xf32>,
      %slice3A_1241 = vector.extract_strided_slice %get3A_308 {offsets = [15], sizes = [1], strides = [1]} : vector<16xf32> to vector<1xf32>
      %squeeze3A_1242 = vector.extract %slice3A_1241[0] : f32 from vector<1xf32>
      %slice3A_1243 = vector.extract_strided_slice %get3A_313 {offsets = [15], sizes = [1], strides = [1]} : vector<16xf32> to vector<1xf32>
      %squeeze3A_1244 = vector.extract %slice3A_1243[0] : f32 from vector<1xf32>
      %add3A_1245 = arith.constant 15 : i32
      %add3A_1246 = arith.addi %mul3A_303, %add3A_1245 : i32
      %get3A_1247 = arith.index_cast %add3A_1246 : i32 to index
      %get3A_1248 = arith.constant 0 : index
      %get3A_1249 = tpu.vector_load %arg16[%get3A_1247, %get3A_1248] {strides = array<i32>} : memref<512x64xf32, #tpu.memory_space<vmem>>, vector<1x16xf32>,
      %get3A_1250 = vector.shape_cast %get3A_1249 : vector<1x16xf32> to vector<16xf32>
      %mul3A_1251 = vector.broadcast %squeeze3A_1242 : f32 to vector<16xf32>
      %mul3A_1252 = arith.mulf %get3A_1250, %mul3A_1251 : vector<16xf32>
      %mul3A_1253 = vector.broadcast %squeeze3A_1244 : f32 to vector<16xf32>
      %mul3A_1254 = arith.mulf %get3A_4, %mul3A_1253 : vector<16xf32>
      %add3A_1255 = arith.addf %mul3A_1252, %mul3A_1254 : vector<16xf32>
      %swap3A_1256 = arith.index_cast %add3A_1246 : i32 to index
      %swap3A_1257 = arith.constant 0 : index
      %swap3A_1258 = tpu.vector_load %arg16[%swap3A_1256, %swap3A_1257] {strides = array<i32>} : memref<512x64xf32, #tpu.memory_space<vmem>>, vector<1x16xf32>,
      %swap3A_1259 = vector.shape_cast %swap3A_1258 : vector<1x16xf32> to vector<16xf32>
      %swap3A_1260 = vector.shape_cast %add3A_1255 : vector<16xf32> to vector<1x16xf32>
      tpu.vector_store %arg16[%swap3A_1256, %swap3A_1257], %swap3A_1260 {strides = array<i32>} : memref<512x64xf32, #tpu.memory_space<vmem>>, vector<1x16xf32>,
      %get3A_1261 = arith.index_cast %add3A_1246 : i32 to index
      %get3A_1262 = arith.constant 16 : index
      %get3A_1263 = tpu.vector_load %arg16[%get3A_1261, %get3A_1262] {strides = array<i32>} : memref<512x64xf32, #tpu.memory_space<vmem>>, vector<1x16xf32>,
      %get3A_1264 = vector.shape_cast %get3A_1263 : vector<1x16xf32> to vector<16xf32>
      %mul3A_1265 = vector.broadcast %squeeze3A_1242 : f32 to vector<16xf32>
      %mul3A_1266 = arith.mulf %get3A_1264, %mul3A_1265 : vector<16xf32>
      %mul3A_1267 = vector.broadcast %squeeze3A_1244 : f32 to vector<16xf32>
      %mul3A_1268 = arith.mulf %get3A_7, %mul3A_1267 : vector<16xf32>
      %add3A_1269 = arith.addf %mul3A_1266, %mul3A_1268 : vector<16xf32>
      %swap3A_1270 = arith.index_cast %add3A_1246 : i32 to index
      %swap3A_1271 = arith.constant 16 : index
      %swap3A_1272 = tpu.vector_load %arg16[%swap3A_1270, %swap3A_1271] {strides = array<i32>} : memref<512x64xf32, #tpu.memory_space<vmem>>, vector<1x16xf32>,
      %swap3A_1273 = vector.shape_cast %swap3A_1272 : vector<1x16xf32> to vector<16xf32>
      %swap3A_1274 = vector.shape_cast %add3A_1269 : vector<16xf32> to vector<1x16xf32>
      tpu.vector_store %arg16[%swap3A_1270, %swap3A_1271], %swap3A_1274 {strides = array<i32>} : memref<512x64xf32, #tpu.memory_space<vmem>>, vector<1x16xf32>,
      %get3A_1275 = arith.index_cast %add3A_1246 : i32 to index
      %get3A_1276 = arith.constant 32 : index
      %get3A_1277 = tpu.vector_load %arg16[%get3A_1275, %get3A_1276] {strides = array<i32>} : memref<512x64xf32, #tpu.memory_space<vmem>>, vector<1x16xf32>,
      %get3A_1278 = vector.shape_cast %get3A_1277 : vector<1x16xf32> to vector<16xf32>
      %mul3A_1279 = vector.broadcast %squeeze3A_1242 : f32 to vector<16xf32>
      %mul3A_1280 = arith.mulf %get3A_1278, %mul3A_1279 : vector<16xf32>
      %mul3A_1281 = vector.broadcast %squeeze3A_1244 : f32 to vector<16xf32>
      %mul3A_1282 = arith.mulf %get3A_10, %mul3A_1281 : vector<16xf32>
      %add3A_1283 = arith.addf %mul3A_1280, %mul3A_1282 : vector<16xf32>
      %swap3A_1284 = arith.index_cast %add3A_1246 : i32 to index
      %swap3A_1285 = arith.constant 32 : index
      %swap3A_1286 = tpu.vector_load %arg16[%swap3A_1284, %swap3A_1285] {strides = array<i32>} : memref<512x64xf32, #tpu.memory_space<vmem>>, vector<1x16xf32>,
      %swap3A_1287 = vector.shape_cast %swap3A_1286 : vector<1x16xf32> to vector<16xf32>
      %swap3A_1288 = vector.shape_cast %add3A_1283 : vector<16xf32> to vector<1x16xf32>
      tpu.vector_store %arg16[%swap3A_1284, %swap3A_1285], %swap3A_1288 {strides = array<i32>} : memref<512x64xf32, #tpu.memory_space<vmem>>, vector<1x16xf32>,
      %get3A_1289 = arith.index_cast %add3A_1246 : i32 to index
      %get3A_1290 = arith.constant 48 : index
      %get3A_1291 = tpu.vector_load %arg16[%get3A_1289, %get3A_1290] {strides = array<i32>} : memref<512x64xf32, #tpu.memory_space<vmem>>, vector<1x16xf32>,
      %get3A_1292 = vector.shape_cast %get3A_1291 : vector<1x16xf32> to vector<16xf32>
      %mul3A_1293 = vector.broadcast %squeeze3A_1242 : f32 to vector<16xf32>
      %mul3A_1294 = arith.mulf %get3A_1292, %mul3A_1293 : vector<16xf32>
      %mul3A_1295 = vector.broadcast %squeeze3A_1244 : f32 to vector<16xf32>
      %mul3A_1296 = arith.mulf %get3A_13, %mul3A_1295 : vector<16xf32>
      %add3A_1297 = arith.addf %mul3A_1294, %mul3A_1296 : vector<16xf32>
      %swap3A_1298 = arith.index_cast %add3A_1246 : i32 to index
      %swap3A_1299 = arith.constant 48 : index
      %swap3A_1300 = tpu.vector_load %arg16[%swap3A_1298, %swap3A_1299] {strides = array<i32>} : memref<512x64xf32, #tpu.memory_space<vmem>>, vector<1x16xf32>,
      %swap3A_1301 = vector.shape_cast %swap3A_1300 : vector<1x16xf32> to vector<16xf32>
      %swap3A_1302 = vector.shape_cast %add3A_1297 : vector<16xf32> to vector<1x16xf32>
      tpu.vector_store %arg16[%swap3A_1298, %swap3A_1299], %swap3A_1302 {strides = array<i32>} : memref<512x64xf32, #tpu.memory_space<vmem>>, vector<1x16xf32>,
    }
    %scan3A_82 = arith.constant 32 : i32
    %add3A_83 = arith.constant 0 : i32
    %add3A_84 = arith.addi %mul3A_2, %add3A_83 : i32
    "tpu.region"() ({
      %run_scoped3A = tpu.sem_alloc : memref<!tpu.dma_semaphore, #tpu.memory_space<semaphore_mem>>
      %dma_start3A_301 = arith.constant 0 : i32
      %dma_start3A_302 = tpu.memref_slice %arg8[%add3A_84, %dma_start3A_301] : memref<65536x64xf32, #tpu.memory_space<hbm>> -> memref<512x64xf32, #tpu.memory_space<hbm>>
      %dma_start3A_303 = arith.constant 0 : i32
      %dma_start3A_304 = tpu.memref_slice %arg8[%add3A_84, %dma_start3A_303] : memref<65536x64xf32, #tpu.memory_space<hbm>> -> memref<512x64xf32, #tpu.memory_space<hbm>>
      tpu.enqueue_dma source(%arg16 : memref<512x64xf32, #tpu.memory_space<vmem>>) target(%dma_start3A_304 : memref<512x64xf32, #tpu.memory_space<hbm>>) target_semaphore(%run_scoped3A : memref<!tpu.dma_semaphore, #tpu.memory_space<semaphore_mem>>)
      %dma_wait3A_305 = arith.constant 0 : i32
      %dma_wait3A_306 = tpu.memref_slice %arg8[%add3A_84, %dma_wait3A_305] : memref<65536x64xf32, #tpu.memory_space<hbm>> -> memref<512x64xf32, #tpu.memory_space<hbm>>
      %dma_wait3A_307 = arith.constant 0 : i32
      %dma_wait3A_308 = tpu.memref_slice %arg8[%add3A_84, %dma_wait3A_307] : memref<65536x64xf32, #tpu.memory_space<hbm>> -> memref<512x64xf32, #tpu.memory_space<hbm>>
      tpu.wait_dma2 semaphore(%run_scoped3A : memref<!tpu.dma_semaphore, #tpu.memory_space<semaphore_mem>>) src(%arg16 : memref<512x64xf32, #tpu.memory_space<vmem>>) dst(%dma_wait3A_308 : memref<512x64xf32, #tpu.memory_space<hbm>>)
      tpu.yield
    }) : () -> ()
    %dma_start3A_85 = arith.constant 0 : i32
    %dma_start3A_86 = arith.constant 0 : i32
    %dma_start3A_87 = tpu.memref_slice %arg16[%dma_start3A_85, %dma_start3A_86] : memref<512x64xf32, #tpu.memory_space<vmem>> -> memref<128x64xf32, #tpu.memory_space<vmem>>
    %dma_start3A_88 = arith.constant 512 : i32
    %dma_start3A_89 = tpu.memref_slice %arg10[%dma_start3A_88] : memref<2048xi32, #tpu.memory_space<vmem>> -> memref<128xi32, #tpu.memory_space<vmem>>
    %dma_start3A_90 = arith.constant 0 : i32
    %dma_start3A_91 = arith.constant 0 : i32
    %dma_start3A_92 = tpu.memref_slice %arg2[%dma_start3A_90, %dma_start3A_91] : memref<65536x64xf32, #tpu.memory_space<hbm>> -> memref<65536x64xf32, #tpu.memory_space<hbm>>
    tpu.enqueue_indirect_dma source(%dma_start3A_92 : memref<65536x64xf32, #tpu.memory_space<hbm>>) target(%dma_start3A_87 : memref<128x64xf32, #tpu.memory_space<vmem>>) offsets(%dma_start3A_89 : memref<128xi32, #tpu.memory_space<vmem>>) semaphore(%arg17 : memref<!tpu.dma_semaphore, #tpu.memory_space<semaphore_mem>>)
    %dma_start3A_93 = arith.constant 128 : i32
    %dma_start3A_94 = arith.constant 0 : i32
    %dma_start3A_95 = tpu.memref_slice %arg16[%dma_start3A_93, %dma_start3A_94] : memref<512x64xf32, #tpu.memory_space<vmem>> -> memref<128x64xf32, #tpu.memory_space<vmem>>
    %dma_start3A_96 = arith.constant 640 : i32
    %dma_start3A_97 = tpu.memref_slice %arg10[%dma_start3A_96] : memref<2048xi32, #tpu.memory_space<vmem>> -> memref<128xi32, #tpu.memory_space<vmem>>
    %dma_start3A_98 = arith.constant 0 : i32
    %dma_start3A_99 = arith.constant 0 : i32
    %dma_start3A_100 = tpu.memref_slice %arg2[%dma_start3A_98, %dma_start3A_99] : memref<65536x64xf32, #tpu.memory_space<hbm>> -> memref<65536x64xf32, #tpu.memory_space<hbm>>
    tpu.enqueue_indirect_dma source(%dma_start3A_100 : memref<65536x64xf32, #tpu.memory_space<hbm>>) target(%dma_start3A_95 : memref<128x64xf32, #tpu.memory_space<vmem>>) offsets(%dma_start3A_97 : memref<128xi32, #tpu.memory_space<vmem>>) semaphore(%arg17 : memref<!tpu.dma_semaphore, #tpu.memory_space<semaphore_mem>>)
    %dma_start3A_101 = arith.constant 256 : i32
    %dma_start3A_102 = arith.constant 0 : i32
    %dma_start3A_103 = tpu.memref_slice %arg16[%dma_start3A_101, %dma_start3A_102] : memref<512x64xf32, #tpu.memory_space<vmem>> -> memref<128x64xf32, #tpu.memory_space<vmem>>
    %dma_start3A_104 = arith.constant 768 : i32
    %dma_start3A_105 = tpu.memref_slice %arg10[%dma_start3A_104] : memref<2048xi32, #tpu.memory_space<vmem>> -> memref<128xi32, #tpu.memory_space<vmem>>
    %dma_start3A_106 = arith.constant 0 : i32
    %dma_start3A_107 = arith.constant 0 : i32
    %dma_start3A_108 = tpu.memref_slice %arg2[%dma_start3A_106, %dma_start3A_107] : memref<65536x64xf32, #tpu.memory_space<hbm>> -> memref<65536x64xf32, #tpu.memory_space<hbm>>
    tpu.enqueue_indirect_dma source(%dma_start3A_108 : memref<65536x64xf32, #tpu.memory_space<hbm>>) target(%dma_start3A_103 : memref<128x64xf32, #tpu.memory_space<vmem>>) offsets(%dma_start3A_105 : memref<128xi32, #tpu.memory_space<vmem>>) semaphore(%arg17 : memref<!tpu.dma_semaphore, #tpu.memory_space<semaphore_mem>>)
    %dma_start3A_109 = arith.constant 384 : i32
    %dma_start3A_110 = arith.constant 0 : i32
    %dma_start3A_111 = tpu.memref_slice %arg16[%dma_start3A_109, %dma_start3A_110] : memref<512x64xf32, #tpu.memory_space<vmem>> -> memref<128x64xf32, #tpu.memory_space<vmem>>
    %dma_start3A_112 = arith.constant 896 : i32
    %dma_start3A_113 = tpu.memref_slice %arg10[%dma_start3A_112] : memref<2048xi32, #tpu.memory_space<vmem>> -> memref<128xi32, #tpu.memory_space<vmem>>
    %dma_start3A_114 = arith.constant 0 : i32
    %dma_start3A_115 = arith.constant 0 : i32
    %dma_start3A_116 = tpu.memref_slice %arg2[%dma_start3A_114, %dma_start3A_115] : memref<65536x64xf32, #tpu.memory_space<hbm>> -> memref<65536x64xf32, #tpu.memory_space<hbm>>
    tpu.enqueue_indirect_dma source(%dma_start3A_116 : memref<65536x64xf32, #tpu.memory_space<hbm>>) target(%dma_start3A_111 : memref<128x64xf32, #tpu.memory_space<vmem>>) offsets(%dma_start3A_113 : memref<128xi32, #tpu.memory_space<vmem>>) semaphore(%arg17 : memref<!tpu.dma_semaphore, #tpu.memory_space<semaphore_mem>>)
    %dma_wait3A_117 = arith.constant 0 : i32
    %dma_wait3A_118 = arith.constant 0 : i32
    %dma_wait3A_119 = tpu.memref_slice %arg16[%dma_wait3A_117, %dma_wait3A_118] : memref<512x64xf32, #tpu.memory_space<vmem>> -> memref<128x64xf32, #tpu.memory_space<vmem>>
    %dma_wait3A_120 = arith.constant 512 : i32
    %dma_wait3A_121 = tpu.memref_slice %arg10[%dma_wait3A_120] : memref<2048xi32, #tpu.memory_space<vmem>> -> memref<128xi32, #tpu.memory_space<vmem>>
    %dma_wait3A_122 = arith.constant 0 : i32
    %dma_wait3A_123 = arith.constant 0 : i32
    %dma_wait3A_124 = tpu.memref_slice %arg2[%dma_wait3A_122, %dma_wait3A_123] : memref<65536x64xf32, #tpu.memory_space<hbm>> -> memref<65536x64xf32, #tpu.memory_space<hbm>>
    tpu.wait_indirect_dma semaphore(%arg17 : memref<!tpu.dma_semaphore, #tpu.memory_space<semaphore_mem>>) src(%dma_wait3A_124 : memref<65536x64xf32, #tpu.memory_space<hbm>>) dst(%dma_wait3A_119 : memref<128x64xf32, #tpu.memory_space<vmem>>)
    %dma_wait3A_125 = arith.constant 128 : i32
    %dma_wait3A_126 = arith.constant 0 : i32
    %dma_wait3A_127 = tpu.memref_slice %arg16[%dma_wait3A_125, %dma_wait3A_126] : memref<512x64xf32, #tpu.memory_space<vmem>> -> memref<128x64xf32, #tpu.memory_space<vmem>>
    %dma_wait3A_128 = arith.constant 640 : i32
    %dma_wait3A_129 = tpu.memref_slice %arg10[%dma_wait3A_128] : memref<2048xi32, #tpu.memory_space<vmem>> -> memref<128xi32, #tpu.memory_space<vmem>>
    %dma_wait3A_130 = arith.constant 0 : i32
    %dma_wait3A_131 = arith.constant 0 : i32
    %dma_wait3A_132 = tpu.memref_slice %arg2[%dma_wait3A_130, %dma_wait3A_131] : memref<65536x64xf32, #tpu.memory_space<hbm>> -> memref<65536x64xf32, #tpu.memory_space<hbm>>
    tpu.wait_indirect_dma semaphore(%arg17 : memref<!tpu.dma_semaphore, #tpu.memory_space<semaphore_mem>>) src(%dma_wait3A_132 : memref<65536x64xf32, #tpu.memory_space<hbm>>) dst(%dma_wait3A_127 : memref<128x64xf32, #tpu.memory_space<vmem>>)
    %dma_wait3A_133 = arith.constant 256 : i32
    %dma_wait3A_134 = arith.constant 0 : i32
    %dma_wait3A_135 = tpu.memref_slice %arg16[%dma_wait3A_133, %dma_wait3A_134] : memref<512x64xf32, #tpu.memory_space<vmem>> -> memref<128x64xf32, #tpu.memory_space<vmem>>
    %dma_wait3A_136 = arith.constant 768 : i32
    %dma_wait3A_137 = tpu.memref_slice %arg10[%dma_wait3A_136] : memref<2048xi32, #tpu.memory_space<vmem>> -> memref<128xi32, #tpu.memory_space<vmem>>
    %dma_wait3A_138 = arith.constant 0 : i32
    %dma_wait3A_139 = arith.constant 0 : i32
    %dma_wait3A_140 = tpu.memref_slice %arg2[%dma_wait3A_138, %dma_wait3A_139] : memref<65536x64xf32, #tpu.memory_space<hbm>> -> memref<65536x64xf32, #tpu.memory_space<hbm>>
    tpu.wait_indirect_dma semaphore(%arg17 : memref<!tpu.dma_semaphore, #tpu.memory_space<semaphore_mem>>) src(%dma_wait3A_140 : memref<65536x64xf32, #tpu.memory_space<hbm>>) dst(%dma_wait3A_135 : memref<128x64xf32, #tpu.memory_space<vmem>>)
    %dma_wait3A_141 = arith.constant 384 : i32
    %dma_wait3A_142 = arith.constant 0 : i32
    %dma_wait3A_143 = tpu.memref_slice %arg16[%dma_wait3A_141, %dma_wait3A_142] : memref<512x64xf32, #tpu.memory_space<vmem>> -> memref<128x64xf32, #tpu.memory_space<vmem>>
    %dma_wait3A_144 = arith.constant 896 : i32
    %dma_wait3A_145 = tpu.memref_slice %arg10[%dma_wait3A_144] : memref<2048xi32, #tpu.memory_space<vmem>> -> memref<128xi32, #tpu.memory_space<vmem>>
    %dma_wait3A_146 = arith.constant 0 : i32
    %dma_wait3A_147 = arith.constant 0 : i32
    %dma_wait3A_148 = tpu.memref_slice %arg2[%dma_wait3A_146, %dma_wait3A_147] : memref<65536x64xf32, #tpu.memory_space<hbm>> -> memref<65536x64xf32, #tpu.memory_space<hbm>>
    tpu.wait_indirect_dma semaphore(%arg17 : memref<!tpu.dma_semaphore, #tpu.memory_space<semaphore_mem>>) src(%dma_wait3A_148 : memref<65536x64xf32, #tpu.memory_space<hbm>>) dst(%dma_wait3A_143 : memref<128x64xf32, #tpu.memory_space<vmem>>)
    %scan3A_149 = arith.constant 0 : i32
    %scan3A_150 = arith.constant 0 : i32
    %scan3A_151 = arith.constant 32 : i32
    %scan3A_152 = arith.addi %scan3A_150, %scan3A_151 : i32
    %scan3A_153 = arith.constant 1 : i32
    scf.for %scan3A_301 = %scan3A_150 to %scan3A_152 step %scan3A_153  : i32 {
      %mul3A_302 = arith.constant 16 : i32
      %mul3A_303 = arith.muli %scan3A_301, %mul3A_302 : i32
      %add3A_304 = arith.constant 512 : i32
      %add3A_305 = arith.addi %add3A_304, %mul3A_303 : i32
      %get3A_306 = arith.index_cast %add3A_305 : i32 to index
      %get3A_307 = tpu.vector_load %arg11[%get3A_306] {strides = array<i32>} : memref<2048xf32, #tpu.memory_space<vmem>>, vector<16xf32>,
      %get3A_308 = vector.shape_cast %get3A_307 : vector<16xf32> to vector<16xf32>
      %add3A_309 = arith.constant 512 : i32
      %add3A_310 = arith.addi %add3A_309, %mul3A_303 : i32
      %get3A_311 = arith.index_cast %add3A_310 : i32 to index
      %get3A_312 = tpu.vector_load %arg12[%get3A_311] {strides = array<i32>} : memref<2048xf32, #tpu.memory_space<vmem>>, vector<16xf32>,
      %get3A_313 = vector.shape_cast %get3A_312 : vector<16xf32> to vector<16xf32>
      %slice3A = vector.extract_strided_slice %get3A_308 {offsets = [0], sizes = [1], strides = [1]} : vector<16xf32> to vector<1xf32>
      %squeeze3A = vector.extract %slice3A[0] : f32 from vector<1xf32>
      %slice3A_314 = vector.extract_strided_slice %get3A_313 {offsets = [0], sizes = [1], strides = [1]} : vector<16xf32> to vector<1xf32>
      %squeeze3A_315 = vector.extract %slice3A_314[0] : f32 from vector<1xf32>
      %add3A_316 = arith.constant 0 : i32
      %add3A_317 = arith.addi %mul3A_303, %add3A_316 : i32
      %get3A_318 = arith.index_cast %add3A_317 : i32 to index
      %get3A_319 = arith.constant 0 : index
      %get3A_320 = tpu.vector_load %arg16[%get3A_318, %get3A_319] {strides = array<i32>} : memref<512x64xf32, #tpu.memory_space<vmem>>, vector<1x16xf32>,
      %get3A_321 = vector.shape_cast %get3A_320 : vector<1x16xf32> to vector<16xf32>
      %mul3A_322 = vector.broadcast %squeeze3A : f32 to vector<16xf32>
      %mul3A_323 = arith.mulf %get3A_321, %mul3A_322 : vector<16xf32>
      %mul3A_324 = vector.broadcast %squeeze3A_315 : f32 to vector<16xf32>
      %mul3A_325 = arith.mulf %get3A_4, %mul3A_324 : vector<16xf32>
      %add3A_326 = arith.addf %mul3A_323, %mul3A_325 : vector<16xf32>
      %swap3A = arith.index_cast %add3A_317 : i32 to index
      %swap3A_327 = arith.constant 0 : index
      %swap3A_328 = tpu.vector_load %arg16[%swap3A, %swap3A_327] {strides = array<i32>} : memref<512x64xf32, #tpu.memory_space<vmem>>, vector<1x16xf32>,
      %swap3A_329 = vector.shape_cast %swap3A_328 : vector<1x16xf32> to vector<16xf32>
      %swap3A_330 = vector.shape_cast %add3A_326 : vector<16xf32> to vector<1x16xf32>
      tpu.vector_store %arg16[%swap3A, %swap3A_327], %swap3A_330 {strides = array<i32>} : memref<512x64xf32, #tpu.memory_space<vmem>>, vector<1x16xf32>,
      %get3A_331 = arith.index_cast %add3A_317 : i32 to index
      %get3A_332 = arith.constant 16 : index
      %get3A_333 = tpu.vector_load %arg16[%get3A_331, %get3A_332] {strides = array<i32>} : memref<512x64xf32, #tpu.memory_space<vmem>>, vector<1x16xf32>,
      %get3A_334 = vector.shape_cast %get3A_333 : vector<1x16xf32> to vector<16xf32>
      %mul3A_335 = vector.broadcast %squeeze3A : f32 to vector<16xf32>
      %mul3A_336 = arith.mulf %get3A_334, %mul3A_335 : vector<16xf32>
      %mul3A_337 = vector.broadcast %squeeze3A_315 : f32 to vector<16xf32>
      %mul3A_338 = arith.mulf %get3A_7, %mul3A_337 : vector<16xf32>
      %add3A_339 = arith.addf %mul3A_336, %mul3A_338 : vector<16xf32>
      %swap3A_340 = arith.index_cast %add3A_317 : i32 to index
      %swap3A_341 = arith.constant 16 : index
      %swap3A_342 = tpu.vector_load %arg16[%swap3A_340, %swap3A_341] {strides = array<i32>} : memref<512x64xf32, #tpu.memory_space<vmem>>, vector<1x16xf32>,
      %swap3A_343 = vector.shape_cast %swap3A_342 : vector<1x16xf32> to vector<16xf32>
      %swap3A_344 = vector.shape_cast %add3A_339 : vector<16xf32> to vector<1x16xf32>
      tpu.vector_store %arg16[%swap3A_340, %swap3A_341], %swap3A_344 {strides = array<i32>} : memref<512x64xf32, #tpu.memory_space<vmem>>, vector<1x16xf32>,
      %get3A_345 = arith.index_cast %add3A_317 : i32 to index
      %get3A_346 = arith.constant 32 : index
      %get3A_347 = tpu.vector_load %arg16[%get3A_345, %get3A_346] {strides = array<i32>} : memref<512x64xf32, #tpu.memory_space<vmem>>, vector<1x16xf32>,
      %get3A_348 = vector.shape_cast %get3A_347 : vector<1x16xf32> to vector<16xf32>
      %mul3A_349 = vector.broadcast %squeeze3A : f32 to vector<16xf32>
      %mul3A_350 = arith.mulf %get3A_348, %mul3A_349 : vector<16xf32>
      %mul3A_351 = vector.broadcast %squeeze3A_315 : f32 to vector<16xf32>
      %mul3A_352 = arith.mulf %get3A_10, %mul3A_351 : vector<16xf32>
      %add3A_353 = arith.addf %mul3A_350, %mul3A_352 : vector<16xf32>
      %swap3A_354 = arith.index_cast %add3A_317 : i32 to index
      %swap3A_355 = arith.constant 32 : index
      %swap3A_356 = tpu.vector_load %arg16[%swap3A_354, %swap3A_355] {strides = array<i32>} : memref<512x64xf32, #tpu.memory_space<vmem>>, vector<1x16xf32>,
      %swap3A_357 = vector.shape_cast %swap3A_356 : vector<1x16xf32> to vector<16xf32>
      %swap3A_358 = vector.shape_cast %add3A_353 : vector<16xf32> to vector<1x16xf32>
      tpu.vector_store %arg16[%swap3A_354, %swap3A_355], %swap3A_358 {strides = array<i32>} : memref<512x64xf32, #tpu.memory_space<vmem>>, vector<1x16xf32>,
      %get3A_359 = arith.index_cast %add3A_317 : i32 to index
      %get3A_360 = arith.constant 48 : index
      %get3A_361 = tpu.vector_load %arg16[%get3A_359, %get3A_360] {strides = array<i32>} : memref<512x64xf32, #tpu.memory_space<vmem>>, vector<1x16xf32>,
      %get3A_362 = vector.shape_cast %get3A_361 : vector<1x16xf32> to vector<16xf32>
      %mul3A_363 = vector.broadcast %squeeze3A : f32 to vector<16xf32>
      %mul3A_364 = arith.mulf %get3A_362, %mul3A_363 : vector<16xf32>
      %mul3A_365 = vector.broadcast %squeeze3A_315 : f32 to vector<16xf32>
      %mul3A_366 = arith.mulf %get3A_13, %mul3A_365 : vector<16xf32>
      %add3A_367 = arith.addf %mul3A_364, %mul3A_366 : vector<16xf32>
      %swap3A_368 = arith.index_cast %add3A_317 : i32 to index
      %swap3A_369 = arith.constant 48 : index
      %swap3A_370 = tpu.vector_load %arg16[%swap3A_368, %swap3A_369] {strides = array<i32>} : memref<512x64xf32, #tpu.memory_space<vmem>>, vector<1x16xf32>,
      %swap3A_371 = vector.shape_cast %swap3A_370 : vector<1x16xf32> to vector<16xf32>
      %swap3A_372 = vector.shape_cast %add3A_367 : vector<16xf32> to vector<1x16xf32>
      tpu.vector_store %arg16[%swap3A_368, %swap3A_369], %swap3A_372 {strides = array<i32>} : memref<512x64xf32, #tpu.memory_space<vmem>>, vector<1x16xf32>,
      %slice3A_373 = vector.extract_strided_slice %get3A_308 {offsets = [1], sizes = [1], strides = [1]} : vector<16xf32> to vector<1xf32>
      %squeeze3A_374 = vector.extract %slice3A_373[0] : f32 from vector<1xf32>
      %slice3A_375 = vector.extract_strided_slice %get3A_313 {offsets = [1], sizes = [1], strides = [1]} : vector<16xf32> to vector<1xf32>
      %squeeze3A_376 = vector.extract %slice3A_375[0] : f32 from vector<1xf32>
      %add3A_377 = arith.constant 1 : i32
      %add3A_378 = arith.addi %mul3A_303, %add3A_377 : i32
      %get3A_379 = arith.index_cast %add3A_378 : i32 to index
      %get3A_380 = arith.constant 0 : index
      %get3A_381 = tpu.vector_load %arg16[%get3A_379, %get3A_380] {strides = array<i32>} : memref<512x64xf32, #tpu.memory_space<vmem>>, vector<1x16xf32>,
      %get3A_382 = vector.shape_cast %get3A_381 : vector<1x16xf32> to vector<16xf32>
      %mul3A_383 = vector.broadcast %squeeze3A_374 : f32 to vector<16xf32>
      %mul3A_384 = arith.mulf %get3A_382, %mul3A_383 : vector<16xf32>
      %mul3A_385 = vector.broadcast %squeeze3A_376 : f32 to vector<16xf32>
      %mul3A_386 = arith.mulf %get3A_4, %mul3A_385 : vector<16xf32>
      %add3A_387 = arith.addf %mul3A_384, %mul3A_386 : vector<16xf32>
      %swap3A_388 = arith.index_cast %add3A_378 : i32 to index
      %swap3A_389 = arith.constant 0 : index
      %swap3A_390 = tpu.vector_load %arg16[%swap3A_388, %swap3A_389] {strides = array<i32>} : memref<512x64xf32, #tpu.memory_space<vmem>>, vector<1x16xf32>,
      %swap3A_391 = vector.shape_cast %swap3A_390 : vector<1x16xf32> to vector<16xf32>
      %swap3A_392 = vector.shape_cast %add3A_387 : vector<16xf32> to vector<1x16xf32>
      tpu.vector_store %arg16[%swap3A_388, %swap3A_389], %swap3A_392 {strides = array<i32>} : memref<512x64xf32, #tpu.memory_space<vmem>>, vector<1x16xf32>,
      %get3A_393 = arith.index_cast %add3A_378 : i32 to index
      %get3A_394 = arith.constant 16 : index
      %get3A_395 = tpu.vector_load %arg16[%get3A_393, %get3A_394] {strides = array<i32>} : memref<512x64xf32, #tpu.memory_space<vmem>>, vector<1x16xf32>,
      %get3A_396 = vector.shape_cast %get3A_395 : vector<1x16xf32> to vector<16xf32>
      %mul3A_397 = vector.broadcast %squeeze3A_374 : f32 to vector<16xf32>
      %mul3A_398 = arith.mulf %get3A_396, %mul3A_397 : vector<16xf32>
      %mul3A_399 = vector.broadcast %squeeze3A_376 : f32 to vector<16xf32>
      %mul3A_400 = arith.mulf %get3A_7, %mul3A_399 : vector<16xf32>
      %add3A_401 = arith.addf %mul3A_398, %mul3A_400 : vector<16xf32>
      %swap3A_402 = arith.index_cast %add3A_378 : i32 to index
      %swap3A_403 = arith.constant 16 : index
      %swap3A_404 = tpu.vector_load %arg16[%swap3A_402, %swap3A_403] {strides = array<i32>} : memref<512x64xf32, #tpu.memory_space<vmem>>, vector<1x16xf32>,
      %swap3A_405 = vector.shape_cast %swap3A_404 : vector<1x16xf32> to vector<16xf32>
      %swap3A_406 = vector.shape_cast %add3A_401 : vector<16xf32> to vector<1x16xf32>
      tpu.vector_store %arg16[%swap3A_402, %swap3A_403], %swap3A_406 {strides = array<i32>} : memref<512x64xf32, #tpu.memory_space<vmem>>, vector<1x16xf32>,
      %get3A_407 = arith.index_cast %add3A_378 : i32 to index
      %get3A_408 = arith.constant 32 : index
      %get3A_409 = tpu.vector_load %arg16[%get3A_407, %get3A_408] {strides = array<i32>} : memref<512x64xf32, #tpu.memory_space<vmem>>, vector<1x16xf32>,
      %get3A_410 = vector.shape_cast %get3A_409 : vector<1x16xf32> to vector<16xf32>
      %mul3A_411 = vector.broadcast %squeeze3A_374 : f32 to vector<16xf32>
      %mul3A_412 = arith.mulf %get3A_410, %mul3A_411 : vector<16xf32>
      %mul3A_413 = vector.broadcast %squeeze3A_376 : f32 to vector<16xf32>
      %mul3A_414 = arith.mulf %get3A_10, %mul3A_413 : vector<16xf32>
      %add3A_415 = arith.addf %mul3A_412, %mul3A_414 : vector<16xf32>
      %swap3A_416 = arith.index_cast %add3A_378 : i32 to index
      %swap3A_417 = arith.constant 32 : index
      %swap3A_418 = tpu.vector_load %arg16[%swap3A_416, %swap3A_417] {strides = array<i32>} : memref<512x64xf32, #tpu.memory_space<vmem>>, vector<1x16xf32>,
      %swap3A_419 = vector.shape_cast %swap3A_418 : vector<1x16xf32> to vector<16xf32>
      %swap3A_420 = vector.shape_cast %add3A_415 : vector<16xf32> to vector<1x16xf32>
      tpu.vector_store %arg16[%swap3A_416, %swap3A_417], %swap3A_420 {strides = array<i32>} : memref<512x64xf32, #tpu.memory_space<vmem>>, vector<1x16xf32>,
      %get3A_421 = arith.index_cast %add3A_378 : i32 to index
      %get3A_422 = arith.constant 48 : index
      %get3A_423 = tpu.vector_load %arg16[%get3A_421, %get3A_422] {strides = array<i32>} : memref<512x64xf32, #tpu.memory_space<vmem>>, vector<1x16xf32>,
      %get3A_424 = vector.shape_cast %get3A_423 : vector<1x16xf32> to vector<16xf32>
      %mul3A_425 = vector.broadcast %squeeze3A_374 : f32 to vector<16xf32>
      %mul3A_426 = arith.mulf %get3A_424, %mul3A_425 : vector<16xf32>
      %mul3A_427 = vector.broadcast %squeeze3A_376 : f32 to vector<16xf32>
      %mul3A_428 = arith.mulf %get3A_13, %mul3A_427 : vector<16xf32>
      %add3A_429 = arith.addf %mul3A_426, %mul3A_428 : vector<16xf32>
      %swap3A_430 = arith.index_cast %add3A_378 : i32 to index
      %swap3A_431 = arith.constant 48 : index
      %swap3A_432 = tpu.vector_load %arg16[%swap3A_430, %swap3A_431] {strides = array<i32>} : memref<512x64xf32, #tpu.memory_space<vmem>>, vector<1x16xf32>,
      %swap3A_433 = vector.shape_cast %swap3A_432 : vector<1x16xf32> to vector<16xf32>
      %swap3A_434 = vector.shape_cast %add3A_429 : vector<16xf32> to vector<1x16xf32>
      tpu.vector_store %arg16[%swap3A_430, %swap3A_431], %swap3A_434 {strides = array<i32>} : memref<512x64xf32, #tpu.memory_space<vmem>>, vector<1x16xf32>,
      %slice3A_435 = vector.extract_strided_slice %get3A_308 {offsets = [2], sizes = [1], strides = [1]} : vector<16xf32> to vector<1xf32>
      %squeeze3A_436 = vector.extract %slice3A_435[0] : f32 from vector<1xf32>
      %slice3A_437 = vector.extract_strided_slice %get3A_313 {offsets = [2], sizes = [1], strides = [1]} : vector<16xf32> to vector<1xf32>
      %squeeze3A_438 = vector.extract %slice3A_437[0] : f32 from vector<1xf32>
      %add3A_439 = arith.constant 2 : i32
      %add3A_440 = arith.addi %mul3A_303, %add3A_439 : i32
      %get3A_441 = arith.index_cast %add3A_440 : i32 to index
      %get3A_442 = arith.constant 0 : index
      %get3A_443 = tpu.vector_load %arg16[%get3A_441, %get3A_442] {strides = array<i32>} : memref<512x64xf32, #tpu.memory_space<vmem>>, vector<1x16xf32>,
      %get3A_444 = vector.shape_cast %get3A_443 : vector<1x16xf32> to vector<16xf32>
      %mul3A_445 = vector.broadcast %squeeze3A_436 : f32 to vector<16xf32>
      %mul3A_446 = arith.mulf %get3A_444, %mul3A_445 : vector<16xf32>
      %mul3A_447 = vector.broadcast %squeeze3A_438 : f32 to vector<16xf32>
      %mul3A_448 = arith.mulf %get3A_4, %mul3A_447 : vector<16xf32>
      %add3A_449 = arith.addf %mul3A_446, %mul3A_448 : vector<16xf32>
      %swap3A_450 = arith.index_cast %add3A_440 : i32 to index
      %swap3A_451 = arith.constant 0 : index
      %swap3A_452 = tpu.vector_load %arg16[%swap3A_450, %swap3A_451] {strides = array<i32>} : memref<512x64xf32, #tpu.memory_space<vmem>>, vector<1x16xf32>,
      %swap3A_453 = vector.shape_cast %swap3A_452 : vector<1x16xf32> to vector<16xf32>
      %swap3A_454 = vector.shape_cast %add3A_449 : vector<16xf32> to vector<1x16xf32>
      tpu.vector_store %arg16[%swap3A_450, %swap3A_451], %swap3A_454 {strides = array<i32>} : memref<512x64xf32, #tpu.memory_space<vmem>>, vector<1x16xf32>,
      %get3A_455 = arith.index_cast %add3A_440 : i32 to index
      %get3A_456 = arith.constant 16 : index
      %get3A_457 = tpu.vector_load %arg16[%get3A_455, %get3A_456] {strides = array<i32>} : memref<512x64xf32, #tpu.memory_space<vmem>>, vector<1x16xf32>,
      %get3A_458 = vector.shape_cast %get3A_457 : vector<1x16xf32> to vector<16xf32>
      %mul3A_459 = vector.broadcast %squeeze3A_436 : f32 to vector<16xf32>
      %mul3A_460 = arith.mulf %get3A_458, %mul3A_459 : vector<16xf32>
      %mul3A_461 = vector.broadcast %squeeze3A_438 : f32 to vector<16xf32>
      %mul3A_462 = arith.mulf %get3A_7, %mul3A_461 : vector<16xf32>
      %add3A_463 = arith.addf %mul3A_460, %mul3A_462 : vector<16xf32>
      %swap3A_464 = arith.index_cast %add3A_440 : i32 to index
      %swap3A_465 = arith.constant 16 : index
      %swap3A_466 = tpu.vector_load %arg16[%swap3A_464, %swap3A_465] {strides = array<i32>} : memref<512x64xf32, #tpu.memory_space<vmem>>, vector<1x16xf32>,
      %swap3A_467 = vector.shape_cast %swap3A_466 : vector<1x16xf32> to vector<16xf32>
      %swap3A_468 = vector.shape_cast %add3A_463 : vector<16xf32> to vector<1x16xf32>
      tpu.vector_store %arg16[%swap3A_464, %swap3A_465], %swap3A_468 {strides = array<i32>} : memref<512x64xf32, #tpu.memory_space<vmem>>, vector<1x16xf32>,
      %get3A_469 = arith.index_cast %add3A_440 : i32 to index
      %get3A_470 = arith.constant 32 : index
      %get3A_471 = tpu.vector_load %arg16[%get3A_469, %get3A_470] {strides = array<i32>} : memref<512x64xf32, #tpu.memory_space<vmem>>, vector<1x16xf32>,
      %get3A_472 = vector.shape_cast %get3A_471 : vector<1x16xf32> to vector<16xf32>
      %mul3A_473 = vector.broadcast %squeeze3A_436 : f32 to vector<16xf32>
      %mul3A_474 = arith.mulf %get3A_472, %mul3A_473 : vector<16xf32>
      %mul3A_475 = vector.broadcast %squeeze3A_438 : f32 to vector<16xf32>
      %mul3A_476 = arith.mulf %get3A_10, %mul3A_475 : vector<16xf32>
      %add3A_477 = arith.addf %mul3A_474, %mul3A_476 : vector<16xf32>
      %swap3A_478 = arith.index_cast %add3A_440 : i32 to index
      %swap3A_479 = arith.constant 32 : index
      %swap3A_480 = tpu.vector_load %arg16[%swap3A_478, %swap3A_479] {strides = array<i32>} : memref<512x64xf32, #tpu.memory_space<vmem>>, vector<1x16xf32>,
      %swap3A_481 = vector.shape_cast %swap3A_480 : vector<1x16xf32> to vector<16xf32>
      %swap3A_482 = vector.shape_cast %add3A_477 : vector<16xf32> to vector<1x16xf32>
      tpu.vector_store %arg16[%swap3A_478, %swap3A_479], %swap3A_482 {strides = array<i32>} : memref<512x64xf32, #tpu.memory_space<vmem>>, vector<1x16xf32>,
      %get3A_483 = arith.index_cast %add3A_440 : i32 to index
      %get3A_484 = arith.constant 48 : index
      %get3A_485 = tpu.vector_load %arg16[%get3A_483, %get3A_484] {strides = array<i32>} : memref<512x64xf32, #tpu.memory_space<vmem>>, vector<1x16xf32>,
      %get3A_486 = vector.shape_cast %get3A_485 : vector<1x16xf32> to vector<16xf32>
      %mul3A_487 = vector.broadcast %squeeze3A_436 : f32 to vector<16xf32>
      %mul3A_488 = arith.mulf %get3A_486, %mul3A_487 : vector<16xf32>
      %mul3A_489 = vector.broadcast %squeeze3A_438 : f32 to vector<16xf32>
      %mul3A_490 = arith.mulf %get3A_13, %mul3A_489 : vector<16xf32>
      %add3A_491 = arith.addf %mul3A_488, %mul3A_490 : vector<16xf32>
      %swap3A_492 = arith.index_cast %add3A_440 : i32 to index
      %swap3A_493 = arith.constant 48 : index
      %swap3A_494 = tpu.vector_load %arg16[%swap3A_492, %swap3A_493] {strides = array<i32>} : memref<512x64xf32, #tpu.memory_space<vmem>>, vector<1x16xf32>,
      %swap3A_495 = vector.shape_cast %swap3A_494 : vector<1x16xf32> to vector<16xf32>
      %swap3A_496 = vector.shape_cast %add3A_491 : vector<16xf32> to vector<1x16xf32>
      tpu.vector_store %arg16[%swap3A_492, %swap3A_493], %swap3A_496 {strides = array<i32>} : memref<512x64xf32, #tpu.memory_space<vmem>>, vector<1x16xf32>,
      %slice3A_497 = vector.extract_strided_slice %get3A_308 {offsets = [3], sizes = [1], strides = [1]} : vector<16xf32> to vector<1xf32>
      %squeeze3A_498 = vector.extract %slice3A_497[0] : f32 from vector<1xf32>
      %slice3A_499 = vector.extract_strided_slice %get3A_313 {offsets = [3], sizes = [1], strides = [1]} : vector<16xf32> to vector<1xf32>
      %squeeze3A_500 = vector.extract %slice3A_499[0] : f32 from vector<1xf32>
      %add3A_501 = arith.constant 3 : i32
      %add3A_502 = arith.addi %mul3A_303, %add3A_501 : i32
      %get3A_503 = arith.index_cast %add3A_502 : i32 to index
      %get3A_504 = arith.constant 0 : index
      %get3A_505 = tpu.vector_load %arg16[%get3A_503, %get3A_504] {strides = array<i32>} : memref<512x64xf32, #tpu.memory_space<vmem>>, vector<1x16xf32>,
      %get3A_506 = vector.shape_cast %get3A_505 : vector<1x16xf32> to vector<16xf32>
      %mul3A_507 = vector.broadcast %squeeze3A_498 : f32 to vector<16xf32>
      %mul3A_508 = arith.mulf %get3A_506, %mul3A_507 : vector<16xf32>
      %mul3A_509 = vector.broadcast %squeeze3A_500 : f32 to vector<16xf32>
      %mul3A_510 = arith.mulf %get3A_4, %mul3A_509 : vector<16xf32>
      %add3A_511 = arith.addf %mul3A_508, %mul3A_510 : vector<16xf32>
      %swap3A_512 = arith.index_cast %add3A_502 : i32 to index
      %swap3A_513 = arith.constant 0 : index
      %swap3A_514 = tpu.vector_load %arg16[%swap3A_512, %swap3A_513] {strides = array<i32>} : memref<512x64xf32, #tpu.memory_space<vmem>>, vector<1x16xf32>,
      %swap3A_515 = vector.shape_cast %swap3A_514 : vector<1x16xf32> to vector<16xf32>
      %swap3A_516 = vector.shape_cast %add3A_511 : vector<16xf32> to vector<1x16xf32>
      tpu.vector_store %arg16[%swap3A_512, %swap3A_513], %swap3A_516 {strides = array<i32>} : memref<512x64xf32, #tpu.memory_space<vmem>>, vector<1x16xf32>,
      %get3A_517 = arith.index_cast %add3A_502 : i32 to index
      %get3A_518 = arith.constant 16 : index
      %get3A_519 = tpu.vector_load %arg16[%get3A_517, %get3A_518] {strides = array<i32>} : memref<512x64xf32, #tpu.memory_space<vmem>>, vector<1x16xf32>,
      %get3A_520 = vector.shape_cast %get3A_519 : vector<1x16xf32> to vector<16xf32>
      %mul3A_521 = vector.broadcast %squeeze3A_498 : f32 to vector<16xf32>
      %mul3A_522 = arith.mulf %get3A_520, %mul3A_521 : vector<16xf32>
      %mul3A_523 = vector.broadcast %squeeze3A_500 : f32 to vector<16xf32>
      %mul3A_524 = arith.mulf %get3A_7, %mul3A_523 : vector<16xf32>
      %add3A_525 = arith.addf %mul3A_522, %mul3A_524 : vector<16xf32>
      %swap3A_526 = arith.index_cast %add3A_502 : i32 to index
      %swap3A_527 = arith.constant 16 : index
      %swap3A_528 = tpu.vector_load %arg16[%swap3A_526, %swap3A_527] {strides = array<i32>} : memref<512x64xf32, #tpu.memory_space<vmem>>, vector<1x16xf32>,
      %swap3A_529 = vector.shape_cast %swap3A_528 : vector<1x16xf32> to vector<16xf32>
      %swap3A_530 = vector.shape_cast %add3A_525 : vector<16xf32> to vector<1x16xf32>
      tpu.vector_store %arg16[%swap3A_526, %swap3A_527], %swap3A_530 {strides = array<i32>} : memref<512x64xf32, #tpu.memory_space<vmem>>, vector<1x16xf32>,
      %get3A_531 = arith.index_cast %add3A_502 : i32 to index
      %get3A_532 = arith.constant 32 : index
      %get3A_533 = tpu.vector_load %arg16[%get3A_531, %get3A_532] {strides = array<i32>} : memref<512x64xf32, #tpu.memory_space<vmem>>, vector<1x16xf32>,
      %get3A_534 = vector.shape_cast %get3A_533 : vector<1x16xf32> to vector<16xf32>
      %mul3A_535 = vector.broadcast %squeeze3A_498 : f32 to vector<16xf32>
      %mul3A_536 = arith.mulf %get3A_534, %mul3A_535 : vector<16xf32>
      %mul3A_537 = vector.broadcast %squeeze3A_500 : f32 to vector<16xf32>
      %mul3A_538 = arith.mulf %get3A_10, %mul3A_537 : vector<16xf32>
      %add3A_539 = arith.addf %mul3A_536, %mul3A_538 : vector<16xf32>
      %swap3A_540 = arith.index_cast %add3A_502 : i32 to index
      %swap3A_541 = arith.constant 32 : index
      %swap3A_542 = tpu.vector_load %arg16[%swap3A_540, %swap3A_541] {strides = array<i32>} : memref<512x64xf32, #tpu.memory_space<vmem>>, vector<1x16xf32>,
      %swap3A_543 = vector.shape_cast %swap3A_542 : vector<1x16xf32> to vector<16xf32>
      %swap3A_544 = vector.shape_cast %add3A_539 : vector<16xf32> to vector<1x16xf32>
      tpu.vector_store %arg16[%swap3A_540, %swap3A_541], %swap3A_544 {strides = array<i32>} : memref<512x64xf32, #tpu.memory_space<vmem>>, vector<1x16xf32>,
      %get3A_545 = arith.index_cast %add3A_502 : i32 to index
      %get3A_546 = arith.constant 48 : index
      %get3A_547 = tpu.vector_load %arg16[%get3A_545, %get3A_546] {strides = array<i32>} : memref<512x64xf32, #tpu.memory_space<vmem>>, vector<1x16xf32>,
      %get3A_548 = vector.shape_cast %get3A_547 : vector<1x16xf32> to vector<16xf32>
      %mul3A_549 = vector.broadcast %squeeze3A_498 : f32 to vector<16xf32>
      %mul3A_550 = arith.mulf %get3A_548, %mul3A_549 : vector<16xf32>
      %mul3A_551 = vector.broadcast %squeeze3A_500 : f32 to vector<16xf32>
      %mul3A_552 = arith.mulf %get3A_13, %mul3A_551 : vector<16xf32>
      %add3A_553 = arith.addf %mul3A_550, %mul3A_552 : vector<16xf32>
      %swap3A_554 = arith.index_cast %add3A_502 : i32 to index
      %swap3A_555 = arith.constant 48 : index
      %swap3A_556 = tpu.vector_load %arg16[%swap3A_554, %swap3A_555] {strides = array<i32>} : memref<512x64xf32, #tpu.memory_space<vmem>>, vector<1x16xf32>,
      %swap3A_557 = vector.shape_cast %swap3A_556 : vector<1x16xf32> to vector<16xf32>
      %swap3A_558 = vector.shape_cast %add3A_553 : vector<16xf32> to vector<1x16xf32>
      tpu.vector_store %arg16[%swap3A_554, %swap3A_555], %swap3A_558 {strides = array<i32>} : memref<512x64xf32, #tpu.memory_space<vmem>>, vector<1x16xf32>,
      %slice3A_559 = vector.extract_strided_slice %get3A_308 {offsets = [4], sizes = [1], strides = [1]} : vector<16xf32> to vector<1xf32>
      %squeeze3A_560 = vector.extract %slice3A_559[0] : f32 from vector<1xf32>
      %slice3A_561 = vector.extract_strided_slice %get3A_313 {offsets = [4], sizes = [1], strides = [1]} : vector<16xf32> to vector<1xf32>
      %squeeze3A_562 = vector.extract %slice3A_561[0] : f32 from vector<1xf32>
      %add3A_563 = arith.constant 4 : i32
      %add3A_564 = arith.addi %mul3A_303, %add3A_563 : i32
      %get3A_565 = arith.index_cast %add3A_564 : i32 to index
      %get3A_566 = arith.constant 0 : index
      %get3A_567 = tpu.vector_load %arg16[%get3A_565, %get3A_566] {strides = array<i32>} : memref<512x64xf32, #tpu.memory_space<vmem>>, vector<1x16xf32>,
      %get3A_568 = vector.shape_cast %get3A_567 : vector<1x16xf32> to vector<16xf32>
      %mul3A_569 = vector.broadcast %squeeze3A_560 : f32 to vector<16xf32>
      %mul3A_570 = arith.mulf %get3A_568, %mul3A_569 : vector<16xf32>
      %mul3A_571 = vector.broadcast %squeeze3A_562 : f32 to vector<16xf32>
      %mul3A_572 = arith.mulf %get3A_4, %mul3A_571 : vector<16xf32>
      %add3A_573 = arith.addf %mul3A_570, %mul3A_572 : vector<16xf32>
      %swap3A_574 = arith.index_cast %add3A_564 : i32 to index
      %swap3A_575 = arith.constant 0 : index
      %swap3A_576 = tpu.vector_load %arg16[%swap3A_574, %swap3A_575] {strides = array<i32>} : memref<512x64xf32, #tpu.memory_space<vmem>>, vector<1x16xf32>,
      %swap3A_577 = vector.shape_cast %swap3A_576 : vector<1x16xf32> to vector<16xf32>
      %swap3A_578 = vector.shape_cast %add3A_573 : vector<16xf32> to vector<1x16xf32>
      tpu.vector_store %arg16[%swap3A_574, %swap3A_575], %swap3A_578 {strides = array<i32>} : memref<512x64xf32, #tpu.memory_space<vmem>>, vector<1x16xf32>,
      %get3A_579 = arith.index_cast %add3A_564 : i32 to index
      %get3A_580 = arith.constant 16 : index
      %get3A_581 = tpu.vector_load %arg16[%get3A_579, %get3A_580] {strides = array<i32>} : memref<512x64xf32, #tpu.memory_space<vmem>>, vector<1x16xf32>,
      %get3A_582 = vector.shape_cast %get3A_581 : vector<1x16xf32> to vector<16xf32>
      %mul3A_583 = vector.broadcast %squeeze3A_560 : f32 to vector<16xf32>
      %mul3A_584 = arith.mulf %get3A_582, %mul3A_583 : vector<16xf32>
      %mul3A_585 = vector.broadcast %squeeze3A_562 : f32 to vector<16xf32>
      %mul3A_586 = arith.mulf %get3A_7, %mul3A_585 : vector<16xf32>
      %add3A_587 = arith.addf %mul3A_584, %mul3A_586 : vector<16xf32>
      %swap3A_588 = arith.index_cast %add3A_564 : i32 to index
      %swap3A_589 = arith.constant 16 : index
      %swap3A_590 = tpu.vector_load %arg16[%swap3A_588, %swap3A_589] {strides = array<i32>} : memref<512x64xf32, #tpu.memory_space<vmem>>, vector<1x16xf32>,
      %swap3A_591 = vector.shape_cast %swap3A_590 : vector<1x16xf32> to vector<16xf32>
      %swap3A_592 = vector.shape_cast %add3A_587 : vector<16xf32> to vector<1x16xf32>
      tpu.vector_store %arg16[%swap3A_588, %swap3A_589], %swap3A_592 {strides = array<i32>} : memref<512x64xf32, #tpu.memory_space<vmem>>, vector<1x16xf32>,
      %get3A_593 = arith.index_cast %add3A_564 : i32 to index
      %get3A_594 = arith.constant 32 : index
      %get3A_595 = tpu.vector_load %arg16[%get3A_593, %get3A_594] {strides = array<i32>} : memref<512x64xf32, #tpu.memory_space<vmem>>, vector<1x16xf32>,
      %get3A_596 = vector.shape_cast %get3A_595 : vector<1x16xf32> to vector<16xf32>
      %mul3A_597 = vector.broadcast %squeeze3A_560 : f32 to vector<16xf32>
      %mul3A_598 = arith.mulf %get3A_596, %mul3A_597 : vector<16xf32>
      %mul3A_599 = vector.broadcast %squeeze3A_562 : f32 to vector<16xf32>
      %mul3A_600 = arith.mulf %get3A_10, %mul3A_599 : vector<16xf32>
      %add3A_601 = arith.addf %mul3A_598, %mul3A_600 : vector<16xf32>
      %swap3A_602 = arith.index_cast %add3A_564 : i32 to index
      %swap3A_603 = arith.constant 32 : index
      %swap3A_604 = tpu.vector_load %arg16[%swap3A_602, %swap3A_603] {strides = array<i32>} : memref<512x64xf32, #tpu.memory_space<vmem>>, vector<1x16xf32>,
      %swap3A_605 = vector.shape_cast %swap3A_604 : vector<1x16xf32> to vector<16xf32>
      %swap3A_606 = vector.shape_cast %add3A_601 : vector<16xf32> to vector<1x16xf32>
      tpu.vector_store %arg16[%swap3A_602, %swap3A_603], %swap3A_606 {strides = array<i32>} : memref<512x64xf32, #tpu.memory_space<vmem>>, vector<1x16xf32>,
      %get3A_607 = arith.index_cast %add3A_564 : i32 to index
      %get3A_608 = arith.constant 48 : index
      %get3A_609 = tpu.vector_load %arg16[%get3A_607, %get3A_608] {strides = array<i32>} : memref<512x64xf32, #tpu.memory_space<vmem>>, vector<1x16xf32>,
      %get3A_610 = vector.shape_cast %get3A_609 : vector<1x16xf32> to vector<16xf32>
      %mul3A_611 = vector.broadcast %squeeze3A_560 : f32 to vector<16xf32>
      %mul3A_612 = arith.mulf %get3A_610, %mul3A_611 : vector<16xf32>
      %mul3A_613 = vector.broadcast %squeeze3A_562 : f32 to vector<16xf32>
      %mul3A_614 = arith.mulf %get3A_13, %mul3A_613 : vector<16xf32>
      %add3A_615 = arith.addf %mul3A_612, %mul3A_614 : vector<16xf32>
      %swap3A_616 = arith.index_cast %add3A_564 : i32 to index
      %swap3A_617 = arith.constant 48 : index
      %swap3A_618 = tpu.vector_load %arg16[%swap3A_616, %swap3A_617] {strides = array<i32>} : memref<512x64xf32, #tpu.memory_space<vmem>>, vector<1x16xf32>,
      %swap3A_619 = vector.shape_cast %swap3A_618 : vector<1x16xf32> to vector<16xf32>
      %swap3A_620 = vector.shape_cast %add3A_615 : vector<16xf32> to vector<1x16xf32>
      tpu.vector_store %arg16[%swap3A_616, %swap3A_617], %swap3A_620 {strides = array<i32>} : memref<512x64xf32, #tpu.memory_space<vmem>>, vector<1x16xf32>,
      %slice3A_621 = vector.extract_strided_slice %get3A_308 {offsets = [5], sizes = [1], strides = [1]} : vector<16xf32> to vector<1xf32>
      %squeeze3A_622 = vector.extract %slice3A_621[0] : f32 from vector<1xf32>
      %slice3A_623 = vector.extract_strided_slice %get3A_313 {offsets = [5], sizes = [1], strides = [1]} : vector<16xf32> to vector<1xf32>
      %squeeze3A_624 = vector.extract %slice3A_623[0] : f32 from vector<1xf32>
      %add3A_625 = arith.constant 5 : i32
      %add3A_626 = arith.addi %mul3A_303, %add3A_625 : i32
      %get3A_627 = arith.index_cast %add3A_626 : i32 to index
      %get3A_628 = arith.constant 0 : index
      %get3A_629 = tpu.vector_load %arg16[%get3A_627, %get3A_628] {strides = array<i32>} : memref<512x64xf32, #tpu.memory_space<vmem>>, vector<1x16xf32>,
      %get3A_630 = vector.shape_cast %get3A_629 : vector<1x16xf32> to vector<16xf32>
      %mul3A_631 = vector.broadcast %squeeze3A_622 : f32 to vector<16xf32>
      %mul3A_632 = arith.mulf %get3A_630, %mul3A_631 : vector<16xf32>
      %mul3A_633 = vector.broadcast %squeeze3A_624 : f32 to vector<16xf32>
      %mul3A_634 = arith.mulf %get3A_4, %mul3A_633 : vector<16xf32>
      %add3A_635 = arith.addf %mul3A_632, %mul3A_634 : vector<16xf32>
      %swap3A_636 = arith.index_cast %add3A_626 : i32 to index
      %swap3A_637 = arith.constant 0 : index
      %swap3A_638 = tpu.vector_load %arg16[%swap3A_636, %swap3A_637] {strides = array<i32>} : memref<512x64xf32, #tpu.memory_space<vmem>>, vector<1x16xf32>,
      %swap3A_639 = vector.shape_cast %swap3A_638 : vector<1x16xf32> to vector<16xf32>
      %swap3A_640 = vector.shape_cast %add3A_635 : vector<16xf32> to vector<1x16xf32>
      tpu.vector_store %arg16[%swap3A_636, %swap3A_637], %swap3A_640 {strides = array<i32>} : memref<512x64xf32, #tpu.memory_space<vmem>>, vector<1x16xf32>,
      %get3A_641 = arith.index_cast %add3A_626 : i32 to index
      %get3A_642 = arith.constant 16 : index
      %get3A_643 = tpu.vector_load %arg16[%get3A_641, %get3A_642] {strides = array<i32>} : memref<512x64xf32, #tpu.memory_space<vmem>>, vector<1x16xf32>,
      %get3A_644 = vector.shape_cast %get3A_643 : vector<1x16xf32> to vector<16xf32>
      %mul3A_645 = vector.broadcast %squeeze3A_622 : f32 to vector<16xf32>
      %mul3A_646 = arith.mulf %get3A_644, %mul3A_645 : vector<16xf32>
      %mul3A_647 = vector.broadcast %squeeze3A_624 : f32 to vector<16xf32>
      %mul3A_648 = arith.mulf %get3A_7, %mul3A_647 : vector<16xf32>
      %add3A_649 = arith.addf %mul3A_646, %mul3A_648 : vector<16xf32>
      %swap3A_650 = arith.index_cast %add3A_626 : i32 to index
      %swap3A_651 = arith.constant 16 : index
      %swap3A_652 = tpu.vector_load %arg16[%swap3A_650, %swap3A_651] {strides = array<i32>} : memref<512x64xf32, #tpu.memory_space<vmem>>, vector<1x16xf32>,
      %swap3A_653 = vector.shape_cast %swap3A_652 : vector<1x16xf32> to vector<16xf32>
      %swap3A_654 = vector.shape_cast %add3A_649 : vector<16xf32> to vector<1x16xf32>
      tpu.vector_store %arg16[%swap3A_650, %swap3A_651], %swap3A_654 {strides = array<i32>} : memref<512x64xf32, #tpu.memory_space<vmem>>, vector<1x16xf32>,
      %get3A_655 = arith.index_cast %add3A_626 : i32 to index
      %get3A_656 = arith.constant 32 : index
      %get3A_657 = tpu.vector_load %arg16[%get3A_655, %get3A_656] {strides = array<i32>} : memref<512x64xf32, #tpu.memory_space<vmem>>, vector<1x16xf32>,
      %get3A_658 = vector.shape_cast %get3A_657 : vector<1x16xf32> to vector<16xf32>
      %mul3A_659 = vector.broadcast %squeeze3A_622 : f32 to vector<16xf32>
      %mul3A_660 = arith.mulf %get3A_658, %mul3A_659 : vector<16xf32>
      %mul3A_661 = vector.broadcast %squeeze3A_624 : f32 to vector<16xf32>
      %mul3A_662 = arith.mulf %get3A_10, %mul3A_661 : vector<16xf32>
      %add3A_663 = arith.addf %mul3A_660, %mul3A_662 : vector<16xf32>
      %swap3A_664 = arith.index_cast %add3A_626 : i32 to index
      %swap3A_665 = arith.constant 32 : index
      %swap3A_666 = tpu.vector_load %arg16[%swap3A_664, %swap3A_665] {strides = array<i32>} : memref<512x64xf32, #tpu.memory_space<vmem>>, vector<1x16xf32>,
      %swap3A_667 = vector.shape_cast %swap3A_666 : vector<1x16xf32> to vector<16xf32>
      %swap3A_668 = vector.shape_cast %add3A_663 : vector<16xf32> to vector<1x16xf32>
      tpu.vector_store %arg16[%swap3A_664, %swap3A_665], %swap3A_668 {strides = array<i32>} : memref<512x64xf32, #tpu.memory_space<vmem>>, vector<1x16xf32>,
      %get3A_669 = arith.index_cast %add3A_626 : i32 to index
      %get3A_670 = arith.constant 48 : index
      %get3A_671 = tpu.vector_load %arg16[%get3A_669, %get3A_670] {strides = array<i32>} : memref<512x64xf32, #tpu.memory_space<vmem>>, vector<1x16xf32>,
      %get3A_672 = vector.shape_cast %get3A_671 : vector<1x16xf32> to vector<16xf32>
      %mul3A_673 = vector.broadcast %squeeze3A_622 : f32 to vector<16xf32>
      %mul3A_674 = arith.mulf %get3A_672, %mul3A_673 : vector<16xf32>
      %mul3A_675 = vector.broadcast %squeeze3A_624 : f32 to vector<16xf32>
      %mul3A_676 = arith.mulf %get3A_13, %mul3A_675 : vector<16xf32>
      %add3A_677 = arith.addf %mul3A_674, %mul3A_676 : vector<16xf32>
      %swap3A_678 = arith.index_cast %add3A_626 : i32 to index
      %swap3A_679 = arith.constant 48 : index
      %swap3A_680 = tpu.vector_load %arg16[%swap3A_678, %swap3A_679] {strides = array<i32>} : memref<512x64xf32, #tpu.memory_space<vmem>>, vector<1x16xf32>,
      %swap3A_681 = vector.shape_cast %swap3A_680 : vector<1x16xf32> to vector<16xf32>
      %swap3A_682 = vector.shape_cast %add3A_677 : vector<16xf32> to vector<1x16xf32>
      tpu.vector_store %arg16[%swap3A_678, %swap3A_679], %swap3A_682 {strides = array<i32>} : memref<512x64xf32, #tpu.memory_space<vmem>>, vector<1x16xf32>,
      %slice3A_683 = vector.extract_strided_slice %get3A_308 {offsets = [6], sizes = [1], strides = [1]} : vector<16xf32> to vector<1xf32>
      %squeeze3A_684 = vector.extract %slice3A_683[0] : f32 from vector<1xf32>
      %slice3A_685 = vector.extract_strided_slice %get3A_313 {offsets = [6], sizes = [1], strides = [1]} : vector<16xf32> to vector<1xf32>
      %squeeze3A_686 = vector.extract %slice3A_685[0] : f32 from vector<1xf32>
      %add3A_687 = arith.constant 6 : i32
      %add3A_688 = arith.addi %mul3A_303, %add3A_687 : i32
      %get3A_689 = arith.index_cast %add3A_688 : i32 to index
      %get3A_690 = arith.constant 0 : index
      %get3A_691 = tpu.vector_load %arg16[%get3A_689, %get3A_690] {strides = array<i32>} : memref<512x64xf32, #tpu.memory_space<vmem>>, vector<1x16xf32>,
      %get3A_692 = vector.shape_cast %get3A_691 : vector<1x16xf32> to vector<16xf32>
      %mul3A_693 = vector.broadcast %squeeze3A_684 : f32 to vector<16xf32>
      %mul3A_694 = arith.mulf %get3A_692, %mul3A_693 : vector<16xf32>
      %mul3A_695 = vector.broadcast %squeeze3A_686 : f32 to vector<16xf32>
      %mul3A_696 = arith.mulf %get3A_4, %mul3A_695 : vector<16xf32>
      %add3A_697 = arith.addf %mul3A_694, %mul3A_696 : vector<16xf32>
      %swap3A_698 = arith.index_cast %add3A_688 : i32 to index
      %swap3A_699 = arith.constant 0 : index
      %swap3A_700 = tpu.vector_load %arg16[%swap3A_698, %swap3A_699] {strides = array<i32>} : memref<512x64xf32, #tpu.memory_space<vmem>>, vector<1x16xf32>,
      %swap3A_701 = vector.shape_cast %swap3A_700 : vector<1x16xf32> to vector<16xf32>
      %swap3A_702 = vector.shape_cast %add3A_697 : vector<16xf32> to vector<1x16xf32>
      tpu.vector_store %arg16[%swap3A_698, %swap3A_699], %swap3A_702 {strides = array<i32>} : memref<512x64xf32, #tpu.memory_space<vmem>>, vector<1x16xf32>,
      %get3A_703 = arith.index_cast %add3A_688 : i32 to index
      %get3A_704 = arith.constant 16 : index
      %get3A_705 = tpu.vector_load %arg16[%get3A_703, %get3A_704] {strides = array<i32>} : memref<512x64xf32, #tpu.memory_space<vmem>>, vector<1x16xf32>,
      %get3A_706 = vector.shape_cast %get3A_705 : vector<1x16xf32> to vector<16xf32>
      %mul3A_707 = vector.broadcast %squeeze3A_684 : f32 to vector<16xf32>
      %mul3A_708 = arith.mulf %get3A_706, %mul3A_707 : vector<16xf32>
      %mul3A_709 = vector.broadcast %squeeze3A_686 : f32 to vector<16xf32>
      %mul3A_710 = arith.mulf %get3A_7, %mul3A_709 : vector<16xf32>
      %add3A_711 = arith.addf %mul3A_708, %mul3A_710 : vector<16xf32>
      %swap3A_712 = arith.index_cast %add3A_688 : i32 to index
      %swap3A_713 = arith.constant 16 : index
      %swap3A_714 = tpu.vector_load %arg16[%swap3A_712, %swap3A_713] {strides = array<i32>} : memref<512x64xf32, #tpu.memory_space<vmem>>, vector<1x16xf32>,
      %swap3A_715 = vector.shape_cast %swap3A_714 : vector<1x16xf32> to vector<16xf32>
      %swap3A_716 = vector.shape_cast %add3A_711 : vector<16xf32> to vector<1x16xf32>
      tpu.vector_store %arg16[%swap3A_712, %swap3A_713], %swap3A_716 {strides = array<i32>} : memref<512x64xf32, #tpu.memory_space<vmem>>, vector<1x16xf32>,
      %get3A_717 = arith.index_cast %add3A_688 : i32 to index
      %get3A_718 = arith.constant 32 : index
      %get3A_719 = tpu.vector_load %arg16[%get3A_717, %get3A_718] {strides = array<i32>} : memref<512x64xf32, #tpu.memory_space<vmem>>, vector<1x16xf32>,
      %get3A_720 = vector.shape_cast %get3A_719 : vector<1x16xf32> to vector<16xf32>
      %mul3A_721 = vector.broadcast %squeeze3A_684 : f32 to vector<16xf32>
      %mul3A_722 = arith.mulf %get3A_720, %mul3A_721 : vector<16xf32>
      %mul3A_723 = vector.broadcast %squeeze3A_686 : f32 to vector<16xf32>
      %mul3A_724 = arith.mulf %get3A_10, %mul3A_723 : vector<16xf32>
      %add3A_725 = arith.addf %mul3A_722, %mul3A_724 : vector<16xf32>
      %swap3A_726 = arith.index_cast %add3A_688 : i32 to index
      %swap3A_727 = arith.constant 32 : index
      %swap3A_728 = tpu.vector_load %arg16[%swap3A_726, %swap3A_727] {strides = array<i32>} : memref<512x64xf32, #tpu.memory_space<vmem>>, vector<1x16xf32>,
      %swap3A_729 = vector.shape_cast %swap3A_728 : vector<1x16xf32> to vector<16xf32>
      %swap3A_730 = vector.shape_cast %add3A_725 : vector<16xf32> to vector<1x16xf32>
      tpu.vector_store %arg16[%swap3A_726, %swap3A_727], %swap3A_730 {strides = array<i32>} : memref<512x64xf32, #tpu.memory_space<vmem>>, vector<1x16xf32>,
      %get3A_731 = arith.index_cast %add3A_688 : i32 to index
      %get3A_732 = arith.constant 48 : index
      %get3A_733 = tpu.vector_load %arg16[%get3A_731, %get3A_732] {strides = array<i32>} : memref<512x64xf32, #tpu.memory_space<vmem>>, vector<1x16xf32>,
      %get3A_734 = vector.shape_cast %get3A_733 : vector<1x16xf32> to vector<16xf32>
      %mul3A_735 = vector.broadcast %squeeze3A_684 : f32 to vector<16xf32>
      %mul3A_736 = arith.mulf %get3A_734, %mul3A_735 : vector<16xf32>
      %mul3A_737 = vector.broadcast %squeeze3A_686 : f32 to vector<16xf32>
      %mul3A_738 = arith.mulf %get3A_13, %mul3A_737 : vector<16xf32>
      %add3A_739 = arith.addf %mul3A_736, %mul3A_738 : vector<16xf32>
      %swap3A_740 = arith.index_cast %add3A_688 : i32 to index
      %swap3A_741 = arith.constant 48 : index
      %swap3A_742 = tpu.vector_load %arg16[%swap3A_740, %swap3A_741] {strides = array<i32>} : memref<512x64xf32, #tpu.memory_space<vmem>>, vector<1x16xf32>,
      %swap3A_743 = vector.shape_cast %swap3A_742 : vector<1x16xf32> to vector<16xf32>
      %swap3A_744 = vector.shape_cast %add3A_739 : vector<16xf32> to vector<1x16xf32>
      tpu.vector_store %arg16[%swap3A_740, %swap3A_741], %swap3A_744 {strides = array<i32>} : memref<512x64xf32, #tpu.memory_space<vmem>>, vector<1x16xf32>,
      %slice3A_745 = vector.extract_strided_slice %get3A_308 {offsets = [7], sizes = [1], strides = [1]} : vector<16xf32> to vector<1xf32>
      %squeeze3A_746 = vector.extract %slice3A_745[0] : f32 from vector<1xf32>
      %slice3A_747 = vector.extract_strided_slice %get3A_313 {offsets = [7], sizes = [1], strides = [1]} : vector<16xf32> to vector<1xf32>
      %squeeze3A_748 = vector.extract %slice3A_747[0] : f32 from vector<1xf32>
      %add3A_749 = arith.constant 7 : i32
      %add3A_750 = arith.addi %mul3A_303, %add3A_749 : i32
      %get3A_751 = arith.index_cast %add3A_750 : i32 to index
      %get3A_752 = arith.constant 0 : index
      %get3A_753 = tpu.vector_load %arg16[%get3A_751, %get3A_752] {strides = array<i32>} : memref<512x64xf32, #tpu.memory_space<vmem>>, vector<1x16xf32>,
      %get3A_754 = vector.shape_cast %get3A_753 : vector<1x16xf32> to vector<16xf32>
      %mul3A_755 = vector.broadcast %squeeze3A_746 : f32 to vector<16xf32>
      %mul3A_756 = arith.mulf %get3A_754, %mul3A_755 : vector<16xf32>
      %mul3A_757 = vector.broadcast %squeeze3A_748 : f32 to vector<16xf32>
      %mul3A_758 = arith.mulf %get3A_4, %mul3A_757 : vector<16xf32>
      %add3A_759 = arith.addf %mul3A_756, %mul3A_758 : vector<16xf32>
      %swap3A_760 = arith.index_cast %add3A_750 : i32 to index
      %swap3A_761 = arith.constant 0 : index
      %swap3A_762 = tpu.vector_load %arg16[%swap3A_760, %swap3A_761] {strides = array<i32>} : memref<512x64xf32, #tpu.memory_space<vmem>>, vector<1x16xf32>,
      %swap3A_763 = vector.shape_cast %swap3A_762 : vector<1x16xf32> to vector<16xf32>
      %swap3A_764 = vector.shape_cast %add3A_759 : vector<16xf32> to vector<1x16xf32>
      tpu.vector_store %arg16[%swap3A_760, %swap3A_761], %swap3A_764 {strides = array<i32>} : memref<512x64xf32, #tpu.memory_space<vmem>>, vector<1x16xf32>,
      %get3A_765 = arith.index_cast %add3A_750 : i32 to index
      %get3A_766 = arith.constant 16 : index
      %get3A_767 = tpu.vector_load %arg16[%get3A_765, %get3A_766] {strides = array<i32>} : memref<512x64xf32, #tpu.memory_space<vmem>>, vector<1x16xf32>,
      %get3A_768 = vector.shape_cast %get3A_767 : vector<1x16xf32> to vector<16xf32>
      %mul3A_769 = vector.broadcast %squeeze3A_746 : f32 to vector<16xf32>
      %mul3A_770 = arith.mulf %get3A_768, %mul3A_769 : vector<16xf32>
      %mul3A_771 = vector.broadcast %squeeze3A_748 : f32 to vector<16xf32>
      %mul3A_772 = arith.mulf %get3A_7, %mul3A_771 : vector<16xf32>
      %add3A_773 = arith.addf %mul3A_770, %mul3A_772 : vector<16xf32>
      %swap3A_774 = arith.index_cast %add3A_750 : i32 to index
      %swap3A_775 = arith.constant 16 : index
      %swap3A_776 = tpu.vector_load %arg16[%swap3A_774, %swap3A_775] {strides = array<i32>} : memref<512x64xf32, #tpu.memory_space<vmem>>, vector<1x16xf32>,
      %swap3A_777 = vector.shape_cast %swap3A_776 : vector<1x16xf32> to vector<16xf32>
      %swap3A_778 = vector.shape_cast %add3A_773 : vector<16xf32> to vector<1x16xf32>
      tpu.vector_store %arg16[%swap3A_774, %swap3A_775], %swap3A_778 {strides = array<i32>} : memref<512x64xf32, #tpu.memory_space<vmem>>, vector<1x16xf32>,
      %get3A_779 = arith.index_cast %add3A_750 : i32 to index
      %get3A_780 = arith.constant 32 : index
      %get3A_781 = tpu.vector_load %arg16[%get3A_779, %get3A_780] {strides = array<i32>} : memref<512x64xf32, #tpu.memory_space<vmem>>, vector<1x16xf32>,
      %get3A_782 = vector.shape_cast %get3A_781 : vector<1x16xf32> to vector<16xf32>
      %mul3A_783 = vector.broadcast %squeeze3A_746 : f32 to vector<16xf32>
      %mul3A_784 = arith.mulf %get3A_782, %mul3A_783 : vector<16xf32>
      %mul3A_785 = vector.broadcast %squeeze3A_748 : f32 to vector<16xf32>
      %mul3A_786 = arith.mulf %get3A_10, %mul3A_785 : vector<16xf32>
      %add3A_787 = arith.addf %mul3A_784, %mul3A_786 : vector<16xf32>
      %swap3A_788 = arith.index_cast %add3A_750 : i32 to index
      %swap3A_789 = arith.constant 32 : index
      %swap3A_790 = tpu.vector_load %arg16[%swap3A_788, %swap3A_789] {strides = array<i32>} : memref<512x64xf32, #tpu.memory_space<vmem>>, vector<1x16xf32>,
      %swap3A_791 = vector.shape_cast %swap3A_790 : vector<1x16xf32> to vector<16xf32>
      %swap3A_792 = vector.shape_cast %add3A_787 : vector<16xf32> to vector<1x16xf32>
      tpu.vector_store %arg16[%swap3A_788, %swap3A_789], %swap3A_792 {strides = array<i32>} : memref<512x64xf32, #tpu.memory_space<vmem>>, vector<1x16xf32>,
      %get3A_793 = arith.index_cast %add3A_750 : i32 to index
      %get3A_794 = arith.constant 48 : index
      %get3A_795 = tpu.vector_load %arg16[%get3A_793, %get3A_794] {strides = array<i32>} : memref<512x64xf32, #tpu.memory_space<vmem>>, vector<1x16xf32>,
      %get3A_796 = vector.shape_cast %get3A_795 : vector<1x16xf32> to vector<16xf32>
      %mul3A_797 = vector.broadcast %squeeze3A_746 : f32 to vector<16xf32>
      %mul3A_798 = arith.mulf %get3A_796, %mul3A_797 : vector<16xf32>
      %mul3A_799 = vector.broadcast %squeeze3A_748 : f32 to vector<16xf32>
      %mul3A_800 = arith.mulf %get3A_13, %mul3A_799 : vector<16xf32>
      %add3A_801 = arith.addf %mul3A_798, %mul3A_800 : vector<16xf32>
      %swap3A_802 = arith.index_cast %add3A_750 : i32 to index
      %swap3A_803 = arith.constant 48 : index
      %swap3A_804 = tpu.vector_load %arg16[%swap3A_802, %swap3A_803] {strides = array<i32>} : memref<512x64xf32, #tpu.memory_space<vmem>>, vector<1x16xf32>,
      %swap3A_805 = vector.shape_cast %swap3A_804 : vector<1x16xf32> to vector<16xf32>
      %swap3A_806 = vector.shape_cast %add3A_801 : vector<16xf32> to vector<1x16xf32>
      tpu.vector_store %arg16[%swap3A_802, %swap3A_803], %swap3A_806 {strides = array<i32>} : memref<512x64xf32, #tpu.memory_space<vmem>>, vector<1x16xf32>,
      %slice3A_807 = vector.extract_strided_slice %get3A_308 {offsets = [8], sizes = [1], strides = [1]} : vector<16xf32> to vector<1xf32>
      %squeeze3A_808 = vector.extract %slice3A_807[0] : f32 from vector<1xf32>
      %slice3A_809 = vector.extract_strided_slice %get3A_313 {offsets = [8], sizes = [1], strides = [1]} : vector<16xf32> to vector<1xf32>
      %squeeze3A_810 = vector.extract %slice3A_809[0] : f32 from vector<1xf32>
      %add3A_811 = arith.constant 8 : i32
      %add3A_812 = arith.addi %mul3A_303, %add3A_811 : i32
      %get3A_813 = arith.index_cast %add3A_812 : i32 to index
      %get3A_814 = arith.constant 0 : index
      %get3A_815 = tpu.vector_load %arg16[%get3A_813, %get3A_814] {strides = array<i32>} : memref<512x64xf32, #tpu.memory_space<vmem>>, vector<1x16xf32>,
      %get3A_816 = vector.shape_cast %get3A_815 : vector<1x16xf32> to vector<16xf32>
      %mul3A_817 = vector.broadcast %squeeze3A_808 : f32 to vector<16xf32>
      %mul3A_818 = arith.mulf %get3A_816, %mul3A_817 : vector<16xf32>
      %mul3A_819 = vector.broadcast %squeeze3A_810 : f32 to vector<16xf32>
      %mul3A_820 = arith.mulf %get3A_4, %mul3A_819 : vector<16xf32>
      %add3A_821 = arith.addf %mul3A_818, %mul3A_820 : vector<16xf32>
      %swap3A_822 = arith.index_cast %add3A_812 : i32 to index
      %swap3A_823 = arith.constant 0 : index
      %swap3A_824 = tpu.vector_load %arg16[%swap3A_822, %swap3A_823] {strides = array<i32>} : memref<512x64xf32, #tpu.memory_space<vmem>>, vector<1x16xf32>,
      %swap3A_825 = vector.shape_cast %swap3A_824 : vector<1x16xf32> to vector<16xf32>
      %swap3A_826 = vector.shape_cast %add3A_821 : vector<16xf32> to vector<1x16xf32>
      tpu.vector_store %arg16[%swap3A_822, %swap3A_823], %swap3A_826 {strides = array<i32>} : memref<512x64xf32, #tpu.memory_space<vmem>>, vector<1x16xf32>,
      %get3A_827 = arith.index_cast %add3A_812 : i32 to index
      %get3A_828 = arith.constant 16 : index
      %get3A_829 = tpu.vector_load %arg16[%get3A_827, %get3A_828] {strides = array<i32>} : memref<512x64xf32, #tpu.memory_space<vmem>>, vector<1x16xf32>,
      %get3A_830 = vector.shape_cast %get3A_829 : vector<1x16xf32> to vector<16xf32>
      %mul3A_831 = vector.broadcast %squeeze3A_808 : f32 to vector<16xf32>
      %mul3A_832 = arith.mulf %get3A_830, %mul3A_831 : vector<16xf32>
      %mul3A_833 = vector.broadcast %squeeze3A_810 : f32 to vector<16xf32>
      %mul3A_834 = arith.mulf %get3A_7, %mul3A_833 : vector<16xf32>
      %add3A_835 = arith.addf %mul3A_832, %mul3A_834 : vector<16xf32>
      %swap3A_836 = arith.index_cast %add3A_812 : i32 to index
      %swap3A_837 = arith.constant 16 : index
      %swap3A_838 = tpu.vector_load %arg16[%swap3A_836, %swap3A_837] {strides = array<i32>} : memref<512x64xf32, #tpu.memory_space<vmem>>, vector<1x16xf32>,
      %swap3A_839 = vector.shape_cast %swap3A_838 : vector<1x16xf32> to vector<16xf32>
      %swap3A_840 = vector.shape_cast %add3A_835 : vector<16xf32> to vector<1x16xf32>
      tpu.vector_store %arg16[%swap3A_836, %swap3A_837], %swap3A_840 {strides = array<i32>} : memref<512x64xf32, #tpu.memory_space<vmem>>, vector<1x16xf32>,
      %get3A_841 = arith.index_cast %add3A_812 : i32 to index
      %get3A_842 = arith.constant 32 : index
      %get3A_843 = tpu.vector_load %arg16[%get3A_841, %get3A_842] {strides = array<i32>} : memref<512x64xf32, #tpu.memory_space<vmem>>, vector<1x16xf32>,
      %get3A_844 = vector.shape_cast %get3A_843 : vector<1x16xf32> to vector<16xf32>
      %mul3A_845 = vector.broadcast %squeeze3A_808 : f32 to vector<16xf32>
      %mul3A_846 = arith.mulf %get3A_844, %mul3A_845 : vector<16xf32>
      %mul3A_847 = vector.broadcast %squeeze3A_810 : f32 to vector<16xf32>
      %mul3A_848 = arith.mulf %get3A_10, %mul3A_847 : vector<16xf32>
      %add3A_849 = arith.addf %mul3A_846, %mul3A_848 : vector<16xf32>
      %swap3A_850 = arith.index_cast %add3A_812 : i32 to index
      %swap3A_851 = arith.constant 32 : index
      %swap3A_852 = tpu.vector_load %arg16[%swap3A_850, %swap3A_851] {strides = array<i32>} : memref<512x64xf32, #tpu.memory_space<vmem>>, vector<1x16xf32>,
      %swap3A_853 = vector.shape_cast %swap3A_852 : vector<1x16xf32> to vector<16xf32>
      %swap3A_854 = vector.shape_cast %add3A_849 : vector<16xf32> to vector<1x16xf32>
      tpu.vector_store %arg16[%swap3A_850, %swap3A_851], %swap3A_854 {strides = array<i32>} : memref<512x64xf32, #tpu.memory_space<vmem>>, vector<1x16xf32>,
      %get3A_855 = arith.index_cast %add3A_812 : i32 to index
      %get3A_856 = arith.constant 48 : index
      %get3A_857 = tpu.vector_load %arg16[%get3A_855, %get3A_856] {strides = array<i32>} : memref<512x64xf32, #tpu.memory_space<vmem>>, vector<1x16xf32>,
      %get3A_858 = vector.shape_cast %get3A_857 : vector<1x16xf32> to vector<16xf32>
      %mul3A_859 = vector.broadcast %squeeze3A_808 : f32 to vector<16xf32>
      %mul3A_860 = arith.mulf %get3A_858, %mul3A_859 : vector<16xf32>
      %mul3A_861 = vector.broadcast %squeeze3A_810 : f32 to vector<16xf32>
      %mul3A_862 = arith.mulf %get3A_13, %mul3A_861 : vector<16xf32>
      %add3A_863 = arith.addf %mul3A_860, %mul3A_862 : vector<16xf32>
      %swap3A_864 = arith.index_cast %add3A_812 : i32 to index
      %swap3A_865 = arith.constant 48 : index
      %swap3A_866 = tpu.vector_load %arg16[%swap3A_864, %swap3A_865] {strides = array<i32>} : memref<512x64xf32, #tpu.memory_space<vmem>>, vector<1x16xf32>,
      %swap3A_867 = vector.shape_cast %swap3A_866 : vector<1x16xf32> to vector<16xf32>
      %swap3A_868 = vector.shape_cast %add3A_863 : vector<16xf32> to vector<1x16xf32>
      tpu.vector_store %arg16[%swap3A_864, %swap3A_865], %swap3A_868 {strides = array<i32>} : memref<512x64xf32, #tpu.memory_space<vmem>>, vector<1x16xf32>,
      %slice3A_869 = vector.extract_strided_slice %get3A_308 {offsets = [9], sizes = [1], strides = [1]} : vector<16xf32> to vector<1xf32>
      %squeeze3A_870 = vector.extract %slice3A_869[0] : f32 from vector<1xf32>
      %slice3A_871 = vector.extract_strided_slice %get3A_313 {offsets = [9], sizes = [1], strides = [1]} : vector<16xf32> to vector<1xf32>
      %squeeze3A_872 = vector.extract %slice3A_871[0] : f32 from vector<1xf32>
      %add3A_873 = arith.constant 9 : i32
      %add3A_874 = arith.addi %mul3A_303, %add3A_873 : i32
      %get3A_875 = arith.index_cast %add3A_874 : i32 to index
      %get3A_876 = arith.constant 0 : index
      %get3A_877 = tpu.vector_load %arg16[%get3A_875, %get3A_876] {strides = array<i32>} : memref<512x64xf32, #tpu.memory_space<vmem>>, vector<1x16xf32>,
      %get3A_878 = vector.shape_cast %get3A_877 : vector<1x16xf32> to vector<16xf32>
      %mul3A_879 = vector.broadcast %squeeze3A_870 : f32 to vector<16xf32>
      %mul3A_880 = arith.mulf %get3A_878, %mul3A_879 : vector<16xf32>
      %mul3A_881 = vector.broadcast %squeeze3A_872 : f32 to vector<16xf32>
      %mul3A_882 = arith.mulf %get3A_4, %mul3A_881 : vector<16xf32>
      %add3A_883 = arith.addf %mul3A_880, %mul3A_882 : vector<16xf32>
      %swap3A_884 = arith.index_cast %add3A_874 : i32 to index
      %swap3A_885 = arith.constant 0 : index
      %swap3A_886 = tpu.vector_load %arg16[%swap3A_884, %swap3A_885] {strides = array<i32>} : memref<512x64xf32, #tpu.memory_space<vmem>>, vector<1x16xf32>,
      %swap3A_887 = vector.shape_cast %swap3A_886 : vector<1x16xf32> to vector<16xf32>
      %swap3A_888 = vector.shape_cast %add3A_883 : vector<16xf32> to vector<1x16xf32>
      tpu.vector_store %arg16[%swap3A_884, %swap3A_885], %swap3A_888 {strides = array<i32>} : memref<512x64xf32, #tpu.memory_space<vmem>>, vector<1x16xf32>,
      %get3A_889 = arith.index_cast %add3A_874 : i32 to index
      %get3A_890 = arith.constant 16 : index
      %get3A_891 = tpu.vector_load %arg16[%get3A_889, %get3A_890] {strides = array<i32>} : memref<512x64xf32, #tpu.memory_space<vmem>>, vector<1x16xf32>,
      %get3A_892 = vector.shape_cast %get3A_891 : vector<1x16xf32> to vector<16xf32>
      %mul3A_893 = vector.broadcast %squeeze3A_870 : f32 to vector<16xf32>
      %mul3A_894 = arith.mulf %get3A_892, %mul3A_893 : vector<16xf32>
      %mul3A_895 = vector.broadcast %squeeze3A_872 : f32 to vector<16xf32>
      %mul3A_896 = arith.mulf %get3A_7, %mul3A_895 : vector<16xf32>
      %add3A_897 = arith.addf %mul3A_894, %mul3A_896 : vector<16xf32>
      %swap3A_898 = arith.index_cast %add3A_874 : i32 to index
      %swap3A_899 = arith.constant 16 : index
      %swap3A_900 = tpu.vector_load %arg16[%swap3A_898, %swap3A_899] {strides = array<i32>} : memref<512x64xf32, #tpu.memory_space<vmem>>, vector<1x16xf32>,
      %swap3A_901 = vector.shape_cast %swap3A_900 : vector<1x16xf32> to vector<16xf32>
      %swap3A_902 = vector.shape_cast %add3A_897 : vector<16xf32> to vector<1x16xf32>
      tpu.vector_store %arg16[%swap3A_898, %swap3A_899], %swap3A_902 {strides = array<i32>} : memref<512x64xf32, #tpu.memory_space<vmem>>, vector<1x16xf32>,
      %get3A_903 = arith.index_cast %add3A_874 : i32 to index
      %get3A_904 = arith.constant 32 : index
      %get3A_905 = tpu.vector_load %arg16[%get3A_903, %get3A_904] {strides = array<i32>} : memref<512x64xf32, #tpu.memory_space<vmem>>, vector<1x16xf32>,
      %get3A_906 = vector.shape_cast %get3A_905 : vector<1x16xf32> to vector<16xf32>
      %mul3A_907 = vector.broadcast %squeeze3A_870 : f32 to vector<16xf32>
      %mul3A_908 = arith.mulf %get3A_906, %mul3A_907 : vector<16xf32>
      %mul3A_909 = vector.broadcast %squeeze3A_872 : f32 to vector<16xf32>
      %mul3A_910 = arith.mulf %get3A_10, %mul3A_909 : vector<16xf32>
      %add3A_911 = arith.addf %mul3A_908, %mul3A_910 : vector<16xf32>
      %swap3A_912 = arith.index_cast %add3A_874 : i32 to index
      %swap3A_913 = arith.constant 32 : index
      %swap3A_914 = tpu.vector_load %arg16[%swap3A_912, %swap3A_913] {strides = array<i32>} : memref<512x64xf32, #tpu.memory_space<vmem>>, vector<1x16xf32>,
      %swap3A_915 = vector.shape_cast %swap3A_914 : vector<1x16xf32> to vector<16xf32>
      %swap3A_916 = vector.shape_cast %add3A_911 : vector<16xf32> to vector<1x16xf32>
      tpu.vector_store %arg16[%swap3A_912, %swap3A_913], %swap3A_916 {strides = array<i32>} : memref<512x64xf32, #tpu.memory_space<vmem>>, vector<1x16xf32>,
      %get3A_917 = arith.index_cast %add3A_874 : i32 to index
      %get3A_918 = arith.constant 48 : index
      %get3A_919 = tpu.vector_load %arg16[%get3A_917, %get3A_918] {strides = array<i32>} : memref<512x64xf32, #tpu.memory_space<vmem>>, vector<1x16xf32>,
      %get3A_920 = vector.shape_cast %get3A_919 : vector<1x16xf32> to vector<16xf32>
      %mul3A_921 = vector.broadcast %squeeze3A_870 : f32 to vector<16xf32>
      %mul3A_922 = arith.mulf %get3A_920, %mul3A_921 : vector<16xf32>
      %mul3A_923 = vector.broadcast %squeeze3A_872 : f32 to vector<16xf32>
      %mul3A_924 = arith.mulf %get3A_13, %mul3A_923 : vector<16xf32>
      %add3A_925 = arith.addf %mul3A_922, %mul3A_924 : vector<16xf32>
      %swap3A_926 = arith.index_cast %add3A_874 : i32 to index
      %swap3A_927 = arith.constant 48 : index
      %swap3A_928 = tpu.vector_load %arg16[%swap3A_926, %swap3A_927] {strides = array<i32>} : memref<512x64xf32, #tpu.memory_space<vmem>>, vector<1x16xf32>,
      %swap3A_929 = vector.shape_cast %swap3A_928 : vector<1x16xf32> to vector<16xf32>
      %swap3A_930 = vector.shape_cast %add3A_925 : vector<16xf32> to vector<1x16xf32>
      tpu.vector_store %arg16[%swap3A_926, %swap3A_927], %swap3A_930 {strides = array<i32>} : memref<512x64xf32, #tpu.memory_space<vmem>>, vector<1x16xf32>,
      %slice3A_931 = vector.extract_strided_slice %get3A_308 {offsets = [10], sizes = [1], strides = [1]} : vector<16xf32> to vector<1xf32>
      %squeeze3A_932 = vector.extract %slice3A_931[0] : f32 from vector<1xf32>
      %slice3A_933 = vector.extract_strided_slice %get3A_313 {offsets = [10], sizes = [1], strides = [1]} : vector<16xf32> to vector<1xf32>
      %squeeze3A_934 = vector.extract %slice3A_933[0] : f32 from vector<1xf32>
      %add3A_935 = arith.constant 10 : i32
      %add3A_936 = arith.addi %mul3A_303, %add3A_935 : i32
      %get3A_937 = arith.index_cast %add3A_936 : i32 to index
      %get3A_938 = arith.constant 0 : index
      %get3A_939 = tpu.vector_load %arg16[%get3A_937, %get3A_938] {strides = array<i32>} : memref<512x64xf32, #tpu.memory_space<vmem>>, vector<1x16xf32>,
      %get3A_940 = vector.shape_cast %get3A_939 : vector<1x16xf32> to vector<16xf32>
      %mul3A_941 = vector.broadcast %squeeze3A_932 : f32 to vector<16xf32>
      %mul3A_942 = arith.mulf %get3A_940, %mul3A_941 : vector<16xf32>
      %mul3A_943 = vector.broadcast %squeeze3A_934 : f32 to vector<16xf32>
      %mul3A_944 = arith.mulf %get3A_4, %mul3A_943 : vector<16xf32>
      %add3A_945 = arith.addf %mul3A_942, %mul3A_944 : vector<16xf32>
      %swap3A_946 = arith.index_cast %add3A_936 : i32 to index
      %swap3A_947 = arith.constant 0 : index
      %swap3A_948 = tpu.vector_load %arg16[%swap3A_946, %swap3A_947] {strides = array<i32>} : memref<512x64xf32, #tpu.memory_space<vmem>>, vector<1x16xf32>,
      %swap3A_949 = vector.shape_cast %swap3A_948 : vector<1x16xf32> to vector<16xf32>
      %swap3A_950 = vector.shape_cast %add3A_945 : vector<16xf32> to vector<1x16xf32>
      tpu.vector_store %arg16[%swap3A_946, %swap3A_947], %swap3A_950 {strides = array<i32>} : memref<512x64xf32, #tpu.memory_space<vmem>>, vector<1x16xf32>,
      %get3A_951 = arith.index_cast %add3A_936 : i32 to index
      %get3A_952 = arith.constant 16 : index
      %get3A_953 = tpu.vector_load %arg16[%get3A_951, %get3A_952] {strides = array<i32>} : memref<512x64xf32, #tpu.memory_space<vmem>>, vector<1x16xf32>,
      %get3A_954 = vector.shape_cast %get3A_953 : vector<1x16xf32> to vector<16xf32>
      %mul3A_955 = vector.broadcast %squeeze3A_932 : f32 to vector<16xf32>
      %mul3A_956 = arith.mulf %get3A_954, %mul3A_955 : vector<16xf32>
      %mul3A_957 = vector.broadcast %squeeze3A_934 : f32 to vector<16xf32>
      %mul3A_958 = arith.mulf %get3A_7, %mul3A_957 : vector<16xf32>
      %add3A_959 = arith.addf %mul3A_956, %mul3A_958 : vector<16xf32>
      %swap3A_960 = arith.index_cast %add3A_936 : i32 to index
      %swap3A_961 = arith.constant 16 : index
      %swap3A_962 = tpu.vector_load %arg16[%swap3A_960, %swap3A_961] {strides = array<i32>} : memref<512x64xf32, #tpu.memory_space<vmem>>, vector<1x16xf32>,
      %swap3A_963 = vector.shape_cast %swap3A_962 : vector<1x16xf32> to vector<16xf32>
      %swap3A_964 = vector.shape_cast %add3A_959 : vector<16xf32> to vector<1x16xf32>
      tpu.vector_store %arg16[%swap3A_960, %swap3A_961], %swap3A_964 {strides = array<i32>} : memref<512x64xf32, #tpu.memory_space<vmem>>, vector<1x16xf32>,
      %get3A_965 = arith.index_cast %add3A_936 : i32 to index
      %get3A_966 = arith.constant 32 : index
      %get3A_967 = tpu.vector_load %arg16[%get3A_965, %get3A_966] {strides = array<i32>} : memref<512x64xf32, #tpu.memory_space<vmem>>, vector<1x16xf32>,
      %get3A_968 = vector.shape_cast %get3A_967 : vector<1x16xf32> to vector<16xf32>
      %mul3A_969 = vector.broadcast %squeeze3A_932 : f32 to vector<16xf32>
      %mul3A_970 = arith.mulf %get3A_968, %mul3A_969 : vector<16xf32>
      %mul3A_971 = vector.broadcast %squeeze3A_934 : f32 to vector<16xf32>
      %mul3A_972 = arith.mulf %get3A_10, %mul3A_971 : vector<16xf32>
      %add3A_973 = arith.addf %mul3A_970, %mul3A_972 : vector<16xf32>
      %swap3A_974 = arith.index_cast %add3A_936 : i32 to index
      %swap3A_975 = arith.constant 32 : index
      %swap3A_976 = tpu.vector_load %arg16[%swap3A_974, %swap3A_975] {strides = array<i32>} : memref<512x64xf32, #tpu.memory_space<vmem>>, vector<1x16xf32>,
      %swap3A_977 = vector.shape_cast %swap3A_976 : vector<1x16xf32> to vector<16xf32>
      %swap3A_978 = vector.shape_cast %add3A_973 : vector<16xf32> to vector<1x16xf32>
      tpu.vector_store %arg16[%swap3A_974, %swap3A_975], %swap3A_978 {strides = array<i32>} : memref<512x64xf32, #tpu.memory_space<vmem>>, vector<1x16xf32>,
      %get3A_979 = arith.index_cast %add3A_936 : i32 to index
      %get3A_980 = arith.constant 48 : index
      %get3A_981 = tpu.vector_load %arg16[%get3A_979, %get3A_980] {strides = array<i32>} : memref<512x64xf32, #tpu.memory_space<vmem>>, vector<1x16xf32>,
      %get3A_982 = vector.shape_cast %get3A_981 : vector<1x16xf32> to vector<16xf32>
      %mul3A_983 = vector.broadcast %squeeze3A_932 : f32 to vector<16xf32>
      %mul3A_984 = arith.mulf %get3A_982, %mul3A_983 : vector<16xf32>
      %mul3A_985 = vector.broadcast %squeeze3A_934 : f32 to vector<16xf32>
      %mul3A_986 = arith.mulf %get3A_13, %mul3A_985 : vector<16xf32>
      %add3A_987 = arith.addf %mul3A_984, %mul3A_986 : vector<16xf32>
      %swap3A_988 = arith.index_cast %add3A_936 : i32 to index
      %swap3A_989 = arith.constant 48 : index
      %swap3A_990 = tpu.vector_load %arg16[%swap3A_988, %swap3A_989] {strides = array<i32>} : memref<512x64xf32, #tpu.memory_space<vmem>>, vector<1x16xf32>,
      %swap3A_991 = vector.shape_cast %swap3A_990 : vector<1x16xf32> to vector<16xf32>
      %swap3A_992 = vector.shape_cast %add3A_987 : vector<16xf32> to vector<1x16xf32>
      tpu.vector_store %arg16[%swap3A_988, %swap3A_989], %swap3A_992 {strides = array<i32>} : memref<512x64xf32, #tpu.memory_space<vmem>>, vector<1x16xf32>,
      %slice3A_993 = vector.extract_strided_slice %get3A_308 {offsets = [11], sizes = [1], strides = [1]} : vector<16xf32> to vector<1xf32>
      %squeeze3A_994 = vector.extract %slice3A_993[0] : f32 from vector<1xf32>
      %slice3A_995 = vector.extract_strided_slice %get3A_313 {offsets = [11], sizes = [1], strides = [1]} : vector<16xf32> to vector<1xf32>
      %squeeze3A_996 = vector.extract %slice3A_995[0] : f32 from vector<1xf32>
      %add3A_997 = arith.constant 11 : i32
      %add3A_998 = arith.addi %mul3A_303, %add3A_997 : i32
      %get3A_999 = arith.index_cast %add3A_998 : i32 to index
      %get3A_1000 = arith.constant 0 : index
      %get3A_1001 = tpu.vector_load %arg16[%get3A_999, %get3A_1000] {strides = array<i32>} : memref<512x64xf32, #tpu.memory_space<vmem>>, vector<1x16xf32>,
      %get3A_1002 = vector.shape_cast %get3A_1001 : vector<1x16xf32> to vector<16xf32>
      %mul3A_1003 = vector.broadcast %squeeze3A_994 : f32 to vector<16xf32>
      %mul3A_1004 = arith.mulf %get3A_1002, %mul3A_1003 : vector<16xf32>
      %mul3A_1005 = vector.broadcast %squeeze3A_996 : f32 to vector<16xf32>
      %mul3A_1006 = arith.mulf %get3A_4, %mul3A_1005 : vector<16xf32>
      %add3A_1007 = arith.addf %mul3A_1004, %mul3A_1006 : vector<16xf32>
      %swap3A_1008 = arith.index_cast %add3A_998 : i32 to index
      %swap3A_1009 = arith.constant 0 : index
      %swap3A_1010 = tpu.vector_load %arg16[%swap3A_1008, %swap3A_1009] {strides = array<i32>} : memref<512x64xf32, #tpu.memory_space<vmem>>, vector<1x16xf32>,
      %swap3A_1011 = vector.shape_cast %swap3A_1010 : vector<1x16xf32> to vector<16xf32>
      %swap3A_1012 = vector.shape_cast %add3A_1007 : vector<16xf32> to vector<1x16xf32>
      tpu.vector_store %arg16[%swap3A_1008, %swap3A_1009], %swap3A_1012 {strides = array<i32>} : memref<512x64xf32, #tpu.memory_space<vmem>>, vector<1x16xf32>,
      %get3A_1013 = arith.index_cast %add3A_998 : i32 to index
      %get3A_1014 = arith.constant 16 : index
      %get3A_1015 = tpu.vector_load %arg16[%get3A_1013, %get3A_1014] {strides = array<i32>} : memref<512x64xf32, #tpu.memory_space<vmem>>, vector<1x16xf32>,
      %get3A_1016 = vector.shape_cast %get3A_1015 : vector<1x16xf32> to vector<16xf32>
      %mul3A_1017 = vector.broadcast %squeeze3A_994 : f32 to vector<16xf32>
      %mul3A_1018 = arith.mulf %get3A_1016, %mul3A_1017 : vector<16xf32>
      %mul3A_1019 = vector.broadcast %squeeze3A_996 : f32 to vector<16xf32>
      %mul3A_1020 = arith.mulf %get3A_7, %mul3A_1019 : vector<16xf32>
      %add3A_1021 = arith.addf %mul3A_1018, %mul3A_1020 : vector<16xf32>
      %swap3A_1022 = arith.index_cast %add3A_998 : i32 to index
      %swap3A_1023 = arith.constant 16 : index
      %swap3A_1024 = tpu.vector_load %arg16[%swap3A_1022, %swap3A_1023] {strides = array<i32>} : memref<512x64xf32, #tpu.memory_space<vmem>>, vector<1x16xf32>,
      %swap3A_1025 = vector.shape_cast %swap3A_1024 : vector<1x16xf32> to vector<16xf32>
      %swap3A_1026 = vector.shape_cast %add3A_1021 : vector<16xf32> to vector<1x16xf32>
      tpu.vector_store %arg16[%swap3A_1022, %swap3A_1023], %swap3A_1026 {strides = array<i32>} : memref<512x64xf32, #tpu.memory_space<vmem>>, vector<1x16xf32>,
      %get3A_1027 = arith.index_cast %add3A_998 : i32 to index
      %get3A_1028 = arith.constant 32 : index
      %get3A_1029 = tpu.vector_load %arg16[%get3A_1027, %get3A_1028] {strides = array<i32>} : memref<512x64xf32, #tpu.memory_space<vmem>>, vector<1x16xf32>,
      %get3A_1030 = vector.shape_cast %get3A_1029 : vector<1x16xf32> to vector<16xf32>
      %mul3A_1031 = vector.broadcast %squeeze3A_994 : f32 to vector<16xf32>
      %mul3A_1032 = arith.mulf %get3A_1030, %mul3A_1031 : vector<16xf32>
      %mul3A_1033 = vector.broadcast %squeeze3A_996 : f32 to vector<16xf32>
      %mul3A_1034 = arith.mulf %get3A_10, %mul3A_1033 : vector<16xf32>
      %add3A_1035 = arith.addf %mul3A_1032, %mul3A_1034 : vector<16xf32>
      %swap3A_1036 = arith.index_cast %add3A_998 : i32 to index
      %swap3A_1037 = arith.constant 32 : index
      %swap3A_1038 = tpu.vector_load %arg16[%swap3A_1036, %swap3A_1037] {strides = array<i32>} : memref<512x64xf32, #tpu.memory_space<vmem>>, vector<1x16xf32>,
      %swap3A_1039 = vector.shape_cast %swap3A_1038 : vector<1x16xf32> to vector<16xf32>
      %swap3A_1040 = vector.shape_cast %add3A_1035 : vector<16xf32> to vector<1x16xf32>
      tpu.vector_store %arg16[%swap3A_1036, %swap3A_1037], %swap3A_1040 {strides = array<i32>} : memref<512x64xf32, #tpu.memory_space<vmem>>, vector<1x16xf32>,
      %get3A_1041 = arith.index_cast %add3A_998 : i32 to index
      %get3A_1042 = arith.constant 48 : index
      %get3A_1043 = tpu.vector_load %arg16[%get3A_1041, %get3A_1042] {strides = array<i32>} : memref<512x64xf32, #tpu.memory_space<vmem>>, vector<1x16xf32>,
      %get3A_1044 = vector.shape_cast %get3A_1043 : vector<1x16xf32> to vector<16xf32>
      %mul3A_1045 = vector.broadcast %squeeze3A_994 : f32 to vector<16xf32>
      %mul3A_1046 = arith.mulf %get3A_1044, %mul3A_1045 : vector<16xf32>
      %mul3A_1047 = vector.broadcast %squeeze3A_996 : f32 to vector<16xf32>
      %mul3A_1048 = arith.mulf %get3A_13, %mul3A_1047 : vector<16xf32>
      %add3A_1049 = arith.addf %mul3A_1046, %mul3A_1048 : vector<16xf32>
      %swap3A_1050 = arith.index_cast %add3A_998 : i32 to index
      %swap3A_1051 = arith.constant 48 : index
      %swap3A_1052 = tpu.vector_load %arg16[%swap3A_1050, %swap3A_1051] {strides = array<i32>} : memref<512x64xf32, #tpu.memory_space<vmem>>, vector<1x16xf32>,
      %swap3A_1053 = vector.shape_cast %swap3A_1052 : vector<1x16xf32> to vector<16xf32>
      %swap3A_1054 = vector.shape_cast %add3A_1049 : vector<16xf32> to vector<1x16xf32>
      tpu.vector_store %arg16[%swap3A_1050, %swap3A_1051], %swap3A_1054 {strides = array<i32>} : memref<512x64xf32, #tpu.memory_space<vmem>>, vector<1x16xf32>,
      %slice3A_1055 = vector.extract_strided_slice %get3A_308 {offsets = [12], sizes = [1], strides = [1]} : vector<16xf32> to vector<1xf32>
      %squeeze3A_1056 = vector.extract %slice3A_1055[0] : f32 from vector<1xf32>
      %slice3A_1057 = vector.extract_strided_slice %get3A_313 {offsets = [12], sizes = [1], strides = [1]} : vector<16xf32> to vector<1xf32>
      %squeeze3A_1058 = vector.extract %slice3A_1057[0] : f32 from vector<1xf32>
      %add3A_1059 = arith.constant 12 : i32
      %add3A_1060 = arith.addi %mul3A_303, %add3A_1059 : i32
      %get3A_1061 = arith.index_cast %add3A_1060 : i32 to index
      %get3A_1062 = arith.constant 0 : index
      %get3A_1063 = tpu.vector_load %arg16[%get3A_1061, %get3A_1062] {strides = array<i32>} : memref<512x64xf32, #tpu.memory_space<vmem>>, vector<1x16xf32>,
      %get3A_1064 = vector.shape_cast %get3A_1063 : vector<1x16xf32> to vector<16xf32>
      %mul3A_1065 = vector.broadcast %squeeze3A_1056 : f32 to vector<16xf32>
      %mul3A_1066 = arith.mulf %get3A_1064, %mul3A_1065 : vector<16xf32>
      %mul3A_1067 = vector.broadcast %squeeze3A_1058 : f32 to vector<16xf32>
      %mul3A_1068 = arith.mulf %get3A_4, %mul3A_1067 : vector<16xf32>
      %add3A_1069 = arith.addf %mul3A_1066, %mul3A_1068 : vector<16xf32>
      %swap3A_1070 = arith.index_cast %add3A_1060 : i32 to index
      %swap3A_1071 = arith.constant 0 : index
      %swap3A_1072 = tpu.vector_load %arg16[%swap3A_1070, %swap3A_1071] {strides = array<i32>} : memref<512x64xf32, #tpu.memory_space<vmem>>, vector<1x16xf32>,
      %swap3A_1073 = vector.shape_cast %swap3A_1072 : vector<1x16xf32> to vector<16xf32>
      %swap3A_1074 = vector.shape_cast %add3A_1069 : vector<16xf32> to vector<1x16xf32>
      tpu.vector_store %arg16[%swap3A_1070, %swap3A_1071], %swap3A_1074 {strides = array<i32>} : memref<512x64xf32, #tpu.memory_space<vmem>>, vector<1x16xf32>,
      %get3A_1075 = arith.index_cast %add3A_1060 : i32 to index
      %get3A_1076 = arith.constant 16 : index
      %get3A_1077 = tpu.vector_load %arg16[%get3A_1075, %get3A_1076] {strides = array<i32>} : memref<512x64xf32, #tpu.memory_space<vmem>>, vector<1x16xf32>,
      %get3A_1078 = vector.shape_cast %get3A_1077 : vector<1x16xf32> to vector<16xf32>
      %mul3A_1079 = vector.broadcast %squeeze3A_1056 : f32 to vector<16xf32>
      %mul3A_1080 = arith.mulf %get3A_1078, %mul3A_1079 : vector<16xf32>
      %mul3A_1081 = vector.broadcast %squeeze3A_1058 : f32 to vector<16xf32>
      %mul3A_1082 = arith.mulf %get3A_7, %mul3A_1081 : vector<16xf32>
      %add3A_1083 = arith.addf %mul3A_1080, %mul3A_1082 : vector<16xf32>
      %swap3A_1084 = arith.index_cast %add3A_1060 : i32 to index
      %swap3A_1085 = arith.constant 16 : index
      %swap3A_1086 = tpu.vector_load %arg16[%swap3A_1084, %swap3A_1085] {strides = array<i32>} : memref<512x64xf32, #tpu.memory_space<vmem>>, vector<1x16xf32>,
      %swap3A_1087 = vector.shape_cast %swap3A_1086 : vector<1x16xf32> to vector<16xf32>
      %swap3A_1088 = vector.shape_cast %add3A_1083 : vector<16xf32> to vector<1x16xf32>
      tpu.vector_store %arg16[%swap3A_1084, %swap3A_1085], %swap3A_1088 {strides = array<i32>} : memref<512x64xf32, #tpu.memory_space<vmem>>, vector<1x16xf32>,
      %get3A_1089 = arith.index_cast %add3A_1060 : i32 to index
      %get3A_1090 = arith.constant 32 : index
      %get3A_1091 = tpu.vector_load %arg16[%get3A_1089, %get3A_1090] {strides = array<i32>} : memref<512x64xf32, #tpu.memory_space<vmem>>, vector<1x16xf32>,
      %get3A_1092 = vector.shape_cast %get3A_1091 : vector<1x16xf32> to vector<16xf32>
      %mul3A_1093 = vector.broadcast %squeeze3A_1056 : f32 to vector<16xf32>
      %mul3A_1094 = arith.mulf %get3A_1092, %mul3A_1093 : vector<16xf32>
      %mul3A_1095 = vector.broadcast %squeeze3A_1058 : f32 to vector<16xf32>
      %mul3A_1096 = arith.mulf %get3A_10, %mul3A_1095 : vector<16xf32>
      %add3A_1097 = arith.addf %mul3A_1094, %mul3A_1096 : vector<16xf32>
      %swap3A_1098 = arith.index_cast %add3A_1060 : i32 to index
      %swap3A_1099 = arith.constant 32 : index
      %swap3A_1100 = tpu.vector_load %arg16[%swap3A_1098, %swap3A_1099] {strides = array<i32>} : memref<512x64xf32, #tpu.memory_space<vmem>>, vector<1x16xf32>,
      %swap3A_1101 = vector.shape_cast %swap3A_1100 : vector<1x16xf32> to vector<16xf32>
      %swap3A_1102 = vector.shape_cast %add3A_1097 : vector<16xf32> to vector<1x16xf32>
      tpu.vector_store %arg16[%swap3A_1098, %swap3A_1099], %swap3A_1102 {strides = array<i32>} : memref<512x64xf32, #tpu.memory_space<vmem>>, vector<1x16xf32>,
      %get3A_1103 = arith.index_cast %add3A_1060 : i32 to index
      %get3A_1104 = arith.constant 48 : index
      %get3A_1105 = tpu.vector_load %arg16[%get3A_1103, %get3A_1104] {strides = array<i32>} : memref<512x64xf32, #tpu.memory_space<vmem>>, vector<1x16xf32>,
      %get3A_1106 = vector.shape_cast %get3A_1105 : vector<1x16xf32> to vector<16xf32>
      %mul3A_1107 = vector.broadcast %squeeze3A_1056 : f32 to vector<16xf32>
      %mul3A_1108 = arith.mulf %get3A_1106, %mul3A_1107 : vector<16xf32>
      %mul3A_1109 = vector.broadcast %squeeze3A_1058 : f32 to vector<16xf32>
      %mul3A_1110 = arith.mulf %get3A_13, %mul3A_1109 : vector<16xf32>
      %add3A_1111 = arith.addf %mul3A_1108, %mul3A_1110 : vector<16xf32>
      %swap3A_1112 = arith.index_cast %add3A_1060 : i32 to index
      %swap3A_1113 = arith.constant 48 : index
      %swap3A_1114 = tpu.vector_load %arg16[%swap3A_1112, %swap3A_1113] {strides = array<i32>} : memref<512x64xf32, #tpu.memory_space<vmem>>, vector<1x16xf32>,
      %swap3A_1115 = vector.shape_cast %swap3A_1114 : vector<1x16xf32> to vector<16xf32>
      %swap3A_1116 = vector.shape_cast %add3A_1111 : vector<16xf32> to vector<1x16xf32>
      tpu.vector_store %arg16[%swap3A_1112, %swap3A_1113], %swap3A_1116 {strides = array<i32>} : memref<512x64xf32, #tpu.memory_space<vmem>>, vector<1x16xf32>,
      %slice3A_1117 = vector.extract_strided_slice %get3A_308 {offsets = [13], sizes = [1], strides = [1]} : vector<16xf32> to vector<1xf32>
      %squeeze3A_1118 = vector.extract %slice3A_1117[0] : f32 from vector<1xf32>
      %slice3A_1119 = vector.extract_strided_slice %get3A_313 {offsets = [13], sizes = [1], strides = [1]} : vector<16xf32> to vector<1xf32>
      %squeeze3A_1120 = vector.extract %slice3A_1119[0] : f32 from vector<1xf32>
      %add3A_1121 = arith.constant 13 : i32
      %add3A_1122 = arith.addi %mul3A_303, %add3A_1121 : i32
      %get3A_1123 = arith.index_cast %add3A_1122 : i32 to index
      %get3A_1124 = arith.constant 0 : index
      %get3A_1125 = tpu.vector_load %arg16[%get3A_1123, %get3A_1124] {strides = array<i32>} : memref<512x64xf32, #tpu.memory_space<vmem>>, vector<1x16xf32>,
      %get3A_1126 = vector.shape_cast %get3A_1125 : vector<1x16xf32> to vector<16xf32>
      %mul3A_1127 = vector.broadcast %squeeze3A_1118 : f32 to vector<16xf32>
      %mul3A_1128 = arith.mulf %get3A_1126, %mul3A_1127 : vector<16xf32>
      %mul3A_1129 = vector.broadcast %squeeze3A_1120 : f32 to vector<16xf32>
      %mul3A_1130 = arith.mulf %get3A_4, %mul3A_1129 : vector<16xf32>
      %add3A_1131 = arith.addf %mul3A_1128, %mul3A_1130 : vector<16xf32>
      %swap3A_1132 = arith.index_cast %add3A_1122 : i32 to index
      %swap3A_1133 = arith.constant 0 : index
      %swap3A_1134 = tpu.vector_load %arg16[%swap3A_1132, %swap3A_1133] {strides = array<i32>} : memref<512x64xf32, #tpu.memory_space<vmem>>, vector<1x16xf32>,
      %swap3A_1135 = vector.shape_cast %swap3A_1134 : vector<1x16xf32> to vector<16xf32>
      %swap3A_1136 = vector.shape_cast %add3A_1131 : vector<16xf32> to vector<1x16xf32>
      tpu.vector_store %arg16[%swap3A_1132, %swap3A_1133], %swap3A_1136 {strides = array<i32>} : memref<512x64xf32, #tpu.memory_space<vmem>>, vector<1x16xf32>,
      %get3A_1137 = arith.index_cast %add3A_1122 : i32 to index
      %get3A_1138 = arith.constant 16 : index
      %get3A_1139 = tpu.vector_load %arg16[%get3A_1137, %get3A_1138] {strides = array<i32>} : memref<512x64xf32, #tpu.memory_space<vmem>>, vector<1x16xf32>,
      %get3A_1140 = vector.shape_cast %get3A_1139 : vector<1x16xf32> to vector<16xf32>
      %mul3A_1141 = vector.broadcast %squeeze3A_1118 : f32 to vector<16xf32>
      %mul3A_1142 = arith.mulf %get3A_1140, %mul3A_1141 : vector<16xf32>
      %mul3A_1143 = vector.broadcast %squeeze3A_1120 : f32 to vector<16xf32>
      %mul3A_1144 = arith.mulf %get3A_7, %mul3A_1143 : vector<16xf32>
      %add3A_1145 = arith.addf %mul3A_1142, %mul3A_1144 : vector<16xf32>
      %swap3A_1146 = arith.index_cast %add3A_1122 : i32 to index
      %swap3A_1147 = arith.constant 16 : index
      %swap3A_1148 = tpu.vector_load %arg16[%swap3A_1146, %swap3A_1147] {strides = array<i32>} : memref<512x64xf32, #tpu.memory_space<vmem>>, vector<1x16xf32>,
      %swap3A_1149 = vector.shape_cast %swap3A_1148 : vector<1x16xf32> to vector<16xf32>
      %swap3A_1150 = vector.shape_cast %add3A_1145 : vector<16xf32> to vector<1x16xf32>
      tpu.vector_store %arg16[%swap3A_1146, %swap3A_1147], %swap3A_1150 {strides = array<i32>} : memref<512x64xf32, #tpu.memory_space<vmem>>, vector<1x16xf32>,
      %get3A_1151 = arith.index_cast %add3A_1122 : i32 to index
      %get3A_1152 = arith.constant 32 : index
      %get3A_1153 = tpu.vector_load %arg16[%get3A_1151, %get3A_1152] {strides = array<i32>} : memref<512x64xf32, #tpu.memory_space<vmem>>, vector<1x16xf32>,
      %get3A_1154 = vector.shape_cast %get3A_1153 : vector<1x16xf32> to vector<16xf32>
      %mul3A_1155 = vector.broadcast %squeeze3A_1118 : f32 to vector<16xf32>
      %mul3A_1156 = arith.mulf %get3A_1154, %mul3A_1155 : vector<16xf32>
      %mul3A_1157 = vector.broadcast %squeeze3A_1120 : f32 to vector<16xf32>
      %mul3A_1158 = arith.mulf %get3A_10, %mul3A_1157 : vector<16xf32>
      %add3A_1159 = arith.addf %mul3A_1156, %mul3A_1158 : vector<16xf32>
      %swap3A_1160 = arith.index_cast %add3A_1122 : i32 to index
      %swap3A_1161 = arith.constant 32 : index
      %swap3A_1162 = tpu.vector_load %arg16[%swap3A_1160, %swap3A_1161] {strides = array<i32>} : memref<512x64xf32, #tpu.memory_space<vmem>>, vector<1x16xf32>,
      %swap3A_1163 = vector.shape_cast %swap3A_1162 : vector<1x16xf32> to vector<16xf32>
      %swap3A_1164 = vector.shape_cast %add3A_1159 : vector<16xf32> to vector<1x16xf32>
      tpu.vector_store %arg16[%swap3A_1160, %swap3A_1161], %swap3A_1164 {strides = array<i32>} : memref<512x64xf32, #tpu.memory_space<vmem>>, vector<1x16xf32>,
      %get3A_1165 = arith.index_cast %add3A_1122 : i32 to index
      %get3A_1166 = arith.constant 48 : index
      %get3A_1167 = tpu.vector_load %arg16[%get3A_1165, %get3A_1166] {strides = array<i32>} : memref<512x64xf32, #tpu.memory_space<vmem>>, vector<1x16xf32>,
      %get3A_1168 = vector.shape_cast %get3A_1167 : vector<1x16xf32> to vector<16xf32>
      %mul3A_1169 = vector.broadcast %squeeze3A_1118 : f32 to vector<16xf32>
      %mul3A_1170 = arith.mulf %get3A_1168, %mul3A_1169 : vector<16xf32>
      %mul3A_1171 = vector.broadcast %squeeze3A_1120 : f32 to vector<16xf32>
      %mul3A_1172 = arith.mulf %get3A_13, %mul3A_1171 : vector<16xf32>
      %add3A_1173 = arith.addf %mul3A_1170, %mul3A_1172 : vector<16xf32>
      %swap3A_1174 = arith.index_cast %add3A_1122 : i32 to index
      %swap3A_1175 = arith.constant 48 : index
      %swap3A_1176 = tpu.vector_load %arg16[%swap3A_1174, %swap3A_1175] {strides = array<i32>} : memref<512x64xf32, #tpu.memory_space<vmem>>, vector<1x16xf32>,
      %swap3A_1177 = vector.shape_cast %swap3A_1176 : vector<1x16xf32> to vector<16xf32>
      %swap3A_1178 = vector.shape_cast %add3A_1173 : vector<16xf32> to vector<1x16xf32>
      tpu.vector_store %arg16[%swap3A_1174, %swap3A_1175], %swap3A_1178 {strides = array<i32>} : memref<512x64xf32, #tpu.memory_space<vmem>>, vector<1x16xf32>,
      %slice3A_1179 = vector.extract_strided_slice %get3A_308 {offsets = [14], sizes = [1], strides = [1]} : vector<16xf32> to vector<1xf32>
      %squeeze3A_1180 = vector.extract %slice3A_1179[0] : f32 from vector<1xf32>
      %slice3A_1181 = vector.extract_strided_slice %get3A_313 {offsets = [14], sizes = [1], strides = [1]} : vector<16xf32> to vector<1xf32>
      %squeeze3A_1182 = vector.extract %slice3A_1181[0] : f32 from vector<1xf32>
      %add3A_1183 = arith.constant 14 : i32
      %add3A_1184 = arith.addi %mul3A_303, %add3A_1183 : i32
      %get3A_1185 = arith.index_cast %add3A_1184 : i32 to index
      %get3A_1186 = arith.constant 0 : index
      %get3A_1187 = tpu.vector_load %arg16[%get3A_1185, %get3A_1186] {strides = array<i32>} : memref<512x64xf32, #tpu.memory_space<vmem>>, vector<1x16xf32>,
      %get3A_1188 = vector.shape_cast %get3A_1187 : vector<1x16xf32> to vector<16xf32>
      %mul3A_1189 = vector.broadcast %squeeze3A_1180 : f32 to vector<16xf32>
      %mul3A_1190 = arith.mulf %get3A_1188, %mul3A_1189 : vector<16xf32>
      %mul3A_1191 = vector.broadcast %squeeze3A_1182 : f32 to vector<16xf32>
      %mul3A_1192 = arith.mulf %get3A_4, %mul3A_1191 : vector<16xf32>
      %add3A_1193 = arith.addf %mul3A_1190, %mul3A_1192 : vector<16xf32>
      %swap3A_1194 = arith.index_cast %add3A_1184 : i32 to index
      %swap3A_1195 = arith.constant 0 : index
      %swap3A_1196 = tpu.vector_load %arg16[%swap3A_1194, %swap3A_1195] {strides = array<i32>} : memref<512x64xf32, #tpu.memory_space<vmem>>, vector<1x16xf32>,
      %swap3A_1197 = vector.shape_cast %swap3A_1196 : vector<1x16xf32> to vector<16xf32>
      %swap3A_1198 = vector.shape_cast %add3A_1193 : vector<16xf32> to vector<1x16xf32>
      tpu.vector_store %arg16[%swap3A_1194, %swap3A_1195], %swap3A_1198 {strides = array<i32>} : memref<512x64xf32, #tpu.memory_space<vmem>>, vector<1x16xf32>,
      %get3A_1199 = arith.index_cast %add3A_1184 : i32 to index
      %get3A_1200 = arith.constant 16 : index
      %get3A_1201 = tpu.vector_load %arg16[%get3A_1199, %get3A_1200] {strides = array<i32>} : memref<512x64xf32, #tpu.memory_space<vmem>>, vector<1x16xf32>,
      %get3A_1202 = vector.shape_cast %get3A_1201 : vector<1x16xf32> to vector<16xf32>
      %mul3A_1203 = vector.broadcast %squeeze3A_1180 : f32 to vector<16xf32>
      %mul3A_1204 = arith.mulf %get3A_1202, %mul3A_1203 : vector<16xf32>
      %mul3A_1205 = vector.broadcast %squeeze3A_1182 : f32 to vector<16xf32>
      %mul3A_1206 = arith.mulf %get3A_7, %mul3A_1205 : vector<16xf32>
      %add3A_1207 = arith.addf %mul3A_1204, %mul3A_1206 : vector<16xf32>
      %swap3A_1208 = arith.index_cast %add3A_1184 : i32 to index
      %swap3A_1209 = arith.constant 16 : index
      %swap3A_1210 = tpu.vector_load %arg16[%swap3A_1208, %swap3A_1209] {strides = array<i32>} : memref<512x64xf32, #tpu.memory_space<vmem>>, vector<1x16xf32>,
      %swap3A_1211 = vector.shape_cast %swap3A_1210 : vector<1x16xf32> to vector<16xf32>
      %swap3A_1212 = vector.shape_cast %add3A_1207 : vector<16xf32> to vector<1x16xf32>
      tpu.vector_store %arg16[%swap3A_1208, %swap3A_1209], %swap3A_1212 {strides = array<i32>} : memref<512x64xf32, #tpu.memory_space<vmem>>, vector<1x16xf32>,
      %get3A_1213 = arith.index_cast %add3A_1184 : i32 to index
      %get3A_1214 = arith.constant 32 : index
      %get3A_1215 = tpu.vector_load %arg16[%get3A_1213, %get3A_1214] {strides = array<i32>} : memref<512x64xf32, #tpu.memory_space<vmem>>, vector<1x16xf32>,
      %get3A_1216 = vector.shape_cast %get3A_1215 : vector<1x16xf32> to vector<16xf32>
      %mul3A_1217 = vector.broadcast %squeeze3A_1180 : f32 to vector<16xf32>
      %mul3A_1218 = arith.mulf %get3A_1216, %mul3A_1217 : vector<16xf32>
      %mul3A_1219 = vector.broadcast %squeeze3A_1182 : f32 to vector<16xf32>
      %mul3A_1220 = arith.mulf %get3A_10, %mul3A_1219 : vector<16xf32>
      %add3A_1221 = arith.addf %mul3A_1218, %mul3A_1220 : vector<16xf32>
      %swap3A_1222 = arith.index_cast %add3A_1184 : i32 to index
      %swap3A_1223 = arith.constant 32 : index
      %swap3A_1224 = tpu.vector_load %arg16[%swap3A_1222, %swap3A_1223] {strides = array<i32>} : memref<512x64xf32, #tpu.memory_space<vmem>>, vector<1x16xf32>,
      %swap3A_1225 = vector.shape_cast %swap3A_1224 : vector<1x16xf32> to vector<16xf32>
      %swap3A_1226 = vector.shape_cast %add3A_1221 : vector<16xf32> to vector<1x16xf32>
      tpu.vector_store %arg16[%swap3A_1222, %swap3A_1223], %swap3A_1226 {strides = array<i32>} : memref<512x64xf32, #tpu.memory_space<vmem>>, vector<1x16xf32>,
      %get3A_1227 = arith.index_cast %add3A_1184 : i32 to index
      %get3A_1228 = arith.constant 48 : index
      %get3A_1229 = tpu.vector_load %arg16[%get3A_1227, %get3A_1228] {strides = array<i32>} : memref<512x64xf32, #tpu.memory_space<vmem>>, vector<1x16xf32>,
      %get3A_1230 = vector.shape_cast %get3A_1229 : vector<1x16xf32> to vector<16xf32>
      %mul3A_1231 = vector.broadcast %squeeze3A_1180 : f32 to vector<16xf32>
      %mul3A_1232 = arith.mulf %get3A_1230, %mul3A_1231 : vector<16xf32>
      %mul3A_1233 = vector.broadcast %squeeze3A_1182 : f32 to vector<16xf32>
      %mul3A_1234 = arith.mulf %get3A_13, %mul3A_1233 : vector<16xf32>
      %add3A_1235 = arith.addf %mul3A_1232, %mul3A_1234 : vector<16xf32>
      %swap3A_1236 = arith.index_cast %add3A_1184 : i32 to index
      %swap3A_1237 = arith.constant 48 : index
      %swap3A_1238 = tpu.vector_load %arg16[%swap3A_1236, %swap3A_1237] {strides = array<i32>} : memref<512x64xf32, #tpu.memory_space<vmem>>, vector<1x16xf32>,
      %swap3A_1239 = vector.shape_cast %swap3A_1238 : vector<1x16xf32> to vector<16xf32>
      %swap3A_1240 = vector.shape_cast %add3A_1235 : vector<16xf32> to vector<1x16xf32>
      tpu.vector_store %arg16[%swap3A_1236, %swap3A_1237], %swap3A_1240 {strides = array<i32>} : memref<512x64xf32, #tpu.memory_space<vmem>>, vector<1x16xf32>,
      %slice3A_1241 = vector.extract_strided_slice %get3A_308 {offsets = [15], sizes = [1], strides = [1]} : vector<16xf32> to vector<1xf32>
      %squeeze3A_1242 = vector.extract %slice3A_1241[0] : f32 from vector<1xf32>
      %slice3A_1243 = vector.extract_strided_slice %get3A_313 {offsets = [15], sizes = [1], strides = [1]} : vector<16xf32> to vector<1xf32>
      %squeeze3A_1244 = vector.extract %slice3A_1243[0] : f32 from vector<1xf32>
      %add3A_1245 = arith.constant 15 : i32
      %add3A_1246 = arith.addi %mul3A_303, %add3A_1245 : i32
      %get3A_1247 = arith.index_cast %add3A_1246 : i32 to index
      %get3A_1248 = arith.constant 0 : index
      %get3A_1249 = tpu.vector_load %arg16[%get3A_1247, %get3A_1248] {strides = array<i32>} : memref<512x64xf32, #tpu.memory_space<vmem>>, vector<1x16xf32>,
      %get3A_1250 = vector.shape_cast %get3A_1249 : vector<1x16xf32> to vector<16xf32>
      %mul3A_1251 = vector.broadcast %squeeze3A_1242 : f32 to vector<16xf32>
      %mul3A_1252 = arith.mulf %get3A_1250, %mul3A_1251 : vector<16xf32>
      %mul3A_1253 = vector.broadcast %squeeze3A_1244 : f32 to vector<16xf32>
      %mul3A_1254 = arith.mulf %get3A_4, %mul3A_1253 : vector<16xf32>
      %add3A_1255 = arith.addf %mul3A_1252, %mul3A_1254 : vector<16xf32>
      %swap3A_1256 = arith.index_cast %add3A_1246 : i32 to index
      %swap3A_1257 = arith.constant 0 : index
      %swap3A_1258 = tpu.vector_load %arg16[%swap3A_1256, %swap3A_1257] {strides = array<i32>} : memref<512x64xf32, #tpu.memory_space<vmem>>, vector<1x16xf32>,
      %swap3A_1259 = vector.shape_cast %swap3A_1258 : vector<1x16xf32> to vector<16xf32>
      %swap3A_1260 = vector.shape_cast %add3A_1255 : vector<16xf32> to vector<1x16xf32>
      tpu.vector_store %arg16[%swap3A_1256, %swap3A_1257], %swap3A_1260 {strides = array<i32>} : memref<512x64xf32, #tpu.memory_space<vmem>>, vector<1x16xf32>,
      %get3A_1261 = arith.index_cast %add3A_1246 : i32 to index
      %get3A_1262 = arith.constant 16 : index
      %get3A_1263 = tpu.vector_load %arg16[%get3A_1261, %get3A_1262] {strides = array<i32>} : memref<512x64xf32, #tpu.memory_space<vmem>>, vector<1x16xf32>,
      %get3A_1264 = vector.shape_cast %get3A_1263 : vector<1x16xf32> to vector<16xf32>
      %mul3A_1265 = vector.broadcast %squeeze3A_1242 : f32 to vector<16xf32>
      %mul3A_1266 = arith.mulf %get3A_1264, %mul3A_1265 : vector<16xf32>
      %mul3A_1267 = vector.broadcast %squeeze3A_1244 : f32 to vector<16xf32>
      %mul3A_1268 = arith.mulf %get3A_7, %mul3A_1267 : vector<16xf32>
      %add3A_1269 = arith.addf %mul3A_1266, %mul3A_1268 : vector<16xf32>
      %swap3A_1270 = arith.index_cast %add3A_1246 : i32 to index
      %swap3A_1271 = arith.constant 16 : index
      %swap3A_1272 = tpu.vector_load %arg16[%swap3A_1270, %swap3A_1271] {strides = array<i32>} : memref<512x64xf32, #tpu.memory_space<vmem>>, vector<1x16xf32>,
      %swap3A_1273 = vector.shape_cast %swap3A_1272 : vector<1x16xf32> to vector<16xf32>
      %swap3A_1274 = vector.shape_cast %add3A_1269 : vector<16xf32> to vector<1x16xf32>
      tpu.vector_store %arg16[%swap3A_1270, %swap3A_1271], %swap3A_1274 {strides = array<i32>} : memref<512x64xf32, #tpu.memory_space<vmem>>, vector<1x16xf32>,
      %get3A_1275 = arith.index_cast %add3A_1246 : i32 to index
      %get3A_1276 = arith.constant 32 : index
      %get3A_1277 = tpu.vector_load %arg16[%get3A_1275, %get3A_1276] {strides = array<i32>} : memref<512x64xf32, #tpu.memory_space<vmem>>, vector<1x16xf32>,
      %get3A_1278 = vector.shape_cast %get3A_1277 : vector<1x16xf32> to vector<16xf32>
      %mul3A_1279 = vector.broadcast %squeeze3A_1242 : f32 to vector<16xf32>
      %mul3A_1280 = arith.mulf %get3A_1278, %mul3A_1279 : vector<16xf32>
      %mul3A_1281 = vector.broadcast %squeeze3A_1244 : f32 to vector<16xf32>
      %mul3A_1282 = arith.mulf %get3A_10, %mul3A_1281 : vector<16xf32>
      %add3A_1283 = arith.addf %mul3A_1280, %mul3A_1282 : vector<16xf32>
      %swap3A_1284 = arith.index_cast %add3A_1246 : i32 to index
      %swap3A_1285 = arith.constant 32 : index
      %swap3A_1286 = tpu.vector_load %arg16[%swap3A_1284, %swap3A_1285] {strides = array<i32>} : memref<512x64xf32, #tpu.memory_space<vmem>>, vector<1x16xf32>,
      %swap3A_1287 = vector.shape_cast %swap3A_1286 : vector<1x16xf32> to vector<16xf32>
      %swap3A_1288 = vector.shape_cast %add3A_1283 : vector<16xf32> to vector<1x16xf32>
      tpu.vector_store %arg16[%swap3A_1284, %swap3A_1285], %swap3A_1288 {strides = array<i32>} : memref<512x64xf32, #tpu.memory_space<vmem>>, vector<1x16xf32>,
      %get3A_1289 = arith.index_cast %add3A_1246 : i32 to index
      %get3A_1290 = arith.constant 48 : index
      %get3A_1291 = tpu.vector_load %arg16[%get3A_1289, %get3A_1290] {strides = array<i32>} : memref<512x64xf32, #tpu.memory_space<vmem>>, vector<1x16xf32>,
      %get3A_1292 = vector.shape_cast %get3A_1291 : vector<1x16xf32> to vector<16xf32>
      %mul3A_1293 = vector.broadcast %squeeze3A_1242 : f32 to vector<16xf32>
      %mul3A_1294 = arith.mulf %get3A_1292, %mul3A_1293 : vector<16xf32>
      %mul3A_1295 = vector.broadcast %squeeze3A_1244 : f32 to vector<16xf32>
      %mul3A_1296 = arith.mulf %get3A_13, %mul3A_1295 : vector<16xf32>
      %add3A_1297 = arith.addf %mul3A_1294, %mul3A_1296 : vector<16xf32>
      %swap3A_1298 = arith.index_cast %add3A_1246 : i32 to index
      %swap3A_1299 = arith.constant 48 : index
      %swap3A_1300 = tpu.vector_load %arg16[%swap3A_1298, %swap3A_1299] {strides = array<i32>} : memref<512x64xf32, #tpu.memory_space<vmem>>, vector<1x16xf32>,
      %swap3A_1301 = vector.shape_cast %swap3A_1300 : vector<1x16xf32> to vector<16xf32>
      %swap3A_1302 = vector.shape_cast %add3A_1297 : vector<16xf32> to vector<1x16xf32>
      tpu.vector_store %arg16[%swap3A_1298, %swap3A_1299], %swap3A_1302 {strides = array<i32>} : memref<512x64xf32, #tpu.memory_space<vmem>>, vector<1x16xf32>,
    }
    %scan3A_154 = arith.constant 32 : i32
    %add3A_155 = arith.constant 512 : i32
    %add3A_156 = arith.addi %mul3A_2, %add3A_155 : i32
    "tpu.region"() ({
      %run_scoped3A = tpu.sem_alloc : memref<!tpu.dma_semaphore, #tpu.memory_space<semaphore_mem>>
      %dma_start3A_301 = arith.constant 0 : i32
      %dma_start3A_302 = tpu.memref_slice %arg8[%add3A_156, %dma_start3A_301] : memref<65536x64xf32, #tpu.memory_space<hbm>> -> memref<512x64xf32, #tpu.memory_space<hbm>>
      %dma_start3A_303 = arith.constant 0 : i32
      %dma_start3A_304 = tpu.memref_slice %arg8[%add3A_156, %dma_start3A_303] : memref<65536x64xf32, #tpu.memory_space<hbm>> -> memref<512x64xf32, #tpu.memory_space<hbm>>
      tpu.enqueue_dma source(%arg16 : memref<512x64xf32, #tpu.memory_space<vmem>>) target(%dma_start3A_304 : memref<512x64xf32, #tpu.memory_space<hbm>>) target_semaphore(%run_scoped3A : memref<!tpu.dma_semaphore, #tpu.memory_space<semaphore_mem>>)
      %dma_wait3A_305 = arith.constant 0 : i32
      %dma_wait3A_306 = tpu.memref_slice %arg8[%add3A_156, %dma_wait3A_305] : memref<65536x64xf32, #tpu.memory_space<hbm>> -> memref<512x64xf32, #tpu.memory_space<hbm>>
      %dma_wait3A_307 = arith.constant 0 : i32
      %dma_wait3A_308 = tpu.memref_slice %arg8[%add3A_156, %dma_wait3A_307] : memref<65536x64xf32, #tpu.memory_space<hbm>> -> memref<512x64xf32, #tpu.memory_space<hbm>>
      tpu.wait_dma2 semaphore(%run_scoped3A : memref<!tpu.dma_semaphore, #tpu.memory_space<semaphore_mem>>) src(%arg16 : memref<512x64xf32, #tpu.memory_space<vmem>>) dst(%dma_wait3A_308 : memref<512x64xf32, #tpu.memory_space<hbm>>)
      tpu.yield
    }) : () -> ()
    %dma_start3A_157 = arith.constant 0 : i32
    %dma_start3A_158 = arith.constant 0 : i32
    %dma_start3A_159 = tpu.memref_slice %arg16[%dma_start3A_157, %dma_start3A_158] : memref<512x64xf32, #tpu.memory_space<vmem>> -> memref<128x64xf32, #tpu.memory_space<vmem>>
    %dma_start3A_160 = arith.constant 1024 : i32
    %dma_start3A_161 = tpu.memref_slice %arg10[%dma_start3A_160] : memref<2048xi32, #tpu.memory_space<vmem>> -> memref<128xi32, #tpu.memory_space<vmem>>
    %dma_start3A_162 = arith.constant 0 : i32
    %dma_start3A_163 = arith.constant 0 : i32
    %dma_start3A_164 = tpu.memref_slice %arg2[%dma_start3A_162, %dma_start3A_163] : memref<65536x64xf32, #tpu.memory_space<hbm>> -> memref<65536x64xf32, #tpu.memory_space<hbm>>
    tpu.enqueue_indirect_dma source(%dma_start3A_164 : memref<65536x64xf32, #tpu.memory_space<hbm>>) target(%dma_start3A_159 : memref<128x64xf32, #tpu.memory_space<vmem>>) offsets(%dma_start3A_161 : memref<128xi32, #tpu.memory_space<vmem>>) semaphore(%arg17 : memref<!tpu.dma_semaphore, #tpu.memory_space<semaphore_mem>>)
    %dma_start3A_165 = arith.constant 128 : i32
    %dma_start3A_166 = arith.constant 0 : i32
    %dma_start3A_167 = tpu.memref_slice %arg16[%dma_start3A_165, %dma_start3A_166] : memref<512x64xf32, #tpu.memory_space<vmem>> -> memref<128x64xf32, #tpu.memory_space<vmem>>
    %dma_start3A_168 = arith.constant 1152 : i32
    %dma_start3A_169 = tpu.memref_slice %arg10[%dma_start3A_168] : memref<2048xi32, #tpu.memory_space<vmem>> -> memref<128xi32, #tpu.memory_space<vmem>>
    %dma_start3A_170 = arith.constant 0 : i32
    %dma_start3A_171 = arith.constant 0 : i32
    %dma_start3A_172 = tpu.memref_slice %arg2[%dma_start3A_170, %dma_start3A_171] : memref<65536x64xf32, #tpu.memory_space<hbm>> -> memref<65536x64xf32, #tpu.memory_space<hbm>>
    tpu.enqueue_indirect_dma source(%dma_start3A_172 : memref<65536x64xf32, #tpu.memory_space<hbm>>) target(%dma_start3A_167 : memref<128x64xf32, #tpu.memory_space<vmem>>) offsets(%dma_start3A_169 : memref<128xi32, #tpu.memory_space<vmem>>) semaphore(%arg17 : memref<!tpu.dma_semaphore, #tpu.memory_space<semaphore_mem>>)
    %dma_start3A_173 = arith.constant 256 : i32
    %dma_start3A_174 = arith.constant 0 : i32
    %dma_start3A_175 = tpu.memref_slice %arg16[%dma_start3A_173, %dma_start3A_174] : memref<512x64xf32, #tpu.memory_space<vmem>> -> memref<128x64xf32, #tpu.memory_space<vmem>>
    %dma_start3A_176 = arith.constant 1280 : i32
    %dma_start3A_177 = tpu.memref_slice %arg10[%dma_start3A_176] : memref<2048xi32, #tpu.memory_space<vmem>> -> memref<128xi32, #tpu.memory_space<vmem>>
    %dma_start3A_178 = arith.constant 0 : i32
    %dma_start3A_179 = arith.constant 0 : i32
    %dma_start3A_180 = tpu.memref_slice %arg2[%dma_start3A_178, %dma_start3A_179] : memref<65536x64xf32, #tpu.memory_space<hbm>> -> memref<65536x64xf32, #tpu.memory_space<hbm>>
    tpu.enqueue_indirect_dma source(%dma_start3A_180 : memref<65536x64xf32, #tpu.memory_space<hbm>>) target(%dma_start3A_175 : memref<128x64xf32, #tpu.memory_space<vmem>>) offsets(%dma_start3A_177 : memref<128xi32, #tpu.memory_space<vmem>>) semaphore(%arg17 : memref<!tpu.dma_semaphore, #tpu.memory_space<semaphore_mem>>)
    %dma_start3A_181 = arith.constant 384 : i32
    %dma_start3A_182 = arith.constant 0 : i32
    %dma_start3A_183 = tpu.memref_slice %arg16[%dma_start3A_181, %dma_start3A_182] : memref<512x64xf32, #tpu.memory_space<vmem>> -> memref<128x64xf32, #tpu.memory_space<vmem>>
    %dma_start3A_184 = arith.constant 1408 : i32
    %dma_start3A_185 = tpu.memref_slice %arg10[%dma_start3A_184] : memref<2048xi32, #tpu.memory_space<vmem>> -> memref<128xi32, #tpu.memory_space<vmem>>
    %dma_start3A_186 = arith.constant 0 : i32
    %dma_start3A_187 = arith.constant 0 : i32
    %dma_start3A_188 = tpu.memref_slice %arg2[%dma_start3A_186, %dma_start3A_187] : memref<65536x64xf32, #tpu.memory_space<hbm>> -> memref<65536x64xf32, #tpu.memory_space<hbm>>
    tpu.enqueue_indirect_dma source(%dma_start3A_188 : memref<65536x64xf32, #tpu.memory_space<hbm>>) target(%dma_start3A_183 : memref<128x64xf32, #tpu.memory_space<vmem>>) offsets(%dma_start3A_185 : memref<128xi32, #tpu.memory_space<vmem>>) semaphore(%arg17 : memref<!tpu.dma_semaphore, #tpu.memory_space<semaphore_mem>>)
    %dma_wait3A_189 = arith.constant 0 : i32
    %dma_wait3A_190 = arith.constant 0 : i32
    %dma_wait3A_191 = tpu.memref_slice %arg16[%dma_wait3A_189, %dma_wait3A_190] : memref<512x64xf32, #tpu.memory_space<vmem>> -> memref<128x64xf32, #tpu.memory_space<vmem>>
    %dma_wait3A_192 = arith.constant 1024 : i32
    %dma_wait3A_193 = tpu.memref_slice %arg10[%dma_wait3A_192] : memref<2048xi32, #tpu.memory_space<vmem>> -> memref<128xi32, #tpu.memory_space<vmem>>
    %dma_wait3A_194 = arith.constant 0 : i32
    %dma_wait3A_195 = arith.constant 0 : i32
    %dma_wait3A_196 = tpu.memref_slice %arg2[%dma_wait3A_194, %dma_wait3A_195] : memref<65536x64xf32, #tpu.memory_space<hbm>> -> memref<65536x64xf32, #tpu.memory_space<hbm>>
    tpu.wait_indirect_dma semaphore(%arg17 : memref<!tpu.dma_semaphore, #tpu.memory_space<semaphore_mem>>) src(%dma_wait3A_196 : memref<65536x64xf32, #tpu.memory_space<hbm>>) dst(%dma_wait3A_191 : memref<128x64xf32, #tpu.memory_space<vmem>>)
    %dma_wait3A_197 = arith.constant 128 : i32
    %dma_wait3A_198 = arith.constant 0 : i32
    %dma_wait3A_199 = tpu.memref_slice %arg16[%dma_wait3A_197, %dma_wait3A_198] : memref<512x64xf32, #tpu.memory_space<vmem>> -> memref<128x64xf32, #tpu.memory_space<vmem>>
    %dma_wait3A_200 = arith.constant 1152 : i32
    %dma_wait3A_201 = tpu.memref_slice %arg10[%dma_wait3A_200] : memref<2048xi32, #tpu.memory_space<vmem>> -> memref<128xi32, #tpu.memory_space<vmem>>
    %dma_wait3A_202 = arith.constant 0 : i32
    %dma_wait3A_203 = arith.constant 0 : i32
    %dma_wait3A_204 = tpu.memref_slice %arg2[%dma_wait3A_202, %dma_wait3A_203] : memref<65536x64xf32, #tpu.memory_space<hbm>> -> memref<65536x64xf32, #tpu.memory_space<hbm>>
    tpu.wait_indirect_dma semaphore(%arg17 : memref<!tpu.dma_semaphore, #tpu.memory_space<semaphore_mem>>) src(%dma_wait3A_204 : memref<65536x64xf32, #tpu.memory_space<hbm>>) dst(%dma_wait3A_199 : memref<128x64xf32, #tpu.memory_space<vmem>>)
    %dma_wait3A_205 = arith.constant 256 : i32
    %dma_wait3A_206 = arith.constant 0 : i32
    %dma_wait3A_207 = tpu.memref_slice %arg16[%dma_wait3A_205, %dma_wait3A_206] : memref<512x64xf32, #tpu.memory_space<vmem>> -> memref<128x64xf32, #tpu.memory_space<vmem>>
    %dma_wait3A_208 = arith.constant 1280 : i32
    %dma_wait3A_209 = tpu.memref_slice %arg10[%dma_wait3A_208] : memref<2048xi32, #tpu.memory_space<vmem>> -> memref<128xi32, #tpu.memory_space<vmem>>
    %dma_wait3A_210 = arith.constant 0 : i32
    %dma_wait3A_211 = arith.constant 0 : i32
    %dma_wait3A_212 = tpu.memref_slice %arg2[%dma_wait3A_210, %dma_wait3A_211] : memref<65536x64xf32, #tpu.memory_space<hbm>> -> memref<65536x64xf32, #tpu.memory_space<hbm>>
    tpu.wait_indirect_dma semaphore(%arg17 : memref<!tpu.dma_semaphore, #tpu.memory_space<semaphore_mem>>) src(%dma_wait3A_212 : memref<65536x64xf32, #tpu.memory_space<hbm>>) dst(%dma_wait3A_207 : memref<128x64xf32, #tpu.memory_space<vmem>>)
    %dma_wait3A_213 = arith.constant 384 : i32
    %dma_wait3A_214 = arith.constant 0 : i32
    %dma_wait3A_215 = tpu.memref_slice %arg16[%dma_wait3A_213, %dma_wait3A_214] : memref<512x64xf32, #tpu.memory_space<vmem>> -> memref<128x64xf32, #tpu.memory_space<vmem>>
    %dma_wait3A_216 = arith.constant 1408 : i32
    %dma_wait3A_217 = tpu.memref_slice %arg10[%dma_wait3A_216] : memref<2048xi32, #tpu.memory_space<vmem>> -> memref<128xi32, #tpu.memory_space<vmem>>
    %dma_wait3A_218 = arith.constant 0 : i32
    %dma_wait3A_219 = arith.constant 0 : i32
    %dma_wait3A_220 = tpu.memref_slice %arg2[%dma_wait3A_218, %dma_wait3A_219] : memref<65536x64xf32, #tpu.memory_space<hbm>> -> memref<65536x64xf32, #tpu.memory_space<hbm>>
    tpu.wait_indirect_dma semaphore(%arg17 : memref<!tpu.dma_semaphore, #tpu.memory_space<semaphore_mem>>) src(%dma_wait3A_220 : memref<65536x64xf32, #tpu.memory_space<hbm>>) dst(%dma_wait3A_215 : memref<128x64xf32, #tpu.memory_space<vmem>>)
    %scan3A_221 = arith.constant 0 : i32
    %scan3A_222 = arith.constant 0 : i32
    %scan3A_223 = arith.constant 32 : i32
    %scan3A_224 = arith.addi %scan3A_222, %scan3A_223 : i32
    %scan3A_225 = arith.constant 1 : i32
    scf.for %scan3A_301 = %scan3A_222 to %scan3A_224 step %scan3A_225  : i32 {
      %mul3A_302 = arith.constant 16 : i32
      %mul3A_303 = arith.muli %scan3A_301, %mul3A_302 : i32
      %add3A_304 = arith.constant 1024 : i32
      %add3A_305 = arith.addi %add3A_304, %mul3A_303 : i32
      %get3A_306 = arith.index_cast %add3A_305 : i32 to index
      %get3A_307 = tpu.vector_load %arg11[%get3A_306] {strides = array<i32>} : memref<2048xf32, #tpu.memory_space<vmem>>, vector<16xf32>,
      %get3A_308 = vector.shape_cast %get3A_307 : vector<16xf32> to vector<16xf32>
      %add3A_309 = arith.constant 1024 : i32
      %add3A_310 = arith.addi %add3A_309, %mul3A_303 : i32
      %get3A_311 = arith.index_cast %add3A_310 : i32 to index
      %get3A_312 = tpu.vector_load %arg12[%get3A_311] {strides = array<i32>} : memref<2048xf32, #tpu.memory_space<vmem>>, vector<16xf32>,
      %get3A_313 = vector.shape_cast %get3A_312 : vector<16xf32> to vector<16xf32>
      %slice3A = vector.extract_strided_slice %get3A_308 {offsets = [0], sizes = [1], strides = [1]} : vector<16xf32> to vector<1xf32>
      %squeeze3A = vector.extract %slice3A[0] : f32 from vector<1xf32>
      %slice3A_314 = vector.extract_strided_slice %get3A_313 {offsets = [0], sizes = [1], strides = [1]} : vector<16xf32> to vector<1xf32>
      %squeeze3A_315 = vector.extract %slice3A_314[0] : f32 from vector<1xf32>
      %add3A_316 = arith.constant 0 : i32
      %add3A_317 = arith.addi %mul3A_303, %add3A_316 : i32
      %get3A_318 = arith.index_cast %add3A_317 : i32 to index
      %get3A_319 = arith.constant 0 : index
      %get3A_320 = tpu.vector_load %arg16[%get3A_318, %get3A_319] {strides = array<i32>} : memref<512x64xf32, #tpu.memory_space<vmem>>, vector<1x16xf32>,
      %get3A_321 = vector.shape_cast %get3A_320 : vector<1x16xf32> to vector<16xf32>
      %mul3A_322 = vector.broadcast %squeeze3A : f32 to vector<16xf32>
      %mul3A_323 = arith.mulf %get3A_321, %mul3A_322 : vector<16xf32>
      %mul3A_324 = vector.broadcast %squeeze3A_315 : f32 to vector<16xf32>
      %mul3A_325 = arith.mulf %get3A_4, %mul3A_324 : vector<16xf32>
      %add3A_326 = arith.addf %mul3A_323, %mul3A_325 : vector<16xf32>
      %swap3A = arith.index_cast %add3A_317 : i32 to index
      %swap3A_327 = arith.constant 0 : index
      %swap3A_328 = tpu.vector_load %arg16[%swap3A, %swap3A_327] {strides = array<i32>} : memref<512x64xf32, #tpu.memory_space<vmem>>, vector<1x16xf32>,
      %swap3A_329 = vector.shape_cast %swap3A_328 : vector<1x16xf32> to vector<16xf32>
      %swap3A_330 = vector.shape_cast %add3A_326 : vector<16xf32> to vector<1x16xf32>
      tpu.vector_store %arg16[%swap3A, %swap3A_327], %swap3A_330 {strides = array<i32>} : memref<512x64xf32, #tpu.memory_space<vmem>>, vector<1x16xf32>,
      %get3A_331 = arith.index_cast %add3A_317 : i32 to index
      %get3A_332 = arith.constant 16 : index
      %get3A_333 = tpu.vector_load %arg16[%get3A_331, %get3A_332] {strides = array<i32>} : memref<512x64xf32, #tpu.memory_space<vmem>>, vector<1x16xf32>,
      %get3A_334 = vector.shape_cast %get3A_333 : vector<1x16xf32> to vector<16xf32>
      %mul3A_335 = vector.broadcast %squeeze3A : f32 to vector<16xf32>
      %mul3A_336 = arith.mulf %get3A_334, %mul3A_335 : vector<16xf32>
      %mul3A_337 = vector.broadcast %squeeze3A_315 : f32 to vector<16xf32>
      %mul3A_338 = arith.mulf %get3A_7, %mul3A_337 : vector<16xf32>
      %add3A_339 = arith.addf %mul3A_336, %mul3A_338 : vector<16xf32>
      %swap3A_340 = arith.index_cast %add3A_317 : i32 to index
      %swap3A_341 = arith.constant 16 : index
      %swap3A_342 = tpu.vector_load %arg16[%swap3A_340, %swap3A_341] {strides = array<i32>} : memref<512x64xf32, #tpu.memory_space<vmem>>, vector<1x16xf32>,
      %swap3A_343 = vector.shape_cast %swap3A_342 : vector<1x16xf32> to vector<16xf32>
      %swap3A_344 = vector.shape_cast %add3A_339 : vector<16xf32> to vector<1x16xf32>
      tpu.vector_store %arg16[%swap3A_340, %swap3A_341], %swap3A_344 {strides = array<i32>} : memref<512x64xf32, #tpu.memory_space<vmem>>, vector<1x16xf32>,
      %get3A_345 = arith.index_cast %add3A_317 : i32 to index
      %get3A_346 = arith.constant 32 : index
      %get3A_347 = tpu.vector_load %arg16[%get3A_345, %get3A_346] {strides = array<i32>} : memref<512x64xf32, #tpu.memory_space<vmem>>, vector<1x16xf32>,
      %get3A_348 = vector.shape_cast %get3A_347 : vector<1x16xf32> to vector<16xf32>
      %mul3A_349 = vector.broadcast %squeeze3A : f32 to vector<16xf32>
      %mul3A_350 = arith.mulf %get3A_348, %mul3A_349 : vector<16xf32>
      %mul3A_351 = vector.broadcast %squeeze3A_315 : f32 to vector<16xf32>
      %mul3A_352 = arith.mulf %get3A_10, %mul3A_351 : vector<16xf32>
      %add3A_353 = arith.addf %mul3A_350, %mul3A_352 : vector<16xf32>
      %swap3A_354 = arith.index_cast %add3A_317 : i32 to index
      %swap3A_355 = arith.constant 32 : index
      %swap3A_356 = tpu.vector_load %arg16[%swap3A_354, %swap3A_355] {strides = array<i32>} : memref<512x64xf32, #tpu.memory_space<vmem>>, vector<1x16xf32>,
      %swap3A_357 = vector.shape_cast %swap3A_356 : vector<1x16xf32> to vector<16xf32>
      %swap3A_358 = vector.shape_cast %add3A_353 : vector<16xf32> to vector<1x16xf32>
      tpu.vector_store %arg16[%swap3A_354, %swap3A_355], %swap3A_358 {strides = array<i32>} : memref<512x64xf32, #tpu.memory_space<vmem>>, vector<1x16xf32>,
      %get3A_359 = arith.index_cast %add3A_317 : i32 to index
      %get3A_360 = arith.constant 48 : index
      %get3A_361 = tpu.vector_load %arg16[%get3A_359, %get3A_360] {strides = array<i32>} : memref<512x64xf32, #tpu.memory_space<vmem>>, vector<1x16xf32>,
      %get3A_362 = vector.shape_cast %get3A_361 : vector<1x16xf32> to vector<16xf32>
      %mul3A_363 = vector.broadcast %squeeze3A : f32 to vector<16xf32>
      %mul3A_364 = arith.mulf %get3A_362, %mul3A_363 : vector<16xf32>
      %mul3A_365 = vector.broadcast %squeeze3A_315 : f32 to vector<16xf32>
      %mul3A_366 = arith.mulf %get3A_13, %mul3A_365 : vector<16xf32>
      %add3A_367 = arith.addf %mul3A_364, %mul3A_366 : vector<16xf32>
      %swap3A_368 = arith.index_cast %add3A_317 : i32 to index
      %swap3A_369 = arith.constant 48 : index
      %swap3A_370 = tpu.vector_load %arg16[%swap3A_368, %swap3A_369] {strides = array<i32>} : memref<512x64xf32, #tpu.memory_space<vmem>>, vector<1x16xf32>,
      %swap3A_371 = vector.shape_cast %swap3A_370 : vector<1x16xf32> to vector<16xf32>
      %swap3A_372 = vector.shape_cast %add3A_367 : vector<16xf32> to vector<1x16xf32>
      tpu.vector_store %arg16[%swap3A_368, %swap3A_369], %swap3A_372 {strides = array<i32>} : memref<512x64xf32, #tpu.memory_space<vmem>>, vector<1x16xf32>,
      %slice3A_373 = vector.extract_strided_slice %get3A_308 {offsets = [1], sizes = [1], strides = [1]} : vector<16xf32> to vector<1xf32>
      %squeeze3A_374 = vector.extract %slice3A_373[0] : f32 from vector<1xf32>
      %slice3A_375 = vector.extract_strided_slice %get3A_313 {offsets = [1], sizes = [1], strides = [1]} : vector<16xf32> to vector<1xf32>
      %squeeze3A_376 = vector.extract %slice3A_375[0] : f32 from vector<1xf32>
      %add3A_377 = arith.constant 1 : i32
      %add3A_378 = arith.addi %mul3A_303, %add3A_377 : i32
      %get3A_379 = arith.index_cast %add3A_378 : i32 to index
      %get3A_380 = arith.constant 0 : index
      %get3A_381 = tpu.vector_load %arg16[%get3A_379, %get3A_380] {strides = array<i32>} : memref<512x64xf32, #tpu.memory_space<vmem>>, vector<1x16xf32>,
      %get3A_382 = vector.shape_cast %get3A_381 : vector<1x16xf32> to vector<16xf32>
      %mul3A_383 = vector.broadcast %squeeze3A_374 : f32 to vector<16xf32>
      %mul3A_384 = arith.mulf %get3A_382, %mul3A_383 : vector<16xf32>
      %mul3A_385 = vector.broadcast %squeeze3A_376 : f32 to vector<16xf32>
      %mul3A_386 = arith.mulf %get3A_4, %mul3A_385 : vector<16xf32>
      %add3A_387 = arith.addf %mul3A_384, %mul3A_386 : vector<16xf32>
      %swap3A_388 = arith.index_cast %add3A_378 : i32 to index
      %swap3A_389 = arith.constant 0 : index
      %swap3A_390 = tpu.vector_load %arg16[%swap3A_388, %swap3A_389] {strides = array<i32>} : memref<512x64xf32, #tpu.memory_space<vmem>>, vector<1x16xf32>,
      %swap3A_391 = vector.shape_cast %swap3A_390 : vector<1x16xf32> to vector<16xf32>
      %swap3A_392 = vector.shape_cast %add3A_387 : vector<16xf32> to vector<1x16xf32>
      tpu.vector_store %arg16[%swap3A_388, %swap3A_389], %swap3A_392 {strides = array<i32>} : memref<512x64xf32, #tpu.memory_space<vmem>>, vector<1x16xf32>,
      %get3A_393 = arith.index_cast %add3A_378 : i32 to index
      %get3A_394 = arith.constant 16 : index
      %get3A_395 = tpu.vector_load %arg16[%get3A_393, %get3A_394] {strides = array<i32>} : memref<512x64xf32, #tpu.memory_space<vmem>>, vector<1x16xf32>,
      %get3A_396 = vector.shape_cast %get3A_395 : vector<1x16xf32> to vector<16xf32>
      %mul3A_397 = vector.broadcast %squeeze3A_374 : f32 to vector<16xf32>
      %mul3A_398 = arith.mulf %get3A_396, %mul3A_397 : vector<16xf32>
      %mul3A_399 = vector.broadcast %squeeze3A_376 : f32 to vector<16xf32>
      %mul3A_400 = arith.mulf %get3A_7, %mul3A_399 : vector<16xf32>
      %add3A_401 = arith.addf %mul3A_398, %mul3A_400 : vector<16xf32>
      %swap3A_402 = arith.index_cast %add3A_378 : i32 to index
      %swap3A_403 = arith.constant 16 : index
      %swap3A_404 = tpu.vector_load %arg16[%swap3A_402, %swap3A_403] {strides = array<i32>} : memref<512x64xf32, #tpu.memory_space<vmem>>, vector<1x16xf32>,
      %swap3A_405 = vector.shape_cast %swap3A_404 : vector<1x16xf32> to vector<16xf32>
      %swap3A_406 = vector.shape_cast %add3A_401 : vector<16xf32> to vector<1x16xf32>
      tpu.vector_store %arg16[%swap3A_402, %swap3A_403], %swap3A_406 {strides = array<i32>} : memref<512x64xf32, #tpu.memory_space<vmem>>, vector<1x16xf32>,
      %get3A_407 = arith.index_cast %add3A_378 : i32 to index
      %get3A_408 = arith.constant 32 : index
      %get3A_409 = tpu.vector_load %arg16[%get3A_407, %get3A_408] {strides = array<i32>} : memref<512x64xf32, #tpu.memory_space<vmem>>, vector<1x16xf32>,
      %get3A_410 = vector.shape_cast %get3A_409 : vector<1x16xf32> to vector<16xf32>
      %mul3A_411 = vector.broadcast %squeeze3A_374 : f32 to vector<16xf32>
      %mul3A_412 = arith.mulf %get3A_410, %mul3A_411 : vector<16xf32>
      %mul3A_413 = vector.broadcast %squeeze3A_376 : f32 to vector<16xf32>
      %mul3A_414 = arith.mulf %get3A_10, %mul3A_413 : vector<16xf32>
      %add3A_415 = arith.addf %mul3A_412, %mul3A_414 : vector<16xf32>
      %swap3A_416 = arith.index_cast %add3A_378 : i32 to index
      %swap3A_417 = arith.constant 32 : index
      %swap3A_418 = tpu.vector_load %arg16[%swap3A_416, %swap3A_417] {strides = array<i32>} : memref<512x64xf32, #tpu.memory_space<vmem>>, vector<1x16xf32>,
      %swap3A_419 = vector.shape_cast %swap3A_418 : vector<1x16xf32> to vector<16xf32>
      %swap3A_420 = vector.shape_cast %add3A_415 : vector<16xf32> to vector<1x16xf32>
      tpu.vector_store %arg16[%swap3A_416, %swap3A_417], %swap3A_420 {strides = array<i32>} : memref<512x64xf32, #tpu.memory_space<vmem>>, vector<1x16xf32>,
      %get3A_421 = arith.index_cast %add3A_378 : i32 to index
      %get3A_422 = arith.constant 48 : index
      %get3A_423 = tpu.vector_load %arg16[%get3A_421, %get3A_422] {strides = array<i32>} : memref<512x64xf32, #tpu.memory_space<vmem>>, vector<1x16xf32>,
      %get3A_424 = vector.shape_cast %get3A_423 : vector<1x16xf32> to vector<16xf32>
      %mul3A_425 = vector.broadcast %squeeze3A_374 : f32 to vector<16xf32>
      %mul3A_426 = arith.mulf %get3A_424, %mul3A_425 : vector<16xf32>
      %mul3A_427 = vector.broadcast %squeeze3A_376 : f32 to vector<16xf32>
      %mul3A_428 = arith.mulf %get3A_13, %mul3A_427 : vector<16xf32>
      %add3A_429 = arith.addf %mul3A_426, %mul3A_428 : vector<16xf32>
      %swap3A_430 = arith.index_cast %add3A_378 : i32 to index
      %swap3A_431 = arith.constant 48 : index
      %swap3A_432 = tpu.vector_load %arg16[%swap3A_430, %swap3A_431] {strides = array<i32>} : memref<512x64xf32, #tpu.memory_space<vmem>>, vector<1x16xf32>,
      %swap3A_433 = vector.shape_cast %swap3A_432 : vector<1x16xf32> to vector<16xf32>
      %swap3A_434 = vector.shape_cast %add3A_429 : vector<16xf32> to vector<1x16xf32>
      tpu.vector_store %arg16[%swap3A_430, %swap3A_431], %swap3A_434 {strides = array<i32>} : memref<512x64xf32, #tpu.memory_space<vmem>>, vector<1x16xf32>,
      %slice3A_435 = vector.extract_strided_slice %get3A_308 {offsets = [2], sizes = [1], strides = [1]} : vector<16xf32> to vector<1xf32>
      %squeeze3A_436 = vector.extract %slice3A_435[0] : f32 from vector<1xf32>
      %slice3A_437 = vector.extract_strided_slice %get3A_313 {offsets = [2], sizes = [1], strides = [1]} : vector<16xf32> to vector<1xf32>
      %squeeze3A_438 = vector.extract %slice3A_437[0] : f32 from vector<1xf32>
      %add3A_439 = arith.constant 2 : i32
      %add3A_440 = arith.addi %mul3A_303, %add3A_439 : i32
      %get3A_441 = arith.index_cast %add3A_440 : i32 to index
      %get3A_442 = arith.constant 0 : index
      %get3A_443 = tpu.vector_load %arg16[%get3A_441, %get3A_442] {strides = array<i32>} : memref<512x64xf32, #tpu.memory_space<vmem>>, vector<1x16xf32>,
      %get3A_444 = vector.shape_cast %get3A_443 : vector<1x16xf32> to vector<16xf32>
      %mul3A_445 = vector.broadcast %squeeze3A_436 : f32 to vector<16xf32>
      %mul3A_446 = arith.mulf %get3A_444, %mul3A_445 : vector<16xf32>
      %mul3A_447 = vector.broadcast %squeeze3A_438 : f32 to vector<16xf32>
      %mul3A_448 = arith.mulf %get3A_4, %mul3A_447 : vector<16xf32>
      %add3A_449 = arith.addf %mul3A_446, %mul3A_448 : vector<16xf32>
      %swap3A_450 = arith.index_cast %add3A_440 : i32 to index
      %swap3A_451 = arith.constant 0 : index
      %swap3A_452 = tpu.vector_load %arg16[%swap3A_450, %swap3A_451] {strides = array<i32>} : memref<512x64xf32, #tpu.memory_space<vmem>>, vector<1x16xf32>,
      %swap3A_453 = vector.shape_cast %swap3A_452 : vector<1x16xf32> to vector<16xf32>
      %swap3A_454 = vector.shape_cast %add3A_449 : vector<16xf32> to vector<1x16xf32>
      tpu.vector_store %arg16[%swap3A_450, %swap3A_451], %swap3A_454 {strides = array<i32>} : memref<512x64xf32, #tpu.memory_space<vmem>>, vector<1x16xf32>,
      %get3A_455 = arith.index_cast %add3A_440 : i32 to index
      %get3A_456 = arith.constant 16 : index
      %get3A_457 = tpu.vector_load %arg16[%get3A_455, %get3A_456] {strides = array<i32>} : memref<512x64xf32, #tpu.memory_space<vmem>>, vector<1x16xf32>,
      %get3A_458 = vector.shape_cast %get3A_457 : vector<1x16xf32> to vector<16xf32>
      %mul3A_459 = vector.broadcast %squeeze3A_436 : f32 to vector<16xf32>
      %mul3A_460 = arith.mulf %get3A_458, %mul3A_459 : vector<16xf32>
      %mul3A_461 = vector.broadcast %squeeze3A_438 : f32 to vector<16xf32>
      %mul3A_462 = arith.mulf %get3A_7, %mul3A_461 : vector<16xf32>
      %add3A_463 = arith.addf %mul3A_460, %mul3A_462 : vector<16xf32>
      %swap3A_464 = arith.index_cast %add3A_440 : i32 to index
      %swap3A_465 = arith.constant 16 : index
      %swap3A_466 = tpu.vector_load %arg16[%swap3A_464, %swap3A_465] {strides = array<i32>} : memref<512x64xf32, #tpu.memory_space<vmem>>, vector<1x16xf32>,
      %swap3A_467 = vector.shape_cast %swap3A_466 : vector<1x16xf32> to vector<16xf32>
      %swap3A_468 = vector.shape_cast %add3A_463 : vector<16xf32> to vector<1x16xf32>
      tpu.vector_store %arg16[%swap3A_464, %swap3A_465], %swap3A_468 {strides = array<i32>} : memref<512x64xf32, #tpu.memory_space<vmem>>, vector<1x16xf32>,
      %get3A_469 = arith.index_cast %add3A_440 : i32 to index
      %get3A_470 = arith.constant 32 : index
      %get3A_471 = tpu.vector_load %arg16[%get3A_469, %get3A_470] {strides = array<i32>} : memref<512x64xf32, #tpu.memory_space<vmem>>, vector<1x16xf32>,
      %get3A_472 = vector.shape_cast %get3A_471 : vector<1x16xf32> to vector<16xf32>
      %mul3A_473 = vector.broadcast %squeeze3A_436 : f32 to vector<16xf32>
      %mul3A_474 = arith.mulf %get3A_472, %mul3A_473 : vector<16xf32>
      %mul3A_475 = vector.broadcast %squeeze3A_438 : f32 to vector<16xf32>
      %mul3A_476 = arith.mulf %get3A_10, %mul3A_475 : vector<16xf32>
      %add3A_477 = arith.addf %mul3A_474, %mul3A_476 : vector<16xf32>
      %swap3A_478 = arith.index_cast %add3A_440 : i32 to index
      %swap3A_479 = arith.constant 32 : index
      %swap3A_480 = tpu.vector_load %arg16[%swap3A_478, %swap3A_479] {strides = array<i32>} : memref<512x64xf32, #tpu.memory_space<vmem>>, vector<1x16xf32>,
      %swap3A_481 = vector.shape_cast %swap3A_480 : vector<1x16xf32> to vector<16xf32>
      %swap3A_482 = vector.shape_cast %add3A_477 : vector<16xf32> to vector<1x16xf32>
      tpu.vector_store %arg16[%swap3A_478, %swap3A_479], %swap3A_482 {strides = array<i32>} : memref<512x64xf32, #tpu.memory_space<vmem>>, vector<1x16xf32>,
      %get3A_483 = arith.index_cast %add3A_440 : i32 to index
      %get3A_484 = arith.constant 48 : index
      %get3A_485 = tpu.vector_load %arg16[%get3A_483, %get3A_484] {strides = array<i32>} : memref<512x64xf32, #tpu.memory_space<vmem>>, vector<1x16xf32>,
      %get3A_486 = vector.shape_cast %get3A_485 : vector<1x16xf32> to vector<16xf32>
      %mul3A_487 = vector.broadcast %squeeze3A_436 : f32 to vector<16xf32>
      %mul3A_488 = arith.mulf %get3A_486, %mul3A_487 : vector<16xf32>
      %mul3A_489 = vector.broadcast %squeeze3A_438 : f32 to vector<16xf32>
      %mul3A_490 = arith.mulf %get3A_13, %mul3A_489 : vector<16xf32>
      %add3A_491 = arith.addf %mul3A_488, %mul3A_490 : vector<16xf32>
      %swap3A_492 = arith.index_cast %add3A_440 : i32 to index
      %swap3A_493 = arith.constant 48 : index
      %swap3A_494 = tpu.vector_load %arg16[%swap3A_492, %swap3A_493] {strides = array<i32>} : memref<512x64xf32, #tpu.memory_space<vmem>>, vector<1x16xf32>,
      %swap3A_495 = vector.shape_cast %swap3A_494 : vector<1x16xf32> to vector<16xf32>
      %swap3A_496 = vector.shape_cast %add3A_491 : vector<16xf32> to vector<1x16xf32>
      tpu.vector_store %arg16[%swap3A_492, %swap3A_493], %swap3A_496 {strides = array<i32>} : memref<512x64xf32, #tpu.memory_space<vmem>>, vector<1x16xf32>,
      %slice3A_497 = vector.extract_strided_slice %get3A_308 {offsets = [3], sizes = [1], strides = [1]} : vector<16xf32> to vector<1xf32>
      %squeeze3A_498 = vector.extract %slice3A_497[0] : f32 from vector<1xf32>
      %slice3A_499 = vector.extract_strided_slice %get3A_313 {offsets = [3], sizes = [1], strides = [1]} : vector<16xf32> to vector<1xf32>
      %squeeze3A_500 = vector.extract %slice3A_499[0] : f32 from vector<1xf32>
      %add3A_501 = arith.constant 3 : i32
      %add3A_502 = arith.addi %mul3A_303, %add3A_501 : i32
      %get3A_503 = arith.index_cast %add3A_502 : i32 to index
      %get3A_504 = arith.constant 0 : index
      %get3A_505 = tpu.vector_load %arg16[%get3A_503, %get3A_504] {strides = array<i32>} : memref<512x64xf32, #tpu.memory_space<vmem>>, vector<1x16xf32>,
      %get3A_506 = vector.shape_cast %get3A_505 : vector<1x16xf32> to vector<16xf32>
      %mul3A_507 = vector.broadcast %squeeze3A_498 : f32 to vector<16xf32>
      %mul3A_508 = arith.mulf %get3A_506, %mul3A_507 : vector<16xf32>
      %mul3A_509 = vector.broadcast %squeeze3A_500 : f32 to vector<16xf32>
      %mul3A_510 = arith.mulf %get3A_4, %mul3A_509 : vector<16xf32>
      %add3A_511 = arith.addf %mul3A_508, %mul3A_510 : vector<16xf32>
      %swap3A_512 = arith.index_cast %add3A_502 : i32 to index
      %swap3A_513 = arith.constant 0 : index
      %swap3A_514 = tpu.vector_load %arg16[%swap3A_512, %swap3A_513] {strides = array<i32>} : memref<512x64xf32, #tpu.memory_space<vmem>>, vector<1x16xf32>,
      %swap3A_515 = vector.shape_cast %swap3A_514 : vector<1x16xf32> to vector<16xf32>
      %swap3A_516 = vector.shape_cast %add3A_511 : vector<16xf32> to vector<1x16xf32>
      tpu.vector_store %arg16[%swap3A_512, %swap3A_513], %swap3A_516 {strides = array<i32>} : memref<512x64xf32, #tpu.memory_space<vmem>>, vector<1x16xf32>,
      %get3A_517 = arith.index_cast %add3A_502 : i32 to index
      %get3A_518 = arith.constant 16 : index
      %get3A_519 = tpu.vector_load %arg16[%get3A_517, %get3A_518] {strides = array<i32>} : memref<512x64xf32, #tpu.memory_space<vmem>>, vector<1x16xf32>,
      %get3A_520 = vector.shape_cast %get3A_519 : vector<1x16xf32> to vector<16xf32>
      %mul3A_521 = vector.broadcast %squeeze3A_498 : f32 to vector<16xf32>
      %mul3A_522 = arith.mulf %get3A_520, %mul3A_521 : vector<16xf32>
      %mul3A_523 = vector.broadcast %squeeze3A_500 : f32 to vector<16xf32>
      %mul3A_524 = arith.mulf %get3A_7, %mul3A_523 : vector<16xf32>
      %add3A_525 = arith.addf %mul3A_522, %mul3A_524 : vector<16xf32>
      %swap3A_526 = arith.index_cast %add3A_502 : i32 to index
      %swap3A_527 = arith.constant 16 : index
      %swap3A_528 = tpu.vector_load %arg16[%swap3A_526, %swap3A_527] {strides = array<i32>} : memref<512x64xf32, #tpu.memory_space<vmem>>, vector<1x16xf32>,
      %swap3A_529 = vector.shape_cast %swap3A_528 : vector<1x16xf32> to vector<16xf32>
      %swap3A_530 = vector.shape_cast %add3A_525 : vector<16xf32> to vector<1x16xf32>
      tpu.vector_store %arg16[%swap3A_526, %swap3A_527], %swap3A_530 {strides = array<i32>} : memref<512x64xf32, #tpu.memory_space<vmem>>, vector<1x16xf32>,
      %get3A_531 = arith.index_cast %add3A_502 : i32 to index
      %get3A_532 = arith.constant 32 : index
      %get3A_533 = tpu.vector_load %arg16[%get3A_531, %get3A_532] {strides = array<i32>} : memref<512x64xf32, #tpu.memory_space<vmem>>, vector<1x16xf32>,
      %get3A_534 = vector.shape_cast %get3A_533 : vector<1x16xf32> to vector<16xf32>
      %mul3A_535 = vector.broadcast %squeeze3A_498 : f32 to vector<16xf32>
      %mul3A_536 = arith.mulf %get3A_534, %mul3A_535 : vector<16xf32>
      %mul3A_537 = vector.broadcast %squeeze3A_500 : f32 to vector<16xf32>
      %mul3A_538 = arith.mulf %get3A_10, %mul3A_537 : vector<16xf32>
      %add3A_539 = arith.addf %mul3A_536, %mul3A_538 : vector<16xf32>
      %swap3A_540 = arith.index_cast %add3A_502 : i32 to index
      %swap3A_541 = arith.constant 32 : index
      %swap3A_542 = tpu.vector_load %arg16[%swap3A_540, %swap3A_541] {strides = array<i32>} : memref<512x64xf32, #tpu.memory_space<vmem>>, vector<1x16xf32>,
      %swap3A_543 = vector.shape_cast %swap3A_542 : vector<1x16xf32> to vector<16xf32>
      %swap3A_544 = vector.shape_cast %add3A_539 : vector<16xf32> to vector<1x16xf32>
      tpu.vector_store %arg16[%swap3A_540, %swap3A_541], %swap3A_544 {strides = array<i32>} : memref<512x64xf32, #tpu.memory_space<vmem>>, vector<1x16xf32>,
      %get3A_545 = arith.index_cast %add3A_502 : i32 to index
      %get3A_546 = arith.constant 48 : index
      %get3A_547 = tpu.vector_load %arg16[%get3A_545, %get3A_546] {strides = array<i32>} : memref<512x64xf32, #tpu.memory_space<vmem>>, vector<1x16xf32>,
      %get3A_548 = vector.shape_cast %get3A_547 : vector<1x16xf32> to vector<16xf32>
      %mul3A_549 = vector.broadcast %squeeze3A_498 : f32 to vector<16xf32>
      %mul3A_550 = arith.mulf %get3A_548, %mul3A_549 : vector<16xf32>
      %mul3A_551 = vector.broadcast %squeeze3A_500 : f32 to vector<16xf32>
      %mul3A_552 = arith.mulf %get3A_13, %mul3A_551 : vector<16xf32>
      %add3A_553 = arith.addf %mul3A_550, %mul3A_552 : vector<16xf32>
      %swap3A_554 = arith.index_cast %add3A_502 : i32 to index
      %swap3A_555 = arith.constant 48 : index
      %swap3A_556 = tpu.vector_load %arg16[%swap3A_554, %swap3A_555] {strides = array<i32>} : memref<512x64xf32, #tpu.memory_space<vmem>>, vector<1x16xf32>,
      %swap3A_557 = vector.shape_cast %swap3A_556 : vector<1x16xf32> to vector<16xf32>
      %swap3A_558 = vector.shape_cast %add3A_553 : vector<16xf32> to vector<1x16xf32>
      tpu.vector_store %arg16[%swap3A_554, %swap3A_555], %swap3A_558 {strides = array<i32>} : memref<512x64xf32, #tpu.memory_space<vmem>>, vector<1x16xf32>,
      %slice3A_559 = vector.extract_strided_slice %get3A_308 {offsets = [4], sizes = [1], strides = [1]} : vector<16xf32> to vector<1xf32>
      %squeeze3A_560 = vector.extract %slice3A_559[0] : f32 from vector<1xf32>
      %slice3A_561 = vector.extract_strided_slice %get3A_313 {offsets = [4], sizes = [1], strides = [1]} : vector<16xf32> to vector<1xf32>
      %squeeze3A_562 = vector.extract %slice3A_561[0] : f32 from vector<1xf32>
      %add3A_563 = arith.constant 4 : i32
      %add3A_564 = arith.addi %mul3A_303, %add3A_563 : i32
      %get3A_565 = arith.index_cast %add3A_564 : i32 to index
      %get3A_566 = arith.constant 0 : index
      %get3A_567 = tpu.vector_load %arg16[%get3A_565, %get3A_566] {strides = array<i32>} : memref<512x64xf32, #tpu.memory_space<vmem>>, vector<1x16xf32>,
      %get3A_568 = vector.shape_cast %get3A_567 : vector<1x16xf32> to vector<16xf32>
      %mul3A_569 = vector.broadcast %squeeze3A_560 : f32 to vector<16xf32>
      %mul3A_570 = arith.mulf %get3A_568, %mul3A_569 : vector<16xf32>
      %mul3A_571 = vector.broadcast %squeeze3A_562 : f32 to vector<16xf32>
      %mul3A_572 = arith.mulf %get3A_4, %mul3A_571 : vector<16xf32>
      %add3A_573 = arith.addf %mul3A_570, %mul3A_572 : vector<16xf32>
      %swap3A_574 = arith.index_cast %add3A_564 : i32 to index
      %swap3A_575 = arith.constant 0 : index
      %swap3A_576 = tpu.vector_load %arg16[%swap3A_574, %swap3A_575] {strides = array<i32>} : memref<512x64xf32, #tpu.memory_space<vmem>>, vector<1x16xf32>,
      %swap3A_577 = vector.shape_cast %swap3A_576 : vector<1x16xf32> to vector<16xf32>
      %swap3A_578 = vector.shape_cast %add3A_573 : vector<16xf32> to vector<1x16xf32>
      tpu.vector_store %arg16[%swap3A_574, %swap3A_575], %swap3A_578 {strides = array<i32>} : memref<512x64xf32, #tpu.memory_space<vmem>>, vector<1x16xf32>,
      %get3A_579 = arith.index_cast %add3A_564 : i32 to index
      %get3A_580 = arith.constant 16 : index
      %get3A_581 = tpu.vector_load %arg16[%get3A_579, %get3A_580] {strides = array<i32>} : memref<512x64xf32, #tpu.memory_space<vmem>>, vector<1x16xf32>,
      %get3A_582 = vector.shape_cast %get3A_581 : vector<1x16xf32> to vector<16xf32>
      %mul3A_583 = vector.broadcast %squeeze3A_560 : f32 to vector<16xf32>
      %mul3A_584 = arith.mulf %get3A_582, %mul3A_583 : vector<16xf32>
      %mul3A_585 = vector.broadcast %squeeze3A_562 : f32 to vector<16xf32>
      %mul3A_586 = arith.mulf %get3A_7, %mul3A_585 : vector<16xf32>
      %add3A_587 = arith.addf %mul3A_584, %mul3A_586 : vector<16xf32>
      %swap3A_588 = arith.index_cast %add3A_564 : i32 to index
      %swap3A_589 = arith.constant 16 : index
      %swap3A_590 = tpu.vector_load %arg16[%swap3A_588, %swap3A_589] {strides = array<i32>} : memref<512x64xf32, #tpu.memory_space<vmem>>, vector<1x16xf32>,
      %swap3A_591 = vector.shape_cast %swap3A_590 : vector<1x16xf32> to vector<16xf32>
      %swap3A_592 = vector.shape_cast %add3A_587 : vector<16xf32> to vector<1x16xf32>
      tpu.vector_store %arg16[%swap3A_588, %swap3A_589], %swap3A_592 {strides = array<i32>} : memref<512x64xf32, #tpu.memory_space<vmem>>, vector<1x16xf32>,
      %get3A_593 = arith.index_cast %add3A_564 : i32 to index
      %get3A_594 = arith.constant 32 : index
      %get3A_595 = tpu.vector_load %arg16[%get3A_593, %get3A_594] {strides = array<i32>} : memref<512x64xf32, #tpu.memory_space<vmem>>, vector<1x16xf32>,
      %get3A_596 = vector.shape_cast %get3A_595 : vector<1x16xf32> to vector<16xf32>
      %mul3A_597 = vector.broadcast %squeeze3A_560 : f32 to vector<16xf32>
      %mul3A_598 = arith.mulf %get3A_596, %mul3A_597 : vector<16xf32>
      %mul3A_599 = vector.broadcast %squeeze3A_562 : f32 to vector<16xf32>
      %mul3A_600 = arith.mulf %get3A_10, %mul3A_599 : vector<16xf32>
      %add3A_601 = arith.addf %mul3A_598, %mul3A_600 : vector<16xf32>
      %swap3A_602 = arith.index_cast %add3A_564 : i32 to index
      %swap3A_603 = arith.constant 32 : index
      %swap3A_604 = tpu.vector_load %arg16[%swap3A_602, %swap3A_603] {strides = array<i32>} : memref<512x64xf32, #tpu.memory_space<vmem>>, vector<1x16xf32>,
      %swap3A_605 = vector.shape_cast %swap3A_604 : vector<1x16xf32> to vector<16xf32>
      %swap3A_606 = vector.shape_cast %add3A_601 : vector<16xf32> to vector<1x16xf32>
      tpu.vector_store %arg16[%swap3A_602, %swap3A_603], %swap3A_606 {strides = array<i32>} : memref<512x64xf32, #tpu.memory_space<vmem>>, vector<1x16xf32>,
      %get3A_607 = arith.index_cast %add3A_564 : i32 to index
      %get3A_608 = arith.constant 48 : index
      %get3A_609 = tpu.vector_load %arg16[%get3A_607, %get3A_608] {strides = array<i32>} : memref<512x64xf32, #tpu.memory_space<vmem>>, vector<1x16xf32>,
      %get3A_610 = vector.shape_cast %get3A_609 : vector<1x16xf32> to vector<16xf32>
      %mul3A_611 = vector.broadcast %squeeze3A_560 : f32 to vector<16xf32>
      %mul3A_612 = arith.mulf %get3A_610, %mul3A_611 : vector<16xf32>
      %mul3A_613 = vector.broadcast %squeeze3A_562 : f32 to vector<16xf32>
      %mul3A_614 = arith.mulf %get3A_13, %mul3A_613 : vector<16xf32>
      %add3A_615 = arith.addf %mul3A_612, %mul3A_614 : vector<16xf32>
      %swap3A_616 = arith.index_cast %add3A_564 : i32 to index
      %swap3A_617 = arith.constant 48 : index
      %swap3A_618 = tpu.vector_load %arg16[%swap3A_616, %swap3A_617] {strides = array<i32>} : memref<512x64xf32, #tpu.memory_space<vmem>>, vector<1x16xf32>,
      %swap3A_619 = vector.shape_cast %swap3A_618 : vector<1x16xf32> to vector<16xf32>
      %swap3A_620 = vector.shape_cast %add3A_615 : vector<16xf32> to vector<1x16xf32>
      tpu.vector_store %arg16[%swap3A_616, %swap3A_617], %swap3A_620 {strides = array<i32>} : memref<512x64xf32, #tpu.memory_space<vmem>>, vector<1x16xf32>,
      %slice3A_621 = vector.extract_strided_slice %get3A_308 {offsets = [5], sizes = [1], strides = [1]} : vector<16xf32> to vector<1xf32>
      %squeeze3A_622 = vector.extract %slice3A_621[0] : f32 from vector<1xf32>
      %slice3A_623 = vector.extract_strided_slice %get3A_313 {offsets = [5], sizes = [1], strides = [1]} : vector<16xf32> to vector<1xf32>
      %squeeze3A_624 = vector.extract %slice3A_623[0] : f32 from vector<1xf32>
      %add3A_625 = arith.constant 5 : i32
      %add3A_626 = arith.addi %mul3A_303, %add3A_625 : i32
      %get3A_627 = arith.index_cast %add3A_626 : i32 to index
      %get3A_628 = arith.constant 0 : index
      %get3A_629 = tpu.vector_load %arg16[%get3A_627, %get3A_628] {strides = array<i32>} : memref<512x64xf32, #tpu.memory_space<vmem>>, vector<1x16xf32>,
      %get3A_630 = vector.shape_cast %get3A_629 : vector<1x16xf32> to vector<16xf32>
      %mul3A_631 = vector.broadcast %squeeze3A_622 : f32 to vector<16xf32>
      %mul3A_632 = arith.mulf %get3A_630, %mul3A_631 : vector<16xf32>
      %mul3A_633 = vector.broadcast %squeeze3A_624 : f32 to vector<16xf32>
      %mul3A_634 = arith.mulf %get3A_4, %mul3A_633 : vector<16xf32>
      %add3A_635 = arith.addf %mul3A_632, %mul3A_634 : vector<16xf32>
      %swap3A_636 = arith.index_cast %add3A_626 : i32 to index
      %swap3A_637 = arith.constant 0 : index
      %swap3A_638 = tpu.vector_load %arg16[%swap3A_636, %swap3A_637] {strides = array<i32>} : memref<512x64xf32, #tpu.memory_space<vmem>>, vector<1x16xf32>,
      %swap3A_639 = vector.shape_cast %swap3A_638 : vector<1x16xf32> to vector<16xf32>
      %swap3A_640 = vector.shape_cast %add3A_635 : vector<16xf32> to vector<1x16xf32>
      tpu.vector_store %arg16[%swap3A_636, %swap3A_637], %swap3A_640 {strides = array<i32>} : memref<512x64xf32, #tpu.memory_space<vmem>>, vector<1x16xf32>,
      %get3A_641 = arith.index_cast %add3A_626 : i32 to index
      %get3A_642 = arith.constant 16 : index
      %get3A_643 = tpu.vector_load %arg16[%get3A_641, %get3A_642] {strides = array<i32>} : memref<512x64xf32, #tpu.memory_space<vmem>>, vector<1x16xf32>,
      %get3A_644 = vector.shape_cast %get3A_643 : vector<1x16xf32> to vector<16xf32>
      %mul3A_645 = vector.broadcast %squeeze3A_622 : f32 to vector<16xf32>
      %mul3A_646 = arith.mulf %get3A_644, %mul3A_645 : vector<16xf32>
      %mul3A_647 = vector.broadcast %squeeze3A_624 : f32 to vector<16xf32>
      %mul3A_648 = arith.mulf %get3A_7, %mul3A_647 : vector<16xf32>
      %add3A_649 = arith.addf %mul3A_646, %mul3A_648 : vector<16xf32>
      %swap3A_650 = arith.index_cast %add3A_626 : i32 to index
      %swap3A_651 = arith.constant 16 : index
      %swap3A_652 = tpu.vector_load %arg16[%swap3A_650, %swap3A_651] {strides = array<i32>} : memref<512x64xf32, #tpu.memory_space<vmem>>, vector<1x16xf32>,
      %swap3A_653 = vector.shape_cast %swap3A_652 : vector<1x16xf32> to vector<16xf32>
      %swap3A_654 = vector.shape_cast %add3A_649 : vector<16xf32> to vector<1x16xf32>
      tpu.vector_store %arg16[%swap3A_650, %swap3A_651], %swap3A_654 {strides = array<i32>} : memref<512x64xf32, #tpu.memory_space<vmem>>, vector<1x16xf32>,
      %get3A_655 = arith.index_cast %add3A_626 : i32 to index
      %get3A_656 = arith.constant 32 : index
      %get3A_657 = tpu.vector_load %arg16[%get3A_655, %get3A_656] {strides = array<i32>} : memref<512x64xf32, #tpu.memory_space<vmem>>, vector<1x16xf32>,
      %get3A_658 = vector.shape_cast %get3A_657 : vector<1x16xf32> to vector<16xf32>
      %mul3A_659 = vector.broadcast %squeeze3A_622 : f32 to vector<16xf32>
      %mul3A_660 = arith.mulf %get3A_658, %mul3A_659 : vector<16xf32>
      %mul3A_661 = vector.broadcast %squeeze3A_624 : f32 to vector<16xf32>
      %mul3A_662 = arith.mulf %get3A_10, %mul3A_661 : vector<16xf32>
      %add3A_663 = arith.addf %mul3A_660, %mul3A_662 : vector<16xf32>
      %swap3A_664 = arith.index_cast %add3A_626 : i32 to index
      %swap3A_665 = arith.constant 32 : index
      %swap3A_666 = tpu.vector_load %arg16[%swap3A_664, %swap3A_665] {strides = array<i32>} : memref<512x64xf32, #tpu.memory_space<vmem>>, vector<1x16xf32>,
      %swap3A_667 = vector.shape_cast %swap3A_666 : vector<1x16xf32> to vector<16xf32>
      %swap3A_668 = vector.shape_cast %add3A_663 : vector<16xf32> to vector<1x16xf32>
      tpu.vector_store %arg16[%swap3A_664, %swap3A_665], %swap3A_668 {strides = array<i32>} : memref<512x64xf32, #tpu.memory_space<vmem>>, vector<1x16xf32>,
      %get3A_669 = arith.index_cast %add3A_626 : i32 to index
      %get3A_670 = arith.constant 48 : index
      %get3A_671 = tpu.vector_load %arg16[%get3A_669, %get3A_670] {strides = array<i32>} : memref<512x64xf32, #tpu.memory_space<vmem>>, vector<1x16xf32>,
      %get3A_672 = vector.shape_cast %get3A_671 : vector<1x16xf32> to vector<16xf32>
      %mul3A_673 = vector.broadcast %squeeze3A_622 : f32 to vector<16xf32>
      %mul3A_674 = arith.mulf %get3A_672, %mul3A_673 : vector<16xf32>
      %mul3A_675 = vector.broadcast %squeeze3A_624 : f32 to vector<16xf32>
      %mul3A_676 = arith.mulf %get3A_13, %mul3A_675 : vector<16xf32>
      %add3A_677 = arith.addf %mul3A_674, %mul3A_676 : vector<16xf32>
      %swap3A_678 = arith.index_cast %add3A_626 : i32 to index
      %swap3A_679 = arith.constant 48 : index
      %swap3A_680 = tpu.vector_load %arg16[%swap3A_678, %swap3A_679] {strides = array<i32>} : memref<512x64xf32, #tpu.memory_space<vmem>>, vector<1x16xf32>,
      %swap3A_681 = vector.shape_cast %swap3A_680 : vector<1x16xf32> to vector<16xf32>
      %swap3A_682 = vector.shape_cast %add3A_677 : vector<16xf32> to vector<1x16xf32>
      tpu.vector_store %arg16[%swap3A_678, %swap3A_679], %swap3A_682 {strides = array<i32>} : memref<512x64xf32, #tpu.memory_space<vmem>>, vector<1x16xf32>,
      %slice3A_683 = vector.extract_strided_slice %get3A_308 {offsets = [6], sizes = [1], strides = [1]} : vector<16xf32> to vector<1xf32>
      %squeeze3A_684 = vector.extract %slice3A_683[0] : f32 from vector<1xf32>
      %slice3A_685 = vector.extract_strided_slice %get3A_313 {offsets = [6], sizes = [1], strides = [1]} : vector<16xf32> to vector<1xf32>
      %squeeze3A_686 = vector.extract %slice3A_685[0] : f32 from vector<1xf32>
      %add3A_687 = arith.constant 6 : i32
      %add3A_688 = arith.addi %mul3A_303, %add3A_687 : i32
      %get3A_689 = arith.index_cast %add3A_688 : i32 to index
      %get3A_690 = arith.constant 0 : index
      %get3A_691 = tpu.vector_load %arg16[%get3A_689, %get3A_690] {strides = array<i32>} : memref<512x64xf32, #tpu.memory_space<vmem>>, vector<1x16xf32>,
      %get3A_692 = vector.shape_cast %get3A_691 : vector<1x16xf32> to vector<16xf32>
      %mul3A_693 = vector.broadcast %squeeze3A_684 : f32 to vector<16xf32>
      %mul3A_694 = arith.mulf %get3A_692, %mul3A_693 : vector<16xf32>
      %mul3A_695 = vector.broadcast %squeeze3A_686 : f32 to vector<16xf32>
      %mul3A_696 = arith.mulf %get3A_4, %mul3A_695 : vector<16xf32>
      %add3A_697 = arith.addf %mul3A_694, %mul3A_696 : vector<16xf32>
      %swap3A_698 = arith.index_cast %add3A_688 : i32 to index
      %swap3A_699 = arith.constant 0 : index
      %swap3A_700 = tpu.vector_load %arg16[%swap3A_698, %swap3A_699] {strides = array<i32>} : memref<512x64xf32, #tpu.memory_space<vmem>>, vector<1x16xf32>,
      %swap3A_701 = vector.shape_cast %swap3A_700 : vector<1x16xf32> to vector<16xf32>
      %swap3A_702 = vector.shape_cast %add3A_697 : vector<16xf32> to vector<1x16xf32>
      tpu.vector_store %arg16[%swap3A_698, %swap3A_699], %swap3A_702 {strides = array<i32>} : memref<512x64xf32, #tpu.memory_space<vmem>>, vector<1x16xf32>,
      %get3A_703 = arith.index_cast %add3A_688 : i32 to index
      %get3A_704 = arith.constant 16 : index
      %get3A_705 = tpu.vector_load %arg16[%get3A_703, %get3A_704] {strides = array<i32>} : memref<512x64xf32, #tpu.memory_space<vmem>>, vector<1x16xf32>,
      %get3A_706 = vector.shape_cast %get3A_705 : vector<1x16xf32> to vector<16xf32>
      %mul3A_707 = vector.broadcast %squeeze3A_684 : f32 to vector<16xf32>
      %mul3A_708 = arith.mulf %get3A_706, %mul3A_707 : vector<16xf32>
      %mul3A_709 = vector.broadcast %squeeze3A_686 : f32 to vector<16xf32>
      %mul3A_710 = arith.mulf %get3A_7, %mul3A_709 : vector<16xf32>
      %add3A_711 = arith.addf %mul3A_708, %mul3A_710 : vector<16xf32>
      %swap3A_712 = arith.index_cast %add3A_688 : i32 to index
      %swap3A_713 = arith.constant 16 : index
      %swap3A_714 = tpu.vector_load %arg16[%swap3A_712, %swap3A_713] {strides = array<i32>} : memref<512x64xf32, #tpu.memory_space<vmem>>, vector<1x16xf32>,
      %swap3A_715 = vector.shape_cast %swap3A_714 : vector<1x16xf32> to vector<16xf32>
      %swap3A_716 = vector.shape_cast %add3A_711 : vector<16xf32> to vector<1x16xf32>
      tpu.vector_store %arg16[%swap3A_712, %swap3A_713], %swap3A_716 {strides = array<i32>} : memref<512x64xf32, #tpu.memory_space<vmem>>, vector<1x16xf32>,
      %get3A_717 = arith.index_cast %add3A_688 : i32 to index
      %get3A_718 = arith.constant 32 : index
      %get3A_719 = tpu.vector_load %arg16[%get3A_717, %get3A_718] {strides = array<i32>} : memref<512x64xf32, #tpu.memory_space<vmem>>, vector<1x16xf32>,
      %get3A_720 = vector.shape_cast %get3A_719 : vector<1x16xf32> to vector<16xf32>
      %mul3A_721 = vector.broadcast %squeeze3A_684 : f32 to vector<16xf32>
      %mul3A_722 = arith.mulf %get3A_720, %mul3A_721 : vector<16xf32>
      %mul3A_723 = vector.broadcast %squeeze3A_686 : f32 to vector<16xf32>
      %mul3A_724 = arith.mulf %get3A_10, %mul3A_723 : vector<16xf32>
      %add3A_725 = arith.addf %mul3A_722, %mul3A_724 : vector<16xf32>
      %swap3A_726 = arith.index_cast %add3A_688 : i32 to index
      %swap3A_727 = arith.constant 32 : index
      %swap3A_728 = tpu.vector_load %arg16[%swap3A_726, %swap3A_727] {strides = array<i32>} : memref<512x64xf32, #tpu.memory_space<vmem>>, vector<1x16xf32>,
      %swap3A_729 = vector.shape_cast %swap3A_728 : vector<1x16xf32> to vector<16xf32>
      %swap3A_730 = vector.shape_cast %add3A_725 : vector<16xf32> to vector<1x16xf32>
      tpu.vector_store %arg16[%swap3A_726, %swap3A_727], %swap3A_730 {strides = array<i32>} : memref<512x64xf32, #tpu.memory_space<vmem>>, vector<1x16xf32>,
      %get3A_731 = arith.index_cast %add3A_688 : i32 to index
      %get3A_732 = arith.constant 48 : index
      %get3A_733 = tpu.vector_load %arg16[%get3A_731, %get3A_732] {strides = array<i32>} : memref<512x64xf32, #tpu.memory_space<vmem>>, vector<1x16xf32>,
      %get3A_734 = vector.shape_cast %get3A_733 : vector<1x16xf32> to vector<16xf32>
      %mul3A_735 = vector.broadcast %squeeze3A_684 : f32 to vector<16xf32>
      %mul3A_736 = arith.mulf %get3A_734, %mul3A_735 : vector<16xf32>
      %mul3A_737 = vector.broadcast %squeeze3A_686 : f32 to vector<16xf32>
      %mul3A_738 = arith.mulf %get3A_13, %mul3A_737 : vector<16xf32>
      %add3A_739 = arith.addf %mul3A_736, %mul3A_738 : vector<16xf32>
      %swap3A_740 = arith.index_cast %add3A_688 : i32 to index
      %swap3A_741 = arith.constant 48 : index
      %swap3A_742 = tpu.vector_load %arg16[%swap3A_740, %swap3A_741] {strides = array<i32>} : memref<512x64xf32, #tpu.memory_space<vmem>>, vector<1x16xf32>,
      %swap3A_743 = vector.shape_cast %swap3A_742 : vector<1x16xf32> to vector<16xf32>
      %swap3A_744 = vector.shape_cast %add3A_739 : vector<16xf32> to vector<1x16xf32>
      tpu.vector_store %arg16[%swap3A_740, %swap3A_741], %swap3A_744 {strides = array<i32>} : memref<512x64xf32, #tpu.memory_space<vmem>>, vector<1x16xf32>,
      %slice3A_745 = vector.extract_strided_slice %get3A_308 {offsets = [7], sizes = [1], strides = [1]} : vector<16xf32> to vector<1xf32>
      %squeeze3A_746 = vector.extract %slice3A_745[0] : f32 from vector<1xf32>
      %slice3A_747 = vector.extract_strided_slice %get3A_313 {offsets = [7], sizes = [1], strides = [1]} : vector<16xf32> to vector<1xf32>
      %squeeze3A_748 = vector.extract %slice3A_747[0] : f32 from vector<1xf32>
      %add3A_749 = arith.constant 7 : i32
      %add3A_750 = arith.addi %mul3A_303, %add3A_749 : i32
      %get3A_751 = arith.index_cast %add3A_750 : i32 to index
      %get3A_752 = arith.constant 0 : index
      %get3A_753 = tpu.vector_load %arg16[%get3A_751, %get3A_752] {strides = array<i32>} : memref<512x64xf32, #tpu.memory_space<vmem>>, vector<1x16xf32>,
      %get3A_754 = vector.shape_cast %get3A_753 : vector<1x16xf32> to vector<16xf32>
      %mul3A_755 = vector.broadcast %squeeze3A_746 : f32 to vector<16xf32>
      %mul3A_756 = arith.mulf %get3A_754, %mul3A_755 : vector<16xf32>
      %mul3A_757 = vector.broadcast %squeeze3A_748 : f32 to vector<16xf32>
      %mul3A_758 = arith.mulf %get3A_4, %mul3A_757 : vector<16xf32>
      %add3A_759 = arith.addf %mul3A_756, %mul3A_758 : vector<16xf32>
      %swap3A_760 = arith.index_cast %add3A_750 : i32 to index
      %swap3A_761 = arith.constant 0 : index
      %swap3A_762 = tpu.vector_load %arg16[%swap3A_760, %swap3A_761] {strides = array<i32>} : memref<512x64xf32, #tpu.memory_space<vmem>>, vector<1x16xf32>,
      %swap3A_763 = vector.shape_cast %swap3A_762 : vector<1x16xf32> to vector<16xf32>
      %swap3A_764 = vector.shape_cast %add3A_759 : vector<16xf32> to vector<1x16xf32>
      tpu.vector_store %arg16[%swap3A_760, %swap3A_761], %swap3A_764 {strides = array<i32>} : memref<512x64xf32, #tpu.memory_space<vmem>>, vector<1x16xf32>,
      %get3A_765 = arith.index_cast %add3A_750 : i32 to index
      %get3A_766 = arith.constant 16 : index
      %get3A_767 = tpu.vector_load %arg16[%get3A_765, %get3A_766] {strides = array<i32>} : memref<512x64xf32, #tpu.memory_space<vmem>>, vector<1x16xf32>,
      %get3A_768 = vector.shape_cast %get3A_767 : vector<1x16xf32> to vector<16xf32>
      %mul3A_769 = vector.broadcast %squeeze3A_746 : f32 to vector<16xf32>
      %mul3A_770 = arith.mulf %get3A_768, %mul3A_769 : vector<16xf32>
      %mul3A_771 = vector.broadcast %squeeze3A_748 : f32 to vector<16xf32>
      %mul3A_772 = arith.mulf %get3A_7, %mul3A_771 : vector<16xf32>
      %add3A_773 = arith.addf %mul3A_770, %mul3A_772 : vector<16xf32>
      %swap3A_774 = arith.index_cast %add3A_750 : i32 to index
      %swap3A_775 = arith.constant 16 : index
      %swap3A_776 = tpu.vector_load %arg16[%swap3A_774, %swap3A_775] {strides = array<i32>} : memref<512x64xf32, #tpu.memory_space<vmem>>, vector<1x16xf32>,
      %swap3A_777 = vector.shape_cast %swap3A_776 : vector<1x16xf32> to vector<16xf32>
      %swap3A_778 = vector.shape_cast %add3A_773 : vector<16xf32> to vector<1x16xf32>
      tpu.vector_store %arg16[%swap3A_774, %swap3A_775], %swap3A_778 {strides = array<i32>} : memref<512x64xf32, #tpu.memory_space<vmem>>, vector<1x16xf32>,
      %get3A_779 = arith.index_cast %add3A_750 : i32 to index
      %get3A_780 = arith.constant 32 : index
      %get3A_781 = tpu.vector_load %arg16[%get3A_779, %get3A_780] {strides = array<i32>} : memref<512x64xf32, #tpu.memory_space<vmem>>, vector<1x16xf32>,
      %get3A_782 = vector.shape_cast %get3A_781 : vector<1x16xf32> to vector<16xf32>
      %mul3A_783 = vector.broadcast %squeeze3A_746 : f32 to vector<16xf32>
      %mul3A_784 = arith.mulf %get3A_782, %mul3A_783 : vector<16xf32>
      %mul3A_785 = vector.broadcast %squeeze3A_748 : f32 to vector<16xf32>
      %mul3A_786 = arith.mulf %get3A_10, %mul3A_785 : vector<16xf32>
      %add3A_787 = arith.addf %mul3A_784, %mul3A_786 : vector<16xf32>
      %swap3A_788 = arith.index_cast %add3A_750 : i32 to index
      %swap3A_789 = arith.constant 32 : index
      %swap3A_790 = tpu.vector_load %arg16[%swap3A_788, %swap3A_789] {strides = array<i32>} : memref<512x64xf32, #tpu.memory_space<vmem>>, vector<1x16xf32>,
      %swap3A_791 = vector.shape_cast %swap3A_790 : vector<1x16xf32> to vector<16xf32>
      %swap3A_792 = vector.shape_cast %add3A_787 : vector<16xf32> to vector<1x16xf32>
      tpu.vector_store %arg16[%swap3A_788, %swap3A_789], %swap3A_792 {strides = array<i32>} : memref<512x64xf32, #tpu.memory_space<vmem>>, vector<1x16xf32>,
      %get3A_793 = arith.index_cast %add3A_750 : i32 to index
      %get3A_794 = arith.constant 48 : index
      %get3A_795 = tpu.vector_load %arg16[%get3A_793, %get3A_794] {strides = array<i32>} : memref<512x64xf32, #tpu.memory_space<vmem>>, vector<1x16xf32>,
      %get3A_796 = vector.shape_cast %get3A_795 : vector<1x16xf32> to vector<16xf32>
      %mul3A_797 = vector.broadcast %squeeze3A_746 : f32 to vector<16xf32>
      %mul3A_798 = arith.mulf %get3A_796, %mul3A_797 : vector<16xf32>
      %mul3A_799 = vector.broadcast %squeeze3A_748 : f32 to vector<16xf32>
      %mul3A_800 = arith.mulf %get3A_13, %mul3A_799 : vector<16xf32>
      %add3A_801 = arith.addf %mul3A_798, %mul3A_800 : vector<16xf32>
      %swap3A_802 = arith.index_cast %add3A_750 : i32 to index
      %swap3A_803 = arith.constant 48 : index
      %swap3A_804 = tpu.vector_load %arg16[%swap3A_802, %swap3A_803] {strides = array<i32>} : memref<512x64xf32, #tpu.memory_space<vmem>>, vector<1x16xf32>,
      %swap3A_805 = vector.shape_cast %swap3A_804 : vector<1x16xf32> to vector<16xf32>
      %swap3A_806 = vector.shape_cast %add3A_801 : vector<16xf32> to vector<1x16xf32>
      tpu.vector_store %arg16[%swap3A_802, %swap3A_803], %swap3A_806 {strides = array<i32>} : memref<512x64xf32, #tpu.memory_space<vmem>>, vector<1x16xf32>,
      %slice3A_807 = vector.extract_strided_slice %get3A_308 {offsets = [8], sizes = [1], strides = [1]} : vector<16xf32> to vector<1xf32>
      %squeeze3A_808 = vector.extract %slice3A_807[0] : f32 from vector<1xf32>
      %slice3A_809 = vector.extract_strided_slice %get3A_313 {offsets = [8], sizes = [1], strides = [1]} : vector<16xf32> to vector<1xf32>
      %squeeze3A_810 = vector.extract %slice3A_809[0] : f32 from vector<1xf32>
      %add3A_811 = arith.constant 8 : i32
      %add3A_812 = arith.addi %mul3A_303, %add3A_811 : i32
      %get3A_813 = arith.index_cast %add3A_812 : i32 to index
      %get3A_814 = arith.constant 0 : index
      %get3A_815 = tpu.vector_load %arg16[%get3A_813, %get3A_814] {strides = array<i32>} : memref<512x64xf32, #tpu.memory_space<vmem>>, vector<1x16xf32>,
      %get3A_816 = vector.shape_cast %get3A_815 : vector<1x16xf32> to vector<16xf32>
      %mul3A_817 = vector.broadcast %squeeze3A_808 : f32 to vector<16xf32>
      %mul3A_818 = arith.mulf %get3A_816, %mul3A_817 : vector<16xf32>
      %mul3A_819 = vector.broadcast %squeeze3A_810 : f32 to vector<16xf32>
      %mul3A_820 = arith.mulf %get3A_4, %mul3A_819 : vector<16xf32>
      %add3A_821 = arith.addf %mul3A_818, %mul3A_820 : vector<16xf32>
      %swap3A_822 = arith.index_cast %add3A_812 : i32 to index
      %swap3A_823 = arith.constant 0 : index
      %swap3A_824 = tpu.vector_load %arg16[%swap3A_822, %swap3A_823] {strides = array<i32>} : memref<512x64xf32, #tpu.memory_space<vmem>>, vector<1x16xf32>,
      %swap3A_825 = vector.shape_cast %swap3A_824 : vector<1x16xf32> to vector<16xf32>
      %swap3A_826 = vector.shape_cast %add3A_821 : vector<16xf32> to vector<1x16xf32>
      tpu.vector_store %arg16[%swap3A_822, %swap3A_823], %swap3A_826 {strides = array<i32>} : memref<512x64xf32, #tpu.memory_space<vmem>>, vector<1x16xf32>,
      %get3A_827 = arith.index_cast %add3A_812 : i32 to index
      %get3A_828 = arith.constant 16 : index
      %get3A_829 = tpu.vector_load %arg16[%get3A_827, %get3A_828] {strides = array<i32>} : memref<512x64xf32, #tpu.memory_space<vmem>>, vector<1x16xf32>,
      %get3A_830 = vector.shape_cast %get3A_829 : vector<1x16xf32> to vector<16xf32>
      %mul3A_831 = vector.broadcast %squeeze3A_808 : f32 to vector<16xf32>
      %mul3A_832 = arith.mulf %get3A_830, %mul3A_831 : vector<16xf32>
      %mul3A_833 = vector.broadcast %squeeze3A_810 : f32 to vector<16xf32>
      %mul3A_834 = arith.mulf %get3A_7, %mul3A_833 : vector<16xf32>
      %add3A_835 = arith.addf %mul3A_832, %mul3A_834 : vector<16xf32>
      %swap3A_836 = arith.index_cast %add3A_812 : i32 to index
      %swap3A_837 = arith.constant 16 : index
      %swap3A_838 = tpu.vector_load %arg16[%swap3A_836, %swap3A_837] {strides = array<i32>} : memref<512x64xf32, #tpu.memory_space<vmem>>, vector<1x16xf32>,
      %swap3A_839 = vector.shape_cast %swap3A_838 : vector<1x16xf32> to vector<16xf32>
      %swap3A_840 = vector.shape_cast %add3A_835 : vector<16xf32> to vector<1x16xf32>
      tpu.vector_store %arg16[%swap3A_836, %swap3A_837], %swap3A_840 {strides = array<i32>} : memref<512x64xf32, #tpu.memory_space<vmem>>, vector<1x16xf32>,
      %get3A_841 = arith.index_cast %add3A_812 : i32 to index
      %get3A_842 = arith.constant 32 : index
      %get3A_843 = tpu.vector_load %arg16[%get3A_841, %get3A_842] {strides = array<i32>} : memref<512x64xf32, #tpu.memory_space<vmem>>, vector<1x16xf32>,
      %get3A_844 = vector.shape_cast %get3A_843 : vector<1x16xf32> to vector<16xf32>
      %mul3A_845 = vector.broadcast %squeeze3A_808 : f32 to vector<16xf32>
      %mul3A_846 = arith.mulf %get3A_844, %mul3A_845 : vector<16xf32>
      %mul3A_847 = vector.broadcast %squeeze3A_810 : f32 to vector<16xf32>
      %mul3A_848 = arith.mulf %get3A_10, %mul3A_847 : vector<16xf32>
      %add3A_849 = arith.addf %mul3A_846, %mul3A_848 : vector<16xf32>
      %swap3A_850 = arith.index_cast %add3A_812 : i32 to index
      %swap3A_851 = arith.constant 32 : index
      %swap3A_852 = tpu.vector_load %arg16[%swap3A_850, %swap3A_851] {strides = array<i32>} : memref<512x64xf32, #tpu.memory_space<vmem>>, vector<1x16xf32>,
      %swap3A_853 = vector.shape_cast %swap3A_852 : vector<1x16xf32> to vector<16xf32>
      %swap3A_854 = vector.shape_cast %add3A_849 : vector<16xf32> to vector<1x16xf32>
      tpu.vector_store %arg16[%swap3A_850, %swap3A_851], %swap3A_854 {strides = array<i32>} : memref<512x64xf32, #tpu.memory_space<vmem>>, vector<1x16xf32>,
      %get3A_855 = arith.index_cast %add3A_812 : i32 to index
      %get3A_856 = arith.constant 48 : index
      %get3A_857 = tpu.vector_load %arg16[%get3A_855, %get3A_856] {strides = array<i32>} : memref<512x64xf32, #tpu.memory_space<vmem>>, vector<1x16xf32>,
      %get3A_858 = vector.shape_cast %get3A_857 : vector<1x16xf32> to vector<16xf32>
      %mul3A_859 = vector.broadcast %squeeze3A_808 : f32 to vector<16xf32>
      %mul3A_860 = arith.mulf %get3A_858, %mul3A_859 : vector<16xf32>
      %mul3A_861 = vector.broadcast %squeeze3A_810 : f32 to vector<16xf32>
      %mul3A_862 = arith.mulf %get3A_13, %mul3A_861 : vector<16xf32>
      %add3A_863 = arith.addf %mul3A_860, %mul3A_862 : vector<16xf32>
      %swap3A_864 = arith.index_cast %add3A_812 : i32 to index
      %swap3A_865 = arith.constant 48 : index
      %swap3A_866 = tpu.vector_load %arg16[%swap3A_864, %swap3A_865] {strides = array<i32>} : memref<512x64xf32, #tpu.memory_space<vmem>>, vector<1x16xf32>,
      %swap3A_867 = vector.shape_cast %swap3A_866 : vector<1x16xf32> to vector<16xf32>
      %swap3A_868 = vector.shape_cast %add3A_863 : vector<16xf32> to vector<1x16xf32>
      tpu.vector_store %arg16[%swap3A_864, %swap3A_865], %swap3A_868 {strides = array<i32>} : memref<512x64xf32, #tpu.memory_space<vmem>>, vector<1x16xf32>,
      %slice3A_869 = vector.extract_strided_slice %get3A_308 {offsets = [9], sizes = [1], strides = [1]} : vector<16xf32> to vector<1xf32>
      %squeeze3A_870 = vector.extract %slice3A_869[0] : f32 from vector<1xf32>
      %slice3A_871 = vector.extract_strided_slice %get3A_313 {offsets = [9], sizes = [1], strides = [1]} : vector<16xf32> to vector<1xf32>
      %squeeze3A_872 = vector.extract %slice3A_871[0] : f32 from vector<1xf32>
      %add3A_873 = arith.constant 9 : i32
      %add3A_874 = arith.addi %mul3A_303, %add3A_873 : i32
      %get3A_875 = arith.index_cast %add3A_874 : i32 to index
      %get3A_876 = arith.constant 0 : index
      %get3A_877 = tpu.vector_load %arg16[%get3A_875, %get3A_876] {strides = array<i32>} : memref<512x64xf32, #tpu.memory_space<vmem>>, vector<1x16xf32>,
      %get3A_878 = vector.shape_cast %get3A_877 : vector<1x16xf32> to vector<16xf32>
      %mul3A_879 = vector.broadcast %squeeze3A_870 : f32 to vector<16xf32>
      %mul3A_880 = arith.mulf %get3A_878, %mul3A_879 : vector<16xf32>
      %mul3A_881 = vector.broadcast %squeeze3A_872 : f32 to vector<16xf32>
      %mul3A_882 = arith.mulf %get3A_4, %mul3A_881 : vector<16xf32>
      %add3A_883 = arith.addf %mul3A_880, %mul3A_882 : vector<16xf32>
      %swap3A_884 = arith.index_cast %add3A_874 : i32 to index
      %swap3A_885 = arith.constant 0 : index
      %swap3A_886 = tpu.vector_load %arg16[%swap3A_884, %swap3A_885] {strides = array<i32>} : memref<512x64xf32, #tpu.memory_space<vmem>>, vector<1x16xf32>,
      %swap3A_887 = vector.shape_cast %swap3A_886 : vector<1x16xf32> to vector<16xf32>
      %swap3A_888 = vector.shape_cast %add3A_883 : vector<16xf32> to vector<1x16xf32>
      tpu.vector_store %arg16[%swap3A_884, %swap3A_885], %swap3A_888 {strides = array<i32>} : memref<512x64xf32, #tpu.memory_space<vmem>>, vector<1x16xf32>,
      %get3A_889 = arith.index_cast %add3A_874 : i32 to index
      %get3A_890 = arith.constant 16 : index
      %get3A_891 = tpu.vector_load %arg16[%get3A_889, %get3A_890] {strides = array<i32>} : memref<512x64xf32, #tpu.memory_space<vmem>>, vector<1x16xf32>,
      %get3A_892 = vector.shape_cast %get3A_891 : vector<1x16xf32> to vector<16xf32>
      %mul3A_893 = vector.broadcast %squeeze3A_870 : f32 to vector<16xf32>
      %mul3A_894 = arith.mulf %get3A_892, %mul3A_893 : vector<16xf32>
      %mul3A_895 = vector.broadcast %squeeze3A_872 : f32 to vector<16xf32>
      %mul3A_896 = arith.mulf %get3A_7, %mul3A_895 : vector<16xf32>
      %add3A_897 = arith.addf %mul3A_894, %mul3A_896 : vector<16xf32>
      %swap3A_898 = arith.index_cast %add3A_874 : i32 to index
      %swap3A_899 = arith.constant 16 : index
      %swap3A_900 = tpu.vector_load %arg16[%swap3A_898, %swap3A_899] {strides = array<i32>} : memref<512x64xf32, #tpu.memory_space<vmem>>, vector<1x16xf32>,
      %swap3A_901 = vector.shape_cast %swap3A_900 : vector<1x16xf32> to vector<16xf32>
      %swap3A_902 = vector.shape_cast %add3A_897 : vector<16xf32> to vector<1x16xf32>
      tpu.vector_store %arg16[%swap3A_898, %swap3A_899], %swap3A_902 {strides = array<i32>} : memref<512x64xf32, #tpu.memory_space<vmem>>, vector<1x16xf32>,
      %get3A_903 = arith.index_cast %add3A_874 : i32 to index
      %get3A_904 = arith.constant 32 : index
      %get3A_905 = tpu.vector_load %arg16[%get3A_903, %get3A_904] {strides = array<i32>} : memref<512x64xf32, #tpu.memory_space<vmem>>, vector<1x16xf32>,
      %get3A_906 = vector.shape_cast %get3A_905 : vector<1x16xf32> to vector<16xf32>
      %mul3A_907 = vector.broadcast %squeeze3A_870 : f32 to vector<16xf32>
      %mul3A_908 = arith.mulf %get3A_906, %mul3A_907 : vector<16xf32>
      %mul3A_909 = vector.broadcast %squeeze3A_872 : f32 to vector<16xf32>
      %mul3A_910 = arith.mulf %get3A_10, %mul3A_909 : vector<16xf32>
      %add3A_911 = arith.addf %mul3A_908, %mul3A_910 : vector<16xf32>
      %swap3A_912 = arith.index_cast %add3A_874 : i32 to index
      %swap3A_913 = arith.constant 32 : index
      %swap3A_914 = tpu.vector_load %arg16[%swap3A_912, %swap3A_913] {strides = array<i32>} : memref<512x64xf32, #tpu.memory_space<vmem>>, vector<1x16xf32>,
      %swap3A_915 = vector.shape_cast %swap3A_914 : vector<1x16xf32> to vector<16xf32>
      %swap3A_916 = vector.shape_cast %add3A_911 : vector<16xf32> to vector<1x16xf32>
      tpu.vector_store %arg16[%swap3A_912, %swap3A_913], %swap3A_916 {strides = array<i32>} : memref<512x64xf32, #tpu.memory_space<vmem>>, vector<1x16xf32>,
      %get3A_917 = arith.index_cast %add3A_874 : i32 to index
      %get3A_918 = arith.constant 48 : index
      %get3A_919 = tpu.vector_load %arg16[%get3A_917, %get3A_918] {strides = array<i32>} : memref<512x64xf32, #tpu.memory_space<vmem>>, vector<1x16xf32>,
      %get3A_920 = vector.shape_cast %get3A_919 : vector<1x16xf32> to vector<16xf32>
      %mul3A_921 = vector.broadcast %squeeze3A_870 : f32 to vector<16xf32>
      %mul3A_922 = arith.mulf %get3A_920, %mul3A_921 : vector<16xf32>
      %mul3A_923 = vector.broadcast %squeeze3A_872 : f32 to vector<16xf32>
      %mul3A_924 = arith.mulf %get3A_13, %mul3A_923 : vector<16xf32>
      %add3A_925 = arith.addf %mul3A_922, %mul3A_924 : vector<16xf32>
      %swap3A_926 = arith.index_cast %add3A_874 : i32 to index
      %swap3A_927 = arith.constant 48 : index
      %swap3A_928 = tpu.vector_load %arg16[%swap3A_926, %swap3A_927] {strides = array<i32>} : memref<512x64xf32, #tpu.memory_space<vmem>>, vector<1x16xf32>,
      %swap3A_929 = vector.shape_cast %swap3A_928 : vector<1x16xf32> to vector<16xf32>
      %swap3A_930 = vector.shape_cast %add3A_925 : vector<16xf32> to vector<1x16xf32>
      tpu.vector_store %arg16[%swap3A_926, %swap3A_927], %swap3A_930 {strides = array<i32>} : memref<512x64xf32, #tpu.memory_space<vmem>>, vector<1x16xf32>,
      %slice3A_931 = vector.extract_strided_slice %get3A_308 {offsets = [10], sizes = [1], strides = [1]} : vector<16xf32> to vector<1xf32>
      %squeeze3A_932 = vector.extract %slice3A_931[0] : f32 from vector<1xf32>
      %slice3A_933 = vector.extract_strided_slice %get3A_313 {offsets = [10], sizes = [1], strides = [1]} : vector<16xf32> to vector<1xf32>
      %squeeze3A_934 = vector.extract %slice3A_933[0] : f32 from vector<1xf32>
      %add3A_935 = arith.constant 10 : i32
      %add3A_936 = arith.addi %mul3A_303, %add3A_935 : i32
      %get3A_937 = arith.index_cast %add3A_936 : i32 to index
      %get3A_938 = arith.constant 0 : index
      %get3A_939 = tpu.vector_load %arg16[%get3A_937, %get3A_938] {strides = array<i32>} : memref<512x64xf32, #tpu.memory_space<vmem>>, vector<1x16xf32>,
      %get3A_940 = vector.shape_cast %get3A_939 : vector<1x16xf32> to vector<16xf32>
      %mul3A_941 = vector.broadcast %squeeze3A_932 : f32 to vector<16xf32>
      %mul3A_942 = arith.mulf %get3A_940, %mul3A_941 : vector<16xf32>
      %mul3A_943 = vector.broadcast %squeeze3A_934 : f32 to vector<16xf32>
      %mul3A_944 = arith.mulf %get3A_4, %mul3A_943 : vector<16xf32>
      %add3A_945 = arith.addf %mul3A_942, %mul3A_944 : vector<16xf32>
      %swap3A_946 = arith.index_cast %add3A_936 : i32 to index
      %swap3A_947 = arith.constant 0 : index
      %swap3A_948 = tpu.vector_load %arg16[%swap3A_946, %swap3A_947] {strides = array<i32>} : memref<512x64xf32, #tpu.memory_space<vmem>>, vector<1x16xf32>,
      %swap3A_949 = vector.shape_cast %swap3A_948 : vector<1x16xf32> to vector<16xf32>
      %swap3A_950 = vector.shape_cast %add3A_945 : vector<16xf32> to vector<1x16xf32>
      tpu.vector_store %arg16[%swap3A_946, %swap3A_947], %swap3A_950 {strides = array<i32>} : memref<512x64xf32, #tpu.memory_space<vmem>>, vector<1x16xf32>,
      %get3A_951 = arith.index_cast %add3A_936 : i32 to index
      %get3A_952 = arith.constant 16 : index
      %get3A_953 = tpu.vector_load %arg16[%get3A_951, %get3A_952] {strides = array<i32>} : memref<512x64xf32, #tpu.memory_space<vmem>>, vector<1x16xf32>,
      %get3A_954 = vector.shape_cast %get3A_953 : vector<1x16xf32> to vector<16xf32>
      %mul3A_955 = vector.broadcast %squeeze3A_932 : f32 to vector<16xf32>
      %mul3A_956 = arith.mulf %get3A_954, %mul3A_955 : vector<16xf32>
      %mul3A_957 = vector.broadcast %squeeze3A_934 : f32 to vector<16xf32>
      %mul3A_958 = arith.mulf %get3A_7, %mul3A_957 : vector<16xf32>
      %add3A_959 = arith.addf %mul3A_956, %mul3A_958 : vector<16xf32>
      %swap3A_960 = arith.index_cast %add3A_936 : i32 to index
      %swap3A_961 = arith.constant 16 : index
      %swap3A_962 = tpu.vector_load %arg16[%swap3A_960, %swap3A_961] {strides = array<i32>} : memref<512x64xf32, #tpu.memory_space<vmem>>, vector<1x16xf32>,
      %swap3A_963 = vector.shape_cast %swap3A_962 : vector<1x16xf32> to vector<16xf32>
      %swap3A_964 = vector.shape_cast %add3A_959 : vector<16xf32> to vector<1x16xf32>
      tpu.vector_store %arg16[%swap3A_960, %swap3A_961], %swap3A_964 {strides = array<i32>} : memref<512x64xf32, #tpu.memory_space<vmem>>, vector<1x16xf32>,
      %get3A_965 = arith.index_cast %add3A_936 : i32 to index
      %get3A_966 = arith.constant 32 : index
      %get3A_967 = tpu.vector_load %arg16[%get3A_965, %get3A_966] {strides = array<i32>} : memref<512x64xf32, #tpu.memory_space<vmem>>, vector<1x16xf32>,
      %get3A_968 = vector.shape_cast %get3A_967 : vector<1x16xf32> to vector<16xf32>
      %mul3A_969 = vector.broadcast %squeeze3A_932 : f32 to vector<16xf32>
      %mul3A_970 = arith.mulf %get3A_968, %mul3A_969 : vector<16xf32>
      %mul3A_971 = vector.broadcast %squeeze3A_934 : f32 to vector<16xf32>
      %mul3A_972 = arith.mulf %get3A_10, %mul3A_971 : vector<16xf32>
      %add3A_973 = arith.addf %mul3A_970, %mul3A_972 : vector<16xf32>
      %swap3A_974 = arith.index_cast %add3A_936 : i32 to index
      %swap3A_975 = arith.constant 32 : index
      %swap3A_976 = tpu.vector_load %arg16[%swap3A_974, %swap3A_975] {strides = array<i32>} : memref<512x64xf32, #tpu.memory_space<vmem>>, vector<1x16xf32>,
      %swap3A_977 = vector.shape_cast %swap3A_976 : vector<1x16xf32> to vector<16xf32>
      %swap3A_978 = vector.shape_cast %add3A_973 : vector<16xf32> to vector<1x16xf32>
      tpu.vector_store %arg16[%swap3A_974, %swap3A_975], %swap3A_978 {strides = array<i32>} : memref<512x64xf32, #tpu.memory_space<vmem>>, vector<1x16xf32>,
      %get3A_979 = arith.index_cast %add3A_936 : i32 to index
      %get3A_980 = arith.constant 48 : index
      %get3A_981 = tpu.vector_load %arg16[%get3A_979, %get3A_980] {strides = array<i32>} : memref<512x64xf32, #tpu.memory_space<vmem>>, vector<1x16xf32>,
      %get3A_982 = vector.shape_cast %get3A_981 : vector<1x16xf32> to vector<16xf32>
      %mul3A_983 = vector.broadcast %squeeze3A_932 : f32 to vector<16xf32>
      %mul3A_984 = arith.mulf %get3A_982, %mul3A_983 : vector<16xf32>
      %mul3A_985 = vector.broadcast %squeeze3A_934 : f32 to vector<16xf32>
      %mul3A_986 = arith.mulf %get3A_13, %mul3A_985 : vector<16xf32>
      %add3A_987 = arith.addf %mul3A_984, %mul3A_986 : vector<16xf32>
      %swap3A_988 = arith.index_cast %add3A_936 : i32 to index
      %swap3A_989 = arith.constant 48 : index
      %swap3A_990 = tpu.vector_load %arg16[%swap3A_988, %swap3A_989] {strides = array<i32>} : memref<512x64xf32, #tpu.memory_space<vmem>>, vector<1x16xf32>,
      %swap3A_991 = vector.shape_cast %swap3A_990 : vector<1x16xf32> to vector<16xf32>
      %swap3A_992 = vector.shape_cast %add3A_987 : vector<16xf32> to vector<1x16xf32>
      tpu.vector_store %arg16[%swap3A_988, %swap3A_989], %swap3A_992 {strides = array<i32>} : memref<512x64xf32, #tpu.memory_space<vmem>>, vector<1x16xf32>,
      %slice3A_993 = vector.extract_strided_slice %get3A_308 {offsets = [11], sizes = [1], strides = [1]} : vector<16xf32> to vector<1xf32>
      %squeeze3A_994 = vector.extract %slice3A_993[0] : f32 from vector<1xf32>
      %slice3A_995 = vector.extract_strided_slice %get3A_313 {offsets = [11], sizes = [1], strides = [1]} : vector<16xf32> to vector<1xf32>
      %squeeze3A_996 = vector.extract %slice3A_995[0] : f32 from vector<1xf32>
      %add3A_997 = arith.constant 11 : i32
      %add3A_998 = arith.addi %mul3A_303, %add3A_997 : i32
      %get3A_999 = arith.index_cast %add3A_998 : i32 to index
      %get3A_1000 = arith.constant 0 : index
      %get3A_1001 = tpu.vector_load %arg16[%get3A_999, %get3A_1000] {strides = array<i32>} : memref<512x64xf32, #tpu.memory_space<vmem>>, vector<1x16xf32>,
      %get3A_1002 = vector.shape_cast %get3A_1001 : vector<1x16xf32> to vector<16xf32>
      %mul3A_1003 = vector.broadcast %squeeze3A_994 : f32 to vector<16xf32>
      %mul3A_1004 = arith.mulf %get3A_1002, %mul3A_1003 : vector<16xf32>
      %mul3A_1005 = vector.broadcast %squeeze3A_996 : f32 to vector<16xf32>
      %mul3A_1006 = arith.mulf %get3A_4, %mul3A_1005 : vector<16xf32>
      %add3A_1007 = arith.addf %mul3A_1004, %mul3A_1006 : vector<16xf32>
      %swap3A_1008 = arith.index_cast %add3A_998 : i32 to index
      %swap3A_1009 = arith.constant 0 : index
      %swap3A_1010 = tpu.vector_load %arg16[%swap3A_1008, %swap3A_1009] {strides = array<i32>} : memref<512x64xf32, #tpu.memory_space<vmem>>, vector<1x16xf32>,
      %swap3A_1011 = vector.shape_cast %swap3A_1010 : vector<1x16xf32> to vector<16xf32>
      %swap3A_1012 = vector.shape_cast %add3A_1007 : vector<16xf32> to vector<1x16xf32>
      tpu.vector_store %arg16[%swap3A_1008, %swap3A_1009], %swap3A_1012 {strides = array<i32>} : memref<512x64xf32, #tpu.memory_space<vmem>>, vector<1x16xf32>,
      %get3A_1013 = arith.index_cast %add3A_998 : i32 to index
      %get3A_1014 = arith.constant 16 : index
      %get3A_1015 = tpu.vector_load %arg16[%get3A_1013, %get3A_1014] {strides = array<i32>} : memref<512x64xf32, #tpu.memory_space<vmem>>, vector<1x16xf32>,
      %get3A_1016 = vector.shape_cast %get3A_1015 : vector<1x16xf32> to vector<16xf32>
      %mul3A_1017 = vector.broadcast %squeeze3A_994 : f32 to vector<16xf32>
      %mul3A_1018 = arith.mulf %get3A_1016, %mul3A_1017 : vector<16xf32>
      %mul3A_1019 = vector.broadcast %squeeze3A_996 : f32 to vector<16xf32>
      %mul3A_1020 = arith.mulf %get3A_7, %mul3A_1019 : vector<16xf32>
      %add3A_1021 = arith.addf %mul3A_1018, %mul3A_1020 : vector<16xf32>
      %swap3A_1022 = arith.index_cast %add3A_998 : i32 to index
      %swap3A_1023 = arith.constant 16 : index
      %swap3A_1024 = tpu.vector_load %arg16[%swap3A_1022, %swap3A_1023] {strides = array<i32>} : memref<512x64xf32, #tpu.memory_space<vmem>>, vector<1x16xf32>,
      %swap3A_1025 = vector.shape_cast %swap3A_1024 : vector<1x16xf32> to vector<16xf32>
      %swap3A_1026 = vector.shape_cast %add3A_1021 : vector<16xf32> to vector<1x16xf32>
      tpu.vector_store %arg16[%swap3A_1022, %swap3A_1023], %swap3A_1026 {strides = array<i32>} : memref<512x64xf32, #tpu.memory_space<vmem>>, vector<1x16xf32>,
      %get3A_1027 = arith.index_cast %add3A_998 : i32 to index
      %get3A_1028 = arith.constant 32 : index
      %get3A_1029 = tpu.vector_load %arg16[%get3A_1027, %get3A_1028] {strides = array<i32>} : memref<512x64xf32, #tpu.memory_space<vmem>>, vector<1x16xf32>,
      %get3A_1030 = vector.shape_cast %get3A_1029 : vector<1x16xf32> to vector<16xf32>
      %mul3A_1031 = vector.broadcast %squeeze3A_994 : f32 to vector<16xf32>
      %mul3A_1032 = arith.mulf %get3A_1030, %mul3A_1031 : vector<16xf32>
      %mul3A_1033 = vector.broadcast %squeeze3A_996 : f32 to vector<16xf32>
      %mul3A_1034 = arith.mulf %get3A_10, %mul3A_1033 : vector<16xf32>
      %add3A_1035 = arith.addf %mul3A_1032, %mul3A_1034 : vector<16xf32>
      %swap3A_1036 = arith.index_cast %add3A_998 : i32 to index
      %swap3A_1037 = arith.constant 32 : index
      %swap3A_1038 = tpu.vector_load %arg16[%swap3A_1036, %swap3A_1037] {strides = array<i32>} : memref<512x64xf32, #tpu.memory_space<vmem>>, vector<1x16xf32>,
      %swap3A_1039 = vector.shape_cast %swap3A_1038 : vector<1x16xf32> to vector<16xf32>
      %swap3A_1040 = vector.shape_cast %add3A_1035 : vector<16xf32> to vector<1x16xf32>
      tpu.vector_store %arg16[%swap3A_1036, %swap3A_1037], %swap3A_1040 {strides = array<i32>} : memref<512x64xf32, #tpu.memory_space<vmem>>, vector<1x16xf32>,
      %get3A_1041 = arith.index_cast %add3A_998 : i32 to index
      %get3A_1042 = arith.constant 48 : index
      %get3A_1043 = tpu.vector_load %arg16[%get3A_1041, %get3A_1042] {strides = array<i32>} : memref<512x64xf32, #tpu.memory_space<vmem>>, vector<1x16xf32>,
      %get3A_1044 = vector.shape_cast %get3A_1043 : vector<1x16xf32> to vector<16xf32>
      %mul3A_1045 = vector.broadcast %squeeze3A_994 : f32 to vector<16xf32>
      %mul3A_1046 = arith.mulf %get3A_1044, %mul3A_1045 : vector<16xf32>
      %mul3A_1047 = vector.broadcast %squeeze3A_996 : f32 to vector<16xf32>
      %mul3A_1048 = arith.mulf %get3A_13, %mul3A_1047 : vector<16xf32>
      %add3A_1049 = arith.addf %mul3A_1046, %mul3A_1048 : vector<16xf32>
      %swap3A_1050 = arith.index_cast %add3A_998 : i32 to index
      %swap3A_1051 = arith.constant 48 : index
      %swap3A_1052 = tpu.vector_load %arg16[%swap3A_1050, %swap3A_1051] {strides = array<i32>} : memref<512x64xf32, #tpu.memory_space<vmem>>, vector<1x16xf32>,
      %swap3A_1053 = vector.shape_cast %swap3A_1052 : vector<1x16xf32> to vector<16xf32>
      %swap3A_1054 = vector.shape_cast %add3A_1049 : vector<16xf32> to vector<1x16xf32>
      tpu.vector_store %arg16[%swap3A_1050, %swap3A_1051], %swap3A_1054 {strides = array<i32>} : memref<512x64xf32, #tpu.memory_space<vmem>>, vector<1x16xf32>,
      %slice3A_1055 = vector.extract_strided_slice %get3A_308 {offsets = [12], sizes = [1], strides = [1]} : vector<16xf32> to vector<1xf32>
      %squeeze3A_1056 = vector.extract %slice3A_1055[0] : f32 from vector<1xf32>
      %slice3A_1057 = vector.extract_strided_slice %get3A_313 {offsets = [12], sizes = [1], strides = [1]} : vector<16xf32> to vector<1xf32>
      %squeeze3A_1058 = vector.extract %slice3A_1057[0] : f32 from vector<1xf32>
      %add3A_1059 = arith.constant 12 : i32
      %add3A_1060 = arith.addi %mul3A_303, %add3A_1059 : i32
      %get3A_1061 = arith.index_cast %add3A_1060 : i32 to index
      %get3A_1062 = arith.constant 0 : index
      %get3A_1063 = tpu.vector_load %arg16[%get3A_1061, %get3A_1062] {strides = array<i32>} : memref<512x64xf32, #tpu.memory_space<vmem>>, vector<1x16xf32>,
      %get3A_1064 = vector.shape_cast %get3A_1063 : vector<1x16xf32> to vector<16xf32>
      %mul3A_1065 = vector.broadcast %squeeze3A_1056 : f32 to vector<16xf32>
      %mul3A_1066 = arith.mulf %get3A_1064, %mul3A_1065 : vector<16xf32>
      %mul3A_1067 = vector.broadcast %squeeze3A_1058 : f32 to vector<16xf32>
      %mul3A_1068 = arith.mulf %get3A_4, %mul3A_1067 : vector<16xf32>
      %add3A_1069 = arith.addf %mul3A_1066, %mul3A_1068 : vector<16xf32>
      %swap3A_1070 = arith.index_cast %add3A_1060 : i32 to index
      %swap3A_1071 = arith.constant 0 : index
      %swap3A_1072 = tpu.vector_load %arg16[%swap3A_1070, %swap3A_1071] {strides = array<i32>} : memref<512x64xf32, #tpu.memory_space<vmem>>, vector<1x16xf32>,
      %swap3A_1073 = vector.shape_cast %swap3A_1072 : vector<1x16xf32> to vector<16xf32>
      %swap3A_1074 = vector.shape_cast %add3A_1069 : vector<16xf32> to vector<1x16xf32>
      tpu.vector_store %arg16[%swap3A_1070, %swap3A_1071], %swap3A_1074 {strides = array<i32>} : memref<512x64xf32, #tpu.memory_space<vmem>>, vector<1x16xf32>,
      %get3A_1075 = arith.index_cast %add3A_1060 : i32 to index
      %get3A_1076 = arith.constant 16 : index
      %get3A_1077 = tpu.vector_load %arg16[%get3A_1075, %get3A_1076] {strides = array<i32>} : memref<512x64xf32, #tpu.memory_space<vmem>>, vector<1x16xf32>,
      %get3A_1078 = vector.shape_cast %get3A_1077 : vector<1x16xf32> to vector<16xf32>
      %mul3A_1079 = vector.broadcast %squeeze3A_1056 : f32 to vector<16xf32>
      %mul3A_1080 = arith.mulf %get3A_1078, %mul3A_1079 : vector<16xf32>
      %mul3A_1081 = vector.broadcast %squeeze3A_1058 : f32 to vector<16xf32>
      %mul3A_1082 = arith.mulf %get3A_7, %mul3A_1081 : vector<16xf32>
      %add3A_1083 = arith.addf %mul3A_1080, %mul3A_1082 : vector<16xf32>
      %swap3A_1084 = arith.index_cast %add3A_1060 : i32 to index
      %swap3A_1085 = arith.constant 16 : index
      %swap3A_1086 = tpu.vector_load %arg16[%swap3A_1084, %swap3A_1085] {strides = array<i32>} : memref<512x64xf32, #tpu.memory_space<vmem>>, vector<1x16xf32>,
      %swap3A_1087 = vector.shape_cast %swap3A_1086 : vector<1x16xf32> to vector<16xf32>
      %swap3A_1088 = vector.shape_cast %add3A_1083 : vector<16xf32> to vector<1x16xf32>
      tpu.vector_store %arg16[%swap3A_1084, %swap3A_1085], %swap3A_1088 {strides = array<i32>} : memref<512x64xf32, #tpu.memory_space<vmem>>, vector<1x16xf32>,
      %get3A_1089 = arith.index_cast %add3A_1060 : i32 to index
      %get3A_1090 = arith.constant 32 : index
      %get3A_1091 = tpu.vector_load %arg16[%get3A_1089, %get3A_1090] {strides = array<i32>} : memref<512x64xf32, #tpu.memory_space<vmem>>, vector<1x16xf32>,
      %get3A_1092 = vector.shape_cast %get3A_1091 : vector<1x16xf32> to vector<16xf32>
      %mul3A_1093 = vector.broadcast %squeeze3A_1056 : f32 to vector<16xf32>
      %mul3A_1094 = arith.mulf %get3A_1092, %mul3A_1093 : vector<16xf32>
      %mul3A_1095 = vector.broadcast %squeeze3A_1058 : f32 to vector<16xf32>
      %mul3A_1096 = arith.mulf %get3A_10, %mul3A_1095 : vector<16xf32>
      %add3A_1097 = arith.addf %mul3A_1094, %mul3A_1096 : vector<16xf32>
      %swap3A_1098 = arith.index_cast %add3A_1060 : i32 to index
      %swap3A_1099 = arith.constant 32 : index
      %swap3A_1100 = tpu.vector_load %arg16[%swap3A_1098, %swap3A_1099] {strides = array<i32>} : memref<512x64xf32, #tpu.memory_space<vmem>>, vector<1x16xf32>,
      %swap3A_1101 = vector.shape_cast %swap3A_1100 : vector<1x16xf32> to vector<16xf32>
      %swap3A_1102 = vector.shape_cast %add3A_1097 : vector<16xf32> to vector<1x16xf32>
      tpu.vector_store %arg16[%swap3A_1098, %swap3A_1099], %swap3A_1102 {strides = array<i32>} : memref<512x64xf32, #tpu.memory_space<vmem>>, vector<1x16xf32>,
      %get3A_1103 = arith.index_cast %add3A_1060 : i32 to index
      %get3A_1104 = arith.constant 48 : index
      %get3A_1105 = tpu.vector_load %arg16[%get3A_1103, %get3A_1104] {strides = array<i32>} : memref<512x64xf32, #tpu.memory_space<vmem>>, vector<1x16xf32>,
      %get3A_1106 = vector.shape_cast %get3A_1105 : vector<1x16xf32> to vector<16xf32>
      %mul3A_1107 = vector.broadcast %squeeze3A_1056 : f32 to vector<16xf32>
      %mul3A_1108 = arith.mulf %get3A_1106, %mul3A_1107 : vector<16xf32>
      %mul3A_1109 = vector.broadcast %squeeze3A_1058 : f32 to vector<16xf32>
      %mul3A_1110 = arith.mulf %get3A_13, %mul3A_1109 : vector<16xf32>
      %add3A_1111 = arith.addf %mul3A_1108, %mul3A_1110 : vector<16xf32>
      %swap3A_1112 = arith.index_cast %add3A_1060 : i32 to index
      %swap3A_1113 = arith.constant 48 : index
      %swap3A_1114 = tpu.vector_load %arg16[%swap3A_1112, %swap3A_1113] {strides = array<i32>} : memref<512x64xf32, #tpu.memory_space<vmem>>, vector<1x16xf32>,
      %swap3A_1115 = vector.shape_cast %swap3A_1114 : vector<1x16xf32> to vector<16xf32>
      %swap3A_1116 = vector.shape_cast %add3A_1111 : vector<16xf32> to vector<1x16xf32>
      tpu.vector_store %arg16[%swap3A_1112, %swap3A_1113], %swap3A_1116 {strides = array<i32>} : memref<512x64xf32, #tpu.memory_space<vmem>>, vector<1x16xf32>,
      %slice3A_1117 = vector.extract_strided_slice %get3A_308 {offsets = [13], sizes = [1], strides = [1]} : vector<16xf32> to vector<1xf32>
      %squeeze3A_1118 = vector.extract %slice3A_1117[0] : f32 from vector<1xf32>
      %slice3A_1119 = vector.extract_strided_slice %get3A_313 {offsets = [13], sizes = [1], strides = [1]} : vector<16xf32> to vector<1xf32>
      %squeeze3A_1120 = vector.extract %slice3A_1119[0] : f32 from vector<1xf32>
      %add3A_1121 = arith.constant 13 : i32
      %add3A_1122 = arith.addi %mul3A_303, %add3A_1121 : i32
      %get3A_1123 = arith.index_cast %add3A_1122 : i32 to index
      %get3A_1124 = arith.constant 0 : index
      %get3A_1125 = tpu.vector_load %arg16[%get3A_1123, %get3A_1124] {strides = array<i32>} : memref<512x64xf32, #tpu.memory_space<vmem>>, vector<1x16xf32>,
      %get3A_1126 = vector.shape_cast %get3A_1125 : vector<1x16xf32> to vector<16xf32>
      %mul3A_1127 = vector.broadcast %squeeze3A_1118 : f32 to vector<16xf32>
      %mul3A_1128 = arith.mulf %get3A_1126, %mul3A_1127 : vector<16xf32>
      %mul3A_1129 = vector.broadcast %squeeze3A_1120 : f32 to vector<16xf32>
      %mul3A_1130 = arith.mulf %get3A_4, %mul3A_1129 : vector<16xf32>
      %add3A_1131 = arith.addf %mul3A_1128, %mul3A_1130 : vector<16xf32>
      %swap3A_1132 = arith.index_cast %add3A_1122 : i32 to index
      %swap3A_1133 = arith.constant 0 : index
      %swap3A_1134 = tpu.vector_load %arg16[%swap3A_1132, %swap3A_1133] {strides = array<i32>} : memref<512x64xf32, #tpu.memory_space<vmem>>, vector<1x16xf32>,
      %swap3A_1135 = vector.shape_cast %swap3A_1134 : vector<1x16xf32> to vector<16xf32>
      %swap3A_1136 = vector.shape_cast %add3A_1131 : vector<16xf32> to vector<1x16xf32>
      tpu.vector_store %arg16[%swap3A_1132, %swap3A_1133], %swap3A_1136 {strides = array<i32>} : memref<512x64xf32, #tpu.memory_space<vmem>>, vector<1x16xf32>,
      %get3A_1137 = arith.index_cast %add3A_1122 : i32 to index
      %get3A_1138 = arith.constant 16 : index
      %get3A_1139 = tpu.vector_load %arg16[%get3A_1137, %get3A_1138] {strides = array<i32>} : memref<512x64xf32, #tpu.memory_space<vmem>>, vector<1x16xf32>,
      %get3A_1140 = vector.shape_cast %get3A_1139 : vector<1x16xf32> to vector<16xf32>
      %mul3A_1141 = vector.broadcast %squeeze3A_1118 : f32 to vector<16xf32>
      %mul3A_1142 = arith.mulf %get3A_1140, %mul3A_1141 : vector<16xf32>
      %mul3A_1143 = vector.broadcast %squeeze3A_1120 : f32 to vector<16xf32>
      %mul3A_1144 = arith.mulf %get3A_7, %mul3A_1143 : vector<16xf32>
      %add3A_1145 = arith.addf %mul3A_1142, %mul3A_1144 : vector<16xf32>
      %swap3A_1146 = arith.index_cast %add3A_1122 : i32 to index
      %swap3A_1147 = arith.constant 16 : index
      %swap3A_1148 = tpu.vector_load %arg16[%swap3A_1146, %swap3A_1147] {strides = array<i32>} : memref<512x64xf32, #tpu.memory_space<vmem>>, vector<1x16xf32>,
      %swap3A_1149 = vector.shape_cast %swap3A_1148 : vector<1x16xf32> to vector<16xf32>
      %swap3A_1150 = vector.shape_cast %add3A_1145 : vector<16xf32> to vector<1x16xf32>
      tpu.vector_store %arg16[%swap3A_1146, %swap3A_1147], %swap3A_1150 {strides = array<i32>} : memref<512x64xf32, #tpu.memory_space<vmem>>, vector<1x16xf32>,
      %get3A_1151 = arith.index_cast %add3A_1122 : i32 to index
      %get3A_1152 = arith.constant 32 : index
      %get3A_1153 = tpu.vector_load %arg16[%get3A_1151, %get3A_1152] {strides = array<i32>} : memref<512x64xf32, #tpu.memory_space<vmem>>, vector<1x16xf32>,
      %get3A_1154 = vector.shape_cast %get3A_1153 : vector<1x16xf32> to vector<16xf32>
      %mul3A_1155 = vector.broadcast %squeeze3A_1118 : f32 to vector<16xf32>
      %mul3A_1156 = arith.mulf %get3A_1154, %mul3A_1155 : vector<16xf32>
      %mul3A_1157 = vector.broadcast %squeeze3A_1120 : f32 to vector<16xf32>
      %mul3A_1158 = arith.mulf %get3A_10, %mul3A_1157 : vector<16xf32>
      %add3A_1159 = arith.addf %mul3A_1156, %mul3A_1158 : vector<16xf32>
      %swap3A_1160 = arith.index_cast %add3A_1122 : i32 to index
      %swap3A_1161 = arith.constant 32 : index
      %swap3A_1162 = tpu.vector_load %arg16[%swap3A_1160, %swap3A_1161] {strides = array<i32>} : memref<512x64xf32, #tpu.memory_space<vmem>>, vector<1x16xf32>,
      %swap3A_1163 = vector.shape_cast %swap3A_1162 : vector<1x16xf32> to vector<16xf32>
      %swap3A_1164 = vector.shape_cast %add3A_1159 : vector<16xf32> to vector<1x16xf32>
      tpu.vector_store %arg16[%swap3A_1160, %swap3A_1161], %swap3A_1164 {strides = array<i32>} : memref<512x64xf32, #tpu.memory_space<vmem>>, vector<1x16xf32>,
      %get3A_1165 = arith.index_cast %add3A_1122 : i32 to index
      %get3A_1166 = arith.constant 48 : index
      %get3A_1167 = tpu.vector_load %arg16[%get3A_1165, %get3A_1166] {strides = array<i32>} : memref<512x64xf32, #tpu.memory_space<vmem>>, vector<1x16xf32>,
      %get3A_1168 = vector.shape_cast %get3A_1167 : vector<1x16xf32> to vector<16xf32>
      %mul3A_1169 = vector.broadcast %squeeze3A_1118 : f32 to vector<16xf32>
      %mul3A_1170 = arith.mulf %get3A_1168, %mul3A_1169 : vector<16xf32>
      %mul3A_1171 = vector.broadcast %squeeze3A_1120 : f32 to vector<16xf32>
      %mul3A_1172 = arith.mulf %get3A_13, %mul3A_1171 : vector<16xf32>
      %add3A_1173 = arith.addf %mul3A_1170, %mul3A_1172 : vector<16xf32>
      %swap3A_1174 = arith.index_cast %add3A_1122 : i32 to index
      %swap3A_1175 = arith.constant 48 : index
      %swap3A_1176 = tpu.vector_load %arg16[%swap3A_1174, %swap3A_1175] {strides = array<i32>} : memref<512x64xf32, #tpu.memory_space<vmem>>, vector<1x16xf32>,
      %swap3A_1177 = vector.shape_cast %swap3A_1176 : vector<1x16xf32> to vector<16xf32>
      %swap3A_1178 = vector.shape_cast %add3A_1173 : vector<16xf32> to vector<1x16xf32>
      tpu.vector_store %arg16[%swap3A_1174, %swap3A_1175], %swap3A_1178 {strides = array<i32>} : memref<512x64xf32, #tpu.memory_space<vmem>>, vector<1x16xf32>,
      %slice3A_1179 = vector.extract_strided_slice %get3A_308 {offsets = [14], sizes = [1], strides = [1]} : vector<16xf32> to vector<1xf32>
      %squeeze3A_1180 = vector.extract %slice3A_1179[0] : f32 from vector<1xf32>
      %slice3A_1181 = vector.extract_strided_slice %get3A_313 {offsets = [14], sizes = [1], strides = [1]} : vector<16xf32> to vector<1xf32>
      %squeeze3A_1182 = vector.extract %slice3A_1181[0] : f32 from vector<1xf32>
      %add3A_1183 = arith.constant 14 : i32
      %add3A_1184 = arith.addi %mul3A_303, %add3A_1183 : i32
      %get3A_1185 = arith.index_cast %add3A_1184 : i32 to index
      %get3A_1186 = arith.constant 0 : index
      %get3A_1187 = tpu.vector_load %arg16[%get3A_1185, %get3A_1186] {strides = array<i32>} : memref<512x64xf32, #tpu.memory_space<vmem>>, vector<1x16xf32>,
      %get3A_1188 = vector.shape_cast %get3A_1187 : vector<1x16xf32> to vector<16xf32>
      %mul3A_1189 = vector.broadcast %squeeze3A_1180 : f32 to vector<16xf32>
      %mul3A_1190 = arith.mulf %get3A_1188, %mul3A_1189 : vector<16xf32>
      %mul3A_1191 = vector.broadcast %squeeze3A_1182 : f32 to vector<16xf32>
      %mul3A_1192 = arith.mulf %get3A_4, %mul3A_1191 : vector<16xf32>
      %add3A_1193 = arith.addf %mul3A_1190, %mul3A_1192 : vector<16xf32>
      %swap3A_1194 = arith.index_cast %add3A_1184 : i32 to index
      %swap3A_1195 = arith.constant 0 : index
      %swap3A_1196 = tpu.vector_load %arg16[%swap3A_1194, %swap3A_1195] {strides = array<i32>} : memref<512x64xf32, #tpu.memory_space<vmem>>, vector<1x16xf32>,
      %swap3A_1197 = vector.shape_cast %swap3A_1196 : vector<1x16xf32> to vector<16xf32>
      %swap3A_1198 = vector.shape_cast %add3A_1193 : vector<16xf32> to vector<1x16xf32>
      tpu.vector_store %arg16[%swap3A_1194, %swap3A_1195], %swap3A_1198 {strides = array<i32>} : memref<512x64xf32, #tpu.memory_space<vmem>>, vector<1x16xf32>,
      %get3A_1199 = arith.index_cast %add3A_1184 : i32 to index
      %get3A_1200 = arith.constant 16 : index
      %get3A_1201 = tpu.vector_load %arg16[%get3A_1199, %get3A_1200] {strides = array<i32>} : memref<512x64xf32, #tpu.memory_space<vmem>>, vector<1x16xf32>,
      %get3A_1202 = vector.shape_cast %get3A_1201 : vector<1x16xf32> to vector<16xf32>
      %mul3A_1203 = vector.broadcast %squeeze3A_1180 : f32 to vector<16xf32>
      %mul3A_1204 = arith.mulf %get3A_1202, %mul3A_1203 : vector<16xf32>
      %mul3A_1205 = vector.broadcast %squeeze3A_1182 : f32 to vector<16xf32>
      %mul3A_1206 = arith.mulf %get3A_7, %mul3A_1205 : vector<16xf32>
      %add3A_1207 = arith.addf %mul3A_1204, %mul3A_1206 : vector<16xf32>
      %swap3A_1208 = arith.index_cast %add3A_1184 : i32 to index
      %swap3A_1209 = arith.constant 16 : index
      %swap3A_1210 = tpu.vector_load %arg16[%swap3A_1208, %swap3A_1209] {strides = array<i32>} : memref<512x64xf32, #tpu.memory_space<vmem>>, vector<1x16xf32>,
      %swap3A_1211 = vector.shape_cast %swap3A_1210 : vector<1x16xf32> to vector<16xf32>
      %swap3A_1212 = vector.shape_cast %add3A_1207 : vector<16xf32> to vector<1x16xf32>
      tpu.vector_store %arg16[%swap3A_1208, %swap3A_1209], %swap3A_1212 {strides = array<i32>} : memref<512x64xf32, #tpu.memory_space<vmem>>, vector<1x16xf32>,
      %get3A_1213 = arith.index_cast %add3A_1184 : i32 to index
      %get3A_1214 = arith.constant 32 : index
      %get3A_1215 = tpu.vector_load %arg16[%get3A_1213, %get3A_1214] {strides = array<i32>} : memref<512x64xf32, #tpu.memory_space<vmem>>, vector<1x16xf32>,
      %get3A_1216 = vector.shape_cast %get3A_1215 : vector<1x16xf32> to vector<16xf32>
      %mul3A_1217 = vector.broadcast %squeeze3A_1180 : f32 to vector<16xf32>
      %mul3A_1218 = arith.mulf %get3A_1216, %mul3A_1217 : vector<16xf32>
      %mul3A_1219 = vector.broadcast %squeeze3A_1182 : f32 to vector<16xf32>
      %mul3A_1220 = arith.mulf %get3A_10, %mul3A_1219 : vector<16xf32>
      %add3A_1221 = arith.addf %mul3A_1218, %mul3A_1220 : vector<16xf32>
      %swap3A_1222 = arith.index_cast %add3A_1184 : i32 to index
      %swap3A_1223 = arith.constant 32 : index
      %swap3A_1224 = tpu.vector_load %arg16[%swap3A_1222, %swap3A_1223] {strides = array<i32>} : memref<512x64xf32, #tpu.memory_space<vmem>>, vector<1x16xf32>,
      %swap3A_1225 = vector.shape_cast %swap3A_1224 : vector<1x16xf32> to vector<16xf32>
      %swap3A_1226 = vector.shape_cast %add3A_1221 : vector<16xf32> to vector<1x16xf32>
      tpu.vector_store %arg16[%swap3A_1222, %swap3A_1223], %swap3A_1226 {strides = array<i32>} : memref<512x64xf32, #tpu.memory_space<vmem>>, vector<1x16xf32>,
      %get3A_1227 = arith.index_cast %add3A_1184 : i32 to index
      %get3A_1228 = arith.constant 48 : index
      %get3A_1229 = tpu.vector_load %arg16[%get3A_1227, %get3A_1228] {strides = array<i32>} : memref<512x64xf32, #tpu.memory_space<vmem>>, vector<1x16xf32>,
      %get3A_1230 = vector.shape_cast %get3A_1229 : vector<1x16xf32> to vector<16xf32>
      %mul3A_1231 = vector.broadcast %squeeze3A_1180 : f32 to vector<16xf32>
      %mul3A_1232 = arith.mulf %get3A_1230, %mul3A_1231 : vector<16xf32>
      %mul3A_1233 = vector.broadcast %squeeze3A_1182 : f32 to vector<16xf32>
      %mul3A_1234 = arith.mulf %get3A_13, %mul3A_1233 : vector<16xf32>
      %add3A_1235 = arith.addf %mul3A_1232, %mul3A_1234 : vector<16xf32>
      %swap3A_1236 = arith.index_cast %add3A_1184 : i32 to index
      %swap3A_1237 = arith.constant 48 : index
      %swap3A_1238 = tpu.vector_load %arg16[%swap3A_1236, %swap3A_1237] {strides = array<i32>} : memref<512x64xf32, #tpu.memory_space<vmem>>, vector<1x16xf32>,
      %swap3A_1239 = vector.shape_cast %swap3A_1238 : vector<1x16xf32> to vector<16xf32>
      %swap3A_1240 = vector.shape_cast %add3A_1235 : vector<16xf32> to vector<1x16xf32>
      tpu.vector_store %arg16[%swap3A_1236, %swap3A_1237], %swap3A_1240 {strides = array<i32>} : memref<512x64xf32, #tpu.memory_space<vmem>>, vector<1x16xf32>,
      %slice3A_1241 = vector.extract_strided_slice %get3A_308 {offsets = [15], sizes = [1], strides = [1]} : vector<16xf32> to vector<1xf32>
      %squeeze3A_1242 = vector.extract %slice3A_1241[0] : f32 from vector<1xf32>
      %slice3A_1243 = vector.extract_strided_slice %get3A_313 {offsets = [15], sizes = [1], strides = [1]} : vector<16xf32> to vector<1xf32>
      %squeeze3A_1244 = vector.extract %slice3A_1243[0] : f32 from vector<1xf32>
      %add3A_1245 = arith.constant 15 : i32
      %add3A_1246 = arith.addi %mul3A_303, %add3A_1245 : i32
      %get3A_1247 = arith.index_cast %add3A_1246 : i32 to index
      %get3A_1248 = arith.constant 0 : index
      %get3A_1249 = tpu.vector_load %arg16[%get3A_1247, %get3A_1248] {strides = array<i32>} : memref<512x64xf32, #tpu.memory_space<vmem>>, vector<1x16xf32>,
      %get3A_1250 = vector.shape_cast %get3A_1249 : vector<1x16xf32> to vector<16xf32>
      %mul3A_1251 = vector.broadcast %squeeze3A_1242 : f32 to vector<16xf32>
      %mul3A_1252 = arith.mulf %get3A_1250, %mul3A_1251 : vector<16xf32>
      %mul3A_1253 = vector.broadcast %squeeze3A_1244 : f32 to vector<16xf32>
      %mul3A_1254 = arith.mulf %get3A_4, %mul3A_1253 : vector<16xf32>
      %add3A_1255 = arith.addf %mul3A_1252, %mul3A_1254 : vector<16xf32>
      %swap3A_1256 = arith.index_cast %add3A_1246 : i32 to index
      %swap3A_1257 = arith.constant 0 : index
      %swap3A_1258 = tpu.vector_load %arg16[%swap3A_1256, %swap3A_1257] {strides = array<i32>} : memref<512x64xf32, #tpu.memory_space<vmem>>, vector<1x16xf32>,
      %swap3A_1259 = vector.shape_cast %swap3A_1258 : vector<1x16xf32> to vector<16xf32>
      %swap3A_1260 = vector.shape_cast %add3A_1255 : vector<16xf32> to vector<1x16xf32>
      tpu.vector_store %arg16[%swap3A_1256, %swap3A_1257], %swap3A_1260 {strides = array<i32>} : memref<512x64xf32, #tpu.memory_space<vmem>>, vector<1x16xf32>,
      %get3A_1261 = arith.index_cast %add3A_1246 : i32 to index
      %get3A_1262 = arith.constant 16 : index
      %get3A_1263 = tpu.vector_load %arg16[%get3A_1261, %get3A_1262] {strides = array<i32>} : memref<512x64xf32, #tpu.memory_space<vmem>>, vector<1x16xf32>,
      %get3A_1264 = vector.shape_cast %get3A_1263 : vector<1x16xf32> to vector<16xf32>
      %mul3A_1265 = vector.broadcast %squeeze3A_1242 : f32 to vector<16xf32>
      %mul3A_1266 = arith.mulf %get3A_1264, %mul3A_1265 : vector<16xf32>
      %mul3A_1267 = vector.broadcast %squeeze3A_1244 : f32 to vector<16xf32>
      %mul3A_1268 = arith.mulf %get3A_7, %mul3A_1267 : vector<16xf32>
      %add3A_1269 = arith.addf %mul3A_1266, %mul3A_1268 : vector<16xf32>
      %swap3A_1270 = arith.index_cast %add3A_1246 : i32 to index
      %swap3A_1271 = arith.constant 16 : index
      %swap3A_1272 = tpu.vector_load %arg16[%swap3A_1270, %swap3A_1271] {strides = array<i32>} : memref<512x64xf32, #tpu.memory_space<vmem>>, vector<1x16xf32>,
      %swap3A_1273 = vector.shape_cast %swap3A_1272 : vector<1x16xf32> to vector<16xf32>
      %swap3A_1274 = vector.shape_cast %add3A_1269 : vector<16xf32> to vector<1x16xf32>
      tpu.vector_store %arg16[%swap3A_1270, %swap3A_1271], %swap3A_1274 {strides = array<i32>} : memref<512x64xf32, #tpu.memory_space<vmem>>, vector<1x16xf32>,
      %get3A_1275 = arith.index_cast %add3A_1246 : i32 to index
      %get3A_1276 = arith.constant 32 : index
      %get3A_1277 = tpu.vector_load %arg16[%get3A_1275, %get3A_1276] {strides = array<i32>} : memref<512x64xf32, #tpu.memory_space<vmem>>, vector<1x16xf32>,
      %get3A_1278 = vector.shape_cast %get3A_1277 : vector<1x16xf32> to vector<16xf32>
      %mul3A_1279 = vector.broadcast %squeeze3A_1242 : f32 to vector<16xf32>
      %mul3A_1280 = arith.mulf %get3A_1278, %mul3A_1279 : vector<16xf32>
      %mul3A_1281 = vector.broadcast %squeeze3A_1244 : f32 to vector<16xf32>
      %mul3A_1282 = arith.mulf %get3A_10, %mul3A_1281 : vector<16xf32>
      %add3A_1283 = arith.addf %mul3A_1280, %mul3A_1282 : vector<16xf32>
      %swap3A_1284 = arith.index_cast %add3A_1246 : i32 to index
      %swap3A_1285 = arith.constant 32 : index
      %swap3A_1286 = tpu.vector_load %arg16[%swap3A_1284, %swap3A_1285] {strides = array<i32>} : memref<512x64xf32, #tpu.memory_space<vmem>>, vector<1x16xf32>,
      %swap3A_1287 = vector.shape_cast %swap3A_1286 : vector<1x16xf32> to vector<16xf32>
      %swap3A_1288 = vector.shape_cast %add3A_1283 : vector<16xf32> to vector<1x16xf32>
      tpu.vector_store %arg16[%swap3A_1284, %swap3A_1285], %swap3A_1288 {strides = array<i32>} : memref<512x64xf32, #tpu.memory_space<vmem>>, vector<1x16xf32>,
      %get3A_1289 = arith.index_cast %add3A_1246 : i32 to index
      %get3A_1290 = arith.constant 48 : index
      %get3A_1291 = tpu.vector_load %arg16[%get3A_1289, %get3A_1290] {strides = array<i32>} : memref<512x64xf32, #tpu.memory_space<vmem>>, vector<1x16xf32>,
      %get3A_1292 = vector.shape_cast %get3A_1291 : vector<1x16xf32> to vector<16xf32>
      %mul3A_1293 = vector.broadcast %squeeze3A_1242 : f32 to vector<16xf32>
      %mul3A_1294 = arith.mulf %get3A_1292, %mul3A_1293 : vector<16xf32>
      %mul3A_1295 = vector.broadcast %squeeze3A_1244 : f32 to vector<16xf32>
      %mul3A_1296 = arith.mulf %get3A_13, %mul3A_1295 : vector<16xf32>
      %add3A_1297 = arith.addf %mul3A_1294, %mul3A_1296 : vector<16xf32>
      %swap3A_1298 = arith.index_cast %add3A_1246 : i32 to index
      %swap3A_1299 = arith.constant 48 : index
      %swap3A_1300 = tpu.vector_load %arg16[%swap3A_1298, %swap3A_1299] {strides = array<i32>} : memref<512x64xf32, #tpu.memory_space<vmem>>, vector<1x16xf32>,
      %swap3A_1301 = vector.shape_cast %swap3A_1300 : vector<1x16xf32> to vector<16xf32>
      %swap3A_1302 = vector.shape_cast %add3A_1297 : vector<16xf32> to vector<1x16xf32>
      tpu.vector_store %arg16[%swap3A_1298, %swap3A_1299], %swap3A_1302 {strides = array<i32>} : memref<512x64xf32, #tpu.memory_space<vmem>>, vector<1x16xf32>,
    }
    %scan3A_226 = arith.constant 32 : i32
    %add3A_227 = arith.constant 1024 : i32
    %add3A_228 = arith.addi %mul3A_2, %add3A_227 : i32
    "tpu.region"() ({
      %run_scoped3A = tpu.sem_alloc : memref<!tpu.dma_semaphore, #tpu.memory_space<semaphore_mem>>
      %dma_start3A_301 = arith.constant 0 : i32
      %dma_start3A_302 = tpu.memref_slice %arg8[%add3A_228, %dma_start3A_301] : memref<65536x64xf32, #tpu.memory_space<hbm>> -> memref<512x64xf32, #tpu.memory_space<hbm>>
      %dma_start3A_303 = arith.constant 0 : i32
      %dma_start3A_304 = tpu.memref_slice %arg8[%add3A_228, %dma_start3A_303] : memref<65536x64xf32, #tpu.memory_space<hbm>> -> memref<512x64xf32, #tpu.memory_space<hbm>>
      tpu.enqueue_dma source(%arg16 : memref<512x64xf32, #tpu.memory_space<vmem>>) target(%dma_start3A_304 : memref<512x64xf32, #tpu.memory_space<hbm>>) target_semaphore(%run_scoped3A : memref<!tpu.dma_semaphore, #tpu.memory_space<semaphore_mem>>)
      %dma_wait3A_305 = arith.constant 0 : i32
      %dma_wait3A_306 = tpu.memref_slice %arg8[%add3A_228, %dma_wait3A_305] : memref<65536x64xf32, #tpu.memory_space<hbm>> -> memref<512x64xf32, #tpu.memory_space<hbm>>
      %dma_wait3A_307 = arith.constant 0 : i32
      %dma_wait3A_308 = tpu.memref_slice %arg8[%add3A_228, %dma_wait3A_307] : memref<65536x64xf32, #tpu.memory_space<hbm>> -> memref<512x64xf32, #tpu.memory_space<hbm>>
      tpu.wait_dma2 semaphore(%run_scoped3A : memref<!tpu.dma_semaphore, #tpu.memory_space<semaphore_mem>>) src(%arg16 : memref<512x64xf32, #tpu.memory_space<vmem>>) dst(%dma_wait3A_308 : memref<512x64xf32, #tpu.memory_space<hbm>>)
      tpu.yield
    }) : () -> ()
    %dma_start3A_229 = arith.constant 0 : i32
    %dma_start3A_230 = arith.constant 0 : i32
    %dma_start3A_231 = tpu.memref_slice %arg16[%dma_start3A_229, %dma_start3A_230] : memref<512x64xf32, #tpu.memory_space<vmem>> -> memref<128x64xf32, #tpu.memory_space<vmem>>
    %dma_start3A_232 = arith.constant 1536 : i32
    %dma_start3A_233 = tpu.memref_slice %arg10[%dma_start3A_232] : memref<2048xi32, #tpu.memory_space<vmem>> -> memref<128xi32, #tpu.memory_space<vmem>>
    %dma_start3A_234 = arith.constant 0 : i32
    %dma_start3A_235 = arith.constant 0 : i32
    %dma_start3A_236 = tpu.memref_slice %arg2[%dma_start3A_234, %dma_start3A_235] : memref<65536x64xf32, #tpu.memory_space<hbm>> -> memref<65536x64xf32, #tpu.memory_space<hbm>>
    tpu.enqueue_indirect_dma source(%dma_start3A_236 : memref<65536x64xf32, #tpu.memory_space<hbm>>) target(%dma_start3A_231 : memref<128x64xf32, #tpu.memory_space<vmem>>) offsets(%dma_start3A_233 : memref<128xi32, #tpu.memory_space<vmem>>) semaphore(%arg17 : memref<!tpu.dma_semaphore, #tpu.memory_space<semaphore_mem>>)
    %dma_start3A_237 = arith.constant 128 : i32
    %dma_start3A_238 = arith.constant 0 : i32
    %dma_start3A_239 = tpu.memref_slice %arg16[%dma_start3A_237, %dma_start3A_238] : memref<512x64xf32, #tpu.memory_space<vmem>> -> memref<128x64xf32, #tpu.memory_space<vmem>>
    %dma_start3A_240 = arith.constant 1664 : i32
    %dma_start3A_241 = tpu.memref_slice %arg10[%dma_start3A_240] : memref<2048xi32, #tpu.memory_space<vmem>> -> memref<128xi32, #tpu.memory_space<vmem>>
    %dma_start3A_242 = arith.constant 0 : i32
    %dma_start3A_243 = arith.constant 0 : i32
    %dma_start3A_244 = tpu.memref_slice %arg2[%dma_start3A_242, %dma_start3A_243] : memref<65536x64xf32, #tpu.memory_space<hbm>> -> memref<65536x64xf32, #tpu.memory_space<hbm>>
    tpu.enqueue_indirect_dma source(%dma_start3A_244 : memref<65536x64xf32, #tpu.memory_space<hbm>>) target(%dma_start3A_239 : memref<128x64xf32, #tpu.memory_space<vmem>>) offsets(%dma_start3A_241 : memref<128xi32, #tpu.memory_space<vmem>>) semaphore(%arg17 : memref<!tpu.dma_semaphore, #tpu.memory_space<semaphore_mem>>)
    %dma_start3A_245 = arith.constant 256 : i32
    %dma_start3A_246 = arith.constant 0 : i32
    %dma_start3A_247 = tpu.memref_slice %arg16[%dma_start3A_245, %dma_start3A_246] : memref<512x64xf32, #tpu.memory_space<vmem>> -> memref<128x64xf32, #tpu.memory_space<vmem>>
    %dma_start3A_248 = arith.constant 1792 : i32
    %dma_start3A_249 = tpu.memref_slice %arg10[%dma_start3A_248] : memref<2048xi32, #tpu.memory_space<vmem>> -> memref<128xi32, #tpu.memory_space<vmem>>
    %dma_start3A_250 = arith.constant 0 : i32
    %dma_start3A_251 = arith.constant 0 : i32
    %dma_start3A_252 = tpu.memref_slice %arg2[%dma_start3A_250, %dma_start3A_251] : memref<65536x64xf32, #tpu.memory_space<hbm>> -> memref<65536x64xf32, #tpu.memory_space<hbm>>
    tpu.enqueue_indirect_dma source(%dma_start3A_252 : memref<65536x64xf32, #tpu.memory_space<hbm>>) target(%dma_start3A_247 : memref<128x64xf32, #tpu.memory_space<vmem>>) offsets(%dma_start3A_249 : memref<128xi32, #tpu.memory_space<vmem>>) semaphore(%arg17 : memref<!tpu.dma_semaphore, #tpu.memory_space<semaphore_mem>>)
    %dma_start3A_253 = arith.constant 384 : i32
    %dma_start3A_254 = arith.constant 0 : i32
    %dma_start3A_255 = tpu.memref_slice %arg16[%dma_start3A_253, %dma_start3A_254] : memref<512x64xf32, #tpu.memory_space<vmem>> -> memref<128x64xf32, #tpu.memory_space<vmem>>
    %dma_start3A_256 = arith.constant 1920 : i32
    %dma_start3A_257 = tpu.memref_slice %arg10[%dma_start3A_256] : memref<2048xi32, #tpu.memory_space<vmem>> -> memref<128xi32, #tpu.memory_space<vmem>>
    %dma_start3A_258 = arith.constant 0 : i32
    %dma_start3A_259 = arith.constant 0 : i32
    %dma_start3A_260 = tpu.memref_slice %arg2[%dma_start3A_258, %dma_start3A_259] : memref<65536x64xf32, #tpu.memory_space<hbm>> -> memref<65536x64xf32, #tpu.memory_space<hbm>>
    tpu.enqueue_indirect_dma source(%dma_start3A_260 : memref<65536x64xf32, #tpu.memory_space<hbm>>) target(%dma_start3A_255 : memref<128x64xf32, #tpu.memory_space<vmem>>) offsets(%dma_start3A_257 : memref<128xi32, #tpu.memory_space<vmem>>) semaphore(%arg17 : memref<!tpu.dma_semaphore, #tpu.memory_space<semaphore_mem>>)
    %dma_wait3A_261 = arith.constant 0 : i32
    %dma_wait3A_262 = arith.constant 0 : i32
    %dma_wait3A_263 = tpu.memref_slice %arg16[%dma_wait3A_261, %dma_wait3A_262] : memref<512x64xf32, #tpu.memory_space<vmem>> -> memref<128x64xf32, #tpu.memory_space<vmem>>
    %dma_wait3A_264 = arith.constant 1536 : i32
    %dma_wait3A_265 = tpu.memref_slice %arg10[%dma_wait3A_264] : memref<2048xi32, #tpu.memory_space<vmem>> -> memref<128xi32, #tpu.memory_space<vmem>>
    %dma_wait3A_266 = arith.constant 0 : i32
    %dma_wait3A_267 = arith.constant 0 : i32
    %dma_wait3A_268 = tpu.memref_slice %arg2[%dma_wait3A_266, %dma_wait3A_267] : memref<65536x64xf32, #tpu.memory_space<hbm>> -> memref<65536x64xf32, #tpu.memory_space<hbm>>
    tpu.wait_indirect_dma semaphore(%arg17 : memref<!tpu.dma_semaphore, #tpu.memory_space<semaphore_mem>>) src(%dma_wait3A_268 : memref<65536x64xf32, #tpu.memory_space<hbm>>) dst(%dma_wait3A_263 : memref<128x64xf32, #tpu.memory_space<vmem>>)
    %dma_wait3A_269 = arith.constant 128 : i32
    %dma_wait3A_270 = arith.constant 0 : i32
    %dma_wait3A_271 = tpu.memref_slice %arg16[%dma_wait3A_269, %dma_wait3A_270] : memref<512x64xf32, #tpu.memory_space<vmem>> -> memref<128x64xf32, #tpu.memory_space<vmem>>
    %dma_wait3A_272 = arith.constant 1664 : i32
    %dma_wait3A_273 = tpu.memref_slice %arg10[%dma_wait3A_272] : memref<2048xi32, #tpu.memory_space<vmem>> -> memref<128xi32, #tpu.memory_space<vmem>>
    %dma_wait3A_274 = arith.constant 0 : i32
    %dma_wait3A_275 = arith.constant 0 : i32
    %dma_wait3A_276 = tpu.memref_slice %arg2[%dma_wait3A_274, %dma_wait3A_275] : memref<65536x64xf32, #tpu.memory_space<hbm>> -> memref<65536x64xf32, #tpu.memory_space<hbm>>
    tpu.wait_indirect_dma semaphore(%arg17 : memref<!tpu.dma_semaphore, #tpu.memory_space<semaphore_mem>>) src(%dma_wait3A_276 : memref<65536x64xf32, #tpu.memory_space<hbm>>) dst(%dma_wait3A_271 : memref<128x64xf32, #tpu.memory_space<vmem>>)
    %dma_wait3A_277 = arith.constant 256 : i32
    %dma_wait3A_278 = arith.constant 0 : i32
    %dma_wait3A_279 = tpu.memref_slice %arg16[%dma_wait3A_277, %dma_wait3A_278] : memref<512x64xf32, #tpu.memory_space<vmem>> -> memref<128x64xf32, #tpu.memory_space<vmem>>
    %dma_wait3A_280 = arith.constant 1792 : i32
    %dma_wait3A_281 = tpu.memref_slice %arg10[%dma_wait3A_280] : memref<2048xi32, #tpu.memory_space<vmem>> -> memref<128xi32, #tpu.memory_space<vmem>>
    %dma_wait3A_282 = arith.constant 0 : i32
    %dma_wait3A_283 = arith.constant 0 : i32
    %dma_wait3A_284 = tpu.memref_slice %arg2[%dma_wait3A_282, %dma_wait3A_283] : memref<65536x64xf32, #tpu.memory_space<hbm>> -> memref<65536x64xf32, #tpu.memory_space<hbm>>
    tpu.wait_indirect_dma semaphore(%arg17 : memref<!tpu.dma_semaphore, #tpu.memory_space<semaphore_mem>>) src(%dma_wait3A_284 : memref<65536x64xf32, #tpu.memory_space<hbm>>) dst(%dma_wait3A_279 : memref<128x64xf32, #tpu.memory_space<vmem>>)
    %dma_wait3A_285 = arith.constant 384 : i32
    %dma_wait3A_286 = arith.constant 0 : i32
    %dma_wait3A_287 = tpu.memref_slice %arg16[%dma_wait3A_285, %dma_wait3A_286] : memref<512x64xf32, #tpu.memory_space<vmem>> -> memref<128x64xf32, #tpu.memory_space<vmem>>
    %dma_wait3A_288 = arith.constant 1920 : i32
    %dma_wait3A_289 = tpu.memref_slice %arg10[%dma_wait3A_288] : memref<2048xi32, #tpu.memory_space<vmem>> -> memref<128xi32, #tpu.memory_space<vmem>>
    %dma_wait3A_290 = arith.constant 0 : i32
    %dma_wait3A_291 = arith.constant 0 : i32
    %dma_wait3A_292 = tpu.memref_slice %arg2[%dma_wait3A_290, %dma_wait3A_291] : memref<65536x64xf32, #tpu.memory_space<hbm>> -> memref<65536x64xf32, #tpu.memory_space<hbm>>
    tpu.wait_indirect_dma semaphore(%arg17 : memref<!tpu.dma_semaphore, #tpu.memory_space<semaphore_mem>>) src(%dma_wait3A_292 : memref<65536x64xf32, #tpu.memory_space<hbm>>) dst(%dma_wait3A_287 : memref<128x64xf32, #tpu.memory_space<vmem>>)
    %scan3A_293 = arith.constant 0 : i32
    %scan3A_294 = arith.constant 0 : i32
    %scan3A_295 = arith.constant 32 : i32
    %scan3A_296 = arith.addi %scan3A_294, %scan3A_295 : i32
    %scan3A_297 = arith.constant 1 : i32
    scf.for %scan3A_301 = %scan3A_294 to %scan3A_296 step %scan3A_297  : i32 {
      %mul3A_302 = arith.constant 16 : i32
      %mul3A_303 = arith.muli %scan3A_301, %mul3A_302 : i32
      %add3A_304 = arith.constant 1536 : i32
      %add3A_305 = arith.addi %add3A_304, %mul3A_303 : i32
      %get3A_306 = arith.index_cast %add3A_305 : i32 to index
      %get3A_307 = tpu.vector_load %arg11[%get3A_306] {strides = array<i32>} : memref<2048xf32, #tpu.memory_space<vmem>>, vector<16xf32>,
      %get3A_308 = vector.shape_cast %get3A_307 : vector<16xf32> to vector<16xf32>
      %add3A_309 = arith.constant 1536 : i32
      %add3A_310 = arith.addi %add3A_309, %mul3A_303 : i32
      %get3A_311 = arith.index_cast %add3A_310 : i32 to index
      %get3A_312 = tpu.vector_load %arg12[%get3A_311] {strides = array<i32>} : memref<2048xf32, #tpu.memory_space<vmem>>, vector<16xf32>,
      %get3A_313 = vector.shape_cast %get3A_312 : vector<16xf32> to vector<16xf32>
      %slice3A = vector.extract_strided_slice %get3A_308 {offsets = [0], sizes = [1], strides = [1]} : vector<16xf32> to vector<1xf32>
      %squeeze3A = vector.extract %slice3A[0] : f32 from vector<1xf32>
      %slice3A_314 = vector.extract_strided_slice %get3A_313 {offsets = [0], sizes = [1], strides = [1]} : vector<16xf32> to vector<1xf32>
      %squeeze3A_315 = vector.extract %slice3A_314[0] : f32 from vector<1xf32>
      %add3A_316 = arith.constant 0 : i32
      %add3A_317 = arith.addi %mul3A_303, %add3A_316 : i32
      %get3A_318 = arith.index_cast %add3A_317 : i32 to index
      %get3A_319 = arith.constant 0 : index
      %get3A_320 = tpu.vector_load %arg16[%get3A_318, %get3A_319] {strides = array<i32>} : memref<512x64xf32, #tpu.memory_space<vmem>>, vector<1x16xf32>,
      %get3A_321 = vector.shape_cast %get3A_320 : vector<1x16xf32> to vector<16xf32>
      %mul3A_322 = vector.broadcast %squeeze3A : f32 to vector<16xf32>
      %mul3A_323 = arith.mulf %get3A_321, %mul3A_322 : vector<16xf32>
      %mul3A_324 = vector.broadcast %squeeze3A_315 : f32 to vector<16xf32>
      %mul3A_325 = arith.mulf %get3A_4, %mul3A_324 : vector<16xf32>
      %add3A_326 = arith.addf %mul3A_323, %mul3A_325 : vector<16xf32>
      %swap3A = arith.index_cast %add3A_317 : i32 to index
      %swap3A_327 = arith.constant 0 : index
      %swap3A_328 = tpu.vector_load %arg16[%swap3A, %swap3A_327] {strides = array<i32>} : memref<512x64xf32, #tpu.memory_space<vmem>>, vector<1x16xf32>,
      %swap3A_329 = vector.shape_cast %swap3A_328 : vector<1x16xf32> to vector<16xf32>
      %swap3A_330 = vector.shape_cast %add3A_326 : vector<16xf32> to vector<1x16xf32>
      tpu.vector_store %arg16[%swap3A, %swap3A_327], %swap3A_330 {strides = array<i32>} : memref<512x64xf32, #tpu.memory_space<vmem>>, vector<1x16xf32>,
      %get3A_331 = arith.index_cast %add3A_317 : i32 to index
      %get3A_332 = arith.constant 16 : index
      %get3A_333 = tpu.vector_load %arg16[%get3A_331, %get3A_332] {strides = array<i32>} : memref<512x64xf32, #tpu.memory_space<vmem>>, vector<1x16xf32>,
      %get3A_334 = vector.shape_cast %get3A_333 : vector<1x16xf32> to vector<16xf32>
      %mul3A_335 = vector.broadcast %squeeze3A : f32 to vector<16xf32>
      %mul3A_336 = arith.mulf %get3A_334, %mul3A_335 : vector<16xf32>
      %mul3A_337 = vector.broadcast %squeeze3A_315 : f32 to vector<16xf32>
      %mul3A_338 = arith.mulf %get3A_7, %mul3A_337 : vector<16xf32>
      %add3A_339 = arith.addf %mul3A_336, %mul3A_338 : vector<16xf32>
      %swap3A_340 = arith.index_cast %add3A_317 : i32 to index
      %swap3A_341 = arith.constant 16 : index
      %swap3A_342 = tpu.vector_load %arg16[%swap3A_340, %swap3A_341] {strides = array<i32>} : memref<512x64xf32, #tpu.memory_space<vmem>>, vector<1x16xf32>,
      %swap3A_343 = vector.shape_cast %swap3A_342 : vector<1x16xf32> to vector<16xf32>
      %swap3A_344 = vector.shape_cast %add3A_339 : vector<16xf32> to vector<1x16xf32>
      tpu.vector_store %arg16[%swap3A_340, %swap3A_341], %swap3A_344 {strides = array<i32>} : memref<512x64xf32, #tpu.memory_space<vmem>>, vector<1x16xf32>,
      %get3A_345 = arith.index_cast %add3A_317 : i32 to index
      %get3A_346 = arith.constant 32 : index
      %get3A_347 = tpu.vector_load %arg16[%get3A_345, %get3A_346] {strides = array<i32>} : memref<512x64xf32, #tpu.memory_space<vmem>>, vector<1x16xf32>,
      %get3A_348 = vector.shape_cast %get3A_347 : vector<1x16xf32> to vector<16xf32>
      %mul3A_349 = vector.broadcast %squeeze3A : f32 to vector<16xf32>
      %mul3A_350 = arith.mulf %get3A_348, %mul3A_349 : vector<16xf32>
      %mul3A_351 = vector.broadcast %squeeze3A_315 : f32 to vector<16xf32>
      %mul3A_352 = arith.mulf %get3A_10, %mul3A_351 : vector<16xf32>
      %add3A_353 = arith.addf %mul3A_350, %mul3A_352 : vector<16xf32>
      %swap3A_354 = arith.index_cast %add3A_317 : i32 to index
      %swap3A_355 = arith.constant 32 : index
      %swap3A_356 = tpu.vector_load %arg16[%swap3A_354, %swap3A_355] {strides = array<i32>} : memref<512x64xf32, #tpu.memory_space<vmem>>, vector<1x16xf32>,
      %swap3A_357 = vector.shape_cast %swap3A_356 : vector<1x16xf32> to vector<16xf32>
      %swap3A_358 = vector.shape_cast %add3A_353 : vector<16xf32> to vector<1x16xf32>
      tpu.vector_store %arg16[%swap3A_354, %swap3A_355], %swap3A_358 {strides = array<i32>} : memref<512x64xf32, #tpu.memory_space<vmem>>, vector<1x16xf32>,
      %get3A_359 = arith.index_cast %add3A_317 : i32 to index
      %get3A_360 = arith.constant 48 : index
      %get3A_361 = tpu.vector_load %arg16[%get3A_359, %get3A_360] {strides = array<i32>} : memref<512x64xf32, #tpu.memory_space<vmem>>, vector<1x16xf32>,
      %get3A_362 = vector.shape_cast %get3A_361 : vector<1x16xf32> to vector<16xf32>
      %mul3A_363 = vector.broadcast %squeeze3A : f32 to vector<16xf32>
      %mul3A_364 = arith.mulf %get3A_362, %mul3A_363 : vector<16xf32>
      %mul3A_365 = vector.broadcast %squeeze3A_315 : f32 to vector<16xf32>
      %mul3A_366 = arith.mulf %get3A_13, %mul3A_365 : vector<16xf32>
      %add3A_367 = arith.addf %mul3A_364, %mul3A_366 : vector<16xf32>
      %swap3A_368 = arith.index_cast %add3A_317 : i32 to index
      %swap3A_369 = arith.constant 48 : index
      %swap3A_370 = tpu.vector_load %arg16[%swap3A_368, %swap3A_369] {strides = array<i32>} : memref<512x64xf32, #tpu.memory_space<vmem>>, vector<1x16xf32>,
      %swap3A_371 = vector.shape_cast %swap3A_370 : vector<1x16xf32> to vector<16xf32>
      %swap3A_372 = vector.shape_cast %add3A_367 : vector<16xf32> to vector<1x16xf32>
      tpu.vector_store %arg16[%swap3A_368, %swap3A_369], %swap3A_372 {strides = array<i32>} : memref<512x64xf32, #tpu.memory_space<vmem>>, vector<1x16xf32>,
      %slice3A_373 = vector.extract_strided_slice %get3A_308 {offsets = [1], sizes = [1], strides = [1]} : vector<16xf32> to vector<1xf32>
      %squeeze3A_374 = vector.extract %slice3A_373[0] : f32 from vector<1xf32>
      %slice3A_375 = vector.extract_strided_slice %get3A_313 {offsets = [1], sizes = [1], strides = [1]} : vector<16xf32> to vector<1xf32>
      %squeeze3A_376 = vector.extract %slice3A_375[0] : f32 from vector<1xf32>
      %add3A_377 = arith.constant 1 : i32
      %add3A_378 = arith.addi %mul3A_303, %add3A_377 : i32
      %get3A_379 = arith.index_cast %add3A_378 : i32 to index
      %get3A_380 = arith.constant 0 : index
      %get3A_381 = tpu.vector_load %arg16[%get3A_379, %get3A_380] {strides = array<i32>} : memref<512x64xf32, #tpu.memory_space<vmem>>, vector<1x16xf32>,
      %get3A_382 = vector.shape_cast %get3A_381 : vector<1x16xf32> to vector<16xf32>
      %mul3A_383 = vector.broadcast %squeeze3A_374 : f32 to vector<16xf32>
      %mul3A_384 = arith.mulf %get3A_382, %mul3A_383 : vector<16xf32>
      %mul3A_385 = vector.broadcast %squeeze3A_376 : f32 to vector<16xf32>
      %mul3A_386 = arith.mulf %get3A_4, %mul3A_385 : vector<16xf32>
      %add3A_387 = arith.addf %mul3A_384, %mul3A_386 : vector<16xf32>
      %swap3A_388 = arith.index_cast %add3A_378 : i32 to index
      %swap3A_389 = arith.constant 0 : index
      %swap3A_390 = tpu.vector_load %arg16[%swap3A_388, %swap3A_389] {strides = array<i32>} : memref<512x64xf32, #tpu.memory_space<vmem>>, vector<1x16xf32>,
      %swap3A_391 = vector.shape_cast %swap3A_390 : vector<1x16xf32> to vector<16xf32>
      %swap3A_392 = vector.shape_cast %add3A_387 : vector<16xf32> to vector<1x16xf32>
      tpu.vector_store %arg16[%swap3A_388, %swap3A_389], %swap3A_392 {strides = array<i32>} : memref<512x64xf32, #tpu.memory_space<vmem>>, vector<1x16xf32>,
      %get3A_393 = arith.index_cast %add3A_378 : i32 to index
      %get3A_394 = arith.constant 16 : index
      %get3A_395 = tpu.vector_load %arg16[%get3A_393, %get3A_394] {strides = array<i32>} : memref<512x64xf32, #tpu.memory_space<vmem>>, vector<1x16xf32>,
      %get3A_396 = vector.shape_cast %get3A_395 : vector<1x16xf32> to vector<16xf32>
      %mul3A_397 = vector.broadcast %squeeze3A_374 : f32 to vector<16xf32>
      %mul3A_398 = arith.mulf %get3A_396, %mul3A_397 : vector<16xf32>
      %mul3A_399 = vector.broadcast %squeeze3A_376 : f32 to vector<16xf32>
      %mul3A_400 = arith.mulf %get3A_7, %mul3A_399 : vector<16xf32>
      %add3A_401 = arith.addf %mul3A_398, %mul3A_400 : vector<16xf32>
      %swap3A_402 = arith.index_cast %add3A_378 : i32 to index
      %swap3A_403 = arith.constant 16 : index
      %swap3A_404 = tpu.vector_load %arg16[%swap3A_402, %swap3A_403] {strides = array<i32>} : memref<512x64xf32, #tpu.memory_space<vmem>>, vector<1x16xf32>,
      %swap3A_405 = vector.shape_cast %swap3A_404 : vector<1x16xf32> to vector<16xf32>
      %swap3A_406 = vector.shape_cast %add3A_401 : vector<16xf32> to vector<1x16xf32>
      tpu.vector_store %arg16[%swap3A_402, %swap3A_403], %swap3A_406 {strides = array<i32>} : memref<512x64xf32, #tpu.memory_space<vmem>>, vector<1x16xf32>,
      %get3A_407 = arith.index_cast %add3A_378 : i32 to index
      %get3A_408 = arith.constant 32 : index
      %get3A_409 = tpu.vector_load %arg16[%get3A_407, %get3A_408] {strides = array<i32>} : memref<512x64xf32, #tpu.memory_space<vmem>>, vector<1x16xf32>,
      %get3A_410 = vector.shape_cast %get3A_409 : vector<1x16xf32> to vector<16xf32>
      %mul3A_411 = vector.broadcast %squeeze3A_374 : f32 to vector<16xf32>
      %mul3A_412 = arith.mulf %get3A_410, %mul3A_411 : vector<16xf32>
      %mul3A_413 = vector.broadcast %squeeze3A_376 : f32 to vector<16xf32>
      %mul3A_414 = arith.mulf %get3A_10, %mul3A_413 : vector<16xf32>
      %add3A_415 = arith.addf %mul3A_412, %mul3A_414 : vector<16xf32>
      %swap3A_416 = arith.index_cast %add3A_378 : i32 to index
      %swap3A_417 = arith.constant 32 : index
      %swap3A_418 = tpu.vector_load %arg16[%swap3A_416, %swap3A_417] {strides = array<i32>} : memref<512x64xf32, #tpu.memory_space<vmem>>, vector<1x16xf32>,
      %swap3A_419 = vector.shape_cast %swap3A_418 : vector<1x16xf32> to vector<16xf32>
      %swap3A_420 = vector.shape_cast %add3A_415 : vector<16xf32> to vector<1x16xf32>
      tpu.vector_store %arg16[%swap3A_416, %swap3A_417], %swap3A_420 {strides = array<i32>} : memref<512x64xf32, #tpu.memory_space<vmem>>, vector<1x16xf32>,
      %get3A_421 = arith.index_cast %add3A_378 : i32 to index
      %get3A_422 = arith.constant 48 : index
      %get3A_423 = tpu.vector_load %arg16[%get3A_421, %get3A_422] {strides = array<i32>} : memref<512x64xf32, #tpu.memory_space<vmem>>, vector<1x16xf32>,
      %get3A_424 = vector.shape_cast %get3A_423 : vector<1x16xf32> to vector<16xf32>
      %mul3A_425 = vector.broadcast %squeeze3A_374 : f32 to vector<16xf32>
      %mul3A_426 = arith.mulf %get3A_424, %mul3A_425 : vector<16xf32>
      %mul3A_427 = vector.broadcast %squeeze3A_376 : f32 to vector<16xf32>
      %mul3A_428 = arith.mulf %get3A_13, %mul3A_427 : vector<16xf32>
      %add3A_429 = arith.addf %mul3A_426, %mul3A_428 : vector<16xf32>
      %swap3A_430 = arith.index_cast %add3A_378 : i32 to index
      %swap3A_431 = arith.constant 48 : index
      %swap3A_432 = tpu.vector_load %arg16[%swap3A_430, %swap3A_431] {strides = array<i32>} : memref<512x64xf32, #tpu.memory_space<vmem>>, vector<1x16xf32>,
      %swap3A_433 = vector.shape_cast %swap3A_432 : vector<1x16xf32> to vector<16xf32>
      %swap3A_434 = vector.shape_cast %add3A_429 : vector<16xf32> to vector<1x16xf32>
      tpu.vector_store %arg16[%swap3A_430, %swap3A_431], %swap3A_434 {strides = array<i32>} : memref<512x64xf32, #tpu.memory_space<vmem>>, vector<1x16xf32>,
      %slice3A_435 = vector.extract_strided_slice %get3A_308 {offsets = [2], sizes = [1], strides = [1]} : vector<16xf32> to vector<1xf32>
      %squeeze3A_436 = vector.extract %slice3A_435[0] : f32 from vector<1xf32>
      %slice3A_437 = vector.extract_strided_slice %get3A_313 {offsets = [2], sizes = [1], strides = [1]} : vector<16xf32> to vector<1xf32>
      %squeeze3A_438 = vector.extract %slice3A_437[0] : f32 from vector<1xf32>
      %add3A_439 = arith.constant 2 : i32
      %add3A_440 = arith.addi %mul3A_303, %add3A_439 : i32
      %get3A_441 = arith.index_cast %add3A_440 : i32 to index
      %get3A_442 = arith.constant 0 : index
      %get3A_443 = tpu.vector_load %arg16[%get3A_441, %get3A_442] {strides = array<i32>} : memref<512x64xf32, #tpu.memory_space<vmem>>, vector<1x16xf32>,
      %get3A_444 = vector.shape_cast %get3A_443 : vector<1x16xf32> to vector<16xf32>
      %mul3A_445 = vector.broadcast %squeeze3A_436 : f32 to vector<16xf32>
      %mul3A_446 = arith.mulf %get3A_444, %mul3A_445 : vector<16xf32>
      %mul3A_447 = vector.broadcast %squeeze3A_438 : f32 to vector<16xf32>
      %mul3A_448 = arith.mulf %get3A_4, %mul3A_447 : vector<16xf32>
      %add3A_449 = arith.addf %mul3A_446, %mul3A_448 : vector<16xf32>
      %swap3A_450 = arith.index_cast %add3A_440 : i32 to index
      %swap3A_451 = arith.constant 0 : index
      %swap3A_452 = tpu.vector_load %arg16[%swap3A_450, %swap3A_451] {strides = array<i32>} : memref<512x64xf32, #tpu.memory_space<vmem>>, vector<1x16xf32>,
      %swap3A_453 = vector.shape_cast %swap3A_452 : vector<1x16xf32> to vector<16xf32>
      %swap3A_454 = vector.shape_cast %add3A_449 : vector<16xf32> to vector<1x16xf32>
      tpu.vector_store %arg16[%swap3A_450, %swap3A_451], %swap3A_454 {strides = array<i32>} : memref<512x64xf32, #tpu.memory_space<vmem>>, vector<1x16xf32>,
      %get3A_455 = arith.index_cast %add3A_440 : i32 to index
      %get3A_456 = arith.constant 16 : index
      %get3A_457 = tpu.vector_load %arg16[%get3A_455, %get3A_456] {strides = array<i32>} : memref<512x64xf32, #tpu.memory_space<vmem>>, vector<1x16xf32>,
      %get3A_458 = vector.shape_cast %get3A_457 : vector<1x16xf32> to vector<16xf32>
      %mul3A_459 = vector.broadcast %squeeze3A_436 : f32 to vector<16xf32>
      %mul3A_460 = arith.mulf %get3A_458, %mul3A_459 : vector<16xf32>
      %mul3A_461 = vector.broadcast %squeeze3A_438 : f32 to vector<16xf32>
      %mul3A_462 = arith.mulf %get3A_7, %mul3A_461 : vector<16xf32>
      %add3A_463 = arith.addf %mul3A_460, %mul3A_462 : vector<16xf32>
      %swap3A_464 = arith.index_cast %add3A_440 : i32 to index
      %swap3A_465 = arith.constant 16 : index
      %swap3A_466 = tpu.vector_load %arg16[%swap3A_464, %swap3A_465] {strides = array<i32>} : memref<512x64xf32, #tpu.memory_space<vmem>>, vector<1x16xf32>,
      %swap3A_467 = vector.shape_cast %swap3A_466 : vector<1x16xf32> to vector<16xf32>
      %swap3A_468 = vector.shape_cast %add3A_463 : vector<16xf32> to vector<1x16xf32>
      tpu.vector_store %arg16[%swap3A_464, %swap3A_465], %swap3A_468 {strides = array<i32>} : memref<512x64xf32, #tpu.memory_space<vmem>>, vector<1x16xf32>,
      %get3A_469 = arith.index_cast %add3A_440 : i32 to index
      %get3A_470 = arith.constant 32 : index
      %get3A_471 = tpu.vector_load %arg16[%get3A_469, %get3A_470] {strides = array<i32>} : memref<512x64xf32, #tpu.memory_space<vmem>>, vector<1x16xf32>,
      %get3A_472 = vector.shape_cast %get3A_471 : vector<1x16xf32> to vector<16xf32>
      %mul3A_473 = vector.broadcast %squeeze3A_436 : f32 to vector<16xf32>
      %mul3A_474 = arith.mulf %get3A_472, %mul3A_473 : vector<16xf32>
      %mul3A_475 = vector.broadcast %squeeze3A_438 : f32 to vector<16xf32>
      %mul3A_476 = arith.mulf %get3A_10, %mul3A_475 : vector<16xf32>
      %add3A_477 = arith.addf %mul3A_474, %mul3A_476 : vector<16xf32>
      %swap3A_478 = arith.index_cast %add3A_440 : i32 to index
      %swap3A_479 = arith.constant 32 : index
      %swap3A_480 = tpu.vector_load %arg16[%swap3A_478, %swap3A_479] {strides = array<i32>} : memref<512x64xf32, #tpu.memory_space<vmem>>, vector<1x16xf32>,
      %swap3A_481 = vector.shape_cast %swap3A_480 : vector<1x16xf32> to vector<16xf32>
      %swap3A_482 = vector.shape_cast %add3A_477 : vector<16xf32> to vector<1x16xf32>
      tpu.vector_store %arg16[%swap3A_478, %swap3A_479], %swap3A_482 {strides = array<i32>} : memref<512x64xf32, #tpu.memory_space<vmem>>, vector<1x16xf32>,
      %get3A_483 = arith.index_cast %add3A_440 : i32 to index
      %get3A_484 = arith.constant 48 : index
      %get3A_485 = tpu.vector_load %arg16[%get3A_483, %get3A_484] {strides = array<i32>} : memref<512x64xf32, #tpu.memory_space<vmem>>, vector<1x16xf32>,
      %get3A_486 = vector.shape_cast %get3A_485 : vector<1x16xf32> to vector<16xf32>
      %mul3A_487 = vector.broadcast %squeeze3A_436 : f32 to vector<16xf32>
      %mul3A_488 = arith.mulf %get3A_486, %mul3A_487 : vector<16xf32>
      %mul3A_489 = vector.broadcast %squeeze3A_438 : f32 to vector<16xf32>
      %mul3A_490 = arith.mulf %get3A_13, %mul3A_489 : vector<16xf32>
      %add3A_491 = arith.addf %mul3A_488, %mul3A_490 : vector<16xf32>
      %swap3A_492 = arith.index_cast %add3A_440 : i32 to index
      %swap3A_493 = arith.constant 48 : index
      %swap3A_494 = tpu.vector_load %arg16[%swap3A_492, %swap3A_493] {strides = array<i32>} : memref<512x64xf32, #tpu.memory_space<vmem>>, vector<1x16xf32>,
      %swap3A_495 = vector.shape_cast %swap3A_494 : vector<1x16xf32> to vector<16xf32>
      %swap3A_496 = vector.shape_cast %add3A_491 : vector<16xf32> to vector<1x16xf32>
      tpu.vector_store %arg16[%swap3A_492, %swap3A_493], %swap3A_496 {strides = array<i32>} : memref<512x64xf32, #tpu.memory_space<vmem>>, vector<1x16xf32>,
      %slice3A_497 = vector.extract_strided_slice %get3A_308 {offsets = [3], sizes = [1], strides = [1]} : vector<16xf32> to vector<1xf32>
      %squeeze3A_498 = vector.extract %slice3A_497[0] : f32 from vector<1xf32>
      %slice3A_499 = vector.extract_strided_slice %get3A_313 {offsets = [3], sizes = [1], strides = [1]} : vector<16xf32> to vector<1xf32>
      %squeeze3A_500 = vector.extract %slice3A_499[0] : f32 from vector<1xf32>
      %add3A_501 = arith.constant 3 : i32
      %add3A_502 = arith.addi %mul3A_303, %add3A_501 : i32
      %get3A_503 = arith.index_cast %add3A_502 : i32 to index
      %get3A_504 = arith.constant 0 : index
      %get3A_505 = tpu.vector_load %arg16[%get3A_503, %get3A_504] {strides = array<i32>} : memref<512x64xf32, #tpu.memory_space<vmem>>, vector<1x16xf32>,
      %get3A_506 = vector.shape_cast %get3A_505 : vector<1x16xf32> to vector<16xf32>
      %mul3A_507 = vector.broadcast %squeeze3A_498 : f32 to vector<16xf32>
      %mul3A_508 = arith.mulf %get3A_506, %mul3A_507 : vector<16xf32>
      %mul3A_509 = vector.broadcast %squeeze3A_500 : f32 to vector<16xf32>
      %mul3A_510 = arith.mulf %get3A_4, %mul3A_509 : vector<16xf32>
      %add3A_511 = arith.addf %mul3A_508, %mul3A_510 : vector<16xf32>
      %swap3A_512 = arith.index_cast %add3A_502 : i32 to index
      %swap3A_513 = arith.constant 0 : index
      %swap3A_514 = tpu.vector_load %arg16[%swap3A_512, %swap3A_513] {strides = array<i32>} : memref<512x64xf32, #tpu.memory_space<vmem>>, vector<1x16xf32>,
      %swap3A_515 = vector.shape_cast %swap3A_514 : vector<1x16xf32> to vector<16xf32>
      %swap3A_516 = vector.shape_cast %add3A_511 : vector<16xf32> to vector<1x16xf32>
      tpu.vector_store %arg16[%swap3A_512, %swap3A_513], %swap3A_516 {strides = array<i32>} : memref<512x64xf32, #tpu.memory_space<vmem>>, vector<1x16xf32>,
      %get3A_517 = arith.index_cast %add3A_502 : i32 to index
      %get3A_518 = arith.constant 16 : index
      %get3A_519 = tpu.vector_load %arg16[%get3A_517, %get3A_518] {strides = array<i32>} : memref<512x64xf32, #tpu.memory_space<vmem>>, vector<1x16xf32>,
      %get3A_520 = vector.shape_cast %get3A_519 : vector<1x16xf32> to vector<16xf32>
      %mul3A_521 = vector.broadcast %squeeze3A_498 : f32 to vector<16xf32>
      %mul3A_522 = arith.mulf %get3A_520, %mul3A_521 : vector<16xf32>
      %mul3A_523 = vector.broadcast %squeeze3A_500 : f32 to vector<16xf32>
      %mul3A_524 = arith.mulf %get3A_7, %mul3A_523 : vector<16xf32>
      %add3A_525 = arith.addf %mul3A_522, %mul3A_524 : vector<16xf32>
      %swap3A_526 = arith.index_cast %add3A_502 : i32 to index
      %swap3A_527 = arith.constant 16 : index
      %swap3A_528 = tpu.vector_load %arg16[%swap3A_526, %swap3A_527] {strides = array<i32>} : memref<512x64xf32, #tpu.memory_space<vmem>>, vector<1x16xf32>,
      %swap3A_529 = vector.shape_cast %swap3A_528 : vector<1x16xf32> to vector<16xf32>
      %swap3A_530 = vector.shape_cast %add3A_525 : vector<16xf32> to vector<1x16xf32>
      tpu.vector_store %arg16[%swap3A_526, %swap3A_527], %swap3A_530 {strides = array<i32>} : memref<512x64xf32, #tpu.memory_space<vmem>>, vector<1x16xf32>,
      %get3A_531 = arith.index_cast %add3A_502 : i32 to index
      %get3A_532 = arith.constant 32 : index
      %get3A_533 = tpu.vector_load %arg16[%get3A_531, %get3A_532] {strides = array<i32>} : memref<512x64xf32, #tpu.memory_space<vmem>>, vector<1x16xf32>,
      %get3A_534 = vector.shape_cast %get3A_533 : vector<1x16xf32> to vector<16xf32>
      %mul3A_535 = vector.broadcast %squeeze3A_498 : f32 to vector<16xf32>
      %mul3A_536 = arith.mulf %get3A_534, %mul3A_535 : vector<16xf32>
      %mul3A_537 = vector.broadcast %squeeze3A_500 : f32 to vector<16xf32>
      %mul3A_538 = arith.mulf %get3A_10, %mul3A_537 : vector<16xf32>
      %add3A_539 = arith.addf %mul3A_536, %mul3A_538 : vector<16xf32>
      %swap3A_540 = arith.index_cast %add3A_502 : i32 to index
      %swap3A_541 = arith.constant 32 : index
      %swap3A_542 = tpu.vector_load %arg16[%swap3A_540, %swap3A_541] {strides = array<i32>} : memref<512x64xf32, #tpu.memory_space<vmem>>, vector<1x16xf32>,
      %swap3A_543 = vector.shape_cast %swap3A_542 : vector<1x16xf32> to vector<16xf32>
      %swap3A_544 = vector.shape_cast %add3A_539 : vector<16xf32> to vector<1x16xf32>
      tpu.vector_store %arg16[%swap3A_540, %swap3A_541], %swap3A_544 {strides = array<i32>} : memref<512x64xf32, #tpu.memory_space<vmem>>, vector<1x16xf32>,
      %get3A_545 = arith.index_cast %add3A_502 : i32 to index
      %get3A_546 = arith.constant 48 : index
      %get3A_547 = tpu.vector_load %arg16[%get3A_545, %get3A_546] {strides = array<i32>} : memref<512x64xf32, #tpu.memory_space<vmem>>, vector<1x16xf32>,
      %get3A_548 = vector.shape_cast %get3A_547 : vector<1x16xf32> to vector<16xf32>
      %mul3A_549 = vector.broadcast %squeeze3A_498 : f32 to vector<16xf32>
      %mul3A_550 = arith.mulf %get3A_548, %mul3A_549 : vector<16xf32>
      %mul3A_551 = vector.broadcast %squeeze3A_500 : f32 to vector<16xf32>
      %mul3A_552 = arith.mulf %get3A_13, %mul3A_551 : vector<16xf32>
      %add3A_553 = arith.addf %mul3A_550, %mul3A_552 : vector<16xf32>
      %swap3A_554 = arith.index_cast %add3A_502 : i32 to index
      %swap3A_555 = arith.constant 48 : index
      %swap3A_556 = tpu.vector_load %arg16[%swap3A_554, %swap3A_555] {strides = array<i32>} : memref<512x64xf32, #tpu.memory_space<vmem>>, vector<1x16xf32>,
      %swap3A_557 = vector.shape_cast %swap3A_556 : vector<1x16xf32> to vector<16xf32>
      %swap3A_558 = vector.shape_cast %add3A_553 : vector<16xf32> to vector<1x16xf32>
      tpu.vector_store %arg16[%swap3A_554, %swap3A_555], %swap3A_558 {strides = array<i32>} : memref<512x64xf32, #tpu.memory_space<vmem>>, vector<1x16xf32>,
      %slice3A_559 = vector.extract_strided_slice %get3A_308 {offsets = [4], sizes = [1], strides = [1]} : vector<16xf32> to vector<1xf32>
      %squeeze3A_560 = vector.extract %slice3A_559[0] : f32 from vector<1xf32>
      %slice3A_561 = vector.extract_strided_slice %get3A_313 {offsets = [4], sizes = [1], strides = [1]} : vector<16xf32> to vector<1xf32>
      %squeeze3A_562 = vector.extract %slice3A_561[0] : f32 from vector<1xf32>
      %add3A_563 = arith.constant 4 : i32
      %add3A_564 = arith.addi %mul3A_303, %add3A_563 : i32
      %get3A_565 = arith.index_cast %add3A_564 : i32 to index
      %get3A_566 = arith.constant 0 : index
      %get3A_567 = tpu.vector_load %arg16[%get3A_565, %get3A_566] {strides = array<i32>} : memref<512x64xf32, #tpu.memory_space<vmem>>, vector<1x16xf32>,
      %get3A_568 = vector.shape_cast %get3A_567 : vector<1x16xf32> to vector<16xf32>
      %mul3A_569 = vector.broadcast %squeeze3A_560 : f32 to vector<16xf32>
      %mul3A_570 = arith.mulf %get3A_568, %mul3A_569 : vector<16xf32>
      %mul3A_571 = vector.broadcast %squeeze3A_562 : f32 to vector<16xf32>
      %mul3A_572 = arith.mulf %get3A_4, %mul3A_571 : vector<16xf32>
      %add3A_573 = arith.addf %mul3A_570, %mul3A_572 : vector<16xf32>
      %swap3A_574 = arith.index_cast %add3A_564 : i32 to index
      %swap3A_575 = arith.constant 0 : index
      %swap3A_576 = tpu.vector_load %arg16[%swap3A_574, %swap3A_575] {strides = array<i32>} : memref<512x64xf32, #tpu.memory_space<vmem>>, vector<1x16xf32>,
      %swap3A_577 = vector.shape_cast %swap3A_576 : vector<1x16xf32> to vector<16xf32>
      %swap3A_578 = vector.shape_cast %add3A_573 : vector<16xf32> to vector<1x16xf32>
      tpu.vector_store %arg16[%swap3A_574, %swap3A_575], %swap3A_578 {strides = array<i32>} : memref<512x64xf32, #tpu.memory_space<vmem>>, vector<1x16xf32>,
      %get3A_579 = arith.index_cast %add3A_564 : i32 to index
      %get3A_580 = arith.constant 16 : index
      %get3A_581 = tpu.vector_load %arg16[%get3A_579, %get3A_580] {strides = array<i32>} : memref<512x64xf32, #tpu.memory_space<vmem>>, vector<1x16xf32>,
      %get3A_582 = vector.shape_cast %get3A_581 : vector<1x16xf32> to vector<16xf32>
      %mul3A_583 = vector.broadcast %squeeze3A_560 : f32 to vector<16xf32>
      %mul3A_584 = arith.mulf %get3A_582, %mul3A_583 : vector<16xf32>
      %mul3A_585 = vector.broadcast %squeeze3A_562 : f32 to vector<16xf32>
      %mul3A_586 = arith.mulf %get3A_7, %mul3A_585 : vector<16xf32>
      %add3A_587 = arith.addf %mul3A_584, %mul3A_586 : vector<16xf32>
      %swap3A_588 = arith.index_cast %add3A_564 : i32 to index
      %swap3A_589 = arith.constant 16 : index
      %swap3A_590 = tpu.vector_load %arg16[%swap3A_588, %swap3A_589] {strides = array<i32>} : memref<512x64xf32, #tpu.memory_space<vmem>>, vector<1x16xf32>,
      %swap3A_591 = vector.shape_cast %swap3A_590 : vector<1x16xf32> to vector<16xf32>
      %swap3A_592 = vector.shape_cast %add3A_587 : vector<16xf32> to vector<1x16xf32>
      tpu.vector_store %arg16[%swap3A_588, %swap3A_589], %swap3A_592 {strides = array<i32>} : memref<512x64xf32, #tpu.memory_space<vmem>>, vector<1x16xf32>,
      %get3A_593 = arith.index_cast %add3A_564 : i32 to index
      %get3A_594 = arith.constant 32 : index
      %get3A_595 = tpu.vector_load %arg16[%get3A_593, %get3A_594] {strides = array<i32>} : memref<512x64xf32, #tpu.memory_space<vmem>>, vector<1x16xf32>,
      %get3A_596 = vector.shape_cast %get3A_595 : vector<1x16xf32> to vector<16xf32>
      %mul3A_597 = vector.broadcast %squeeze3A_560 : f32 to vector<16xf32>
      %mul3A_598 = arith.mulf %get3A_596, %mul3A_597 : vector<16xf32>
      %mul3A_599 = vector.broadcast %squeeze3A_562 : f32 to vector<16xf32>
      %mul3A_600 = arith.mulf %get3A_10, %mul3A_599 : vector<16xf32>
      %add3A_601 = arith.addf %mul3A_598, %mul3A_600 : vector<16xf32>
      %swap3A_602 = arith.index_cast %add3A_564 : i32 to index
      %swap3A_603 = arith.constant 32 : index
      %swap3A_604 = tpu.vector_load %arg16[%swap3A_602, %swap3A_603] {strides = array<i32>} : memref<512x64xf32, #tpu.memory_space<vmem>>, vector<1x16xf32>,
      %swap3A_605 = vector.shape_cast %swap3A_604 : vector<1x16xf32> to vector<16xf32>
      %swap3A_606 = vector.shape_cast %add3A_601 : vector<16xf32> to vector<1x16xf32>
      tpu.vector_store %arg16[%swap3A_602, %swap3A_603], %swap3A_606 {strides = array<i32>} : memref<512x64xf32, #tpu.memory_space<vmem>>, vector<1x16xf32>,
      %get3A_607 = arith.index_cast %add3A_564 : i32 to index
      %get3A_608 = arith.constant 48 : index
      %get3A_609 = tpu.vector_load %arg16[%get3A_607, %get3A_608] {strides = array<i32>} : memref<512x64xf32, #tpu.memory_space<vmem>>, vector<1x16xf32>,
      %get3A_610 = vector.shape_cast %get3A_609 : vector<1x16xf32> to vector<16xf32>
      %mul3A_611 = vector.broadcast %squeeze3A_560 : f32 to vector<16xf32>
      %mul3A_612 = arith.mulf %get3A_610, %mul3A_611 : vector<16xf32>
      %mul3A_613 = vector.broadcast %squeeze3A_562 : f32 to vector<16xf32>
      %mul3A_614 = arith.mulf %get3A_13, %mul3A_613 : vector<16xf32>
      %add3A_615 = arith.addf %mul3A_612, %mul3A_614 : vector<16xf32>
      %swap3A_616 = arith.index_cast %add3A_564 : i32 to index
      %swap3A_617 = arith.constant 48 : index
      %swap3A_618 = tpu.vector_load %arg16[%swap3A_616, %swap3A_617] {strides = array<i32>} : memref<512x64xf32, #tpu.memory_space<vmem>>, vector<1x16xf32>,
      %swap3A_619 = vector.shape_cast %swap3A_618 : vector<1x16xf32> to vector<16xf32>
      %swap3A_620 = vector.shape_cast %add3A_615 : vector<16xf32> to vector<1x16xf32>
      tpu.vector_store %arg16[%swap3A_616, %swap3A_617], %swap3A_620 {strides = array<i32>} : memref<512x64xf32, #tpu.memory_space<vmem>>, vector<1x16xf32>,
      %slice3A_621 = vector.extract_strided_slice %get3A_308 {offsets = [5], sizes = [1], strides = [1]} : vector<16xf32> to vector<1xf32>
      %squeeze3A_622 = vector.extract %slice3A_621[0] : f32 from vector<1xf32>
      %slice3A_623 = vector.extract_strided_slice %get3A_313 {offsets = [5], sizes = [1], strides = [1]} : vector<16xf32> to vector<1xf32>
      %squeeze3A_624 = vector.extract %slice3A_623[0] : f32 from vector<1xf32>
      %add3A_625 = arith.constant 5 : i32
      %add3A_626 = arith.addi %mul3A_303, %add3A_625 : i32
      %get3A_627 = arith.index_cast %add3A_626 : i32 to index
      %get3A_628 = arith.constant 0 : index
      %get3A_629 = tpu.vector_load %arg16[%get3A_627, %get3A_628] {strides = array<i32>} : memref<512x64xf32, #tpu.memory_space<vmem>>, vector<1x16xf32>,
      %get3A_630 = vector.shape_cast %get3A_629 : vector<1x16xf32> to vector<16xf32>
      %mul3A_631 = vector.broadcast %squeeze3A_622 : f32 to vector<16xf32>
      %mul3A_632 = arith.mulf %get3A_630, %mul3A_631 : vector<16xf32>
      %mul3A_633 = vector.broadcast %squeeze3A_624 : f32 to vector<16xf32>
      %mul3A_634 = arith.mulf %get3A_4, %mul3A_633 : vector<16xf32>
      %add3A_635 = arith.addf %mul3A_632, %mul3A_634 : vector<16xf32>
      %swap3A_636 = arith.index_cast %add3A_626 : i32 to index
      %swap3A_637 = arith.constant 0 : index
      %swap3A_638 = tpu.vector_load %arg16[%swap3A_636, %swap3A_637] {strides = array<i32>} : memref<512x64xf32, #tpu.memory_space<vmem>>, vector<1x16xf32>,
      %swap3A_639 = vector.shape_cast %swap3A_638 : vector<1x16xf32> to vector<16xf32>
      %swap3A_640 = vector.shape_cast %add3A_635 : vector<16xf32> to vector<1x16xf32>
      tpu.vector_store %arg16[%swap3A_636, %swap3A_637], %swap3A_640 {strides = array<i32>} : memref<512x64xf32, #tpu.memory_space<vmem>>, vector<1x16xf32>,
      %get3A_641 = arith.index_cast %add3A_626 : i32 to index
      %get3A_642 = arith.constant 16 : index
      %get3A_643 = tpu.vector_load %arg16[%get3A_641, %get3A_642] {strides = array<i32>} : memref<512x64xf32, #tpu.memory_space<vmem>>, vector<1x16xf32>,
      %get3A_644 = vector.shape_cast %get3A_643 : vector<1x16xf32> to vector<16xf32>
      %mul3A_645 = vector.broadcast %squeeze3A_622 : f32 to vector<16xf32>
      %mul3A_646 = arith.mulf %get3A_644, %mul3A_645 : vector<16xf32>
      %mul3A_647 = vector.broadcast %squeeze3A_624 : f32 to vector<16xf32>
      %mul3A_648 = arith.mulf %get3A_7, %mul3A_647 : vector<16xf32>
      %add3A_649 = arith.addf %mul3A_646, %mul3A_648 : vector<16xf32>
      %swap3A_650 = arith.index_cast %add3A_626 : i32 to index
      %swap3A_651 = arith.constant 16 : index
      %swap3A_652 = tpu.vector_load %arg16[%swap3A_650, %swap3A_651] {strides = array<i32>} : memref<512x64xf32, #tpu.memory_space<vmem>>, vector<1x16xf32>,
      %swap3A_653 = vector.shape_cast %swap3A_652 : vector<1x16xf32> to vector<16xf32>
      %swap3A_654 = vector.shape_cast %add3A_649 : vector<16xf32> to vector<1x16xf32>
      tpu.vector_store %arg16[%swap3A_650, %swap3A_651], %swap3A_654 {strides = array<i32>} : memref<512x64xf32, #tpu.memory_space<vmem>>, vector<1x16xf32>,
      %get3A_655 = arith.index_cast %add3A_626 : i32 to index
      %get3A_656 = arith.constant 32 : index
      %get3A_657 = tpu.vector_load %arg16[%get3A_655, %get3A_656] {strides = array<i32>} : memref<512x64xf32, #tpu.memory_space<vmem>>, vector<1x16xf32>,
      %get3A_658 = vector.shape_cast %get3A_657 : vector<1x16xf32> to vector<16xf32>
      %mul3A_659 = vector.broadcast %squeeze3A_622 : f32 to vector<16xf32>
      %mul3A_660 = arith.mulf %get3A_658, %mul3A_659 : vector<16xf32>
      %mul3A_661 = vector.broadcast %squeeze3A_624 : f32 to vector<16xf32>
      %mul3A_662 = arith.mulf %get3A_10, %mul3A_661 : vector<16xf32>
      %add3A_663 = arith.addf %mul3A_660, %mul3A_662 : vector<16xf32>
      %swap3A_664 = arith.index_cast %add3A_626 : i32 to index
      %swap3A_665 = arith.constant 32 : index
      %swap3A_666 = tpu.vector_load %arg16[%swap3A_664, %swap3A_665] {strides = array<i32>} : memref<512x64xf32, #tpu.memory_space<vmem>>, vector<1x16xf32>,
      %swap3A_667 = vector.shape_cast %swap3A_666 : vector<1x16xf32> to vector<16xf32>
      %swap3A_668 = vector.shape_cast %add3A_663 : vector<16xf32> to vector<1x16xf32>
      tpu.vector_store %arg16[%swap3A_664, %swap3A_665], %swap3A_668 {strides = array<i32>} : memref<512x64xf32, #tpu.memory_space<vmem>>, vector<1x16xf32>,
      %get3A_669 = arith.index_cast %add3A_626 : i32 to index
      %get3A_670 = arith.constant 48 : index
      %get3A_671 = tpu.vector_load %arg16[%get3A_669, %get3A_670] {strides = array<i32>} : memref<512x64xf32, #tpu.memory_space<vmem>>, vector<1x16xf32>,
      %get3A_672 = vector.shape_cast %get3A_671 : vector<1x16xf32> to vector<16xf32>
      %mul3A_673 = vector.broadcast %squeeze3A_622 : f32 to vector<16xf32>
      %mul3A_674 = arith.mulf %get3A_672, %mul3A_673 : vector<16xf32>
      %mul3A_675 = vector.broadcast %squeeze3A_624 : f32 to vector<16xf32>
      %mul3A_676 = arith.mulf %get3A_13, %mul3A_675 : vector<16xf32>
      %add3A_677 = arith.addf %mul3A_674, %mul3A_676 : vector<16xf32>
      %swap3A_678 = arith.index_cast %add3A_626 : i32 to index
      %swap3A_679 = arith.constant 48 : index
      %swap3A_680 = tpu.vector_load %arg16[%swap3A_678, %swap3A_679] {strides = array<i32>} : memref<512x64xf32, #tpu.memory_space<vmem>>, vector<1x16xf32>,
      %swap3A_681 = vector.shape_cast %swap3A_680 : vector<1x16xf32> to vector<16xf32>
      %swap3A_682 = vector.shape_cast %add3A_677 : vector<16xf32> to vector<1x16xf32>
      tpu.vector_store %arg16[%swap3A_678, %swap3A_679], %swap3A_682 {strides = array<i32>} : memref<512x64xf32, #tpu.memory_space<vmem>>, vector<1x16xf32>,
      %slice3A_683 = vector.extract_strided_slice %get3A_308 {offsets = [6], sizes = [1], strides = [1]} : vector<16xf32> to vector<1xf32>
      %squeeze3A_684 = vector.extract %slice3A_683[0] : f32 from vector<1xf32>
      %slice3A_685 = vector.extract_strided_slice %get3A_313 {offsets = [6], sizes = [1], strides = [1]} : vector<16xf32> to vector<1xf32>
      %squeeze3A_686 = vector.extract %slice3A_685[0] : f32 from vector<1xf32>
      %add3A_687 = arith.constant 6 : i32
      %add3A_688 = arith.addi %mul3A_303, %add3A_687 : i32
      %get3A_689 = arith.index_cast %add3A_688 : i32 to index
      %get3A_690 = arith.constant 0 : index
      %get3A_691 = tpu.vector_load %arg16[%get3A_689, %get3A_690] {strides = array<i32>} : memref<512x64xf32, #tpu.memory_space<vmem>>, vector<1x16xf32>,
      %get3A_692 = vector.shape_cast %get3A_691 : vector<1x16xf32> to vector<16xf32>
      %mul3A_693 = vector.broadcast %squeeze3A_684 : f32 to vector<16xf32>
      %mul3A_694 = arith.mulf %get3A_692, %mul3A_693 : vector<16xf32>
      %mul3A_695 = vector.broadcast %squeeze3A_686 : f32 to vector<16xf32>
      %mul3A_696 = arith.mulf %get3A_4, %mul3A_695 : vector<16xf32>
      %add3A_697 = arith.addf %mul3A_694, %mul3A_696 : vector<16xf32>
      %swap3A_698 = arith.index_cast %add3A_688 : i32 to index
      %swap3A_699 = arith.constant 0 : index
      %swap3A_700 = tpu.vector_load %arg16[%swap3A_698, %swap3A_699] {strides = array<i32>} : memref<512x64xf32, #tpu.memory_space<vmem>>, vector<1x16xf32>,
      %swap3A_701 = vector.shape_cast %swap3A_700 : vector<1x16xf32> to vector<16xf32>
      %swap3A_702 = vector.shape_cast %add3A_697 : vector<16xf32> to vector<1x16xf32>
      tpu.vector_store %arg16[%swap3A_698, %swap3A_699], %swap3A_702 {strides = array<i32>} : memref<512x64xf32, #tpu.memory_space<vmem>>, vector<1x16xf32>,
      %get3A_703 = arith.index_cast %add3A_688 : i32 to index
      %get3A_704 = arith.constant 16 : index
      %get3A_705 = tpu.vector_load %arg16[%get3A_703, %get3A_704] {strides = array<i32>} : memref<512x64xf32, #tpu.memory_space<vmem>>, vector<1x16xf32>,
      %get3A_706 = vector.shape_cast %get3A_705 : vector<1x16xf32> to vector<16xf32>
      %mul3A_707 = vector.broadcast %squeeze3A_684 : f32 to vector<16xf32>
      %mul3A_708 = arith.mulf %get3A_706, %mul3A_707 : vector<16xf32>
      %mul3A_709 = vector.broadcast %squeeze3A_686 : f32 to vector<16xf32>
      %mul3A_710 = arith.mulf %get3A_7, %mul3A_709 : vector<16xf32>
      %add3A_711 = arith.addf %mul3A_708, %mul3A_710 : vector<16xf32>
      %swap3A_712 = arith.index_cast %add3A_688 : i32 to index
      %swap3A_713 = arith.constant 16 : index
      %swap3A_714 = tpu.vector_load %arg16[%swap3A_712, %swap3A_713] {strides = array<i32>} : memref<512x64xf32, #tpu.memory_space<vmem>>, vector<1x16xf32>,
      %swap3A_715 = vector.shape_cast %swap3A_714 : vector<1x16xf32> to vector<16xf32>
      %swap3A_716 = vector.shape_cast %add3A_711 : vector<16xf32> to vector<1x16xf32>
      tpu.vector_store %arg16[%swap3A_712, %swap3A_713], %swap3A_716 {strides = array<i32>} : memref<512x64xf32, #tpu.memory_space<vmem>>, vector<1x16xf32>,
      %get3A_717 = arith.index_cast %add3A_688 : i32 to index
      %get3A_718 = arith.constant 32 : index
      %get3A_719 = tpu.vector_load %arg16[%get3A_717, %get3A_718] {strides = array<i32>} : memref<512x64xf32, #tpu.memory_space<vmem>>, vector<1x16xf32>,
      %get3A_720 = vector.shape_cast %get3A_719 : vector<1x16xf32> to vector<16xf32>
      %mul3A_721 = vector.broadcast %squeeze3A_684 : f32 to vector<16xf32>
      %mul3A_722 = arith.mulf %get3A_720, %mul3A_721 : vector<16xf32>
      %mul3A_723 = vector.broadcast %squeeze3A_686 : f32 to vector<16xf32>
      %mul3A_724 = arith.mulf %get3A_10, %mul3A_723 : vector<16xf32>
      %add3A_725 = arith.addf %mul3A_722, %mul3A_724 : vector<16xf32>
      %swap3A_726 = arith.index_cast %add3A_688 : i32 to index
      %swap3A_727 = arith.constant 32 : index
      %swap3A_728 = tpu.vector_load %arg16[%swap3A_726, %swap3A_727] {strides = array<i32>} : memref<512x64xf32, #tpu.memory_space<vmem>>, vector<1x16xf32>,
      %swap3A_729 = vector.shape_cast %swap3A_728 : vector<1x16xf32> to vector<16xf32>
      %swap3A_730 = vector.shape_cast %add3A_725 : vector<16xf32> to vector<1x16xf32>
      tpu.vector_store %arg16[%swap3A_726, %swap3A_727], %swap3A_730 {strides = array<i32>} : memref<512x64xf32, #tpu.memory_space<vmem>>, vector<1x16xf32>,
      %get3A_731 = arith.index_cast %add3A_688 : i32 to index
      %get3A_732 = arith.constant 48 : index
      %get3A_733 = tpu.vector_load %arg16[%get3A_731, %get3A_732] {strides = array<i32>} : memref<512x64xf32, #tpu.memory_space<vmem>>, vector<1x16xf32>,
      %get3A_734 = vector.shape_cast %get3A_733 : vector<1x16xf32> to vector<16xf32>
      %mul3A_735 = vector.broadcast %squeeze3A_684 : f32 to vector<16xf32>
      %mul3A_736 = arith.mulf %get3A_734, %mul3A_735 : vector<16xf32>
      %mul3A_737 = vector.broadcast %squeeze3A_686 : f32 to vector<16xf32>
      %mul3A_738 = arith.mulf %get3A_13, %mul3A_737 : vector<16xf32>
      %add3A_739 = arith.addf %mul3A_736, %mul3A_738 : vector<16xf32>
      %swap3A_740 = arith.index_cast %add3A_688 : i32 to index
      %swap3A_741 = arith.constant 48 : index
      %swap3A_742 = tpu.vector_load %arg16[%swap3A_740, %swap3A_741] {strides = array<i32>} : memref<512x64xf32, #tpu.memory_space<vmem>>, vector<1x16xf32>,
      %swap3A_743 = vector.shape_cast %swap3A_742 : vector<1x16xf32> to vector<16xf32>
      %swap3A_744 = vector.shape_cast %add3A_739 : vector<16xf32> to vector<1x16xf32>
      tpu.vector_store %arg16[%swap3A_740, %swap3A_741], %swap3A_744 {strides = array<i32>} : memref<512x64xf32, #tpu.memory_space<vmem>>, vector<1x16xf32>,
      %slice3A_745 = vector.extract_strided_slice %get3A_308 {offsets = [7], sizes = [1], strides = [1]} : vector<16xf32> to vector<1xf32>
      %squeeze3A_746 = vector.extract %slice3A_745[0] : f32 from vector<1xf32>
      %slice3A_747 = vector.extract_strided_slice %get3A_313 {offsets = [7], sizes = [1], strides = [1]} : vector<16xf32> to vector<1xf32>
      %squeeze3A_748 = vector.extract %slice3A_747[0] : f32 from vector<1xf32>
      %add3A_749 = arith.constant 7 : i32
      %add3A_750 = arith.addi %mul3A_303, %add3A_749 : i32
      %get3A_751 = arith.index_cast %add3A_750 : i32 to index
      %get3A_752 = arith.constant 0 : index
      %get3A_753 = tpu.vector_load %arg16[%get3A_751, %get3A_752] {strides = array<i32>} : memref<512x64xf32, #tpu.memory_space<vmem>>, vector<1x16xf32>,
      %get3A_754 = vector.shape_cast %get3A_753 : vector<1x16xf32> to vector<16xf32>
      %mul3A_755 = vector.broadcast %squeeze3A_746 : f32 to vector<16xf32>
      %mul3A_756 = arith.mulf %get3A_754, %mul3A_755 : vector<16xf32>
      %mul3A_757 = vector.broadcast %squeeze3A_748 : f32 to vector<16xf32>
      %mul3A_758 = arith.mulf %get3A_4, %mul3A_757 : vector<16xf32>
      %add3A_759 = arith.addf %mul3A_756, %mul3A_758 : vector<16xf32>
      %swap3A_760 = arith.index_cast %add3A_750 : i32 to index
      %swap3A_761 = arith.constant 0 : index
      %swap3A_762 = tpu.vector_load %arg16[%swap3A_760, %swap3A_761] {strides = array<i32>} : memref<512x64xf32, #tpu.memory_space<vmem>>, vector<1x16xf32>,
      %swap3A_763 = vector.shape_cast %swap3A_762 : vector<1x16xf32> to vector<16xf32>
      %swap3A_764 = vector.shape_cast %add3A_759 : vector<16xf32> to vector<1x16xf32>
      tpu.vector_store %arg16[%swap3A_760, %swap3A_761], %swap3A_764 {strides = array<i32>} : memref<512x64xf32, #tpu.memory_space<vmem>>, vector<1x16xf32>,
      %get3A_765 = arith.index_cast %add3A_750 : i32 to index
      %get3A_766 = arith.constant 16 : index
      %get3A_767 = tpu.vector_load %arg16[%get3A_765, %get3A_766] {strides = array<i32>} : memref<512x64xf32, #tpu.memory_space<vmem>>, vector<1x16xf32>,
      %get3A_768 = vector.shape_cast %get3A_767 : vector<1x16xf32> to vector<16xf32>
      %mul3A_769 = vector.broadcast %squeeze3A_746 : f32 to vector<16xf32>
      %mul3A_770 = arith.mulf %get3A_768, %mul3A_769 : vector<16xf32>
      %mul3A_771 = vector.broadcast %squeeze3A_748 : f32 to vector<16xf32>
      %mul3A_772 = arith.mulf %get3A_7, %mul3A_771 : vector<16xf32>
      %add3A_773 = arith.addf %mul3A_770, %mul3A_772 : vector<16xf32>
      %swap3A_774 = arith.index_cast %add3A_750 : i32 to index
      %swap3A_775 = arith.constant 16 : index
      %swap3A_776 = tpu.vector_load %arg16[%swap3A_774, %swap3A_775] {strides = array<i32>} : memref<512x64xf32, #tpu.memory_space<vmem>>, vector<1x16xf32>,
      %swap3A_777 = vector.shape_cast %swap3A_776 : vector<1x16xf32> to vector<16xf32>
      %swap3A_778 = vector.shape_cast %add3A_773 : vector<16xf32> to vector<1x16xf32>
      tpu.vector_store %arg16[%swap3A_774, %swap3A_775], %swap3A_778 {strides = array<i32>} : memref<512x64xf32, #tpu.memory_space<vmem>>, vector<1x16xf32>,
      %get3A_779 = arith.index_cast %add3A_750 : i32 to index
      %get3A_780 = arith.constant 32 : index
      %get3A_781 = tpu.vector_load %arg16[%get3A_779, %get3A_780] {strides = array<i32>} : memref<512x64xf32, #tpu.memory_space<vmem>>, vector<1x16xf32>,
      %get3A_782 = vector.shape_cast %get3A_781 : vector<1x16xf32> to vector<16xf32>
      %mul3A_783 = vector.broadcast %squeeze3A_746 : f32 to vector<16xf32>
      %mul3A_784 = arith.mulf %get3A_782, %mul3A_783 : vector<16xf32>
      %mul3A_785 = vector.broadcast %squeeze3A_748 : f32 to vector<16xf32>
      %mul3A_786 = arith.mulf %get3A_10, %mul3A_785 : vector<16xf32>
      %add3A_787 = arith.addf %mul3A_784, %mul3A_786 : vector<16xf32>
      %swap3A_788 = arith.index_cast %add3A_750 : i32 to index
      %swap3A_789 = arith.constant 32 : index
      %swap3A_790 = tpu.vector_load %arg16[%swap3A_788, %swap3A_789] {strides = array<i32>} : memref<512x64xf32, #tpu.memory_space<vmem>>, vector<1x16xf32>,
      %swap3A_791 = vector.shape_cast %swap3A_790 : vector<1x16xf32> to vector<16xf32>
      %swap3A_792 = vector.shape_cast %add3A_787 : vector<16xf32> to vector<1x16xf32>
      tpu.vector_store %arg16[%swap3A_788, %swap3A_789], %swap3A_792 {strides = array<i32>} : memref<512x64xf32, #tpu.memory_space<vmem>>, vector<1x16xf32>,
      %get3A_793 = arith.index_cast %add3A_750 : i32 to index
      %get3A_794 = arith.constant 48 : index
      %get3A_795 = tpu.vector_load %arg16[%get3A_793, %get3A_794] {strides = array<i32>} : memref<512x64xf32, #tpu.memory_space<vmem>>, vector<1x16xf32>,
      %get3A_796 = vector.shape_cast %get3A_795 : vector<1x16xf32> to vector<16xf32>
      %mul3A_797 = vector.broadcast %squeeze3A_746 : f32 to vector<16xf32>
      %mul3A_798 = arith.mulf %get3A_796, %mul3A_797 : vector<16xf32>
      %mul3A_799 = vector.broadcast %squeeze3A_748 : f32 to vector<16xf32>
      %mul3A_800 = arith.mulf %get3A_13, %mul3A_799 : vector<16xf32>
      %add3A_801 = arith.addf %mul3A_798, %mul3A_800 : vector<16xf32>
      %swap3A_802 = arith.index_cast %add3A_750 : i32 to index
      %swap3A_803 = arith.constant 48 : index
      %swap3A_804 = tpu.vector_load %arg16[%swap3A_802, %swap3A_803] {strides = array<i32>} : memref<512x64xf32, #tpu.memory_space<vmem>>, vector<1x16xf32>,
      %swap3A_805 = vector.shape_cast %swap3A_804 : vector<1x16xf32> to vector<16xf32>
      %swap3A_806 = vector.shape_cast %add3A_801 : vector<16xf32> to vector<1x16xf32>
      tpu.vector_store %arg16[%swap3A_802, %swap3A_803], %swap3A_806 {strides = array<i32>} : memref<512x64xf32, #tpu.memory_space<vmem>>, vector<1x16xf32>,
      %slice3A_807 = vector.extract_strided_slice %get3A_308 {offsets = [8], sizes = [1], strides = [1]} : vector<16xf32> to vector<1xf32>
      %squeeze3A_808 = vector.extract %slice3A_807[0] : f32 from vector<1xf32>
      %slice3A_809 = vector.extract_strided_slice %get3A_313 {offsets = [8], sizes = [1], strides = [1]} : vector<16xf32> to vector<1xf32>
      %squeeze3A_810 = vector.extract %slice3A_809[0] : f32 from vector<1xf32>
      %add3A_811 = arith.constant 8 : i32
      %add3A_812 = arith.addi %mul3A_303, %add3A_811 : i32
      %get3A_813 = arith.index_cast %add3A_812 : i32 to index
      %get3A_814 = arith.constant 0 : index
      %get3A_815 = tpu.vector_load %arg16[%get3A_813, %get3A_814] {strides = array<i32>} : memref<512x64xf32, #tpu.memory_space<vmem>>, vector<1x16xf32>,
      %get3A_816 = vector.shape_cast %get3A_815 : vector<1x16xf32> to vector<16xf32>
      %mul3A_817 = vector.broadcast %squeeze3A_808 : f32 to vector<16xf32>
      %mul3A_818 = arith.mulf %get3A_816, %mul3A_817 : vector<16xf32>
      %mul3A_819 = vector.broadcast %squeeze3A_810 : f32 to vector<16xf32>
      %mul3A_820 = arith.mulf %get3A_4, %mul3A_819 : vector<16xf32>
      %add3A_821 = arith.addf %mul3A_818, %mul3A_820 : vector<16xf32>
      %swap3A_822 = arith.index_cast %add3A_812 : i32 to index
      %swap3A_823 = arith.constant 0 : index
      %swap3A_824 = tpu.vector_load %arg16[%swap3A_822, %swap3A_823] {strides = array<i32>} : memref<512x64xf32, #tpu.memory_space<vmem>>, vector<1x16xf32>,
      %swap3A_825 = vector.shape_cast %swap3A_824 : vector<1x16xf32> to vector<16xf32>
      %swap3A_826 = vector.shape_cast %add3A_821 : vector<16xf32> to vector<1x16xf32>
      tpu.vector_store %arg16[%swap3A_822, %swap3A_823], %swap3A_826 {strides = array<i32>} : memref<512x64xf32, #tpu.memory_space<vmem>>, vector<1x16xf32>,
      %get3A_827 = arith.index_cast %add3A_812 : i32 to index
      %get3A_828 = arith.constant 16 : index
      %get3A_829 = tpu.vector_load %arg16[%get3A_827, %get3A_828] {strides = array<i32>} : memref<512x64xf32, #tpu.memory_space<vmem>>, vector<1x16xf32>,
      %get3A_830 = vector.shape_cast %get3A_829 : vector<1x16xf32> to vector<16xf32>
      %mul3A_831 = vector.broadcast %squeeze3A_808 : f32 to vector<16xf32>
      %mul3A_832 = arith.mulf %get3A_830, %mul3A_831 : vector<16xf32>
      %mul3A_833 = vector.broadcast %squeeze3A_810 : f32 to vector<16xf32>
      %mul3A_834 = arith.mulf %get3A_7, %mul3A_833 : vector<16xf32>
      %add3A_835 = arith.addf %mul3A_832, %mul3A_834 : vector<16xf32>
      %swap3A_836 = arith.index_cast %add3A_812 : i32 to index
      %swap3A_837 = arith.constant 16 : index
      %swap3A_838 = tpu.vector_load %arg16[%swap3A_836, %swap3A_837] {strides = array<i32>} : memref<512x64xf32, #tpu.memory_space<vmem>>, vector<1x16xf32>,
      %swap3A_839 = vector.shape_cast %swap3A_838 : vector<1x16xf32> to vector<16xf32>
      %swap3A_840 = vector.shape_cast %add3A_835 : vector<16xf32> to vector<1x16xf32>
      tpu.vector_store %arg16[%swap3A_836, %swap3A_837], %swap3A_840 {strides = array<i32>} : memref<512x64xf32, #tpu.memory_space<vmem>>, vector<1x16xf32>,
      %get3A_841 = arith.index_cast %add3A_812 : i32 to index
      %get3A_842 = arith.constant 32 : index
      %get3A_843 = tpu.vector_load %arg16[%get3A_841, %get3A_842] {strides = array<i32>} : memref<512x64xf32, #tpu.memory_space<vmem>>, vector<1x16xf32>,
      %get3A_844 = vector.shape_cast %get3A_843 : vector<1x16xf32> to vector<16xf32>
      %mul3A_845 = vector.broadcast %squeeze3A_808 : f32 to vector<16xf32>
      %mul3A_846 = arith.mulf %get3A_844, %mul3A_845 : vector<16xf32>
      %mul3A_847 = vector.broadcast %squeeze3A_810 : f32 to vector<16xf32>
      %mul3A_848 = arith.mulf %get3A_10, %mul3A_847 : vector<16xf32>
      %add3A_849 = arith.addf %mul3A_846, %mul3A_848 : vector<16xf32>
      %swap3A_850 = arith.index_cast %add3A_812 : i32 to index
      %swap3A_851 = arith.constant 32 : index
      %swap3A_852 = tpu.vector_load %arg16[%swap3A_850, %swap3A_851] {strides = array<i32>} : memref<512x64xf32, #tpu.memory_space<vmem>>, vector<1x16xf32>,
      %swap3A_853 = vector.shape_cast %swap3A_852 : vector<1x16xf32> to vector<16xf32>
      %swap3A_854 = vector.shape_cast %add3A_849 : vector<16xf32> to vector<1x16xf32>
      tpu.vector_store %arg16[%swap3A_850, %swap3A_851], %swap3A_854 {strides = array<i32>} : memref<512x64xf32, #tpu.memory_space<vmem>>, vector<1x16xf32>,
      %get3A_855 = arith.index_cast %add3A_812 : i32 to index
      %get3A_856 = arith.constant 48 : index
      %get3A_857 = tpu.vector_load %arg16[%get3A_855, %get3A_856] {strides = array<i32>} : memref<512x64xf32, #tpu.memory_space<vmem>>, vector<1x16xf32>,
      %get3A_858 = vector.shape_cast %get3A_857 : vector<1x16xf32> to vector<16xf32>
      %mul3A_859 = vector.broadcast %squeeze3A_808 : f32 to vector<16xf32>
      %mul3A_860 = arith.mulf %get3A_858, %mul3A_859 : vector<16xf32>
      %mul3A_861 = vector.broadcast %squeeze3A_810 : f32 to vector<16xf32>
      %mul3A_862 = arith.mulf %get3A_13, %mul3A_861 : vector<16xf32>
      %add3A_863 = arith.addf %mul3A_860, %mul3A_862 : vector<16xf32>
      %swap3A_864 = arith.index_cast %add3A_812 : i32 to index
      %swap3A_865 = arith.constant 48 : index
      %swap3A_866 = tpu.vector_load %arg16[%swap3A_864, %swap3A_865] {strides = array<i32>} : memref<512x64xf32, #tpu.memory_space<vmem>>, vector<1x16xf32>,
      %swap3A_867 = vector.shape_cast %swap3A_866 : vector<1x16xf32> to vector<16xf32>
      %swap3A_868 = vector.shape_cast %add3A_863 : vector<16xf32> to vector<1x16xf32>
      tpu.vector_store %arg16[%swap3A_864, %swap3A_865], %swap3A_868 {strides = array<i32>} : memref<512x64xf32, #tpu.memory_space<vmem>>, vector<1x16xf32>,
      %slice3A_869 = vector.extract_strided_slice %get3A_308 {offsets = [9], sizes = [1], strides = [1]} : vector<16xf32> to vector<1xf32>
      %squeeze3A_870 = vector.extract %slice3A_869[0] : f32 from vector<1xf32>
      %slice3A_871 = vector.extract_strided_slice %get3A_313 {offsets = [9], sizes = [1], strides = [1]} : vector<16xf32> to vector<1xf32>
      %squeeze3A_872 = vector.extract %slice3A_871[0] : f32 from vector<1xf32>
      %add3A_873 = arith.constant 9 : i32
      %add3A_874 = arith.addi %mul3A_303, %add3A_873 : i32
      %get3A_875 = arith.index_cast %add3A_874 : i32 to index
      %get3A_876 = arith.constant 0 : index
      %get3A_877 = tpu.vector_load %arg16[%get3A_875, %get3A_876] {strides = array<i32>} : memref<512x64xf32, #tpu.memory_space<vmem>>, vector<1x16xf32>,
      %get3A_878 = vector.shape_cast %get3A_877 : vector<1x16xf32> to vector<16xf32>
      %mul3A_879 = vector.broadcast %squeeze3A_870 : f32 to vector<16xf32>
      %mul3A_880 = arith.mulf %get3A_878, %mul3A_879 : vector<16xf32>
      %mul3A_881 = vector.broadcast %squeeze3A_872 : f32 to vector<16xf32>
      %mul3A_882 = arith.mulf %get3A_4, %mul3A_881 : vector<16xf32>
      %add3A_883 = arith.addf %mul3A_880, %mul3A_882 : vector<16xf32>
      %swap3A_884 = arith.index_cast %add3A_874 : i32 to index
      %swap3A_885 = arith.constant 0 : index
      %swap3A_886 = tpu.vector_load %arg16[%swap3A_884, %swap3A_885] {strides = array<i32>} : memref<512x64xf32, #tpu.memory_space<vmem>>, vector<1x16xf32>,
      %swap3A_887 = vector.shape_cast %swap3A_886 : vector<1x16xf32> to vector<16xf32>
      %swap3A_888 = vector.shape_cast %add3A_883 : vector<16xf32> to vector<1x16xf32>
      tpu.vector_store %arg16[%swap3A_884, %swap3A_885], %swap3A_888 {strides = array<i32>} : memref<512x64xf32, #tpu.memory_space<vmem>>, vector<1x16xf32>,
      %get3A_889 = arith.index_cast %add3A_874 : i32 to index
      %get3A_890 = arith.constant 16 : index
      %get3A_891 = tpu.vector_load %arg16[%get3A_889, %get3A_890] {strides = array<i32>} : memref<512x64xf32, #tpu.memory_space<vmem>>, vector<1x16xf32>,
      %get3A_892 = vector.shape_cast %get3A_891 : vector<1x16xf32> to vector<16xf32>
      %mul3A_893 = vector.broadcast %squeeze3A_870 : f32 to vector<16xf32>
      %mul3A_894 = arith.mulf %get3A_892, %mul3A_893 : vector<16xf32>
      %mul3A_895 = vector.broadcast %squeeze3A_872 : f32 to vector<16xf32>
      %mul3A_896 = arith.mulf %get3A_7, %mul3A_895 : vector<16xf32>
      %add3A_897 = arith.addf %mul3A_894, %mul3A_896 : vector<16xf32>
      %swap3A_898 = arith.index_cast %add3A_874 : i32 to index
      %swap3A_899 = arith.constant 16 : index
      %swap3A_900 = tpu.vector_load %arg16[%swap3A_898, %swap3A_899] {strides = array<i32>} : memref<512x64xf32, #tpu.memory_space<vmem>>, vector<1x16xf32>,
      %swap3A_901 = vector.shape_cast %swap3A_900 : vector<1x16xf32> to vector<16xf32>
      %swap3A_902 = vector.shape_cast %add3A_897 : vector<16xf32> to vector<1x16xf32>
      tpu.vector_store %arg16[%swap3A_898, %swap3A_899], %swap3A_902 {strides = array<i32>} : memref<512x64xf32, #tpu.memory_space<vmem>>, vector<1x16xf32>,
      %get3A_903 = arith.index_cast %add3A_874 : i32 to index
      %get3A_904 = arith.constant 32 : index
      %get3A_905 = tpu.vector_load %arg16[%get3A_903, %get3A_904] {strides = array<i32>} : memref<512x64xf32, #tpu.memory_space<vmem>>, vector<1x16xf32>,
      %get3A_906 = vector.shape_cast %get3A_905 : vector<1x16xf32> to vector<16xf32>
      %mul3A_907 = vector.broadcast %squeeze3A_870 : f32 to vector<16xf32>
      %mul3A_908 = arith.mulf %get3A_906, %mul3A_907 : vector<16xf32>
      %mul3A_909 = vector.broadcast %squeeze3A_872 : f32 to vector<16xf32>
      %mul3A_910 = arith.mulf %get3A_10, %mul3A_909 : vector<16xf32>
      %add3A_911 = arith.addf %mul3A_908, %mul3A_910 : vector<16xf32>
      %swap3A_912 = arith.index_cast %add3A_874 : i32 to index
      %swap3A_913 = arith.constant 32 : index
      %swap3A_914 = tpu.vector_load %arg16[%swap3A_912, %swap3A_913] {strides = array<i32>} : memref<512x64xf32, #tpu.memory_space<vmem>>, vector<1x16xf32>,
      %swap3A_915 = vector.shape_cast %swap3A_914 : vector<1x16xf32> to vector<16xf32>
      %swap3A_916 = vector.shape_cast %add3A_911 : vector<16xf32> to vector<1x16xf32>
      tpu.vector_store %arg16[%swap3A_912, %swap3A_913], %swap3A_916 {strides = array<i32>} : memref<512x64xf32, #tpu.memory_space<vmem>>, vector<1x16xf32>,
      %get3A_917 = arith.index_cast %add3A_874 : i32 to index
      %get3A_918 = arith.constant 48 : index
      %get3A_919 = tpu.vector_load %arg16[%get3A_917, %get3A_918] {strides = array<i32>} : memref<512x64xf32, #tpu.memory_space<vmem>>, vector<1x16xf32>,
      %get3A_920 = vector.shape_cast %get3A_919 : vector<1x16xf32> to vector<16xf32>
      %mul3A_921 = vector.broadcast %squeeze3A_870 : f32 to vector<16xf32>
      %mul3A_922 = arith.mulf %get3A_920, %mul3A_921 : vector<16xf32>
      %mul3A_923 = vector.broadcast %squeeze3A_872 : f32 to vector<16xf32>
      %mul3A_924 = arith.mulf %get3A_13, %mul3A_923 : vector<16xf32>
      %add3A_925 = arith.addf %mul3A_922, %mul3A_924 : vector<16xf32>
      %swap3A_926 = arith.index_cast %add3A_874 : i32 to index
      %swap3A_927 = arith.constant 48 : index
      %swap3A_928 = tpu.vector_load %arg16[%swap3A_926, %swap3A_927] {strides = array<i32>} : memref<512x64xf32, #tpu.memory_space<vmem>>, vector<1x16xf32>,
      %swap3A_929 = vector.shape_cast %swap3A_928 : vector<1x16xf32> to vector<16xf32>
      %swap3A_930 = vector.shape_cast %add3A_925 : vector<16xf32> to vector<1x16xf32>
      tpu.vector_store %arg16[%swap3A_926, %swap3A_927], %swap3A_930 {strides = array<i32>} : memref<512x64xf32, #tpu.memory_space<vmem>>, vector<1x16xf32>,
      %slice3A_931 = vector.extract_strided_slice %get3A_308 {offsets = [10], sizes = [1], strides = [1]} : vector<16xf32> to vector<1xf32>
      %squeeze3A_932 = vector.extract %slice3A_931[0] : f32 from vector<1xf32>
      %slice3A_933 = vector.extract_strided_slice %get3A_313 {offsets = [10], sizes = [1], strides = [1]} : vector<16xf32> to vector<1xf32>
      %squeeze3A_934 = vector.extract %slice3A_933[0] : f32 from vector<1xf32>
      %add3A_935 = arith.constant 10 : i32
      %add3A_936 = arith.addi %mul3A_303, %add3A_935 : i32
      %get3A_937 = arith.index_cast %add3A_936 : i32 to index
      %get3A_938 = arith.constant 0 : index
      %get3A_939 = tpu.vector_load %arg16[%get3A_937, %get3A_938] {strides = array<i32>} : memref<512x64xf32, #tpu.memory_space<vmem>>, vector<1x16xf32>,
      %get3A_940 = vector.shape_cast %get3A_939 : vector<1x16xf32> to vector<16xf32>
      %mul3A_941 = vector.broadcast %squeeze3A_932 : f32 to vector<16xf32>
      %mul3A_942 = arith.mulf %get3A_940, %mul3A_941 : vector<16xf32>
      %mul3A_943 = vector.broadcast %squeeze3A_934 : f32 to vector<16xf32>
      %mul3A_944 = arith.mulf %get3A_4, %mul3A_943 : vector<16xf32>
      %add3A_945 = arith.addf %mul3A_942, %mul3A_944 : vector<16xf32>
      %swap3A_946 = arith.index_cast %add3A_936 : i32 to index
      %swap3A_947 = arith.constant 0 : index
      %swap3A_948 = tpu.vector_load %arg16[%swap3A_946, %swap3A_947] {strides = array<i32>} : memref<512x64xf32, #tpu.memory_space<vmem>>, vector<1x16xf32>,
      %swap3A_949 = vector.shape_cast %swap3A_948 : vector<1x16xf32> to vector<16xf32>
      %swap3A_950 = vector.shape_cast %add3A_945 : vector<16xf32> to vector<1x16xf32>
      tpu.vector_store %arg16[%swap3A_946, %swap3A_947], %swap3A_950 {strides = array<i32>} : memref<512x64xf32, #tpu.memory_space<vmem>>, vector<1x16xf32>,
      %get3A_951 = arith.index_cast %add3A_936 : i32 to index
      %get3A_952 = arith.constant 16 : index
      %get3A_953 = tpu.vector_load %arg16[%get3A_951, %get3A_952] {strides = array<i32>} : memref<512x64xf32, #tpu.memory_space<vmem>>, vector<1x16xf32>,
      %get3A_954 = vector.shape_cast %get3A_953 : vector<1x16xf32> to vector<16xf32>
      %mul3A_955 = vector.broadcast %squeeze3A_932 : f32 to vector<16xf32>
      %mul3A_956 = arith.mulf %get3A_954, %mul3A_955 : vector<16xf32>
      %mul3A_957 = vector.broadcast %squeeze3A_934 : f32 to vector<16xf32>
      %mul3A_958 = arith.mulf %get3A_7, %mul3A_957 : vector<16xf32>
      %add3A_959 = arith.addf %mul3A_956, %mul3A_958 : vector<16xf32>
      %swap3A_960 = arith.index_cast %add3A_936 : i32 to index
      %swap3A_961 = arith.constant 16 : index
      %swap3A_962 = tpu.vector_load %arg16[%swap3A_960, %swap3A_961] {strides = array<i32>} : memref<512x64xf32, #tpu.memory_space<vmem>>, vector<1x16xf32>,
      %swap3A_963 = vector.shape_cast %swap3A_962 : vector<1x16xf32> to vector<16xf32>
      %swap3A_964 = vector.shape_cast %add3A_959 : vector<16xf32> to vector<1x16xf32>
      tpu.vector_store %arg16[%swap3A_960, %swap3A_961], %swap3A_964 {strides = array<i32>} : memref<512x64xf32, #tpu.memory_space<vmem>>, vector<1x16xf32>,
      %get3A_965 = arith.index_cast %add3A_936 : i32 to index
      %get3A_966 = arith.constant 32 : index
      %get3A_967 = tpu.vector_load %arg16[%get3A_965, %get3A_966] {strides = array<i32>} : memref<512x64xf32, #tpu.memory_space<vmem>>, vector<1x16xf32>,
      %get3A_968 = vector.shape_cast %get3A_967 : vector<1x16xf32> to vector<16xf32>
      %mul3A_969 = vector.broadcast %squeeze3A_932 : f32 to vector<16xf32>
      %mul3A_970 = arith.mulf %get3A_968, %mul3A_969 : vector<16xf32>
      %mul3A_971 = vector.broadcast %squeeze3A_934 : f32 to vector<16xf32>
      %mul3A_972 = arith.mulf %get3A_10, %mul3A_971 : vector<16xf32>
      %add3A_973 = arith.addf %mul3A_970, %mul3A_972 : vector<16xf32>
      %swap3A_974 = arith.index_cast %add3A_936 : i32 to index
      %swap3A_975 = arith.constant 32 : index
      %swap3A_976 = tpu.vector_load %arg16[%swap3A_974, %swap3A_975] {strides = array<i32>} : memref<512x64xf32, #tpu.memory_space<vmem>>, vector<1x16xf32>,
      %swap3A_977 = vector.shape_cast %swap3A_976 : vector<1x16xf32> to vector<16xf32>
      %swap3A_978 = vector.shape_cast %add3A_973 : vector<16xf32> to vector<1x16xf32>
      tpu.vector_store %arg16[%swap3A_974, %swap3A_975], %swap3A_978 {strides = array<i32>} : memref<512x64xf32, #tpu.memory_space<vmem>>, vector<1x16xf32>,
      %get3A_979 = arith.index_cast %add3A_936 : i32 to index
      %get3A_980 = arith.constant 48 : index
      %get3A_981 = tpu.vector_load %arg16[%get3A_979, %get3A_980] {strides = array<i32>} : memref<512x64xf32, #tpu.memory_space<vmem>>, vector<1x16xf32>,
      %get3A_982 = vector.shape_cast %get3A_981 : vector<1x16xf32> to vector<16xf32>
      %mul3A_983 = vector.broadcast %squeeze3A_932 : f32 to vector<16xf32>
      %mul3A_984 = arith.mulf %get3A_982, %mul3A_983 : vector<16xf32>
      %mul3A_985 = vector.broadcast %squeeze3A_934 : f32 to vector<16xf32>
      %mul3A_986 = arith.mulf %get3A_13, %mul3A_985 : vector<16xf32>
      %add3A_987 = arith.addf %mul3A_984, %mul3A_986 : vector<16xf32>
      %swap3A_988 = arith.index_cast %add3A_936 : i32 to index
      %swap3A_989 = arith.constant 48 : index
      %swap3A_990 = tpu.vector_load %arg16[%swap3A_988, %swap3A_989] {strides = array<i32>} : memref<512x64xf32, #tpu.memory_space<vmem>>, vector<1x16xf32>,
      %swap3A_991 = vector.shape_cast %swap3A_990 : vector<1x16xf32> to vector<16xf32>
      %swap3A_992 = vector.shape_cast %add3A_987 : vector<16xf32> to vector<1x16xf32>
      tpu.vector_store %arg16[%swap3A_988, %swap3A_989], %swap3A_992 {strides = array<i32>} : memref<512x64xf32, #tpu.memory_space<vmem>>, vector<1x16xf32>,
      %slice3A_993 = vector.extract_strided_slice %get3A_308 {offsets = [11], sizes = [1], strides = [1]} : vector<16xf32> to vector<1xf32>
      %squeeze3A_994 = vector.extract %slice3A_993[0] : f32 from vector<1xf32>
      %slice3A_995 = vector.extract_strided_slice %get3A_313 {offsets = [11], sizes = [1], strides = [1]} : vector<16xf32> to vector<1xf32>
      %squeeze3A_996 = vector.extract %slice3A_995[0] : f32 from vector<1xf32>
      %add3A_997 = arith.constant 11 : i32
      %add3A_998 = arith.addi %mul3A_303, %add3A_997 : i32
      %get3A_999 = arith.index_cast %add3A_998 : i32 to index
      %get3A_1000 = arith.constant 0 : index
      %get3A_1001 = tpu.vector_load %arg16[%get3A_999, %get3A_1000] {strides = array<i32>} : memref<512x64xf32, #tpu.memory_space<vmem>>, vector<1x16xf32>,
      %get3A_1002 = vector.shape_cast %get3A_1001 : vector<1x16xf32> to vector<16xf32>
      %mul3A_1003 = vector.broadcast %squeeze3A_994 : f32 to vector<16xf32>
      %mul3A_1004 = arith.mulf %get3A_1002, %mul3A_1003 : vector<16xf32>
      %mul3A_1005 = vector.broadcast %squeeze3A_996 : f32 to vector<16xf32>
      %mul3A_1006 = arith.mulf %get3A_4, %mul3A_1005 : vector<16xf32>
      %add3A_1007 = arith.addf %mul3A_1004, %mul3A_1006 : vector<16xf32>
      %swap3A_1008 = arith.index_cast %add3A_998 : i32 to index
      %swap3A_1009 = arith.constant 0 : index
      %swap3A_1010 = tpu.vector_load %arg16[%swap3A_1008, %swap3A_1009] {strides = array<i32>} : memref<512x64xf32, #tpu.memory_space<vmem>>, vector<1x16xf32>,
      %swap3A_1011 = vector.shape_cast %swap3A_1010 : vector<1x16xf32> to vector<16xf32>
      %swap3A_1012 = vector.shape_cast %add3A_1007 : vector<16xf32> to vector<1x16xf32>
      tpu.vector_store %arg16[%swap3A_1008, %swap3A_1009], %swap3A_1012 {strides = array<i32>} : memref<512x64xf32, #tpu.memory_space<vmem>>, vector<1x16xf32>,
      %get3A_1013 = arith.index_cast %add3A_998 : i32 to index
      %get3A_1014 = arith.constant 16 : index
      %get3A_1015 = tpu.vector_load %arg16[%get3A_1013, %get3A_1014] {strides = array<i32>} : memref<512x64xf32, #tpu.memory_space<vmem>>, vector<1x16xf32>,
      %get3A_1016 = vector.shape_cast %get3A_1015 : vector<1x16xf32> to vector<16xf32>
      %mul3A_1017 = vector.broadcast %squeeze3A_994 : f32 to vector<16xf32>
      %mul3A_1018 = arith.mulf %get3A_1016, %mul3A_1017 : vector<16xf32>
      %mul3A_1019 = vector.broadcast %squeeze3A_996 : f32 to vector<16xf32>
      %mul3A_1020 = arith.mulf %get3A_7, %mul3A_1019 : vector<16xf32>
      %add3A_1021 = arith.addf %mul3A_1018, %mul3A_1020 : vector<16xf32>
      %swap3A_1022 = arith.index_cast %add3A_998 : i32 to index
      %swap3A_1023 = arith.constant 16 : index
      %swap3A_1024 = tpu.vector_load %arg16[%swap3A_1022, %swap3A_1023] {strides = array<i32>} : memref<512x64xf32, #tpu.memory_space<vmem>>, vector<1x16xf32>,
      %swap3A_1025 = vector.shape_cast %swap3A_1024 : vector<1x16xf32> to vector<16xf32>
      %swap3A_1026 = vector.shape_cast %add3A_1021 : vector<16xf32> to vector<1x16xf32>
      tpu.vector_store %arg16[%swap3A_1022, %swap3A_1023], %swap3A_1026 {strides = array<i32>} : memref<512x64xf32, #tpu.memory_space<vmem>>, vector<1x16xf32>,
      %get3A_1027 = arith.index_cast %add3A_998 : i32 to index
      %get3A_1028 = arith.constant 32 : index
      %get3A_1029 = tpu.vector_load %arg16[%get3A_1027, %get3A_1028] {strides = array<i32>} : memref<512x64xf32, #tpu.memory_space<vmem>>, vector<1x16xf32>,
      %get3A_1030 = vector.shape_cast %get3A_1029 : vector<1x16xf32> to vector<16xf32>
      %mul3A_1031 = vector.broadcast %squeeze3A_994 : f32 to vector<16xf32>
      %mul3A_1032 = arith.mulf %get3A_1030, %mul3A_1031 : vector<16xf32>
      %mul3A_1033 = vector.broadcast %squeeze3A_996 : f32 to vector<16xf32>
      %mul3A_1034 = arith.mulf %get3A_10, %mul3A_1033 : vector<16xf32>
      %add3A_1035 = arith.addf %mul3A_1032, %mul3A_1034 : vector<16xf32>
      %swap3A_1036 = arith.index_cast %add3A_998 : i32 to index
      %swap3A_1037 = arith.constant 32 : index
      %swap3A_1038 = tpu.vector_load %arg16[%swap3A_1036, %swap3A_1037] {strides = array<i32>} : memref<512x64xf32, #tpu.memory_space<vmem>>, vector<1x16xf32>,
      %swap3A_1039 = vector.shape_cast %swap3A_1038 : vector<1x16xf32> to vector<16xf32>
      %swap3A_1040 = vector.shape_cast %add3A_1035 : vector<16xf32> to vector<1x16xf32>
      tpu.vector_store %arg16[%swap3A_1036, %swap3A_1037], %swap3A_1040 {strides = array<i32>} : memref<512x64xf32, #tpu.memory_space<vmem>>, vector<1x16xf32>,
      %get3A_1041 = arith.index_cast %add3A_998 : i32 to index
      %get3A_1042 = arith.constant 48 : index
      %get3A_1043 = tpu.vector_load %arg16[%get3A_1041, %get3A_1042] {strides = array<i32>} : memref<512x64xf32, #tpu.memory_space<vmem>>, vector<1x16xf32>,
      %get3A_1044 = vector.shape_cast %get3A_1043 : vector<1x16xf32> to vector<16xf32>
      %mul3A_1045 = vector.broadcast %squeeze3A_994 : f32 to vector<16xf32>
      %mul3A_1046 = arith.mulf %get3A_1044, %mul3A_1045 : vector<16xf32>
      %mul3A_1047 = vector.broadcast %squeeze3A_996 : f32 to vector<16xf32>
      %mul3A_1048 = arith.mulf %get3A_13, %mul3A_1047 : vector<16xf32>
      %add3A_1049 = arith.addf %mul3A_1046, %mul3A_1048 : vector<16xf32>
      %swap3A_1050 = arith.index_cast %add3A_998 : i32 to index
      %swap3A_1051 = arith.constant 48 : index
      %swap3A_1052 = tpu.vector_load %arg16[%swap3A_1050, %swap3A_1051] {strides = array<i32>} : memref<512x64xf32, #tpu.memory_space<vmem>>, vector<1x16xf32>,
      %swap3A_1053 = vector.shape_cast %swap3A_1052 : vector<1x16xf32> to vector<16xf32>
      %swap3A_1054 = vector.shape_cast %add3A_1049 : vector<16xf32> to vector<1x16xf32>
      tpu.vector_store %arg16[%swap3A_1050, %swap3A_1051], %swap3A_1054 {strides = array<i32>} : memref<512x64xf32, #tpu.memory_space<vmem>>, vector<1x16xf32>,
      %slice3A_1055 = vector.extract_strided_slice %get3A_308 {offsets = [12], sizes = [1], strides = [1]} : vector<16xf32> to vector<1xf32>
      %squeeze3A_1056 = vector.extract %slice3A_1055[0] : f32 from vector<1xf32>
      %slice3A_1057 = vector.extract_strided_slice %get3A_313 {offsets = [12], sizes = [1], strides = [1]} : vector<16xf32> to vector<1xf32>
      %squeeze3A_1058 = vector.extract %slice3A_1057[0] : f32 from vector<1xf32>
      %add3A_1059 = arith.constant 12 : i32
      %add3A_1060 = arith.addi %mul3A_303, %add3A_1059 : i32
      %get3A_1061 = arith.index_cast %add3A_1060 : i32 to index
      %get3A_1062 = arith.constant 0 : index
      %get3A_1063 = tpu.vector_load %arg16[%get3A_1061, %get3A_1062] {strides = array<i32>} : memref<512x64xf32, #tpu.memory_space<vmem>>, vector<1x16xf32>,
      %get3A_1064 = vector.shape_cast %get3A_1063 : vector<1x16xf32> to vector<16xf32>
      %mul3A_1065 = vector.broadcast %squeeze3A_1056 : f32 to vector<16xf32>
      %mul3A_1066 = arith.mulf %get3A_1064, %mul3A_1065 : vector<16xf32>
      %mul3A_1067 = vector.broadcast %squeeze3A_1058 : f32 to vector<16xf32>
      %mul3A_1068 = arith.mulf %get3A_4, %mul3A_1067 : vector<16xf32>
      %add3A_1069 = arith.addf %mul3A_1066, %mul3A_1068 : vector<16xf32>
      %swap3A_1070 = arith.index_cast %add3A_1060 : i32 to index
      %swap3A_1071 = arith.constant 0 : index
      %swap3A_1072 = tpu.vector_load %arg16[%swap3A_1070, %swap3A_1071] {strides = array<i32>} : memref<512x64xf32, #tpu.memory_space<vmem>>, vector<1x16xf32>,
      %swap3A_1073 = vector.shape_cast %swap3A_1072 : vector<1x16xf32> to vector<16xf32>
      %swap3A_1074 = vector.shape_cast %add3A_1069 : vector<16xf32> to vector<1x16xf32>
      tpu.vector_store %arg16[%swap3A_1070, %swap3A_1071], %swap3A_1074 {strides = array<i32>} : memref<512x64xf32, #tpu.memory_space<vmem>>, vector<1x16xf32>,
      %get3A_1075 = arith.index_cast %add3A_1060 : i32 to index
      %get3A_1076 = arith.constant 16 : index
      %get3A_1077 = tpu.vector_load %arg16[%get3A_1075, %get3A_1076] {strides = array<i32>} : memref<512x64xf32, #tpu.memory_space<vmem>>, vector<1x16xf32>,
      %get3A_1078 = vector.shape_cast %get3A_1077 : vector<1x16xf32> to vector<16xf32>
      %mul3A_1079 = vector.broadcast %squeeze3A_1056 : f32 to vector<16xf32>
      %mul3A_1080 = arith.mulf %get3A_1078, %mul3A_1079 : vector<16xf32>
      %mul3A_1081 = vector.broadcast %squeeze3A_1058 : f32 to vector<16xf32>
      %mul3A_1082 = arith.mulf %get3A_7, %mul3A_1081 : vector<16xf32>
      %add3A_1083 = arith.addf %mul3A_1080, %mul3A_1082 : vector<16xf32>
      %swap3A_1084 = arith.index_cast %add3A_1060 : i32 to index
      %swap3A_1085 = arith.constant 16 : index
      %swap3A_1086 = tpu.vector_load %arg16[%swap3A_1084, %swap3A_1085] {strides = array<i32>} : memref<512x64xf32, #tpu.memory_space<vmem>>, vector<1x16xf32>,
      %swap3A_1087 = vector.shape_cast %swap3A_1086 : vector<1x16xf32> to vector<16xf32>
      %swap3A_1088 = vector.shape_cast %add3A_1083 : vector<16xf32> to vector<1x16xf32>
      tpu.vector_store %arg16[%swap3A_1084, %swap3A_1085], %swap3A_1088 {strides = array<i32>} : memref<512x64xf32, #tpu.memory_space<vmem>>, vector<1x16xf32>,
      %get3A_1089 = arith.index_cast %add3A_1060 : i32 to index
      %get3A_1090 = arith.constant 32 : index
      %get3A_1091 = tpu.vector_load %arg16[%get3A_1089, %get3A_1090] {strides = array<i32>} : memref<512x64xf32, #tpu.memory_space<vmem>>, vector<1x16xf32>,
      %get3A_1092 = vector.shape_cast %get3A_1091 : vector<1x16xf32> to vector<16xf32>
      %mul3A_1093 = vector.broadcast %squeeze3A_1056 : f32 to vector<16xf32>
      %mul3A_1094 = arith.mulf %get3A_1092, %mul3A_1093 : vector<16xf32>
      %mul3A_1095 = vector.broadcast %squeeze3A_1058 : f32 to vector<16xf32>
      %mul3A_1096 = arith.mulf %get3A_10, %mul3A_1095 : vector<16xf32>
      %add3A_1097 = arith.addf %mul3A_1094, %mul3A_1096 : vector<16xf32>
      %swap3A_1098 = arith.index_cast %add3A_1060 : i32 to index
      %swap3A_1099 = arith.constant 32 : index
      %swap3A_1100 = tpu.vector_load %arg16[%swap3A_1098, %swap3A_1099] {strides = array<i32>} : memref<512x64xf32, #tpu.memory_space<vmem>>, vector<1x16xf32>,
      %swap3A_1101 = vector.shape_cast %swap3A_1100 : vector<1x16xf32> to vector<16xf32>
      %swap3A_1102 = vector.shape_cast %add3A_1097 : vector<16xf32> to vector<1x16xf32>
      tpu.vector_store %arg16[%swap3A_1098, %swap3A_1099], %swap3A_1102 {strides = array<i32>} : memref<512x64xf32, #tpu.memory_space<vmem>>, vector<1x16xf32>,
      %get3A_1103 = arith.index_cast %add3A_1060 : i32 to index
      %get3A_1104 = arith.constant 48 : index
      %get3A_1105 = tpu.vector_load %arg16[%get3A_1103, %get3A_1104] {strides = array<i32>} : memref<512x64xf32, #tpu.memory_space<vmem>>, vector<1x16xf32>,
      %get3A_1106 = vector.shape_cast %get3A_1105 : vector<1x16xf32> to vector<16xf32>
      %mul3A_1107 = vector.broadcast %squeeze3A_1056 : f32 to vector<16xf32>
      %mul3A_1108 = arith.mulf %get3A_1106, %mul3A_1107 : vector<16xf32>
      %mul3A_1109 = vector.broadcast %squeeze3A_1058 : f32 to vector<16xf32>
      %mul3A_1110 = arith.mulf %get3A_13, %mul3A_1109 : vector<16xf32>
      %add3A_1111 = arith.addf %mul3A_1108, %mul3A_1110 : vector<16xf32>
      %swap3A_1112 = arith.index_cast %add3A_1060 : i32 to index
      %swap3A_1113 = arith.constant 48 : index
      %swap3A_1114 = tpu.vector_load %arg16[%swap3A_1112, %swap3A_1113] {strides = array<i32>} : memref<512x64xf32, #tpu.memory_space<vmem>>, vector<1x16xf32>,
      %swap3A_1115 = vector.shape_cast %swap3A_1114 : vector<1x16xf32> to vector<16xf32>
      %swap3A_1116 = vector.shape_cast %add3A_1111 : vector<16xf32> to vector<1x16xf32>
      tpu.vector_store %arg16[%swap3A_1112, %swap3A_1113], %swap3A_1116 {strides = array<i32>} : memref<512x64xf32, #tpu.memory_space<vmem>>, vector<1x16xf32>,
      %slice3A_1117 = vector.extract_strided_slice %get3A_308 {offsets = [13], sizes = [1], strides = [1]} : vector<16xf32> to vector<1xf32>
      %squeeze3A_1118 = vector.extract %slice3A_1117[0] : f32 from vector<1xf32>
      %slice3A_1119 = vector.extract_strided_slice %get3A_313 {offsets = [13], sizes = [1], strides = [1]} : vector<16xf32> to vector<1xf32>
      %squeeze3A_1120 = vector.extract %slice3A_1119[0] : f32 from vector<1xf32>
      %add3A_1121 = arith.constant 13 : i32
      %add3A_1122 = arith.addi %mul3A_303, %add3A_1121 : i32
      %get3A_1123 = arith.index_cast %add3A_1122 : i32 to index
      %get3A_1124 = arith.constant 0 : index
      %get3A_1125 = tpu.vector_load %arg16[%get3A_1123, %get3A_1124] {strides = array<i32>} : memref<512x64xf32, #tpu.memory_space<vmem>>, vector<1x16xf32>,
      %get3A_1126 = vector.shape_cast %get3A_1125 : vector<1x16xf32> to vector<16xf32>
      %mul3A_1127 = vector.broadcast %squeeze3A_1118 : f32 to vector<16xf32>
      %mul3A_1128 = arith.mulf %get3A_1126, %mul3A_1127 : vector<16xf32>
      %mul3A_1129 = vector.broadcast %squeeze3A_1120 : f32 to vector<16xf32>
      %mul3A_1130 = arith.mulf %get3A_4, %mul3A_1129 : vector<16xf32>
      %add3A_1131 = arith.addf %mul3A_1128, %mul3A_1130 : vector<16xf32>
      %swap3A_1132 = arith.index_cast %add3A_1122 : i32 to index
      %swap3A_1133 = arith.constant 0 : index
      %swap3A_1134 = tpu.vector_load %arg16[%swap3A_1132, %swap3A_1133] {strides = array<i32>} : memref<512x64xf32, #tpu.memory_space<vmem>>, vector<1x16xf32>,
      %swap3A_1135 = vector.shape_cast %swap3A_1134 : vector<1x16xf32> to vector<16xf32>
      %swap3A_1136 = vector.shape_cast %add3A_1131 : vector<16xf32> to vector<1x16xf32>
      tpu.vector_store %arg16[%swap3A_1132, %swap3A_1133], %swap3A_1136 {strides = array<i32>} : memref<512x64xf32, #tpu.memory_space<vmem>>, vector<1x16xf32>,
      %get3A_1137 = arith.index_cast %add3A_1122 : i32 to index
      %get3A_1138 = arith.constant 16 : index
      %get3A_1139 = tpu.vector_load %arg16[%get3A_1137, %get3A_1138] {strides = array<i32>} : memref<512x64xf32, #tpu.memory_space<vmem>>, vector<1x16xf32>,
      %get3A_1140 = vector.shape_cast %get3A_1139 : vector<1x16xf32> to vector<16xf32>
      %mul3A_1141 = vector.broadcast %squeeze3A_1118 : f32 to vector<16xf32>
      %mul3A_1142 = arith.mulf %get3A_1140, %mul3A_1141 : vector<16xf32>
      %mul3A_1143 = vector.broadcast %squeeze3A_1120 : f32 to vector<16xf32>
      %mul3A_1144 = arith.mulf %get3A_7, %mul3A_1143 : vector<16xf32>
      %add3A_1145 = arith.addf %mul3A_1142, %mul3A_1144 : vector<16xf32>
      %swap3A_1146 = arith.index_cast %add3A_1122 : i32 to index
      %swap3A_1147 = arith.constant 16 : index
      %swap3A_1148 = tpu.vector_load %arg16[%swap3A_1146, %swap3A_1147] {strides = array<i32>} : memref<512x64xf32, #tpu.memory_space<vmem>>, vector<1x16xf32>,
      %swap3A_1149 = vector.shape_cast %swap3A_1148 : vector<1x16xf32> to vector<16xf32>
      %swap3A_1150 = vector.shape_cast %add3A_1145 : vector<16xf32> to vector<1x16xf32>
      tpu.vector_store %arg16[%swap3A_1146, %swap3A_1147], %swap3A_1150 {strides = array<i32>} : memref<512x64xf32, #tpu.memory_space<vmem>>, vector<1x16xf32>,
      %get3A_1151 = arith.index_cast %add3A_1122 : i32 to index
      %get3A_1152 = arith.constant 32 : index
      %get3A_1153 = tpu.vector_load %arg16[%get3A_1151, %get3A_1152] {strides = array<i32>} : memref<512x64xf32, #tpu.memory_space<vmem>>, vector<1x16xf32>,
      %get3A_1154 = vector.shape_cast %get3A_1153 : vector<1x16xf32> to vector<16xf32>
      %mul3A_1155 = vector.broadcast %squeeze3A_1118 : f32 to vector<16xf32>
      %mul3A_1156 = arith.mulf %get3A_1154, %mul3A_1155 : vector<16xf32>
      %mul3A_1157 = vector.broadcast %squeeze3A_1120 : f32 to vector<16xf32>
      %mul3A_1158 = arith.mulf %get3A_10, %mul3A_1157 : vector<16xf32>
      %add3A_1159 = arith.addf %mul3A_1156, %mul3A_1158 : vector<16xf32>
      %swap3A_1160 = arith.index_cast %add3A_1122 : i32 to index
      %swap3A_1161 = arith.constant 32 : index
      %swap3A_1162 = tpu.vector_load %arg16[%swap3A_1160, %swap3A_1161] {strides = array<i32>} : memref<512x64xf32, #tpu.memory_space<vmem>>, vector<1x16xf32>,
      %swap3A_1163 = vector.shape_cast %swap3A_1162 : vector<1x16xf32> to vector<16xf32>
      %swap3A_1164 = vector.shape_cast %add3A_1159 : vector<16xf32> to vector<1x16xf32>
      tpu.vector_store %arg16[%swap3A_1160, %swap3A_1161], %swap3A_1164 {strides = array<i32>} : memref<512x64xf32, #tpu.memory_space<vmem>>, vector<1x16xf32>,
      %get3A_1165 = arith.index_cast %add3A_1122 : i32 to index
      %get3A_1166 = arith.constant 48 : index
      %get3A_1167 = tpu.vector_load %arg16[%get3A_1165, %get3A_1166] {strides = array<i32>} : memref<512x64xf32, #tpu.memory_space<vmem>>, vector<1x16xf32>,
      %get3A_1168 = vector.shape_cast %get3A_1167 : vector<1x16xf32> to vector<16xf32>
      %mul3A_1169 = vector.broadcast %squeeze3A_1118 : f32 to vector<16xf32>
      %mul3A_1170 = arith.mulf %get3A_1168, %mul3A_1169 : vector<16xf32>
      %mul3A_1171 = vector.broadcast %squeeze3A_1120 : f32 to vector<16xf32>
      %mul3A_1172 = arith.mulf %get3A_13, %mul3A_1171 : vector<16xf32>
      %add3A_1173 = arith.addf %mul3A_1170, %mul3A_1172 : vector<16xf32>
      %swap3A_1174 = arith.index_cast %add3A_1122 : i32 to index
      %swap3A_1175 = arith.constant 48 : index
      %swap3A_1176 = tpu.vector_load %arg16[%swap3A_1174, %swap3A_1175] {strides = array<i32>} : memref<512x64xf32, #tpu.memory_space<vmem>>, vector<1x16xf32>,
      %swap3A_1177 = vector.shape_cast %swap3A_1176 : vector<1x16xf32> to vector<16xf32>
      %swap3A_1178 = vector.shape_cast %add3A_1173 : vector<16xf32> to vector<1x16xf32>
      tpu.vector_store %arg16[%swap3A_1174, %swap3A_1175], %swap3A_1178 {strides = array<i32>} : memref<512x64xf32, #tpu.memory_space<vmem>>, vector<1x16xf32>,
      %slice3A_1179 = vector.extract_strided_slice %get3A_308 {offsets = [14], sizes = [1], strides = [1]} : vector<16xf32> to vector<1xf32>
      %squeeze3A_1180 = vector.extract %slice3A_1179[0] : f32 from vector<1xf32>
      %slice3A_1181 = vector.extract_strided_slice %get3A_313 {offsets = [14], sizes = [1], strides = [1]} : vector<16xf32> to vector<1xf32>
      %squeeze3A_1182 = vector.extract %slice3A_1181[0] : f32 from vector<1xf32>
      %add3A_1183 = arith.constant 14 : i32
      %add3A_1184 = arith.addi %mul3A_303, %add3A_1183 : i32
      %get3A_1185 = arith.index_cast %add3A_1184 : i32 to index
      %get3A_1186 = arith.constant 0 : index
      %get3A_1187 = tpu.vector_load %arg16[%get3A_1185, %get3A_1186] {strides = array<i32>} : memref<512x64xf32, #tpu.memory_space<vmem>>, vector<1x16xf32>,
      %get3A_1188 = vector.shape_cast %get3A_1187 : vector<1x16xf32> to vector<16xf32>
      %mul3A_1189 = vector.broadcast %squeeze3A_1180 : f32 to vector<16xf32>
      %mul3A_1190 = arith.mulf %get3A_1188, %mul3A_1189 : vector<16xf32>
      %mul3A_1191 = vector.broadcast %squeeze3A_1182 : f32 to vector<16xf32>
      %mul3A_1192 = arith.mulf %get3A_4, %mul3A_1191 : vector<16xf32>
      %add3A_1193 = arith.addf %mul3A_1190, %mul3A_1192 : vector<16xf32>
      %swap3A_1194 = arith.index_cast %add3A_1184 : i32 to index
      %swap3A_1195 = arith.constant 0 : index
      %swap3A_1196 = tpu.vector_load %arg16[%swap3A_1194, %swap3A_1195] {strides = array<i32>} : memref<512x64xf32, #tpu.memory_space<vmem>>, vector<1x16xf32>,
      %swap3A_1197 = vector.shape_cast %swap3A_1196 : vector<1x16xf32> to vector<16xf32>
      %swap3A_1198 = vector.shape_cast %add3A_1193 : vector<16xf32> to vector<1x16xf32>
      tpu.vector_store %arg16[%swap3A_1194, %swap3A_1195], %swap3A_1198 {strides = array<i32>} : memref<512x64xf32, #tpu.memory_space<vmem>>, vector<1x16xf32>,
      %get3A_1199 = arith.index_cast %add3A_1184 : i32 to index
      %get3A_1200 = arith.constant 16 : index
      %get3A_1201 = tpu.vector_load %arg16[%get3A_1199, %get3A_1200] {strides = array<i32>} : memref<512x64xf32, #tpu.memory_space<vmem>>, vector<1x16xf32>,
      %get3A_1202 = vector.shape_cast %get3A_1201 : vector<1x16xf32> to vector<16xf32>
      %mul3A_1203 = vector.broadcast %squeeze3A_1180 : f32 to vector<16xf32>
      %mul3A_1204 = arith.mulf %get3A_1202, %mul3A_1203 : vector<16xf32>
      %mul3A_1205 = vector.broadcast %squeeze3A_1182 : f32 to vector<16xf32>
      %mul3A_1206 = arith.mulf %get3A_7, %mul3A_1205 : vector<16xf32>
      %add3A_1207 = arith.addf %mul3A_1204, %mul3A_1206 : vector<16xf32>
      %swap3A_1208 = arith.index_cast %add3A_1184 : i32 to index
      %swap3A_1209 = arith.constant 16 : index
      %swap3A_1210 = tpu.vector_load %arg16[%swap3A_1208, %swap3A_1209] {strides = array<i32>} : memref<512x64xf32, #tpu.memory_space<vmem>>, vector<1x16xf32>,
      %swap3A_1211 = vector.shape_cast %swap3A_1210 : vector<1x16xf32> to vector<16xf32>
      %swap3A_1212 = vector.shape_cast %add3A_1207 : vector<16xf32> to vector<1x16xf32>
      tpu.vector_store %arg16[%swap3A_1208, %swap3A_1209], %swap3A_1212 {strides = array<i32>} : memref<512x64xf32, #tpu.memory_space<vmem>>, vector<1x16xf32>,
      %get3A_1213 = arith.index_cast %add3A_1184 : i32 to index
      %get3A_1214 = arith.constant 32 : index
      %get3A_1215 = tpu.vector_load %arg16[%get3A_1213, %get3A_1214] {strides = array<i32>} : memref<512x64xf32, #tpu.memory_space<vmem>>, vector<1x16xf32>,
      %get3A_1216 = vector.shape_cast %get3A_1215 : vector<1x16xf32> to vector<16xf32>
      %mul3A_1217 = vector.broadcast %squeeze3A_1180 : f32 to vector<16xf32>
      %mul3A_1218 = arith.mulf %get3A_1216, %mul3A_1217 : vector<16xf32>
      %mul3A_1219 = vector.broadcast %squeeze3A_1182 : f32 to vector<16xf32>
      %mul3A_1220 = arith.mulf %get3A_10, %mul3A_1219 : vector<16xf32>
      %add3A_1221 = arith.addf %mul3A_1218, %mul3A_1220 : vector<16xf32>
      %swap3A_1222 = arith.index_cast %add3A_1184 : i32 to index
      %swap3A_1223 = arith.constant 32 : index
      %swap3A_1224 = tpu.vector_load %arg16[%swap3A_1222, %swap3A_1223] {strides = array<i32>} : memref<512x64xf32, #tpu.memory_space<vmem>>, vector<1x16xf32>,
      %swap3A_1225 = vector.shape_cast %swap3A_1224 : vector<1x16xf32> to vector<16xf32>
      %swap3A_1226 = vector.shape_cast %add3A_1221 : vector<16xf32> to vector<1x16xf32>
      tpu.vector_store %arg16[%swap3A_1222, %swap3A_1223], %swap3A_1226 {strides = array<i32>} : memref<512x64xf32, #tpu.memory_space<vmem>>, vector<1x16xf32>,
      %get3A_1227 = arith.index_cast %add3A_1184 : i32 to index
      %get3A_1228 = arith.constant 48 : index
      %get3A_1229 = tpu.vector_load %arg16[%get3A_1227, %get3A_1228] {strides = array<i32>} : memref<512x64xf32, #tpu.memory_space<vmem>>, vector<1x16xf32>,
      %get3A_1230 = vector.shape_cast %get3A_1229 : vector<1x16xf32> to vector<16xf32>
      %mul3A_1231 = vector.broadcast %squeeze3A_1180 : f32 to vector<16xf32>
      %mul3A_1232 = arith.mulf %get3A_1230, %mul3A_1231 : vector<16xf32>
      %mul3A_1233 = vector.broadcast %squeeze3A_1182 : f32 to vector<16xf32>
      %mul3A_1234 = arith.mulf %get3A_13, %mul3A_1233 : vector<16xf32>
      %add3A_1235 = arith.addf %mul3A_1232, %mul3A_1234 : vector<16xf32>
      %swap3A_1236 = arith.index_cast %add3A_1184 : i32 to index
      %swap3A_1237 = arith.constant 48 : index
      %swap3A_1238 = tpu.vector_load %arg16[%swap3A_1236, %swap3A_1237] {strides = array<i32>} : memref<512x64xf32, #tpu.memory_space<vmem>>, vector<1x16xf32>,
      %swap3A_1239 = vector.shape_cast %swap3A_1238 : vector<1x16xf32> to vector<16xf32>
      %swap3A_1240 = vector.shape_cast %add3A_1235 : vector<16xf32> to vector<1x16xf32>
      tpu.vector_store %arg16[%swap3A_1236, %swap3A_1237], %swap3A_1240 {strides = array<i32>} : memref<512x64xf32, #tpu.memory_space<vmem>>, vector<1x16xf32>,
      %slice3A_1241 = vector.extract_strided_slice %get3A_308 {offsets = [15], sizes = [1], strides = [1]} : vector<16xf32> to vector<1xf32>
      %squeeze3A_1242 = vector.extract %slice3A_1241[0] : f32 from vector<1xf32>
      %slice3A_1243 = vector.extract_strided_slice %get3A_313 {offsets = [15], sizes = [1], strides = [1]} : vector<16xf32> to vector<1xf32>
      %squeeze3A_1244 = vector.extract %slice3A_1243[0] : f32 from vector<1xf32>
      %add3A_1245 = arith.constant 15 : i32
      %add3A_1246 = arith.addi %mul3A_303, %add3A_1245 : i32
      %get3A_1247 = arith.index_cast %add3A_1246 : i32 to index
      %get3A_1248 = arith.constant 0 : index
      %get3A_1249 = tpu.vector_load %arg16[%get3A_1247, %get3A_1248] {strides = array<i32>} : memref<512x64xf32, #tpu.memory_space<vmem>>, vector<1x16xf32>,
      %get3A_1250 = vector.shape_cast %get3A_1249 : vector<1x16xf32> to vector<16xf32>
      %mul3A_1251 = vector.broadcast %squeeze3A_1242 : f32 to vector<16xf32>
      %mul3A_1252 = arith.mulf %get3A_1250, %mul3A_1251 : vector<16xf32>
      %mul3A_1253 = vector.broadcast %squeeze3A_1244 : f32 to vector<16xf32>
      %mul3A_1254 = arith.mulf %get3A_4, %mul3A_1253 : vector<16xf32>
      %add3A_1255 = arith.addf %mul3A_1252, %mul3A_1254 : vector<16xf32>
      %swap3A_1256 = arith.index_cast %add3A_1246 : i32 to index
      %swap3A_1257 = arith.constant 0 : index
      %swap3A_1258 = tpu.vector_load %arg16[%swap3A_1256, %swap3A_1257] {strides = array<i32>} : memref<512x64xf32, #tpu.memory_space<vmem>>, vector<1x16xf32>,
      %swap3A_1259 = vector.shape_cast %swap3A_1258 : vector<1x16xf32> to vector<16xf32>
      %swap3A_1260 = vector.shape_cast %add3A_1255 : vector<16xf32> to vector<1x16xf32>
      tpu.vector_store %arg16[%swap3A_1256, %swap3A_1257], %swap3A_1260 {strides = array<i32>} : memref<512x64xf32, #tpu.memory_space<vmem>>, vector<1x16xf32>,
      %get3A_1261 = arith.index_cast %add3A_1246 : i32 to index
      %get3A_1262 = arith.constant 16 : index
      %get3A_1263 = tpu.vector_load %arg16[%get3A_1261, %get3A_1262] {strides = array<i32>} : memref<512x64xf32, #tpu.memory_space<vmem>>, vector<1x16xf32>,
      %get3A_1264 = vector.shape_cast %get3A_1263 : vector<1x16xf32> to vector<16xf32>
      %mul3A_1265 = vector.broadcast %squeeze3A_1242 : f32 to vector<16xf32>
      %mul3A_1266 = arith.mulf %get3A_1264, %mul3A_1265 : vector<16xf32>
      %mul3A_1267 = vector.broadcast %squeeze3A_1244 : f32 to vector<16xf32>
      %mul3A_1268 = arith.mulf %get3A_7, %mul3A_1267 : vector<16xf32>
      %add3A_1269 = arith.addf %mul3A_1266, %mul3A_1268 : vector<16xf32>
      %swap3A_1270 = arith.index_cast %add3A_1246 : i32 to index
      %swap3A_1271 = arith.constant 16 : index
      %swap3A_1272 = tpu.vector_load %arg16[%swap3A_1270, %swap3A_1271] {strides = array<i32>} : memref<512x64xf32, #tpu.memory_space<vmem>>, vector<1x16xf32>,
      %swap3A_1273 = vector.shape_cast %swap3A_1272 : vector<1x16xf32> to vector<16xf32>
      %swap3A_1274 = vector.shape_cast %add3A_1269 : vector<16xf32> to vector<1x16xf32>
      tpu.vector_store %arg16[%swap3A_1270, %swap3A_1271], %swap3A_1274 {strides = array<i32>} : memref<512x64xf32, #tpu.memory_space<vmem>>, vector<1x16xf32>,
      %get3A_1275 = arith.index_cast %add3A_1246 : i32 to index
      %get3A_1276 = arith.constant 32 : index
      %get3A_1277 = tpu.vector_load %arg16[%get3A_1275, %get3A_1276] {strides = array<i32>} : memref<512x64xf32, #tpu.memory_space<vmem>>, vector<1x16xf32>,
      %get3A_1278 = vector.shape_cast %get3A_1277 : vector<1x16xf32> to vector<16xf32>
      %mul3A_1279 = vector.broadcast %squeeze3A_1242 : f32 to vector<16xf32>
      %mul3A_1280 = arith.mulf %get3A_1278, %mul3A_1279 : vector<16xf32>
      %mul3A_1281 = vector.broadcast %squeeze3A_1244 : f32 to vector<16xf32>
      %mul3A_1282 = arith.mulf %get3A_10, %mul3A_1281 : vector<16xf32>
      %add3A_1283 = arith.addf %mul3A_1280, %mul3A_1282 : vector<16xf32>
      %swap3A_1284 = arith.index_cast %add3A_1246 : i32 to index
      %swap3A_1285 = arith.constant 32 : index
      %swap3A_1286 = tpu.vector_load %arg16[%swap3A_1284, %swap3A_1285] {strides = array<i32>} : memref<512x64xf32, #tpu.memory_space<vmem>>, vector<1x16xf32>,
      %swap3A_1287 = vector.shape_cast %swap3A_1286 : vector<1x16xf32> to vector<16xf32>
      %swap3A_1288 = vector.shape_cast %add3A_1283 : vector<16xf32> to vector<1x16xf32>
      tpu.vector_store %arg16[%swap3A_1284, %swap3A_1285], %swap3A_1288 {strides = array<i32>} : memref<512x64xf32, #tpu.memory_space<vmem>>, vector<1x16xf32>,
      %get3A_1289 = arith.index_cast %add3A_1246 : i32 to index
      %get3A_1290 = arith.constant 48 : index
      %get3A_1291 = tpu.vector_load %arg16[%get3A_1289, %get3A_1290] {strides = array<i32>} : memref<512x64xf32, #tpu.memory_space<vmem>>, vector<1x16xf32>,
      %get3A_1292 = vector.shape_cast %get3A_1291 : vector<1x16xf32> to vector<16xf32>
      %mul3A_1293 = vector.broadcast %squeeze3A_1242 : f32 to vector<16xf32>
      %mul3A_1294 = arith.mulf %get3A_1292, %mul3A_1293 : vector<16xf32>
      %mul3A_1295 = vector.broadcast %squeeze3A_1244 : f32 to vector<16xf32>
      %mul3A_1296 = arith.mulf %get3A_13, %mul3A_1295 : vector<16xf32>
      %add3A_1297 = arith.addf %mul3A_1294, %mul3A_1296 : vector<16xf32>
      %swap3A_1298 = arith.index_cast %add3A_1246 : i32 to index
      %swap3A_1299 = arith.constant 48 : index
      %swap3A_1300 = tpu.vector_load %arg16[%swap3A_1298, %swap3A_1299] {strides = array<i32>} : memref<512x64xf32, #tpu.memory_space<vmem>>, vector<1x16xf32>,
      %swap3A_1301 = vector.shape_cast %swap3A_1300 : vector<1x16xf32> to vector<16xf32>
      %swap3A_1302 = vector.shape_cast %add3A_1297 : vector<16xf32> to vector<1x16xf32>
      tpu.vector_store %arg16[%swap3A_1298, %swap3A_1299], %swap3A_1302 {strides = array<i32>} : memref<512x64xf32, #tpu.memory_space<vmem>>, vector<1x16xf32>,
    }
    %scan3A_298 = arith.constant 32 : i32
    %add3A_299 = arith.constant 1536 : i32
    %add3A_300 = arith.addi %mul3A_2, %add3A_299 : i32
    "tpu.region"() ({
      %run_scoped3A = tpu.sem_alloc : memref<!tpu.dma_semaphore, #tpu.memory_space<semaphore_mem>>
      %dma_start3A_301 = arith.constant 0 : i32
      %dma_start3A_302 = tpu.memref_slice %arg8[%add3A_300, %dma_start3A_301] : memref<65536x64xf32, #tpu.memory_space<hbm>> -> memref<512x64xf32, #tpu.memory_space<hbm>>
      %dma_start3A_303 = arith.constant 0 : i32
      %dma_start3A_304 = tpu.memref_slice %arg8[%add3A_300, %dma_start3A_303] : memref<65536x64xf32, #tpu.memory_space<hbm>> -> memref<512x64xf32, #tpu.memory_space<hbm>>
      tpu.enqueue_dma source(%arg16 : memref<512x64xf32, #tpu.memory_space<vmem>>) target(%dma_start3A_304 : memref<512x64xf32, #tpu.memory_space<hbm>>) target_semaphore(%run_scoped3A : memref<!tpu.dma_semaphore, #tpu.memory_space<semaphore_mem>>)
      %dma_wait3A_305 = arith.constant 0 : i32
      %dma_wait3A_306 = tpu.memref_slice %arg8[%add3A_300, %dma_wait3A_305] : memref<65536x64xf32, #tpu.memory_space<hbm>> -> memref<512x64xf32, #tpu.memory_space<hbm>>
      %dma_wait3A_307 = arith.constant 0 : i32
      %dma_wait3A_308 = tpu.memref_slice %arg8[%add3A_300, %dma_wait3A_307] : memref<65536x64xf32, #tpu.memory_space<hbm>> -> memref<512x64xf32, #tpu.memory_space<hbm>>
      tpu.wait_dma2 semaphore(%run_scoped3A : memref<!tpu.dma_semaphore, #tpu.memory_space<semaphore_mem>>) src(%arg16 : memref<512x64xf32, #tpu.memory_space<vmem>>) dst(%dma_wait3A_308 : memref<512x64xf32, #tpu.memory_space<hbm>>)
      tpu.yield
    }) : () -> ()
    return
  }
}

</mosaic_0001>

<sc_bundles>
// kernel: _run.3.cloned.1.call-start
scs
__scs_entry_jumppad:
0x0: {  	(pc) =	sbr.rel $0x88, $3  }
0x1: {  	(tag) =	ssettag $0x0;
	lr =	simm.s32 $0x1  }
0x2: {  	[smem:$0x3F9B] =	sst lr;
	_ =	strace $0xD0000000  }
0x3: {  	_ = 	snop  }
0x4: {  	_ = 	snop  }
0x5: {  	_ = 	snop  }
0x6: {  	_ = 	snop  }
0x7: {  	_ = 	snop  }
__scs_overlays_trampoline_lowered:
0x8: {  	[smem:$0x3FAA] =	sst s0  }
0x9: {  	[smem:$0x3FAB] =	sst s1  }
0xa: {  	[smem:$0x3FAC] =	sst s2  }
0xb: {  	[smem:$0x3FAD] =	sst s3  }
0xc: {  	[smem:$0x3FAE] =	sst s4  }
0xd: {  	[smem:$0x3FAF] =	sst s5  }
0xe: {  	[smem:$0x3FB0] =	sst s6  }
0xf: {  	[smem:$0x3FB1] =	sst s7  }
0x10: {  	[smem:$0x3FB2] =	sst s8  }
0x11: {  	[smem:$0x3FB3] =	sst s9;
	s0 =	simm.s32 @!p0 $0x0  }
0x12: {  	s1 =	sld [smem:$0x3F99];
	s0 =	simm.s32 @p0 $0x1  }
0x13: {  	[smem:$0x3FB4] =	sst s0;
	s0 =	simm.s32 @!p1 $0x0  }
0x14: {  	s2 =	sld [smem:$0x3F98];
	s0 =	simm.s32 @p1 $0x1  }
0x15: {  	[smem:$0x3FB5] =	sst s0;
	s0 =	simm.s32 @!p2 $0x0  }
0x16: {  	s3 =	sld [smem:$0x3FDB];
	s0 =	simm.s32 @p2 $0x1  }
0x17: {  	s4 =	simm.s32 $0x1BF5;
	[smem:$0x3FB7] =	sst s0  }
0x18: {  	s0 =	sld [smem:$0x3F9A];
	_ =	swait.ge [sflag:s4], $0x0  }
0x19: {  	s7 =	sld [smem:$0x3F9B]  }
0x1a: {  	s8 =	sadd.s32 $0xFFFFE003, lr  }
0x1b: {  	s9 =	sadd.s32 $0xFFFFFEF7, lr;
	s5 =	simm.s32 $0xFFFFFFFF;
	p2 =	slt.u32 s8, $0xFFFFF086  }
0x1c: {  	p1 =	slt.u32 s9, $0xF7A;
	s5 =	simm.s32 @!p2 $0x0  }
0x1d: {  	s5 =	simm.s32 @p1 $0x1;
	p0 =	seq.s32 s7, s2  }
0x1e: {  	s7 =	smul.u32 @!p0 $0xF7A, s2;
	p2 =	seq.s32 @!p0 s5, $0x0  }
0x1f: {  	s9 =	smul.u32 $0xF7A, s1;
	s8 =	simm.s32 @!p0 $0x1BF5;
	p2 =	por !p2, p0  }
0x20: {  	[sflag:s8] =	ssyncset.s32 @!p0 $0xFFFFF086;
	s6 =	sadd.s32 @!p0 s3, s7;
	s7 =	simm.s32 @!p0 $0x108  }
0x21: {  	s3 =	sadd.s32 s3, s9;
	s6 =	sadd.s32 @!p0 $0x88, s6;
	s7 =	simm.s32 @p2 $0x1082  }
0x22: {  	[simem:s7], [sflag:s8] =	dma.local @!p0 [hbm:s6], $0xF7A  }
0x23: {  	s9 =	sor.u32 $0xD0000000, s2;
	s6 =	simm.s32 $0x108;
	_ =	swait.ge @!p0 [sflag:s8], $0x0  }
0x24: {  	s3 =	sadd.s32 $0x88, s3;
	s6 =	simm.s32 @!p1 $0x1082;
	[sflag:s4] =	ssyncset.s32 $0xFFFFF086  }
0x25: {  	[simem:s6], [sflag:s4] =	dma.local [hbm:s3], $0xF7A  }
0x26: {  	[smem:$0x3F9B] =	sst s1;
	(tag) =	ssettag s2;
	_ =	strace s9  }
0x27: {  	s1 =	sld [smem:$0x3FAB]  }
0x28: {  	s2 =	sld [smem:$0x3FAC]  }
0x29: {  	s4 =	sld [smem:$0x3FAE]  }
0x2a: {  	p0 =	seq.s32 s5, $0x0;
	s5 =	sld [smem:$0x3FAF]  }
0x2b: {  	s6 =	sld [smem:$0x3FB0]  }
0x2c: {  	s7 =	sld [smem:$0x3FB1]  }
0x2d: {  	s3 =	simm.s32 $0x108;
	s8 =	sld [smem:$0x3FB2]  }
0x2e: {  	s3 =	simm.s32 @!p0 $0x1082;
	s9 =	sld [smem:$0x3FB3]  }
0x2f: {  	lr =	sadd.s32 s0, s3;
	s0 =	sld [smem:$0x3FAA]  }
0x30: {  	s3 =	sld [smem:$0x3FAD]  }
0x31: {  	[smem:$0x3FB6] =	sst s10  }
0x32: {  	s10 =	sld [smem:$0x3FB4];
	_ =	sdelay $0x3  }
0x33: {  	p0 =	seq.s32 s10, $0x1;
	s10 =	sld [smem:$0x3FB6];
	_ =	sdelay $0x3  }
0x34: {  	[smem:$0x3FB6] =	sst s10  }
0x35: {  	s10 =	sld [smem:$0x3FB5];
	_ =	sdelay $0x3  }
0x36: {  	p1 =	seq.s32 s10, $0x1;
	s10 =	sld [smem:$0x3FB6];
	_ =	sdelay $0x3  }
0x37: {  	[smem:$0x3FB6] =	sst s10  }
0x38: {  	s10 =	sld [smem:$0x3FB7]  }
0x39: {  	_ = 	snop;
	(pc) =	sbr.ind lr, $3  }
0x3a: {  	_ = 	snop  }
0x3b: {  	_ = 	snop  }
0x3c: {  	p2 =	seq.s32 s10, $0x1;
	s10 =	sld [smem:$0x3FB6]  }
0x3d: {  	_ =	shalt  }
0x3e: {  	_ =	shalt  }
0x3f: {  	_ =	shalt  }
0x40: {  	_ =	shalt  }
0x41: {  	_ =	shalt  }
0x42: {  	_ =	shalt  }
0x43: {  	_ =	shalt  }
0x44: {  	_ =	shalt  }
0x45: {  	_ =	shalt  }
0x46: {  	_ =	shalt  }
0x47: {  	_ =	shalt  }
0x48: {  	_ =	shalt  }
0x49: {  	_ =	shalt  }
0x4a: {  	_ =	shalt  }
0x4b: {  	_ =	shalt  }
0x4c: {  	_ =	shalt  }
0x4d: {  	_ =	shalt  }
0x4e: {  	_ =	shalt  }
0x4f: {  	_ =	shalt  }
0x50: {  	_ =	shalt  }
0x51: {  	_ =	shalt  }
0x52: {  	_ =	shalt  }
0x53: {  	_ =	shalt  }
0x54: {  	_ =	shalt  }
0x55: {  	_ =	shalt  }
0x56: {  	_ =	shalt  }
0x57: {  	_ =	shalt  }
0x58: {  	_ =	shalt  }
0x59: {  	_ =	shalt  }
0x5a: {  	_ =	shalt  }
0x5b: {  	_ =	shalt  }
0x5c: {  	_ =	shalt  }
0x5d: {  	_ =	shalt  }
0x5e: {  	_ =	shalt  }
0x5f: {  	_ =	shalt  }
0x60: {  	_ =	shalt  }
0x61: {  	_ =	shalt  }
0x62: {  	_ =	shalt  }
0x63: {  	_ =	shalt  }
0x64: {  	_ =	shalt  }
0x65: {  	_ =	shalt  }
0x66: {  	_ =	shalt  }
0x67: {  	_ =	shalt  }
0x68: {  	_ =	shalt  }
0x69: {  	_ =	shalt  }
0x6a: {  	_ =	shalt  }
0x6b: {  	_ =	shalt  }
0x6c: {  	_ =	shalt  }
0x6d: {  	_ =	shalt  }
0x6e: {  	_ =	shalt  }
0x6f: {  	_ =	shalt  }
0x70: {  	_ =	shalt  }
0x71: {  	_ =	shalt  }
0x72: {  	_ =	shalt  }
0x73: {  	_ =	shalt  }
0x74: {  	_ =	shalt  }
0x75: {  	_ =	shalt  }
0x76: {  	_ =	shalt  }
0x77: {  	_ =	shalt  }
0x78: {  	_ =	shalt  }
0x79: {  	_ =	shalt  }
0x7a: {  	_ =	shalt  }
0x7b: {  	_ =	shalt  }
0x7c: {  	_ =	shalt  }
0x7d: {  	_ =	shalt  }
0x7e: {  	_ =	shalt  }
0x7f: {  	_ =	shalt  }
0x80: {  	_ =	shalt  }
0x81: {  	_ =	shalt  }
0x82: {  	_ =	shalt  }
0x83: {  	_ =	shalt  }
0x84: {  	_ =	shalt  }
0x85: {  	_ =	shalt  }
0x86: {  	_ =	shalt  }
0x87: {  	_ =	shalt  }
.Lfunc_end0:
.L_simem_size_0:
called_computation_lowered:
.L_overlay_start_0:
0x88: {  	s2 =	sld [smem:$0x3FD9]  }
0x89: {  	s3 =	sld [smem:$0x3FFE];
	_ =	sdelay $0x1  }
0x8a: {  	s1 =	srdreg.scid  }
0x8b: {  	s0 =	sand.u32 $0x1, s1  }
0x8c: {  	s14 =	sshll.u32 s0, $0xA;
	s2 =	sadd.s32 s3, s2  }
0x8d: {  	s2 =	sadd.s32 s2, s14  }
0x8e: {  	[smem:$0x3FC2] =	sst s2  }
0x8f: {  	_ = 	snop  }
0x90: {  	s2 =	sld [smem:$0x3FC8]  }
0x91: {  	s15 =	sld [smem:$0x3FC7]  }
0x92: {  	s4 =	sld [smem:$0x3FD0]  }
0x93: {  	s5 =	sld [smem:$0x3FC6]  }
0x94: {  	s6 =	sld [smem:$0x3FC5]  }
0x95: {  	s8 =	simm.s32 $0xA;
	s9 =	simm.s32 $0x10;
	s7 =	sld [smem:$0x3FC4]  }
0x96: {  	[smem:s9], [sflag:s8] =	dma.local [hbm:s4], $0x1  }
0x97: {  	_ =	swait.eq [sflag:s8], $0x1  }
0x98: {  	[sflag:s8] =	ssyncset.done $0x0  }
0x99: {  	s16 =	sld [smem:$0x10];
	[sflag:s8] =	ssyncadd.s32 $0xFFFFFFFF  }
0x9a: {  	s17 =	sld [smem:$0x11];
	(tm) =	ssettm $0x1  }
0x9b: {  	s18 =	sld [smem:$0x3FFB];
	_ =	sdelay $0x3  }
0x9c: {  	_ =	strace s18  }
0x9d: {  	s9 =	sld [smem:$0x3FFC];
	_ =	sdelay $0x3  }
0x9e: {  	_ =	strace s9  }
0x9f: {  	s9 =	sld [smem:$0x3FFD];
	_ =	sdelay $0x3  }
0xa0: {  	_ =	strace s9  }
0xa1: {  	_ =	strace $0x8FFFFFFF  }
0xa2: {  	s19 =	sld [smem:$0x3FDB];
	_ =	sdelay $0x1  }
0xa3: {  	s10 =	simm.s32 $_scs_section_size  }
0xa4: {  	s11 =	simm.s32 $_size__tile_overlayer_lowered;
	s12 =	simm.s32 $_tile_overlayer_lowered  }
0xa5: {  	s22 =	simm.s32 $0x1BFF;
	s21 =	sshll.u32 s12, $0x1;
	s9 =	sadd.s32 s10, s19  }
0xa6: {  	s13 =	simm.s32 $0x0;
	s20 =	sshll.u32 s11, $0x1;
	s11 =	sadd.s32 s21, s9  }
0xa7: {  	[timem:s13], [sflag:s22] =	dma.local [hbm:s11], s20  }
0xa8: {  	_ =	swait.ge [sflag:s22], s20  }
0xa9: {  	s10 =	ssub.s32 $0x0, s20;
	[sflag:s22] =	ssyncset.done $0x0  }
0xaa: {  	[sflag:s22] =	ssyncadd.s32 s10;
	_ =	sdelay $0x1  }
0xab: {  	s23 =	simm.s32 $0x1B8B  }
0xac: {  	_ =	swait.ge [sflag:s23], $0x1  }
0xad: {  	[sflag:s23] =	ssyncset.done $0x0  }
0xae: {  	s25 =	simm.s32 $0x1B8E;
	s24 =	sld [smem:$0x3FFE];
	[sflag:s23] =	ssyncadd.s32 $0xFFFFFFFF  }
0xaf: {  	s26 =	simm.s32 $execute0_lowered;
	[smem:$0x3FD2] =	sst s25  }
0xb0: {  	s11 =	sshll.u32 s26, $0x1;
	_ =	strace $0x80000046;
	[dreg:$0x1] =	wrdreg $0xFFFFFFFF  }
0xb1: {  	s28 =	simm.s32 $_size_execute0_lowered;
	s9 =	sadd.s32 s9, s11;
	[dreg:$0x0] =	wrdreg $0x0  }
0xb2: {  	s11 =	sshll.u32 s28, $0x1;
	[dreg:$0x2] =	wrdreg s9  }
0xb3: {  	[dreg:$0x3] =	wrdreg s11  }
0xb4: {  	[dreg:$0x4] =	wrdreg $0xC0  }
0xb5: {  	_ =	task [dreg:s13], $0x5FFFF  }
0xb6: {  	[dreg:$0x1] =	wrdreg $0xFFFFFFFF  }
0xb7: {  	[dreg:$0x0] =	wrdreg $0x60  }
0xb8: {  	[dreg:$0x2] =	wrdreg s16  }
0xb9: {  	[dreg:$0x3] =	wrdreg s2  }
0xba: {  	[dreg:$0x4] =	wrdreg s15  }
0xbb: {  	[dreg:$0x5] =	wrdreg s5  }
0xbc: {  	[dreg:$0x6] =	wrdreg s6  }
0xbd: {  	[dreg:$0x7] =	wrdreg s7  }
0xbe: {  	[dreg:$0x8] =	wrdreg s24  }
0xbf: {  	[dreg:$0x9] =	wrdreg s17  }
0xc0: {  	[dreg:$0xa] =	wrdreg $0x9  }
0xc1: {  	_ =	task.clear_ibuf [dreg:s13], $0xBFFFF;
	_ =	strace $0x90000046  }
0xc2: {  	s29 =	simm.s32 $0x9;
	_ =	strace $0x80000048  }
0xc3: {  	_ =	swait.ge [sflag:s29], $0x1  }
0xc4: {  	[sflag:s29] =	ssyncadd.s32 $0xFFFFFFFF  }
0xc5: {  	_ =	strace $0x90000048  }
0xc6: {  	_ =	sfence  }
0xc7: {  	s30 =	sld [smem:$0x0];
	_ =	sdelay $0x2  }
0xc8: {  	s31 =	sshll.u32 s1, $0xD;
	s1 =	sshrl.u32 s1, $0x2  }
0xc9: {  	s3 =	sand.u32 $0x4000, s31;
	s1 =	sadd.s32 s1, s30  }
0xca: {  	s0 =	sor.u32 s3, s0;
	s1 =	sshll.u32 s1, $0x11  }
0xcb: {  	s0 =	sor.u32 s1, s0  }
0xcc: {  	s0 =	sadd.s32 $0x8F2B, s0  }
0xcd: {  	[sflag:s0] =	ssyncadd.remote.s32 $0x1  }
0xce: {  	_ =	sfence.sel $0xFFFF  }
0xcf: {  	[dreg:$0x0] =	wrdreg $0xFFFFFFFF;
	(pc) =	sbr.abs _section_cstart, $3  }
0xd0: {  	[dreg:$0x1] =	wrdreg $0xFFFFFFFF  }
0xd1: {  	_ =	task.clear_ibuf [dreg:s13], $0x2FFFF;
	_ =	strace $0x9FFFFFFF  }
0xd2: {  	(tm) =	ssettm $0x7FFFFFFF  }
0xd3: {  	_ =	shalt  }
tec
execute0_lowered:
.L_overlay_start_1:
0x0: {  	(tag) =	ssettag $0x1  }
0x1: {  	s0 =	rddreg [dreg:$0x0]  }
0x2: {  	s1 =	rddreg [dreg:$0x1]  }
0x3: {  	s2 =	rddreg [dreg:$0x2]  }
0x4: {  	s3 =	rddreg [dreg:$0x3]  }
0x5: {  	s4 =	rddreg [dreg:$0x6];
	s6 =	simm.s32 $0x0  }
0x6: {  	s5 =	srdreg.scid;
	s7 =	stileid.u32;
	s19 =	simm.s32 $0x80  }
0x7: {  	s20 =	simm.s32 $0x1870;
	s21 =	simm.s32 $0x3870;
	s23 =	simm.s32 $0x5870  }
0x8: {  	s25 =	simm.s32 $0x7870;
	s26 =	simm.s32 $0x1;
	s31 =	simm.s32 $0x380  }
0x9: {  	s16 =	simm.s32 $0x680;
	s17 =	simm.s32 $0x700;
	s18 =	simm.s32 $0x780  }
0xa: {  	s22 =	simm.s32 $0x0;
	s5 =	sand.u32 $0x1, s5;
	s7 =	sshll.u32 s7, $0x1  }
0xb: {  	[smem:$0x7FF] =	sst s6;
	s15 =	sor.u32 s5, s7;
	s5 =	ssub.s32 $0x2, s5  }
0xc: {  	_ =	strace $0x80000047;
	s7 =	sshll.u32 s15, $0xE;
	s8 =	sshrl.u32 s5, $0x1  }
0xd: {  	s9 =	sshll.u32 s15, $0x8;
	p0 =	sne.s32 s15, $0x0;
	s15 =	simm.s32 $0x2  }
0xe: {  	s4 =	sadd.s32 s7, s4;
	s5 =	ssub.s32 s5, s8;
	s7 =	sadd.s32 s1, s9  }
0xf: {  	s8 =	sadd.s32 s2, s9;
	s9 =	sadd.s32 s3, s9;
	s1 =	simm.s32 $0x400  }
0x10: {  	s2 =	simm.s32 $0x500;
	s3 =	simm.s32 $0x580;
	s10 =	sadd.s32 $0x800, s4  }
0x11: {  	s11 =	sadd.s32 $0x1800, s4;
	s12 =	sadd.s32 $0x2800, s4;
	s13 =	sadd.s32 $0x3800, s4  }
0x12: {  	s14 =	smax.u32 s5, $0x1;
	s4 =	simm.s32 $0x480;
	s5 =	simm.s32 $0x600  }
.LBB2_1:
0x13: {  	[tilespmem:s6], [sflag:$0x2] =	stream.linear.gather [hbm4b:s7+s6], $0x800, $0x38;
	[tilespmem:$0x9870] =	vst v63  }
0x14: {  	_ =	swait.ge [sflag:s15], $0x800  }
0x15: {  	[sflag:s15] =	ssyncset.done $0x0  }
0x16: {  	s24 =	simm.s32 $0x800;
	[sflag:s15] =	ssyncadd.s32 $0xFFFFF800  }
0x17: {  	[tilespmem:s24], [sflag:$0x2] =	stream.linear.gather [hbm4b:s8+s6], $0x800, $0x38;
	[tilespmem:$0x9870] =	vst v63  }
0x18: {  	_ =	swait.ge [sflag:s15], $0x800  }
0x19: {  	[sflag:s15] =	ssyncset.done $0x0  }
0x1a: {  	s29 =	simm.s32 $0x1000;
	[sflag:s15] =	ssyncadd.s32 $0xFFFFF800  }
0x1b: {  	[tilespmem:s29], [sflag:$0x2] =	stream.linear.gather [hbm4b:s9+s6], $0x800, $0x38;
	[tilespmem:$0x9870] =	vst v63  }
0x1c: {  	_ =	swait.ge [sflag:s15], $0x800  }
0x1d: {  	[sflag:s15] =	ssyncset.done $0x0  }
0x1e: {  	[sflag:s15] =	ssyncadd.s32 $0xFFFFF800  }
0x1f: {  	s28 =	simm.s32 $0x1800;
	s30 =	rddreg [dreg:$0x4]  }
0x20: {  	[tilespmem:s28], [sflag:$0x2] =	stream.linear.gather [hbm4b:s30+s6], $0x40, $0x38;
	[tilespmem:$0x9870] =	vst v63  }
0x21: {  	_ =	swait.ge [sflag:s15], $0x40  }
0x22: {  	[sflag:s15] =	ssyncset.done $0x0  }
0x23: {  	[sflag:s15] =	ssyncadd.s32 $0xFFFFFFC0  }
0x24: {  	v0 =	vld [tilespmem:$0x1800]  }
0x25: {  	v1 =	vld [tilespmem:$0x1810]  }
0x26: {  	s24 =	simm.s32 @!p0 $0x0;
	s28 =	simm.s32 @!p0 $0x1840;
	v2 =	vld [tilespmem:$0x1820];
	s29 =	rddreg [dreg:$0x5]  }
0x27: {  	v3 =	vld [tilespmem:$0x1830];
	[tilespmem:s28], [sflag:$0x2] =	stream.linear.gather @!p0 [hbm4b:s29+s24], $0x20, $0x38  }
0x28: {  	s28 =	simm.s32 @!p0 $0x2  }
0x29: {  	_ =	swait.ge @!p0 [sflag:s28], $0x20  }
0x2a: {  	[sflag:s28] =	ssyncset.done @!p0 $0x0  }
0x2b: {  	[sflag:s28] =	ssyncadd.s32 @!p0 $0xFFFFFFE0  }
0x2c: {  	v4 =	vld @!p0 [tilespmem:$0x1850];
	_ =	sdelay $0x4  }
0x2d: {  	v5 =	vcvt.s32.f32 @!p0 v4  }
0x2e: {  	v6 =	vld @!p0 [tilespmem:$0x1840]  }
0x2f: {  	v5 =	vmul.f32 @!p0 $6.000000240e-01, v5;
	_ =	sdelay $0x1  }
0x30: {  	v5 =	vtrunc.f32 @!p0 v5  }
0x31: {  	v5 =	vcvt.f32.s32 @!p0 v5  }
0x32: {  	vm0 =	veq.s32 @!p0 v6, $0x0  }
0x33: {  	v4 =	vsel @!p0 vm0, v5, v4  }
0x34: {  	s29 =	simm.s32 @!p0 $0x1860;
	s30 =	rddreg [dreg:$0x7];
	[tilespmem:$0x1860] =	vst @!p0 v4  }
0x35: {  	[hbm4b:s30+s24] =	stream.linear.scatter @!p0 [tilespmem:s29], [sflag:$0x2], $0x10, $0x38;
	[tilespmem:$0x9870] =	vst v63  }
0x36: {  	_ =	swait.ge @!p0 [sflag:s28], $0x10  }
0x37: {  	[sflag:s28] =	ssyncset.done @!p0 $0x0  }
0x38: {  	[sflag:s28] =	ssyncadd.s32 @!p0 $0xFFFFFFF0  }
0x39: {  	[tilespmem:s20], [sflag:$0x1] =	stream.indirect.gather [hbm4b:s0+s19], $0x40, s6, s19, $0xb8;
	[tilespmem:$0x9870] =	vst v63  }
0x3a: {  	_ = 	snop  }
0x3b: {  	[tilespmem:s21], [sflag:$0x1] =	stream.indirect.gather [hbm4b:s0+s19], $0x40, s19, s19, $0xb8;
	[tilespmem:$0x9870] =	vst v63  }
0x3c: {  	s29 =	simm.s32 $0x100  }
0x3d: {  	[tilespmem:s23], [sflag:$0x1] =	stream.indirect.gather [hbm4b:s0+s19], $0x40, s29, s19, $0xb8;
	[tilespmem:$0x9870] =	vst v63  }
0x3e: {  	s30 =	simm.s32 $0x180  }
0x3f: {  	[tilespmem:s25], [sflag:$0x1] =	stream.indirect.gather [hbm4b:s0+s19], $0x40, s30, s19, $0xb8;
	[tilespmem:$0x9870] =	vst v63  }
0x40: {  	_ =	swait.ge [sflag:s26], $0x2000  }
0x41: {  	[sflag:s26] =	ssyncset.done $0x0  }
0x42: {  	[sflag:s26] =	ssyncadd.s32 $0xFFFFE000  }
0x43: {  	_ =	swait.ge [sflag:s26], $0x2000  }
0x44: {  	[sflag:s26] =	ssyncset.done $0x0  }
0x45: {  	[sflag:s26] =	ssyncadd.s32 $0xFFFFE000  }
0x46: {  	_ =	swait.ge [sflag:s26], $0x2000  }
0x47: {  	[sflag:s26] =	ssyncset.done $0x0  }
0x48: {  	[sflag:s26] =	ssyncadd.s32 $0xFFFFE000  }
0x49: {  	_ =	swait.ge [sflag:s26], $0x2000  }
0x4a: {  	[sflag:s26] =	ssyncset.done $0x0  }
0x4b: {  	s24 =	simm.s32 $0x1A70;
	s28 =	simm.s32 $0x0;
	[sflag:s26] =	ssyncadd.s32 $0xFFFFE000  }
.LBB2_2:
0x4c: {  	s29 =	sshra.s32 s28, $0x2  }
0x4d: {  	v4 =	vld [tilespmem:s29+$0x800]  }
0x4e: {  	v5 =	vld [tilespmem:s29+$0x1000];
	_ =	sdelay $0x1  }
0x4f: {  	v6 =	vld [tilespmem:s24+$0xFFFFFE00];
	_ =	sdelay $0x2  }
0x50: {  	v7 =	vbroadcast v4, $0x0;
	v8 =	vbroadcast v5, $0x0  }
0x51: {  	v16 =	vld [tilespmem:s24+$0xFFFFFE10]  }
0x52: {  	v6 =	vmul.f32 v6, v7;
	v9 =	vmul.f32 v8, v0;
	_ =	sdelay $0x1  }
0x53: {  	v6 =	vadd.f32 v9, v6  }
0x54: {  	v18 =	vld [tilespmem:s24+$0xFFFFFE20]  }
0x55: {  	v17 =	vmul.f32 v8, v1;
	[tilespmem:s24+$0xFFFFFE00] =	vst v6;
	v6 =	vmul.f32 v16, v7;
	_ =	sdelay $0x1  }
0x56: {  	v6 =	vadd.f32 v6, v17  }
0x57: {  	v20 =	vld [tilespmem:s24+$0xFFFFFE30]  }
0x58: {  	v19 =	vmul.f32 v8, v2;
	[tilespmem:s24+$0xFFFFFE10] =	vst v6;
	v6 =	vmul.f32 v18, v7;
	_ =	sdelay $0x1  }
0x59: {  	v6 =	vadd.f32 v6, v19  }
0x5a: {  	v22 =	vld [tilespmem:s24+$0xFFFFFE40]  }
0x5b: {  	v21 =	vmul.f32 v8, v3;
	[tilespmem:s24+$0xFFFFFE20] =	vst v6;
	v6 =	vmul.f32 v20, v7;
	_ =	sdelay $0x1  }
0x5c: {  	v23 =	vbroadcast v4, $0x1;
	v24 =	vbroadcast v5, $0x1;
	v6 =	vadd.f32 v6, v21  }
0x5d: {  	v26 =	vld [tilespmem:s24+$0xFFFFFE50]  }
0x5e: {  	v25 =	vmul.f32 v24, v0;
	[tilespmem:s24+$0xFFFFFE30] =	vst v6;
	v6 =	vmul.f32 v22, v23;
	_ =	sdelay $0x1  }
0x5f: {  	v6 =	vadd.f32 v6, v25  }
0x60: {  	v28 =	vld [tilespmem:s24+$0xFFFFFE60]  }
0x61: {  	v27 =	vmul.f32 v24, v1;
	[tilespmem:s24+$0xFFFFFE40] =	vst v6;
	v6 =	vmul.f32 v26, v23;
	_ =	sdelay $0x1  }
0x62: {  	v6 =	vadd.f32 v6, v27  }
0x63: {  	v30 =	vld [tilespmem:s24+$0xFFFFFE70]  }
0x64: {  	v29 =	vmul.f32 v24, v2;
	[tilespmem:s24+$0xFFFFFE50] =	vst v6;
	v6 =	vmul.f32 v28, v23;
	_ =	sdelay $0x1  }
0x65: {  	v6 =	vadd.f32 v6, v29  }
0x66: {  	v32 =	vld [tilespmem:s24+$0xFFFFFE80]  }
0x67: {  	v31 =	vmul.f32 v24, v3;
	[tilespmem:s24+$0xFFFFFE60] =	vst v6;
	v6 =	vmul.f32 v30, v23;
	_ =	sdelay $0x1  }
0x68: {  	v33 =	vbroadcast v4, $0x2;
	v34 =	vbroadcast v5, $0x2;
	v6 =	vadd.f32 v6, v31  }
0x69: {  	v36 =	vld [tilespmem:s24+$0xFFFFFE90]  }
0x6a: {  	v35 =	vmul.f32 v34, v0;
	[tilespmem:s24+$0xFFFFFE70] =	vst v6;
	v6 =	vmul.f32 v32, v33;
	_ =	sdelay $0x1  }
0x6b: {  	v6 =	vadd.f32 v6, v35  }
0x6c: {  	v38 =	vld [tilespmem:s24+$0xFFFFFEA0]  }
0x6d: {  	v37 =	vmul.f32 v34, v1;
	[tilespmem:s24+$0xFFFFFE80] =	vst v6;
	v6 =	vmul.f32 v36, v33;
	_ =	sdelay $0x1  }
0x6e: {  	v6 =	vadd.f32 v6, v37  }
0x6f: {  	v40 =	vld [tilespmem:s24+$0xFFFFFEB0]  }
0x70: {  	v39 =	vmul.f32 v34, v2;
	[tilespmem:s24+$0xFFFFFE90] =	vst v6;
	v6 =	vmul.f32 v38, v33;
	_ =	sdelay $0x1  }
0x71: {  	v6 =	vadd.f32 v6, v39  }
0x72: {  	v42 =	vld [tilespmem:s24+$0xFFFFFEC0]  }
0x73: {  	v41 =	vmul.f32 v34, v3;
	[tilespmem:s24+$0xFFFFFEA0] =	vst v6;
	v6 =	vmul.f32 v40, v33;
	_ =	sdelay $0x1  }
0x74: {  	v43 =	vbroadcast v4, $0x3;
	v44 =	vbroadcast v5, $0x3;
	v6 =	vadd.f32 v6, v41  }
0x75: {  	v46 =	vld [tilespmem:s24+$0xFFFFFED0]  }
0x76: {  	v45 =	vmul.f32 v44, v0;
	[tilespmem:s24+$0xFFFFFEB0] =	vst v6;
	v6 =	vmul.f32 v42, v43;
	_ =	sdelay $0x1  }
0x77: {  	v6 =	vadd.f32 v6, v45  }
0x78: {  	v48 =	vld [tilespmem:s24+$0xFFFFFEE0]  }
0x79: {  	v47 =	vmul.f32 v44, v1;
	[tilespmem:s24+$0xFFFFFEC0] =	vst v6;
	v6 =	vmul.f32 v46, v43;
	_ =	sdelay $0x1  }
0x7a: {  	v6 =	vadd.f32 v6, v47  }
0x7b: {  	v50 =	vld [tilespmem:s24+$0xFFFFFEF0]  }
0x7c: {  	v49 =	vmul.f32 v44, v2;
	[tilespmem:s24+$0xFFFFFED0] =	vst v6;
	v6 =	vmul.f32 v48, v43;
	_ =	sdelay $0x1  }
0x7d: {  	v6 =	vadd.f32 v6, v49  }
0x7e: {  	v52 =	vld [tilespmem:s24+$0xFFFFFF00]  }
0x7f: {  	v51 =	vmul.f32 v44, v3;
	[tilespmem:s24+$0xFFFFFEE0] =	vst v6;
	v6 =	vmul.f32 v50, v43;
	_ =	sdelay $0x1  }
0x80: {  	v53 =	vbroadcast v4, $0x4;
	v54 =	vbroadcast v5, $0x4;
	v6 =	vadd.f32 v6, v51  }
0x81: {  	v56 =	vld [tilespmem:s24+$0xFFFFFF10]  }
0x82: {  	v55 =	vmul.f32 v54, v0;
	[tilespmem:s24+$0xFFFFFEF0] =	vst v6;
	v6 =	vmul.f32 v52, v53;
	_ =	sdelay $0x1  }
0x83: {  	v6 =	vadd.f32 v6, v55  }
0x84: {  	v58 =	vld [tilespmem:s24+$0xFFFFFF20]  }
0x85: {  	v57 =	vmul.f32 v54, v1;
	[tilespmem:s24+$0xFFFFFF00] =	vst v6;
	v6 =	vmul.f32 v56, v53;
	_ =	sdelay $0x1  }
0x86: {  	v6 =	vadd.f32 v6, v57  }
0x87: {  	v60 =	vld [tilespmem:s24+$0xFFFFFF30]  }
0x88: {  	v59 =	vmul.f32 v54, v2;
	[tilespmem:s24+$0xFFFFFF10] =	vst v6;
	v6 =	vmul.f32 v58, v53;
	_ =	sdelay $0x1  }
0x89: {  	v6 =	vadd.f32 v6, v59  }
0x8a: {  	v62 =	vld [tilespmem:s24+$0xFFFFFF40]  }
0x8b: {  	v61 =	vmul.f32 v54, v3;
	[tilespmem:s24+$0xFFFFFF20] =	vst v6;
	v6 =	vmul.f32 v60, v53;
	_ =	sdelay $0x1  }
0x8c: {  	v63 =	vbroadcast v4, $0x5;
	v12 =	vbroadcast v5, $0x5;
	v6 =	vadd.f32 v6, v61  }
0x8d: {  	v14 =	vld [tilespmem:s24+$0xFFFFFF50]  }
0x8e: {  	v13 =	vmul.f32 v12, v0;
	[tilespmem:s24+$0xFFFFFF30] =	vst v6;
	v6 =	vmul.f32 v62, v63;
	_ =	sdelay $0x1  }
0x8f: {  	v6 =	vadd.f32 v6, v13  }
0x90: {  	v16 =	vld [tilespmem:s24+$0xFFFFFF60]  }
0x91: {  	v15 =	vmul.f32 v12, v1;
	[tilespmem:s24+$0xFFFFFF40] =	vst v6;
	v6 =	vmul.f32 v14, v63;
	_ =	sdelay $0x1  }
0x92: {  	v6 =	vadd.f32 v6, v15  }
0x93: {  	v18 =	vld [tilespmem:s24+$0xFFFFFF70]  }
0x94: {  	v17 =	vmul.f32 v12, v2;
	[tilespmem:s24+$0xFFFFFF50] =	vst v6;
	v6 =	vmul.f32 v16, v63;
	_ =	sdelay $0x1  }
0x95: {  	v6 =	vadd.f32 v6, v17  }
0x96: {  	v20 =	vld [tilespmem:s24+$0xFFFFFF80]  }
0x97: {  	v19 =	vmul.f32 v12, v3;
	[tilespmem:s24+$0xFFFFFF60] =	vst v6;
	v6 =	vmul.f32 v18, v63;
	_ =	sdelay $0x1  }
0x98: {  	v21 =	vbroadcast v4, $0x6;
	v22 =	vbroadcast v5, $0x6;
	v6 =	vadd.f32 v6, v19  }
0x99: {  	v24 =	vld [tilespmem:s24+$0xFFFFFF90]  }
0x9a: {  	v23 =	vmul.f32 v22, v0;
	[tilespmem:s24+$0xFFFFFF70] =	vst v6;
	v6 =	vmul.f32 v20, v21;
	_ =	sdelay $0x1  }
0x9b: {  	v6 =	vadd.f32 v6, v23  }
0x9c: {  	v26 =	vld [tilespmem:s24+$0xFFFFFFA0]  }
0x9d: {  	v25 =	vmul.f32 v22, v1;
	[tilespmem:s24+$0xFFFFFF80] =	vst v6;
	v6 =	vmul.f32 v24, v21;
	_ =	sdelay $0x1  }
0x9e: {  	v6 =	vadd.f32 v6, v25  }
0x9f: {  	v28 =	vld [tilespmem:s24+$0xFFFFFFB0]  }
0xa0: {  	v27 =	vmul.f32 v22, v2;
	[tilespmem:s24+$0xFFFFFF90] =	vst v6;
	v6 =	vmul.f32 v26, v21;
	_ =	sdelay $0x1  }
0xa1: {  	v6 =	vadd.f32 v6, v27  }
0xa2: {  	v30 =	vld [tilespmem:s24+$0xFFFFFFC0]  }
0xa3: {  	v29 =	vmul.f32 v22, v3;
	[tilespmem:s24+$0xFFFFFFA0] =	vst v6;
	v6 =	vmul.f32 v28, v21;
	_ =	sdelay $0x1  }
0xa4: {  	v31 =	vbroadcast v4, $0x7;
	v32 =	vbroadcast v5, $0x7;
	v6 =	vadd.f32 v6, v29  }
0xa5: {  	v34 =	vld [tilespmem:s24+$0xFFFFFFD0]  }
0xa6: {  	v33 =	vmul.f32 v32, v0;
	[tilespmem:s24+$0xFFFFFFB0] =	vst v6;
	v6 =	vmul.f32 v30, v31;
	_ =	sdelay $0x1  }
0xa7: {  	v6 =	vadd.f32 v6, v33  }
0xa8: {  	v36 =	vld [tilespmem:s24+$0xFFFFFFE0]  }
0xa9: {  	v35 =	vmul.f32 v32, v1;
	[tilespmem:s24+$0xFFFFFFC0] =	vst v6;
	v6 =	vmul.f32 v34, v31;
	_ =	sdelay $0x1  }
0xaa: {  	v6 =	vadd.f32 v6, v35  }
0xab: {  	v38 =	vld [tilespmem:s24+$0xFFFFFFF0]  }
0xac: {  	v37 =	vmul.f32 v32, v2;
	[tilespmem:s24+$0xFFFFFFD0] =	vst v6;
	v6 =	vmul.f32 v36, v31;
	_ =	sdelay $0x1  }
0xad: {  	v6 =	vadd.f32 v6, v37  }
0xae: {  	v40 =	vld [tilespmem:s24+$0x0]  }
0xaf: {  	v39 =	vmul.f32 v32, v3;
	[tilespmem:s24+$0xFFFFFFE0] =	vst v6;
	v6 =	vmul.f32 v38, v31;
	_ =	sdelay $0x1  }
0xb0: {  	v41 =	vbroadcast v4, $0x8;
	v42 =	vbroadcast v5, $0x8;
	v6 =	vadd.f32 v6, v39  }
0xb1: {  	v44 =	vld [tilespmem:s24+$0x10]  }
0xb2: {  	v43 =	vmul.f32 v42, v0;
	[tilespmem:s24+$0xFFFFFFF0] =	vst v6;
	v6 =	vmul.f32 v40, v41;
	_ =	sdelay $0x1  }
0xb3: {  	v6 =	vadd.f32 v6, v43  }
0xb4: {  	v46 =	vld [tilespmem:s24+$0x20]  }
0xb5: {  	v45 =	vmul.f32 v42, v1;
	[tilespmem:s24+$0x0] =	vst v6;
	v6 =	vmul.f32 v44, v41;
	_ =	sdelay $0x1  }
0xb6: {  	v6 =	vadd.f32 v6, v45  }
0xb7: {  	v48 =	vld [tilespmem:s24+$0x30]  }
0xb8: {  	v47 =	vmul.f32 v42, v2;
	[tilespmem:s24+$0x10] =	vst v6;
	v6 =	vmul.f32 v46, v41;
	_ =	sdelay $0x1  }
0xb9: {  	v6 =	vadd.f32 v6, v47  }
0xba: {  	v50 =	vld [tilespmem:s24+$0x40]  }
0xbb: {  	v49 =	vmul.f32 v42, v3;
	[tilespmem:s24+$0x20] =	vst v6;
	v6 =	vmul.f32 v48, v41;
	_ =	sdelay $0x1  }
0xbc: {  	v51 =	vbroadcast v4, $0x9;
	v52 =	vbroadcast v5, $0x9;
	v6 =	vadd.f32 v6, v49  }
0xbd: {  	v54 =	vld [tilespmem:s24+$0x50]  }
0xbe: {  	v53 =	vmul.f32 v52, v0;
	[tilespmem:s24+$0x30] =	vst v6;
	v6 =	vmul.f32 v50, v51;
	_ =	sdelay $0x1  }
0xbf: {  	v6 =	vadd.f32 v6, v53  }
0xc0: {  	v56 =	vld [tilespmem:s24+$0x60]  }
0xc1: {  	v55 =	vmul.f32 v52, v1;
	[tilespmem:s24+$0x40] =	vst v6;
	v6 =	vmul.f32 v54, v51;
	_ =	sdelay $0x1  }
0xc2: {  	v6 =	vadd.f32 v6, v55  }
0xc3: {  	v58 =	vld [tilespmem:s24+$0x70]  }
0xc4: {  	v57 =	vmul.f32 v52, v2;
	[tilespmem:s24+$0x50] =	vst v6;
	v6 =	vmul.f32 v56, v51;
	_ =	sdelay $0x1  }
0xc5: {  	v6 =	vadd.f32 v6, v57  }
0xc6: {  	v60 =	vld [tilespmem:s24+$0x80]  }
0xc7: {  	v59 =	vmul.f32 v52, v3;
	[tilespmem:s24+$0x60] =	vst v6;
	v6 =	vmul.f32 v58, v51;
	_ =	sdelay $0x1  }
0xc8: {  	v61 =	vbroadcast v4, $0xA;
	v62 =	vbroadcast v5, $0xA;
	v6 =	vadd.f32 v6, v59  }
0xc9: {  	v11 =	vld [tilespmem:s24+$0x90]  }
0xca: {  	v63 =	vmul.f32 v62, v0;
	[tilespmem:s24+$0x70] =	vst v6;
	v6 =	vmul.f32 v60, v61;
	_ =	sdelay $0x1  }
0xcb: {  	v6 =	vadd.f32 v6, v63  }
0xcc: {  	v13 =	vld [tilespmem:s24+$0xA0]  }
0xcd: {  	v12 =	vmul.f32 v62, v1;
	[tilespmem:s24+$0x80] =	vst v6;
	v6 =	vmul.f32 v11, v61;
	_ =	sdelay $0x1  }
0xce: {  	v6 =	vadd.f32 v6, v12  }
0xcf: {  	v15 =	vld [tilespmem:s24+$0xB0]  }
0xd0: {  	v14 =	vmul.f32 v62, v2;
	[tilespmem:s24+$0x90] =	vst v6;
	v6 =	vmul.f32 v13, v61;
	_ =	sdelay $0x1  }
0xd1: {  	v6 =	vadd.f32 v6, v14  }
0xd2: {  	v17 =	vld [tilespmem:s24+$0xC0]  }
0xd3: {  	v16 =	vmul.f32 v62, v3;
	[tilespmem:s24+$0xA0] =	vst v6;
	v6 =	vmul.f32 v15, v61;
	_ =	sdelay $0x1  }
0xd4: {  	v18 =	vbroadcast v4, $0xB;
	v19 =	vbroadcast v5, $0xB;
	v6 =	vadd.f32 v6, v16  }
0xd5: {  	v21 =	vld [tilespmem:s24+$0xD0]  }
0xd6: {  	v20 =	vmul.f32 v19, v0;
	[tilespmem:s24+$0xB0] =	vst v6;
	v6 =	vmul.f32 v17, v18;
	_ =	sdelay $0x1  }
0xd7: {  	v6 =	vadd.f32 v6, v20  }
0xd8: {  	v23 =	vld [tilespmem:s24+$0xE0]  }
0xd9: {  	v22 =	vmul.f32 v19, v1;
	[tilespmem:s24+$0xC0] =	vst v6;
	v6 =	vmul.f32 v21, v18;
	_ =	sdelay $0x1  }
0xda: {  	v6 =	vadd.f32 v6, v22  }
0xdb: {  	v25 =	vld [tilespmem:s24+$0xF0]  }
0xdc: {  	v24 =	vmul.f32 v19, v2;
	[tilespmem:s24+$0xD0] =	vst v6;
	v6 =	vmul.f32 v23, v18;
	_ =	sdelay $0x1  }
0xdd: {  	v6 =	vadd.f32 v6, v24  }
0xde: {  	v27 =	vld [tilespmem:s24+$0x100]  }
0xdf: {  	v26 =	vmul.f32 v19, v3;
	[tilespmem:s24+$0xE0] =	vst v6;
	v6 =	vmul.f32 v25, v18;
	_ =	sdelay $0x1  }
0xe0: {  	v28 =	vbroadcast v4, $0xC;
	v29 =	vbroadcast v5, $0xC;
	v6 =	vadd.f32 v6, v26  }
0xe1: {  	v31 =	vld [tilespmem:s24+$0x110]  }
0xe2: {  	v30 =	vmul.f32 v29, v0;
	[tilespmem:s24+$0xF0] =	vst v6;
	v6 =	vmul.f32 v27, v28;
	_ =	sdelay $0x1  }
0xe3: {  	v6 =	vadd.f32 v6, v30  }
0xe4: {  	v33 =	vld [tilespmem:s24+$0x120]  }
0xe5: {  	v32 =	vmul.f32 v29, v1;
	[tilespmem:s24+$0x100] =	vst v6;
	v6 =	vmul.f32 v31, v28;
	_ =	sdelay $0x1  }
0xe6: {  	v6 =	vadd.f32 v6, v32  }
0xe7: {  	v35 =	vld [tilespmem:s24+$0x130]  }
0xe8: {  	v34 =	vmul.f32 v29, v2;
	[tilespmem:s24+$0x110] =	vst v6;
	v6 =	vmul.f32 v33, v28;
	_ =	sdelay $0x1  }
0xe9: {  	v6 =	vadd.f32 v6, v34  }
0xea: {  	v37 =	vld [tilespmem:s24+$0x140]  }
0xeb: {  	v36 =	vmul.f32 v29, v3;
	[tilespmem:s24+$0x120] =	vst v6;
	v6 =	vmul.f32 v35, v28;
	_ =	sdelay $0x1  }
0xec: {  	v38 =	vbroadcast v4, $0xD;
	v39 =	vbroadcast v5, $0xD;
	v6 =	vadd.f32 v6, v36  }
0xed: {  	v41 =	vld [tilespmem:s24+$0x150]  }
0xee: {  	v40 =	vmul.f32 v39, v0;
	[tilespmem:s24+$0x130] =	vst v6;
	v6 =	vmul.f32 v37, v38;
	_ =	sdelay $0x1  }
0xef: {  	v6 =	vadd.f32 v6, v40  }
0xf0: {  	v43 =	vld [tilespmem:s24+$0x160]  }
0xf1: {  	v42 =	vmul.f32 v39, v1;
	[tilespmem:s24+$0x140] =	vst v6;
	v6 =	vmul.f32 v41, v38;
	_ =	sdelay $0x1  }
0xf2: {  	v6 =	vadd.f32 v6, v42  }
0xf3: {  	v45 =	vld [tilespmem:s24+$0x170]  }
0xf4: {  	v44 =	vmul.f32 v39, v2;
	[tilespmem:s24+$0x150] =	vst v6;
	v6 =	vmul.f32 v43, v38;
	_ =	sdelay $0x1  }
0xf5: {  	v6 =	vadd.f32 v6, v44  }
0xf6: {  	v47 =	vld [tilespmem:s24+$0x180]  }
0xf7: {  	v46 =	vmul.f32 v39, v3;
	[tilespmem:s24+$0x160] =	vst v6;
	v6 =	vmul.f32 v45, v38;
	_ =	sdelay $0x1  }
0xf8: {  	v48 =	vbroadcast v4, $0xE;
	v49 =	vbroadcast v5, $0xE;
	v6 =	vadd.f32 v6, v46  }
0xf9: {  	v51 =	vld [tilespmem:s24+$0x190]  }
0xfa: {  	v50 =	vmul.f32 v49, v0;
	[tilespmem:s24+$0x170] =	vst v6;
	v6 =	vmul.f32 v47, v48;
	_ =	sdelay $0x1  }
0xfb: {  	v6 =	vadd.f32 v6, v50  }
0xfc: {  	v53 =	vld [tilespmem:s24+$0x1A0]  }
0xfd: {  	v52 =	vmul.f32 v49, v1;
	[tilespmem:s24+$0x180] =	vst v6;
	v6 =	vmul.f32 v51, v48;
	_ =	sdelay $0x1  }
0xfe: {  	v6 =	vadd.f32 v6, v52  }
0xff: {  	v55 =	vld [tilespmem:s24+$0x1B0]  }
0x100: {  	v54 =	vmul.f32 v49, v2;
	[tilespmem:s24+$0x190] =	vst v6;
	v6 =	vmul.f32 v53, v48;
	_ =	sdelay $0x1  }
0x101: {  	v6 =	vadd.f32 v6, v54  }
0x102: {  	v57 =	vld [tilespmem:s24+$0x1C0]  }
0x103: {  	v56 =	vmul.f32 v49, v3;
	[tilespmem:s24+$0x1A0] =	vst v6;
	v6 =	vmul.f32 v55, v48;
	_ =	sdelay $0x1  }
0x104: {  	v4 =	vbroadcast v4, $0xF;
	v5 =	vbroadcast v5, $0xF;
	v6 =	vadd.f32 v6, v56  }
0x105: {  	v59 =	vld [tilespmem:s24+$0x1D0]  }
0x106: {  	v58 =	vmul.f32 v5, v0;
	[tilespmem:s24+$0x1B0] =	vst v6;
	v6 =	vmul.f32 v57, v4;
	_ =	sdelay $0x1  }
0x107: {  	v6 =	vadd.f32 v6, v58  }
0x108: {  	v61 =	vld [tilespmem:s24+$0x1E0]  }
0x109: {  	v60 =	vmul.f32 v5, v1;
	v63 =	vld [tilespmem:s24+$0x1F0];
	[tilespmem:s24+$0x1C0] =	vst v6;
	v6 =	vmul.f32 v59, v4;
	_ =	sdelay $0x1  }
0x10a: {  	v6 =	vadd.f32 v6, v60;
	_ =	sdelay $0x1  }
0x10b: {  	p1 =	sne.s32 s28, $0x7C0;
	v62 =	vmul.f32 v5, v2;
	[tilespmem:s24+$0x1D0] =	vst v6;
	v6 =	vmul.f32 v61, v4  }
.Ltmp0:
0x10c: {  	v5 =	vmul.f32 v5, v3;
	v4 =	vmul.f32 v63, v4;
	(pc) =	sbr.rel @p1 .LBB2_2-.Ltmp0, $4  }
0x10d: {  	v6 =	vadd.f32 v6, v62  }
0x10e: {  	v4 =	vadd.f32 v4, v5  }
0x10f: {  	[tilespmem:s24+$0x1E0] =	vst v6  }
0x110: {  	s28 =	sadd.s32 $0x40, s28;
	[tilespmem:s24+$0x1F0] =	vst v4;
	s24 =	sadd.s32 $0x400, s24  }
0x111: {  	s24 =	simm.s32 $0x0  }
0x112: {  	[hbm4b:s10+s24] =	stream.linear.scatter [tilespmem:s20], [sflag:$0x2], $0x8000, $0x38;
	[tilespmem:$0x9870] =	vst v63  }
0x113: {  	_ =	swait.ge [sflag:s15], $0x8000  }
0x114: {  	[sflag:s15] =	ssyncset.done $0x0  }
0x115: {  	s28 =	simm.s32 $0x200;
	[sflag:s15] =	ssyncadd.s32 $0xFFFF8000  }
0x116: {  	[tilespmem:s20], [sflag:$0x1] =	stream.indirect.gather [hbm4b:s0+s19], $0x40, s28, s19, $0xb8;
	[tilespmem:$0x9870] =	vst v63  }
0x117: {  	s28 =	simm.s32 $0x280  }
0x118: {  	[tilespmem:s21], [sflag:$0x1] =	stream.indirect.gather [hbm4b:s0+s19], $0x40, s28, s19, $0xb8;
	[tilespmem:$0x9870] =	vst v63  }
0x119: {  	s28 =	simm.s32 $0x300  }
0x11a: {  	[tilespmem:s23], [sflag:$0x1] =	stream.indirect.gather [hbm4b:s0+s19], $0x40, s28, s19, $0xb8;
	[tilespmem:$0x9870] =	vst v63  }
0x11b: {  	_ = 	snop  }
0x11c: {  	[tilespmem:s25], [sflag:$0x1] =	stream.indirect.gather [hbm4b:s0+s19], $0x40, s31, s19, $0xb8;
	[tilespmem:$0x9870] =	vst v63  }
0x11d: {  	_ =	swait.ge [sflag:s26], $0x2000  }
0x11e: {  	[sflag:s26] =	ssyncset.done $0x0  }
0x11f: {  	[sflag:s26] =	ssyncadd.s32 $0xFFFFE000  }
0x120: {  	_ =	swait.ge [sflag:s26], $0x2000  }
0x121: {  	[sflag:s26] =	ssyncset.done $0x0  }
0x122: {  	[sflag:s26] =	ssyncadd.s32 $0xFFFFE000  }
0x123: {  	_ =	swait.ge [sflag:s26], $0x2000  }
0x124: {  	[sflag:s26] =	ssyncset.done $0x0  }
0x125: {  	[sflag:s26] =	ssyncadd.s32 $0xFFFFE000  }
0x126: {  	_ =	swait.ge [sflag:s26], $0x2000  }
0x127: {  	[sflag:s26] =	ssyncset.done $0x0  }
0x128: {  	s28 =	simm.s32 $0x1A70;
	[sflag:s26] =	ssyncadd.s32 $0xFFFFE000  }
.LBB2_4:
0x129: {  	s29 =	sshra.s32 s24, $0x2  }
0x12a: {  	v4 =	vld [tilespmem:s29+$0xA00]  }
0x12b: {  	v5 =	vld [tilespmem:s29+$0x1200];
	_ =	sdelay $0x1  }
0x12c: {  	v6 =	vld [tilespmem:s28+$0xFFFFFE00];
	_ =	sdelay $0x2  }
0x12d: {  	v7 =	vbroadcast v4, $0x0;
	v8 =	vbroadcast v5, $0x0  }
0x12e: {  	v16 =	vld [tilespmem:s28+$0xFFFFFE10]  }
0x12f: {  	v6 =	vmul.f32 v6, v7;
	v9 =	vmul.f32 v8, v0;
	_ =	sdelay $0x1  }
0x130: {  	v6 =	vadd.f32 v9, v6  }
0x131: {  	v18 =	vld [tilespmem:s28+$0xFFFFFE20]  }
0x132: {  	v17 =	vmul.f32 v8, v1;
	[tilespmem:s28+$0xFFFFFE00] =	vst v6;
	v6 =	vmul.f32 v16, v7;
	_ =	sdelay $0x1  }
0x133: {  	v6 =	vadd.f32 v6, v17  }
0x134: {  	v20 =	vld [tilespmem:s28+$0xFFFFFE30]  }
0x135: {  	v19 =	vmul.f32 v8, v2;
	[tilespmem:s28+$0xFFFFFE10] =	vst v6;
	v6 =	vmul.f32 v18, v7;
	_ =	sdelay $0x1  }
0x136: {  	v6 =	vadd.f32 v6, v19  }
0x137: {  	v22 =	vld [tilespmem:s28+$0xFFFFFE40]  }
0x138: {  	v21 =	vmul.f32 v8, v3;
	[tilespmem:s28+$0xFFFFFE20] =	vst v6;
	v6 =	vmul.f32 v20, v7;
	_ =	sdelay $0x1  }
0x139: {  	v23 =	vbroadcast v4, $0x1;
	v24 =	vbroadcast v5, $0x1;
	v6 =	vadd.f32 v6, v21  }
0x13a: {  	v26 =	vld [tilespmem:s28+$0xFFFFFE50]  }
0x13b: {  	v25 =	vmul.f32 v24, v0;
	[tilespmem:s28+$0xFFFFFE30] =	vst v6;
	v6 =	vmul.f32 v22, v23;
	_ =	sdelay $0x1  }
0x13c: {  	v6 =	vadd.f32 v6, v25  }
0x13d: {  	v28 =	vld [tilespmem:s28+$0xFFFFFE60]  }
0x13e: {  	v27 =	vmul.f32 v24, v1;
	[tilespmem:s28+$0xFFFFFE40] =	vst v6;
	v6 =	vmul.f32 v26, v23;
	_ =	sdelay $0x1  }
0x13f: {  	v6 =	vadd.f32 v6, v27  }
0x140: {  	v30 =	vld [tilespmem:s28+$0xFFFFFE70]  }
0x141: {  	v29 =	vmul.f32 v24, v2;
	[tilespmem:s28+$0xFFFFFE50] =	vst v6;
	v6 =	vmul.f32 v28, v23;
	_ =	sdelay $0x1  }
0x142: {  	v6 =	vadd.f32 v6, v29  }
0x143: {  	v32 =	vld [tilespmem:s28+$0xFFFFFE80]  }
0x144: {  	v31 =	vmul.f32 v24, v3;
	[tilespmem:s28+$0xFFFFFE60] =	vst v6;
	v6 =	vmul.f32 v30, v23;
	_ =	sdelay $0x1  }
0x145: {  	v33 =	vbroadcast v4, $0x2;
	v34 =	vbroadcast v5, $0x2;
	v6 =	vadd.f32 v6, v31  }
0x146: {  	v36 =	vld [tilespmem:s28+$0xFFFFFE90]  }
0x147: {  	v35 =	vmul.f32 v34, v0;
	[tilespmem:s28+$0xFFFFFE70] =	vst v6;
	v6 =	vmul.f32 v32, v33;
	_ =	sdelay $0x1  }
0x148: {  	v6 =	vadd.f32 v6, v35  }
0x149: {  	v38 =	vld [tilespmem:s28+$0xFFFFFEA0]  }
0x14a: {  	v37 =	vmul.f32 v34, v1;
	[tilespmem:s28+$0xFFFFFE80] =	vst v6;
	v6 =	vmul.f32 v36, v33;
	_ =	sdelay $0x1  }
0x14b: {  	v6 =	vadd.f32 v6, v37  }
0x14c: {  	v40 =	vld [tilespmem:s28+$0xFFFFFEB0]  }
0x14d: {  	v39 =	vmul.f32 v34, v2;
	[tilespmem:s28+$0xFFFFFE90] =	vst v6;
	v6 =	vmul.f32 v38, v33;
	_ =	sdelay $0x1  }
0x14e: {  	v6 =	vadd.f32 v6, v39  }
0x14f: {  	v42 =	vld [tilespmem:s28+$0xFFFFFEC0]  }
0x150: {  	v41 =	vmul.f32 v34, v3;
	[tilespmem:s28+$0xFFFFFEA0] =	vst v6;
	v6 =	vmul.f32 v40, v33;
	_ =	sdelay $0x1  }
0x151: {  	v43 =	vbroadcast v4, $0x3;
	v44 =	vbroadcast v5, $0x3;
	v6 =	vadd.f32 v6, v41  }
0x152: {  	v46 =	vld [tilespmem:s28+$0xFFFFFED0]  }
0x153: {  	v45 =	vmul.f32 v44, v0;
	[tilespmem:s28+$0xFFFFFEB0] =	vst v6;
	v6 =	vmul.f32 v42, v43;
	_ =	sdelay $0x1  }
0x154: {  	v6 =	vadd.f32 v6, v45  }
0x155: {  	v48 =	vld [tilespmem:s28+$0xFFFFFEE0]  }
0x156: {  	v47 =	vmul.f32 v44, v1;
	[tilespmem:s28+$0xFFFFFEC0] =	vst v6;
	v6 =	vmul.f32 v46, v43;
	_ =	sdelay $0x1  }
0x157: {  	v6 =	vadd.f32 v6, v47  }
0x158: {  	v50 =	vld [tilespmem:s28+$0xFFFFFEF0]  }
0x159: {  	v49 =	vmul.f32 v44, v2;
	[tilespmem:s28+$0xFFFFFED0] =	vst v6;
	v6 =	vmul.f32 v48, v43;
	_ =	sdelay $0x1  }
0x15a: {  	v6 =	vadd.f32 v6, v49  }
0x15b: {  	v52 =	vld [tilespmem:s28+$0xFFFFFF00]  }
0x15c: {  	v51 =	vmul.f32 v44, v3;
	[tilespmem:s28+$0xFFFFFEE0] =	vst v6;
	v6 =	vmul.f32 v50, v43;
	_ =	sdelay $0x1  }
0x15d: {  	v53 =	vbroadcast v4, $0x4;
	v54 =	vbroadcast v5, $0x4;
	v6 =	vadd.f32 v6, v51  }
0x15e: {  	v56 =	vld [tilespmem:s28+$0xFFFFFF10]  }
0x15f: {  	v55 =	vmul.f32 v54, v0;
	[tilespmem:s28+$0xFFFFFEF0] =	vst v6;
	v6 =	vmul.f32 v52, v53;
	_ =	sdelay $0x1  }
0x160: {  	v6 =	vadd.f32 v6, v55  }
0x161: {  	v58 =	vld [tilespmem:s28+$0xFFFFFF20]  }
0x162: {  	v57 =	vmul.f32 v54, v1;
	[tilespmem:s28+$0xFFFFFF00] =	vst v6;
	v6 =	vmul.f32 v56, v53;
	_ =	sdelay $0x1  }
0x163: {  	v6 =	vadd.f32 v6, v57  }
0x164: {  	v60 =	vld [tilespmem:s28+$0xFFFFFF30]  }
0x165: {  	v59 =	vmul.f32 v54, v2;
	[tilespmem:s28+$0xFFFFFF10] =	vst v6;
	v6 =	vmul.f32 v58, v53;
	_ =	sdelay $0x1  }
0x166: {  	v6 =	vadd.f32 v6, v59  }
0x167: {  	v62 =	vld [tilespmem:s28+$0xFFFFFF40]  }
0x168: {  	v61 =	vmul.f32 v54, v3;
	[tilespmem:s28+$0xFFFFFF20] =	vst v6;
	v6 =	vmul.f32 v60, v53;
	_ =	sdelay $0x1  }
0x169: {  	v63 =	vbroadcast v4, $0x5;
	v12 =	vbroadcast v5, $0x5;
	v6 =	vadd.f32 v6, v61  }
0x16a: {  	v14 =	vld [tilespmem:s28+$0xFFFFFF50]  }
0x16b: {  	v13 =	vmul.f32 v12, v0;
	[tilespmem:s28+$0xFFFFFF30] =	vst v6;
	v6 =	vmul.f32 v62, v63;
	_ =	sdelay $0x1  }
0x16c: {  	v6 =	vadd.f32 v6, v13  }
0x16d: {  	v16 =	vld [tilespmem:s28+$0xFFFFFF60]  }
0x16e: {  	v15 =	vmul.f32 v12, v1;
	[tilespmem:s28+$0xFFFFFF40] =	vst v6;
	v6 =	vmul.f32 v14, v63;
	_ =	sdelay $0x1  }
0x16f: {  	v6 =	vadd.f32 v6, v15  }
0x170: {  	v18 =	vld [tilespmem:s28+$0xFFFFFF70]  }
0x171: {  	v17 =	vmul.f32 v12, v2;
	[tilespmem:s28+$0xFFFFFF50] =	vst v6;
	v6 =	vmul.f32 v16, v63;
	_ =	sdelay $0x1  }
0x172: {  	v6 =	vadd.f32 v6, v17  }
0x173: {  	v20 =	vld [tilespmem:s28+$0xFFFFFF80]  }
0x174: {  	v19 =	vmul.f32 v12, v3;
	[tilespmem:s28+$0xFFFFFF60] =	vst v6;
	v6 =	vmul.f32 v18, v63;
	_ =	sdelay $0x1  }
0x175: {  	v21 =	vbroadcast v4, $0x6;
	v22 =	vbroadcast v5, $0x6;
	v6 =	vadd.f32 v6, v19  }
0x176: {  	v24 =	vld [tilespmem:s28+$0xFFFFFF90]  }
0x177: {  	v23 =	vmul.f32 v22, v0;
	[tilespmem:s28+$0xFFFFFF70] =	vst v6;
	v6 =	vmul.f32 v20, v21;
	_ =	sdelay $0x1  }
0x178: {  	v6 =	vadd.f32 v6, v23  }
0x179: {  	v26 =	vld [tilespmem:s28+$0xFFFFFFA0]  }
0x17a: {  	v25 =	vmul.f32 v22, v1;
	[tilespmem:s28+$0xFFFFFF80] =	vst v6;
	v6 =	vmul.f32 v24, v21;
	_ =	sdelay $0x1  }
0x17b: {  	v6 =	vadd.f32 v6, v25  }
0x17c: {  	v28 =	vld [tilespmem:s28+$0xFFFFFFB0]  }
0x17d: {  	v27 =	vmul.f32 v22, v2;
	[tilespmem:s28+$0xFFFFFF90] =	vst v6;
	v6 =	vmul.f32 v26, v21;
	_ =	sdelay $0x1  }
0x17e: {  	v6 =	vadd.f32 v6, v27  }
0x17f: {  	v30 =	vld [tilespmem:s28+$0xFFFFFFC0]  }
0x180: {  	v29 =	vmul.f32 v22, v3;
	[tilespmem:s28+$0xFFFFFFA0] =	vst v6;
	v6 =	vmul.f32 v28, v21;
	_ =	sdelay $0x1  }
0x181: {  	v31 =	vbroadcast v4, $0x7;
	v32 =	vbroadcast v5, $0x7;
	v6 =	vadd.f32 v6, v29  }
0x182: {  	v34 =	vld [tilespmem:s28+$0xFFFFFFD0]  }
0x183: {  	v33 =	vmul.f32 v32, v0;
	[tilespmem:s28+$0xFFFFFFB0] =	vst v6;
	v6 =	vmul.f32 v30, v31;
	_ =	sdelay $0x1  }
0x184: {  	v6 =	vadd.f32 v6, v33  }
0x185: {  	v36 =	vld [tilespmem:s28+$0xFFFFFFE0]  }
0x186: {  	v35 =	vmul.f32 v32, v1;
	[tilespmem:s28+$0xFFFFFFC0] =	vst v6;
	v6 =	vmul.f32 v34, v31;
	_ =	sdelay $0x1  }
0x187: {  	v6 =	vadd.f32 v6, v35  }
0x188: {  	v38 =	vld [tilespmem:s28+$0xFFFFFFF0]  }
0x189: {  	v37 =	vmul.f32 v32, v2;
	[tilespmem:s28+$0xFFFFFFD0] =	vst v6;
	v6 =	vmul.f32 v36, v31;
	_ =	sdelay $0x1  }
0x18a: {  	v6 =	vadd.f32 v6, v37  }
0x18b: {  	v40 =	vld [tilespmem:s28+$0x0]  }
0x18c: {  	v39 =	vmul.f32 v32, v3;
	[tilespmem:s28+$0xFFFFFFE0] =	vst v6;
	v6 =	vmul.f32 v38, v31;
	_ =	sdelay $0x1  }
0x18d: {  	v41 =	vbroadcast v4, $0x8;
	v42 =	vbroadcast v5, $0x8;
	v6 =	vadd.f32 v6, v39  }
0x18e: {  	v44 =	vld [tilespmem:s28+$0x10]  }
0x18f: {  	v43 =	vmul.f32 v42, v0;
	[tilespmem:s28+$0xFFFFFFF0] =	vst v6;
	v6 =	vmul.f32 v40, v41;
	_ =	sdelay $0x1  }
0x190: {  	v6 =	vadd.f32 v6, v43  }
0x191: {  	v46 =	vld [tilespmem:s28+$0x20]  }
0x192: {  	v45 =	vmul.f32 v42, v1;
	[tilespmem:s28+$0x0] =	vst v6;
	v6 =	vmul.f32 v44, v41;
	_ =	sdelay $0x1  }
0x193: {  	v6 =	vadd.f32 v6, v45  }
0x194: {  	v48 =	vld [tilespmem:s28+$0x30]  }
0x195: {  	v47 =	vmul.f32 v42, v2;
	[tilespmem:s28+$0x10] =	vst v6;
	v6 =	vmul.f32 v46, v41;
	_ =	sdelay $0x1  }
0x196: {  	v6 =	vadd.f32 v6, v47  }
0x197: {  	v50 =	vld [tilespmem:s28+$0x40]  }
0x198: {  	v49 =	vmul.f32 v42, v3;
	[tilespmem:s28+$0x20] =	vst v6;
	v6 =	vmul.f32 v48, v41;
	_ =	sdelay $0x1  }
0x199: {  	v51 =	vbroadcast v4, $0x9;
	v52 =	vbroadcast v5, $0x9;
	v6 =	vadd.f32 v6, v49  }
0x19a: {  	v54 =	vld [tilespmem:s28+$0x50]  }
0x19b: {  	v53 =	vmul.f32 v52, v0;
	[tilespmem:s28+$0x30] =	vst v6;
	v6 =	vmul.f32 v50, v51;
	_ =	sdelay $0x1  }
0x19c: {  	v6 =	vadd.f32 v6, v53  }
0x19d: {  	v56 =	vld [tilespmem:s28+$0x60]  }
0x19e: {  	v55 =	vmul.f32 v52, v1;
	[tilespmem:s28+$0x40] =	vst v6;
	v6 =	vmul.f32 v54, v51;
	_ =	sdelay $0x1  }
0x19f: {  	v6 =	vadd.f32 v6, v55  }
0x1a0: {  	v58 =	vld [tilespmem:s28+$0x70]  }
0x1a1: {  	v57 =	vmul.f32 v52, v2;
	[tilespmem:s28+$0x50] =	vst v6;
	v6 =	vmul.f32 v56, v51;
	_ =	sdelay $0x1  }
0x1a2: {  	v6 =	vadd.f32 v6, v57  }
0x1a3: {  	v60 =	vld [tilespmem:s28+$0x80]  }
0x1a4: {  	v59 =	vmul.f32 v52, v3;
	[tilespmem:s28+$0x60] =	vst v6;
	v6 =	vmul.f32 v58, v51;
	_ =	sdelay $0x1  }
0x1a5: {  	v61 =	vbroadcast v4, $0xA;
	v62 =	vbroadcast v5, $0xA;
	v6 =	vadd.f32 v6, v59  }
0x1a6: {  	v11 =	vld [tilespmem:s28+$0x90]  }
0x1a7: {  	v63 =	vmul.f32 v62, v0;
	[tilespmem:s28+$0x70] =	vst v6;
	v6 =	vmul.f32 v60, v61;
	_ =	sdelay $0x1  }
0x1a8: {  	v6 =	vadd.f32 v6, v63  }
0x1a9: {  	v13 =	vld [tilespmem:s28+$0xA0]  }
0x1aa: {  	v12 =	vmul.f32 v62, v1;
	[tilespmem:s28+$0x80] =	vst v6;
	v6 =	vmul.f32 v11, v61;
	_ =	sdelay $0x1  }
0x1ab: {  	v6 =	vadd.f32 v6, v12  }
0x1ac: {  	v15 =	vld [tilespmem:s28+$0xB0]  }
0x1ad: {  	v14 =	vmul.f32 v62, v2;
	[tilespmem:s28+$0x90] =	vst v6;
	v6 =	vmul.f32 v13, v61;
	_ =	sdelay $0x1  }
0x1ae: {  	v6 =	vadd.f32 v6, v14  }
0x1af: {  	v17 =	vld [tilespmem:s28+$0xC0]  }
0x1b0: {  	v16 =	vmul.f32 v62, v3;
	[tilespmem:s28+$0xA0] =	vst v6;
	v6 =	vmul.f32 v15, v61;
	_ =	sdelay $0x1  }
0x1b1: {  	v18 =	vbroadcast v4, $0xB;
	v19 =	vbroadcast v5, $0xB;
	v6 =	vadd.f32 v6, v16  }
0x1b2: {  	v21 =	vld [tilespmem:s28+$0xD0]  }
0x1b3: {  	v20 =	vmul.f32 v19, v0;
	[tilespmem:s28+$0xB0] =	vst v6;
	v6 =	vmul.f32 v17, v18;
	_ =	sdelay $0x1  }
0x1b4: {  	v6 =	vadd.f32 v6, v20  }
0x1b5: {  	v23 =	vld [tilespmem:s28+$0xE0]  }
0x1b6: {  	v22 =	vmul.f32 v19, v1;
	[tilespmem:s28+$0xC0] =	vst v6;
	v6 =	vmul.f32 v21, v18;
	_ =	sdelay $0x1  }
0x1b7: {  	v6 =	vadd.f32 v6, v22  }
0x1b8: {  	v25 =	vld [tilespmem:s28+$0xF0]  }
0x1b9: {  	v24 =	vmul.f32 v19, v2;
	[tilespmem:s28+$0xD0] =	vst v6;
	v6 =	vmul.f32 v23, v18;
	_ =	sdelay $0x1  }
0x1ba: {  	v6 =	vadd.f32 v6, v24  }
0x1bb: {  	v27 =	vld [tilespmem:s28+$0x100]  }
0x1bc: {  	v26 =	vmul.f32 v19, v3;
	[tilespmem:s28+$0xE0] =	vst v6;
	v6 =	vmul.f32 v25, v18;
	_ =	sdelay $0x1  }
0x1bd: {  	v28 =	vbroadcast v4, $0xC;
	v29 =	vbroadcast v5, $0xC;
	v6 =	vadd.f32 v6, v26  }
0x1be: {  	v31 =	vld [tilespmem:s28+$0x110]  }
0x1bf: {  	v30 =	vmul.f32 v29, v0;
	[tilespmem:s28+$0xF0] =	vst v6;
	v6 =	vmul.f32 v27, v28;
	_ =	sdelay $0x1  }
0x1c0: {  	v6 =	vadd.f32 v6, v30  }
0x1c1: {  	v33 =	vld [tilespmem:s28+$0x120]  }
0x1c2: {  	v32 =	vmul.f32 v29, v1;
	[tilespmem:s28+$0x100] =	vst v6;
	v6 =	vmul.f32 v31, v28;
	_ =	sdelay $0x1  }
0x1c3: {  	v6 =	vadd.f32 v6, v32  }
0x1c4: {  	v35 =	vld [tilespmem:s28+$0x130]  }
0x1c5: {  	v34 =	vmul.f32 v29, v2;
	[tilespmem:s28+$0x110] =	vst v6;
	v6 =	vmul.f32 v33, v28;
	_ =	sdelay $0x1  }
0x1c6: {  	v6 =	vadd.f32 v6, v34  }
0x1c7: {  	v37 =	vld [tilespmem:s28+$0x140]  }
0x1c8: {  	v36 =	vmul.f32 v29, v3;
	[tilespmem:s28+$0x120] =	vst v6;
	v6 =	vmul.f32 v35, v28;
	_ =	sdelay $0x1  }
0x1c9: {  	v38 =	vbroadcast v4, $0xD;
	v39 =	vbroadcast v5, $0xD;
	v6 =	vadd.f32 v6, v36  }
0x1ca: {  	v41 =	vld [tilespmem:s28+$0x150]  }
0x1cb: {  	v40 =	vmul.f32 v39, v0;
	[tilespmem:s28+$0x130] =	vst v6;
	v6 =	vmul.f32 v37, v38;
	_ =	sdelay $0x1  }
0x1cc: {  	v6 =	vadd.f32 v6, v40  }
0x1cd: {  	v43 =	vld [tilespmem:s28+$0x160]  }
0x1ce: {  	v42 =	vmul.f32 v39, v1;
	[tilespmem:s28+$0x140] =	vst v6;
	v6 =	vmul.f32 v41, v38;
	_ =	sdelay $0x1  }
0x1cf: {  	v6 =	vadd.f32 v6, v42  }
0x1d0: {  	v45 =	vld [tilespmem:s28+$0x170]  }
0x1d1: {  	v44 =	vmul.f32 v39, v2;
	[tilespmem:s28+$0x150] =	vst v6;
	v6 =	vmul.f32 v43, v38;
	_ =	sdelay $0x1  }
0x1d2: {  	v6 =	vadd.f32 v6, v44  }
0x1d3: {  	v47 =	vld [tilespmem:s28+$0x180]  }
0x1d4: {  	v46 =	vmul.f32 v39, v3;
	[tilespmem:s28+$0x160] =	vst v6;
	v6 =	vmul.f32 v45, v38;
	_ =	sdelay $0x1  }
0x1d5: {  	v48 =	vbroadcast v4, $0xE;
	v49 =	vbroadcast v5, $0xE;
	v6 =	vadd.f32 v6, v46  }
0x1d6: {  	v51 =	vld [tilespmem:s28+$0x190]  }
0x1d7: {  	v50 =	vmul.f32 v49, v0;
	[tilespmem:s28+$0x170] =	vst v6;
	v6 =	vmul.f32 v47, v48;
	_ =	sdelay $0x1  }
0x1d8: {  	v6 =	vadd.f32 v6, v50  }
0x1d9: {  	v53 =	vld [tilespmem:s28+$0x1A0]  }
0x1da: {  	v52 =	vmul.f32 v49, v1;
	[tilespmem:s28+$0x180] =	vst v6;
	v6 =	vmul.f32 v51, v48;
	_ =	sdelay $0x1  }
0x1db: {  	v6 =	vadd.f32 v6, v52  }
0x1dc: {  	v55 =	vld [tilespmem:s28+$0x1B0]  }
0x1dd: {  	v54 =	vmul.f32 v49, v2;
	[tilespmem:s28+$0x190] =	vst v6;
	v6 =	vmul.f32 v53, v48;
	_ =	sdelay $0x1  }
0x1de: {  	v6 =	vadd.f32 v6, v54  }
0x1df: {  	v57 =	vld [tilespmem:s28+$0x1C0]  }
0x1e0: {  	v56 =	vmul.f32 v49, v3;
	[tilespmem:s28+$0x1A0] =	vst v6;
	v6 =	vmul.f32 v55, v48;
	_ =	sdelay $0x1  }
0x1e1: {  	v4 =	vbroadcast v4, $0xF;
	v5 =	vbroadcast v5, $0xF;
	v6 =	vadd.f32 v6, v56  }
0x1e2: {  	v59 =	vld [tilespmem:s28+$0x1D0]  }
0x1e3: {  	v58 =	vmul.f32 v5, v0;
	[tilespmem:s28+$0x1B0] =	vst v6;
	v6 =	vmul.f32 v57, v4;
	_ =	sdelay $0x1  }
0x1e4: {  	v6 =	vadd.f32 v6, v58  }
0x1e5: {  	v61 =	vld [tilespmem:s28+$0x1E0]  }
0x1e6: {  	v60 =	vmul.f32 v5, v1;
	v63 =	vld [tilespmem:s28+$0x1F0];
	[tilespmem:s28+$0x1C0] =	vst v6;
	v6 =	vmul.f32 v59, v4;
	_ =	sdelay $0x1  }
0x1e7: {  	v6 =	vadd.f32 v6, v60;
	_ =	sdelay $0x1  }
0x1e8: {  	p1 =	sne.s32 s24, $0x7C0;
	v62 =	vmul.f32 v5, v2;
	[tilespmem:s28+$0x1D0] =	vst v6;
	v6 =	vmul.f32 v61, v4  }
.Ltmp1:
0x1e9: {  	v5 =	vmul.f32 v5, v3;
	v4 =	vmul.f32 v63, v4;
	(pc) =	sbr.rel @p1 .LBB2_4-.Ltmp1, $4  }
0x1ea: {  	v6 =	vadd.f32 v6, v62  }
0x1eb: {  	v4 =	vadd.f32 v4, v5  }
0x1ec: {  	[tilespmem:s28+$0x1E0] =	vst v6  }
0x1ed: {  	s24 =	sadd.s32 $0x40, s24;
	[tilespmem:s28+$0x1F0] =	vst v4;
	s28 =	sadd.s32 $0x400, s28  }
0x1ee: {  	s24 =	simm.s32 $0x0  }
0x1ef: {  	[hbm4b:s11+s24] =	stream.linear.scatter [tilespmem:s20], [sflag:$0x2], $0x8000, $0x38;
	[tilespmem:$0x9870] =	vst v63  }
0x1f0: {  	_ =	swait.ge [sflag:s15], $0x8000  }
0x1f1: {  	[sflag:s15] =	ssyncset.done $0x0  }
0x1f2: {  	[sflag:s15] =	ssyncadd.s32 $0xFFFF8000  }
0x1f3: {  	[tilespmem:s20], [sflag:$0x1] =	stream.indirect.gather [hbm4b:s0+s19], $0x40, s1, s19, $0xb8;
	[tilespmem:$0x9870] =	vst v63  }
0x1f4: {  	_ = 	snop  }
0x1f5: {  	[tilespmem:s21], [sflag:$0x1] =	stream.indirect.gather [hbm4b:s0+s19], $0x40, s4, s19, $0xb8;
	[tilespmem:$0x9870] =	vst v63  }
0x1f6: {  	_ = 	snop  }
0x1f7: {  	[tilespmem:s23], [sflag:$0x1] =	stream.indirect.gather [hbm4b:s0+s19], $0x40, s2, s19, $0xb8;
	[tilespmem:$0x9870] =	vst v63  }
0x1f8: {  	_ = 	snop  }
0x1f9: {  	[tilespmem:s25], [sflag:$0x1] =	stream.indirect.gather [hbm4b:s0+s19], $0x40, s3, s19, $0xb8;
	[tilespmem:$0x9870] =	vst v63  }
0x1fa: {  	_ =	swait.ge [sflag:s26], $0x2000  }
0x1fb: {  	[sflag:s26] =	ssyncset.done $0x0  }
0x1fc: {  	[sflag:s26] =	ssyncadd.s32 $0xFFFFE000  }
0x1fd: {  	_ =	swait.ge [sflag:s26], $0x2000  }
0x1fe: {  	[sflag:s26] =	ssyncset.done $0x0  }
0x1ff: {  	[sflag:s26] =	ssyncadd.s32 $0xFFFFE000  }
0x200: {  	_ =	swait.ge [sflag:s26], $0x2000  }
0x201: {  	[sflag:s26] =	ssyncset.done $0x0  }
0x202: {  	[sflag:s26] =	ssyncadd.s32 $0xFFFFE000  }
0x203: {  	_ =	swait.ge [sflag:s26], $0x2000  }
0x204: {  	[sflag:s26] =	ssyncset.done $0x0  }
0x205: {  	s28 =	simm.s32 $0x1A70;
	[sflag:s26] =	ssyncadd.s32 $0xFFFFE000  }
.LBB2_6:
0x206: {  	s29 =	sshra.s32 s24, $0x2  }
0x207: {  	v4 =	vld [tilespmem:s29+$0xC00]  }
0x208: {  	v5 =	vld [tilespmem:s29+$0x1400];
	_ =	sdelay $0x1  }
0x209: {  	v6 =	vld [tilespmem:s28+$0xFFFFFE00];
	_ =	sdelay $0x2  }
0x20a: {  	v7 =	vbroadcast v4, $0x0;
	v8 =	vbroadcast v5, $0x0  }
0x20b: {  	v16 =	vld [tilespmem:s28+$0xFFFFFE10]  }
0x20c: {  	v6 =	vmul.f32 v6, v7;
	v9 =	vmul.f32 v8, v0;
	_ =	sdelay $0x1  }
0x20d: {  	v6 =	vadd.f32 v9, v6  }
0x20e: {  	v18 =	vld [tilespmem:s28+$0xFFFFFE20]  }
0x20f: {  	v17 =	vmul.f32 v8, v1;
	[tilespmem:s28+$0xFFFFFE00] =	vst v6;
	v6 =	vmul.f32 v16, v7;
	_ =	sdelay $0x1  }
0x210: {  	v6 =	vadd.f32 v6, v17  }
0x211: {  	v20 =	vld [tilespmem:s28+$0xFFFFFE30]  }
0x212: {  	v19 =	vmul.f32 v8, v2;
	[tilespmem:s28+$0xFFFFFE10] =	vst v6;
	v6 =	vmul.f32 v18, v7;
	_ =	sdelay $0x1  }
0x213: {  	v6 =	vadd.f32 v6, v19  }
0x214: {  	v22 =	vld [tilespmem:s28+$0xFFFFFE40]  }
0x215: {  	v21 =	vmul.f32 v8, v3;
	[tilespmem:s28+$0xFFFFFE20] =	vst v6;
	v6 =	vmul.f32 v20, v7;
	_ =	sdelay $0x1  }
0x216: {  	v23 =	vbroadcast v4, $0x1;
	v24 =	vbroadcast v5, $0x1;
	v6 =	vadd.f32 v6, v21  }
0x217: {  	v26 =	vld [tilespmem:s28+$0xFFFFFE50]  }
0x218: {  	v25 =	vmul.f32 v24, v0;
	[tilespmem:s28+$0xFFFFFE30] =	vst v6;
	v6 =	vmul.f32 v22, v23;
	_ =	sdelay $0x1  }
0x219: {  	v6 =	vadd.f32 v6, v25  }
0x21a: {  	v28 =	vld [tilespmem:s28+$0xFFFFFE60]  }
0x21b: {  	v27 =	vmul.f32 v24, v1;
	[tilespmem:s28+$0xFFFFFE40] =	vst v6;
	v6 =	vmul.f32 v26, v23;
	_ =	sdelay $0x1  }
0x21c: {  	v6 =	vadd.f32 v6, v27  }
0x21d: {  	v30 =	vld [tilespmem:s28+$0xFFFFFE70]  }
0x21e: {  	v29 =	vmul.f32 v24, v2;
	[tilespmem:s28+$0xFFFFFE50] =	vst v6;
	v6 =	vmul.f32 v28, v23;
	_ =	sdelay $0x1  }
0x21f: {  	v6 =	vadd.f32 v6, v29  }
0x220: {  	v32 =	vld [tilespmem:s28+$0xFFFFFE80]  }
0x221: {  	v31 =	vmul.f32 v24, v3;
	[tilespmem:s28+$0xFFFFFE60] =	vst v6;
	v6 =	vmul.f32 v30, v23;
	_ =	sdelay $0x1  }
0x222: {  	v33 =	vbroadcast v4, $0x2;
	v34 =	vbroadcast v5, $0x2;
	v6 =	vadd.f32 v6, v31  }
0x223: {  	v36 =	vld [tilespmem:s28+$0xFFFFFE90]  }
0x224: {  	v35 =	vmul.f32 v34, v0;
	[tilespmem:s28+$0xFFFFFE70] =	vst v6;
	v6 =	vmul.f32 v32, v33;
	_ =	sdelay $0x1  }
0x225: {  	v6 =	vadd.f32 v6, v35  }
0x226: {  	v38 =	vld [tilespmem:s28+$0xFFFFFEA0]  }
0x227: {  	v37 =	vmul.f32 v34, v1;
	[tilespmem:s28+$0xFFFFFE80] =	vst v6;
	v6 =	vmul.f32 v36, v33;
	_ =	sdelay $0x1  }
0x228: {  	v6 =	vadd.f32 v6, v37  }
0x229: {  	v40 =	vld [tilespmem:s28+$0xFFFFFEB0]  }
0x22a: {  	v39 =	vmul.f32 v34, v2;
	[tilespmem:s28+$0xFFFFFE90] =	vst v6;
	v6 =	vmul.f32 v38, v33;
	_ =	sdelay $0x1  }
0x22b: {  	v6 =	vadd.f32 v6, v39  }
0x22c: {  	v42 =	vld [tilespmem:s28+$0xFFFFFEC0]  }
0x22d: {  	v41 =	vmul.f32 v34, v3;
	[tilespmem:s28+$0xFFFFFEA0] =	vst v6;
	v6 =	vmul.f32 v40, v33;
	_ =	sdelay $0x1  }
0x22e: {  	v43 =	vbroadcast v4, $0x3;
	v44 =	vbroadcast v5, $0x3;
	v6 =	vadd.f32 v6, v41  }
0x22f: {  	v46 =	vld [tilespmem:s28+$0xFFFFFED0]  }
0x230: {  	v45 =	vmul.f32 v44, v0;
	[tilespmem:s28+$0xFFFFFEB0] =	vst v6;
	v6 =	vmul.f32 v42, v43;
	_ =	sdelay $0x1  }
0x231: {  	v6 =	vadd.f32 v6, v45  }
0x232: {  	v48 =	vld [tilespmem:s28+$0xFFFFFEE0]  }
0x233: {  	v47 =	vmul.f32 v44, v1;
	[tilespmem:s28+$0xFFFFFEC0] =	vst v6;
	v6 =	vmul.f32 v46, v43;
	_ =	sdelay $0x1  }
0x234: {  	v6 =	vadd.f32 v6, v47  }
0x235: {  	v50 =	vld [tilespmem:s28+$0xFFFFFEF0]  }
0x236: {  	v49 =	vmul.f32 v44, v2;
	[tilespmem:s28+$0xFFFFFED0] =	vst v6;
	v6 =	vmul.f32 v48, v43;
	_ =	sdelay $0x1  }
0x237: {  	v6 =	vadd.f32 v6, v49  }
0x238: {  	v52 =	vld [tilespmem:s28+$0xFFFFFF00]  }
0x239: {  	v51 =	vmul.f32 v44, v3;
	[tilespmem:s28+$0xFFFFFEE0] =	vst v6;
	v6 =	vmul.f32 v50, v43;
	_ =	sdelay $0x1  }
0x23a: {  	v53 =	vbroadcast v4, $0x4;
	v54 =	vbroadcast v5, $0x4;
	v6 =	vadd.f32 v6, v51  }
0x23b: {  	v56 =	vld [tilespmem:s28+$0xFFFFFF10]  }
0x23c: {  	v55 =	vmul.f32 v54, v0;
	[tilespmem:s28+$0xFFFFFEF0] =	vst v6;
	v6 =	vmul.f32 v52, v53;
	_ =	sdelay $0x1  }
0x23d: {  	v6 =	vadd.f32 v6, v55  }
0x23e: {  	v58 =	vld [tilespmem:s28+$0xFFFFFF20]  }
0x23f: {  	v57 =	vmul.f32 v54, v1;
	[tilespmem:s28+$0xFFFFFF00] =	vst v6;
	v6 =	vmul.f32 v56, v53;
	_ =	sdelay $0x1  }
0x240: {  	v6 =	vadd.f32 v6, v57  }
0x241: {  	v60 =	vld [tilespmem:s28+$0xFFFFFF30]  }
0x242: {  	v59 =	vmul.f32 v54, v2;
	[tilespmem:s28+$0xFFFFFF10] =	vst v6;
	v6 =	vmul.f32 v58, v53;
	_ =	sdelay $0x1  }
0x243: {  	v6 =	vadd.f32 v6, v59  }
0x244: {  	v62 =	vld [tilespmem:s28+$0xFFFFFF40]  }
0x245: {  	v61 =	vmul.f32 v54, v3;
	[tilespmem:s28+$0xFFFFFF20] =	vst v6;
	v6 =	vmul.f32 v60, v53;
	_ =	sdelay $0x1  }
0x246: {  	v63 =	vbroadcast v4, $0x5;
	v12 =	vbroadcast v5, $0x5;
	v6 =	vadd.f32 v6, v61  }
0x247: {  	v14 =	vld [tilespmem:s28+$0xFFFFFF50]  }
0x248: {  	v13 =	vmul.f32 v12, v0;
	[tilespmem:s28+$0xFFFFFF30] =	vst v6;
	v6 =	vmul.f32 v62, v63;
	_ =	sdelay $0x1  }
0x249: {  	v6 =	vadd.f32 v6, v13  }
0x24a: {  	v16 =	vld [tilespmem:s28+$0xFFFFFF60]  }
0x24b: {  	v15 =	vmul.f32 v12, v1;
	[tilespmem:s28+$0xFFFFFF40] =	vst v6;
	v6 =	vmul.f32 v14, v63;
	_ =	sdelay $0x1  }
0x24c: {  	v6 =	vadd.f32 v6, v15  }
0x24d: {  	v18 =	vld [tilespmem:s28+$0xFFFFFF70]  }
0x24e: {  	v17 =	vmul.f32 v12, v2;
	[tilespmem:s28+$0xFFFFFF50] =	vst v6;
	v6 =	vmul.f32 v16, v63;
	_ =	sdelay $0x1  }
0x24f: {  	v6 =	vadd.f32 v6, v17  }
0x250: {  	v20 =	vld [tilespmem:s28+$0xFFFFFF80]  }
0x251: {  	v19 =	vmul.f32 v12, v3;
	[tilespmem:s28+$0xFFFFFF60] =	vst v6;
	v6 =	vmul.f32 v18, v63;
	_ =	sdelay $0x1  }
0x252: {  	v21 =	vbroadcast v4, $0x6;
	v22 =	vbroadcast v5, $0x6;
	v6 =	vadd.f32 v6, v19  }
0x253: {  	v24 =	vld [tilespmem:s28+$0xFFFFFF90]  }
0x254: {  	v23 =	vmul.f32 v22, v0;
	[tilespmem:s28+$0xFFFFFF70] =	vst v6;
	v6 =	vmul.f32 v20, v21;
	_ =	sdelay $0x1  }
0x255: {  	v6 =	vadd.f32 v6, v23  }
0x256: {  	v26 =	vld [tilespmem:s28+$0xFFFFFFA0]  }
0x257: {  	v25 =	vmul.f32 v22, v1;
	[tilespmem:s28+$0xFFFFFF80] =	vst v6;
	v6 =	vmul.f32 v24, v21;
	_ =	sdelay $0x1  }
0x258: {  	v6 =	vadd.f32 v6, v25  }
0x259: {  	v28 =	vld [tilespmem:s28+$0xFFFFFFB0]  }
0x25a: {  	v27 =	vmul.f32 v22, v2;
	[tilespmem:s28+$0xFFFFFF90] =	vst v6;
	v6 =	vmul.f32 v26, v21;
	_ =	sdelay $0x1  }
0x25b: {  	v6 =	vadd.f32 v6, v27  }
0x25c: {  	v30 =	vld [tilespmem:s28+$0xFFFFFFC0]  }
0x25d: {  	v29 =	vmul.f32 v22, v3;
	[tilespmem:s28+$0xFFFFFFA0] =	vst v6;
	v6 =	vmul.f32 v28, v21;
	_ =	sdelay $0x1  }
0x25e: {  	v31 =	vbroadcast v4, $0x7;
	v32 =	vbroadcast v5, $0x7;
	v6 =	vadd.f32 v6, v29  }
0x25f: {  	v34 =	vld [tilespmem:s28+$0xFFFFFFD0]  }
0x260: {  	v33 =	vmul.f32 v32, v0;
	[tilespmem:s28+$0xFFFFFFB0] =	vst v6;
	v6 =	vmul.f32 v30, v31;
	_ =	sdelay $0x1  }
0x261: {  	v6 =	vadd.f32 v6, v33  }
0x262: {  	v36 =	vld [tilespmem:s28+$0xFFFFFFE0]  }
0x263: {  	v35 =	vmul.f32 v32, v1;
	[tilespmem:s28+$0xFFFFFFC0] =	vst v6;
	v6 =	vmul.f32 v34, v31;
	_ =	sdelay $0x1  }
0x264: {  	v6 =	vadd.f32 v6, v35  }
0x265: {  	v38 =	vld [tilespmem:s28+$0xFFFFFFF0]  }
0x266: {  	v37 =	vmul.f32 v32, v2;
	[tilespmem:s28+$0xFFFFFFD0] =	vst v6;
	v6 =	vmul.f32 v36, v31;
	_ =	sdelay $0x1  }
0x267: {  	v6 =	vadd.f32 v6, v37  }
0x268: {  	v40 =	vld [tilespmem:s28+$0x0]  }
0x269: {  	v39 =	vmul.f32 v32, v3;
	[tilespmem:s28+$0xFFFFFFE0] =	vst v6;
	v6 =	vmul.f32 v38, v31;
	_ =	sdelay $0x1  }
0x26a: {  	v41 =	vbroadcast v4, $0x8;
	v42 =	vbroadcast v5, $0x8;
	v6 =	vadd.f32 v6, v39  }
0x26b: {  	v44 =	vld [tilespmem:s28+$0x10]  }
0x26c: {  	v43 =	vmul.f32 v42, v0;
	[tilespmem:s28+$0xFFFFFFF0] =	vst v6;
	v6 =	vmul.f32 v40, v41;
	_ =	sdelay $0x1  }
0x26d: {  	v6 =	vadd.f32 v6, v43  }
0x26e: {  	v46 =	vld [tilespmem:s28+$0x20]  }
0x26f: {  	v45 =	vmul.f32 v42, v1;
	[tilespmem:s28+$0x0] =	vst v6;
	v6 =	vmul.f32 v44, v41;
	_ =	sdelay $0x1  }
0x270: {  	v6 =	vadd.f32 v6, v45  }
0x271: {  	v48 =	vld [tilespmem:s28+$0x30]  }
0x272: {  	v47 =	vmul.f32 v42, v2;
	[tilespmem:s28+$0x10] =	vst v6;
	v6 =	vmul.f32 v46, v41;
	_ =	sdelay $0x1  }
0x273: {  	v6 =	vadd.f32 v6, v47  }
0x274: {  	v50 =	vld [tilespmem:s28+$0x40]  }
0x275: {  	v49 =	vmul.f32 v42, v3;
	[tilespmem:s28+$0x20] =	vst v6;
	v6 =	vmul.f32 v48, v41;
	_ =	sdelay $0x1  }
0x276: {  	v51 =	vbroadcast v4, $0x9;
	v52 =	vbroadcast v5, $0x9;
	v6 =	vadd.f32 v6, v49  }
0x277: {  	v54 =	vld [tilespmem:s28+$0x50]  }
0x278: {  	v53 =	vmul.f32 v52, v0;
	[tilespmem:s28+$0x30] =	vst v6;
	v6 =	vmul.f32 v50, v51;
	_ =	sdelay $0x1  }
0x279: {  	v6 =	vadd.f32 v6, v53  }
0x27a: {  	v56 =	vld [tilespmem:s28+$0x60]  }
0x27b: {  	v55 =	vmul.f32 v52, v1;
	[tilespmem:s28+$0x40] =	vst v6;
	v6 =	vmul.f32 v54, v51;
	_ =	sdelay $0x1  }
0x27c: {  	v6 =	vadd.f32 v6, v55  }
0x27d: {  	v58 =	vld [tilespmem:s28+$0x70]  }
0x27e: {  	v57 =	vmul.f32 v52, v2;
	[tilespmem:s28+$0x50] =	vst v6;
	v6 =	vmul.f32 v56, v51;
	_ =	sdelay $0x1  }
0x27f: {  	v6 =	vadd.f32 v6, v57  }
0x280: {  	v60 =	vld [tilespmem:s28+$0x80]  }
0x281: {  	v59 =	vmul.f32 v52, v3;
	[tilespmem:s28+$0x60] =	vst v6;
	v6 =	vmul.f32 v58, v51;
	_ =	sdelay $0x1  }
0x282: {  	v61 =	vbroadcast v4, $0xA;
	v62 =	vbroadcast v5, $0xA;
	v6 =	vadd.f32 v6, v59  }
0x283: {  	v11 =	vld [tilespmem:s28+$0x90]  }
0x284: {  	v63 =	vmul.f32 v62, v0;
	[tilespmem:s28+$0x70] =	vst v6;
	v6 =	vmul.f32 v60, v61;
	_ =	sdelay $0x1  }
0x285: {  	v6 =	vadd.f32 v6, v63  }
0x286: {  	v13 =	vld [tilespmem:s28+$0xA0]  }
0x287: {  	v12 =	vmul.f32 v62, v1;
	[tilespmem:s28+$0x80] =	vst v6;
	v6 =	vmul.f32 v11, v61;
	_ =	sdelay $0x1  }
0x288: {  	v6 =	vadd.f32 v6, v12  }
0x289: {  	v15 =	vld [tilespmem:s28+$0xB0]  }
0x28a: {  	v14 =	vmul.f32 v62, v2;
	[tilespmem:s28+$0x90] =	vst v6;
	v6 =	vmul.f32 v13, v61;
	_ =	sdelay $0x1  }
0x28b: {  	v6 =	vadd.f32 v6, v14  }
0x28c: {  	v17 =	vld [tilespmem:s28+$0xC0]  }
0x28d: {  	v16 =	vmul.f32 v62, v3;
	[tilespmem:s28+$0xA0] =	vst v6;
	v6 =	vmul.f32 v15, v61;
	_ =	sdelay $0x1  }
0x28e: {  	v18 =	vbroadcast v4, $0xB;
	v19 =	vbroadcast v5, $0xB;
	v6 =	vadd.f32 v6, v16  }
0x28f: {  	v21 =	vld [tilespmem:s28+$0xD0]  }
0x290: {  	v20 =	vmul.f32 v19, v0;
	[tilespmem:s28+$0xB0] =	vst v6;
	v6 =	vmul.f32 v17, v18;
	_ =	sdelay $0x1  }
0x291: {  	v6 =	vadd.f32 v6, v20  }
0x292: {  	v23 =	vld [tilespmem:s28+$0xE0]  }
0x293: {  	v22 =	vmul.f32 v19, v1;
	[tilespmem:s28+$0xC0] =	vst v6;
	v6 =	vmul.f32 v21, v18;
	_ =	sdelay $0x1  }
0x294: {  	v6 =	vadd.f32 v6, v22  }
0x295: {  	v25 =	vld [tilespmem:s28+$0xF0]  }
0x296: {  	v24 =	vmul.f32 v19, v2;
	[tilespmem:s28+$0xD0] =	vst v6;
	v6 =	vmul.f32 v23, v18;
	_ =	sdelay $0x1  }
0x297: {  	v6 =	vadd.f32 v6, v24  }
0x298: {  	v27 =	vld [tilespmem:s28+$0x100]  }
0x299: {  	v26 =	vmul.f32 v19, v3;
	[tilespmem:s28+$0xE0] =	vst v6;
	v6 =	vmul.f32 v25, v18;
	_ =	sdelay $0x1  }
0x29a: {  	v28 =	vbroadcast v4, $0xC;
	v29 =	vbroadcast v5, $0xC;
	v6 =	vadd.f32 v6, v26  }
0x29b: {  	v31 =	vld [tilespmem:s28+$0x110]  }
0x29c: {  	v30 =	vmul.f32 v29, v0;
	[tilespmem:s28+$0xF0] =	vst v6;
	v6 =	vmul.f32 v27, v28;
	_ =	sdelay $0x1  }
0x29d: {  	v6 =	vadd.f32 v6, v30  }
0x29e: {  	v33 =	vld [tilespmem:s28+$0x120]  }
0x29f: {  	v32 =	vmul.f32 v29, v1;
	[tilespmem:s28+$0x100] =	vst v6;
	v6 =	vmul.f32 v31, v28;
	_ =	sdelay $0x1  }
0x2a0: {  	v6 =	vadd.f32 v6, v32  }
0x2a1: {  	v35 =	vld [tilespmem:s28+$0x130]  }
0x2a2: {  	v34 =	vmul.f32 v29, v2;
	[tilespmem:s28+$0x110] =	vst v6;
	v6 =	vmul.f32 v33, v28;
	_ =	sdelay $0x1  }
0x2a3: {  	v6 =	vadd.f32 v6, v34  }
0x2a4: {  	v37 =	vld [tilespmem:s28+$0x140]  }
0x2a5: {  	v36 =	vmul.f32 v29, v3;
	[tilespmem:s28+$0x120] =	vst v6;
	v6 =	vmul.f32 v35, v28;
	_ =	sdelay $0x1  }
0x2a6: {  	v38 =	vbroadcast v4, $0xD;
	v39 =	vbroadcast v5, $0xD;
	v6 =	vadd.f32 v6, v36  }
0x2a7: {  	v41 =	vld [tilespmem:s28+$0x150]  }
0x2a8: {  	v40 =	vmul.f32 v39, v0;
	[tilespmem:s28+$0x130] =	vst v6;
	v6 =	vmul.f32 v37, v38;
	_ =	sdelay $0x1  }
0x2a9: {  	v6 =	vadd.f32 v6, v40  }
0x2aa: {  	v43 =	vld [tilespmem:s28+$0x160]  }
0x2ab: {  	v42 =	vmul.f32 v39, v1;
	[tilespmem:s28+$0x140] =	vst v6;
	v6 =	vmul.f32 v41, v38;
	_ =	sdelay $0x1  }
0x2ac: {  	v6 =	vadd.f32 v6, v42  }
0x2ad: {  	v45 =	vld [tilespmem:s28+$0x170]  }
0x2ae: {  	v44 =	vmul.f32 v39, v2;
	[tilespmem:s28+$0x150] =	vst v6;
	v6 =	vmul.f32 v43, v38;
	_ =	sdelay $0x1  }
0x2af: {  	v6 =	vadd.f32 v6, v44  }
0x2b0: {  	v47 =	vld [tilespmem:s28+$0x180]  }
0x2b1: {  	v46 =	vmul.f32 v39, v3;
	[tilespmem:s28+$0x160] =	vst v6;
	v6 =	vmul.f32 v45, v38;
	_ =	sdelay $0x1  }
0x2b2: {  	v48 =	vbroadcast v4, $0xE;
	v49 =	vbroadcast v5, $0xE;
	v6 =	vadd.f32 v6, v46  }
0x2b3: {  	v51 =	vld [tilespmem:s28+$0x190]  }
0x2b4: {  	v50 =	vmul.f32 v49, v0;
	[tilespmem:s28+$0x170] =	vst v6;
	v6 =	vmul.f32 v47, v48;
	_ =	sdelay $0x1  }
0x2b5: {  	v6 =	vadd.f32 v6, v50  }
0x2b6: {  	v53 =	vld [tilespmem:s28+$0x1A0]  }
0x2b7: {  	v52 =	vmul.f32 v49, v1;
	[tilespmem:s28+$0x180] =	vst v6;
	v6 =	vmul.f32 v51, v48;
	_ =	sdelay $0x1  }
0x2b8: {  	v6 =	vadd.f32 v6, v52  }
0x2b9: {  	v55 =	vld [tilespmem:s28+$0x1B0]  }
0x2ba: {  	v54 =	vmul.f32 v49, v2;
	[tilespmem:s28+$0x190] =	vst v6;
	v6 =	vmul.f32 v53, v48;
	_ =	sdelay $0x1  }
0x2bb: {  	v6 =	vadd.f32 v6, v54  }
0x2bc: {  	v57 =	vld [tilespmem:s28+$0x1C0]  }
0x2bd: {  	v56 =	vmul.f32 v49, v3;
	[tilespmem:s28+$0x1A0] =	vst v6;
	v6 =	vmul.f32 v55, v48;
	_ =	sdelay $0x1  }
0x2be: {  	v4 =	vbroadcast v4, $0xF;
	v5 =	vbroadcast v5, $0xF;
	v6 =	vadd.f32 v6, v56  }
0x2bf: {  	v59 =	vld [tilespmem:s28+$0x1D0]  }
0x2c0: {  	v58 =	vmul.f32 v5, v0;
	[tilespmem:s28+$0x1B0] =	vst v6;
	v6 =	vmul.f32 v57, v4;
	_ =	sdelay $0x1  }
0x2c1: {  	v6 =	vadd.f32 v6, v58  }
0x2c2: {  	v61 =	vld [tilespmem:s28+$0x1E0]  }
0x2c3: {  	v60 =	vmul.f32 v5, v1;
	v63 =	vld [tilespmem:s28+$0x1F0];
	[tilespmem:s28+$0x1C0] =	vst v6;
	v6 =	vmul.f32 v59, v4;
	_ =	sdelay $0x1  }
0x2c4: {  	v6 =	vadd.f32 v6, v60;
	_ =	sdelay $0x1  }
0x2c5: {  	p1 =	sne.s32 s24, $0x7C0;
	v62 =	vmul.f32 v5, v2;
	[tilespmem:s28+$0x1D0] =	vst v6;
	v6 =	vmul.f32 v61, v4  }
.Ltmp2:
0x2c6: {  	v5 =	vmul.f32 v5, v3;
	v4 =	vmul.f32 v63, v4;
	(pc) =	sbr.rel @p1 .LBB2_6-.Ltmp2, $4  }
0x2c7: {  	v6 =	vadd.f32 v6, v62  }
0x2c8: {  	v4 =	vadd.f32 v4, v5  }
0x2c9: {  	[tilespmem:s28+$0x1E0] =	vst v6  }
0x2ca: {  	s24 =	sadd.s32 $0x40, s24;
	[tilespmem:s28+$0x1F0] =	vst v4;
	s28 =	sadd.s32 $0x400, s28  }
0x2cb: {  	s24 =	simm.s32 $0x0  }
0x2cc: {  	[hbm4b:s12+s24] =	stream.linear.scatter [tilespmem:s20], [sflag:$0x2], $0x8000, $0x38;
	[tilespmem:$0x9870] =	vst v63  }
0x2cd: {  	_ =	swait.ge [sflag:s15], $0x8000  }
0x2ce: {  	[sflag:s15] =	ssyncset.done $0x0  }
0x2cf: {  	[sflag:s15] =	ssyncadd.s32 $0xFFFF8000  }
0x2d0: {  	[tilespmem:s20], [sflag:$0x1] =	stream.indirect.gather [hbm4b:s0+s19], $0x40, s5, s19, $0xb8;
	[tilespmem:$0x9870] =	vst v63  }
0x2d1: {  	_ = 	snop  }
0x2d2: {  	[tilespmem:s21], [sflag:$0x1] =	stream.indirect.gather [hbm4b:s0+s19], $0x40, s16, s19, $0xb8;
	[tilespmem:$0x9870] =	vst v63  }
0x2d3: {  	_ = 	snop  }
0x2d4: {  	[tilespmem:s23], [sflag:$0x1] =	stream.indirect.gather [hbm4b:s0+s19], $0x40, s17, s19, $0xb8;
	[tilespmem:$0x9870] =	vst v63  }
0x2d5: {  	_ = 	snop  }
0x2d6: {  	[tilespmem:s25], [sflag:$0x1] =	stream.indirect.gather [hbm4b:s0+s19], $0x40, s18, s19, $0xb8;
	[tilespmem:$0x9870] =	vst v63  }
0x2d7: {  	_ =	swait.ge [sflag:s26], $0x2000  }
0x2d8: {  	[sflag:s26] =	ssyncset.done $0x0  }
0x2d9: {  	[sflag:s26] =	ssyncadd.s32 $0xFFFFE000  }
0x2da: {  	_ =	swait.ge [sflag:s26], $0x2000  }
0x2db: {  	[sflag:s26] =	ssyncset.done $0x0  }
0x2dc: {  	[sflag:s26] =	ssyncadd.s32 $0xFFFFE000  }
0x2dd: {  	_ =	swait.ge [sflag:s26], $0x2000  }
0x2de: {  	[sflag:s26] =	ssyncset.done $0x0  }
0x2df: {  	[sflag:s26] =	ssyncadd.s32 $0xFFFFE000  }
0x2e0: {  	_ =	swait.ge [sflag:s26], $0x2000  }
0x2e1: {  	[sflag:s26] =	ssyncset.done $0x0  }
0x2e2: {  	s28 =	simm.s32 $0x1A70;
	[sflag:s26] =	ssyncadd.s32 $0xFFFFE000  }
.LBB2_8:
0x2e3: {  	s29 =	sshra.s32 s24, $0x2  }
0x2e4: {  	v4 =	vld [tilespmem:s29+$0xE00]  }
0x2e5: {  	v5 =	vld [tilespmem:s29+$0x1600];
	_ =	sdelay $0x1  }
0x2e6: {  	v6 =	vld [tilespmem:s28+$0xFFFFFE00];
	_ =	sdelay $0x2  }
0x2e7: {  	v7 =	vbroadcast v4, $0x0;
	v8 =	vbroadcast v5, $0x0  }
0x2e8: {  	v16 =	vld [tilespmem:s28+$0xFFFFFE10]  }
0x2e9: {  	v6 =	vmul.f32 v6, v7;
	v9 =	vmul.f32 v8, v0;
	_ =	sdelay $0x1  }
0x2ea: {  	v6 =	vadd.f32 v9, v6  }
0x2eb: {  	v18 =	vld [tilespmem:s28+$0xFFFFFE20]  }
0x2ec: {  	v17 =	vmul.f32 v8, v1;
	[tilespmem:s28+$0xFFFFFE00] =	vst v6;
	v6 =	vmul.f32 v16, v7;
	_ =	sdelay $0x1  }
0x2ed: {  	v6 =	vadd.f32 v6, v17  }
0x2ee: {  	v20 =	vld [tilespmem:s28+$0xFFFFFE30]  }
0x2ef: {  	v19 =	vmul.f32 v8, v2;
	[tilespmem:s28+$0xFFFFFE10] =	vst v6;
	v6 =	vmul.f32 v18, v7;
	_ =	sdelay $0x1  }
0x2f0: {  	v6 =	vadd.f32 v6, v19  }
0x2f1: {  	v22 =	vld [tilespmem:s28+$0xFFFFFE40]  }
0x2f2: {  	v21 =	vmul.f32 v8, v3;
	[tilespmem:s28+$0xFFFFFE20] =	vst v6;
	v6 =	vmul.f32 v20, v7;
	_ =	sdelay $0x1  }
0x2f3: {  	v23 =	vbroadcast v4, $0x1;
	v24 =	vbroadcast v5, $0x1;
	v6 =	vadd.f32 v6, v21  }
0x2f4: {  	v26 =	vld [tilespmem:s28+$0xFFFFFE50]  }
0x2f5: {  	v25 =	vmul.f32 v24, v0;
	[tilespmem:s28+$0xFFFFFE30] =	vst v6;
	v6 =	vmul.f32 v22, v23;
	_ =	sdelay $0x1  }
0x2f6: {  	v6 =	vadd.f32 v6, v25  }
0x2f7: {  	v28 =	vld [tilespmem:s28+$0xFFFFFE60]  }
0x2f8: {  	v27 =	vmul.f32 v24, v1;
	[tilespmem:s28+$0xFFFFFE40] =	vst v6;
	v6 =	vmul.f32 v26, v23;
	_ =	sdelay $0x1  }
0x2f9: {  	v6 =	vadd.f32 v6, v27  }
0x2fa: {  	v30 =	vld [tilespmem:s28+$0xFFFFFE70]  }
0x2fb: {  	v29 =	vmul.f32 v24, v2;
	[tilespmem:s28+$0xFFFFFE50] =	vst v6;
	v6 =	vmul.f32 v28, v23;
	_ =	sdelay $0x1  }
0x2fc: {  	v6 =	vadd.f32 v6, v29  }
0x2fd: {  	v32 =	vld [tilespmem:s28+$0xFFFFFE80]  }
0x2fe: {  	v31 =	vmul.f32 v24, v3;
	[tilespmem:s28+$0xFFFFFE60] =	vst v6;
	v6 =	vmul.f32 v30, v23;
	_ =	sdelay $0x1  }
0x2ff: {  	v33 =	vbroadcast v4, $0x2;
	v34 =	vbroadcast v5, $0x2;
	v6 =	vadd.f32 v6, v31  }
0x300: {  	v36 =	vld [tilespmem:s28+$0xFFFFFE90]  }
0x301: {  	v35 =	vmul.f32 v34, v0;
	[tilespmem:s28+$0xFFFFFE70] =	vst v6;
	v6 =	vmul.f32 v32, v33;
	_ =	sdelay $0x1  }
0x302: {  	v6 =	vadd.f32 v6, v35  }
0x303: {  	v38 =	vld [tilespmem:s28+$0xFFFFFEA0]  }
0x304: {  	v37 =	vmul.f32 v34, v1;
	[tilespmem:s28+$0xFFFFFE80] =	vst v6;
	v6 =	vmul.f32 v36, v33;
	_ =	sdelay $0x1  }
0x305: {  	v6 =	vadd.f32 v6, v37  }
0x306: {  	v40 =	vld [tilespmem:s28+$0xFFFFFEB0]  }
0x307: {  	v39 =	vmul.f32 v34, v2;
	[tilespmem:s28+$0xFFFFFE90] =	vst v6;
	v6 =	vmul.f32 v38, v33;
	_ =	sdelay $0x1  }
0x308: {  	v6 =	vadd.f32 v6, v39  }
0x309: {  	v42 =	vld [tilespmem:s28+$0xFFFFFEC0]  }
0x30a: {  	v41 =	vmul.f32 v34, v3;
	[tilespmem:s28+$0xFFFFFEA0] =	vst v6;
	v6 =	vmul.f32 v40, v33;
	_ =	sdelay $0x1  }
0x30b: {  	v43 =	vbroadcast v4, $0x3;
	v44 =	vbroadcast v5, $0x3;
	v6 =	vadd.f32 v6, v41  }
0x30c: {  	v46 =	vld [tilespmem:s28+$0xFFFFFED0]  }
0x30d: {  	v45 =	vmul.f32 v44, v0;
	[tilespmem:s28+$0xFFFFFEB0] =	vst v6;
	v6 =	vmul.f32 v42, v43;
	_ =	sdelay $0x1  }
0x30e: {  	v6 =	vadd.f32 v6, v45  }
0x30f: {  	v48 =	vld [tilespmem:s28+$0xFFFFFEE0]  }
0x310: {  	v47 =	vmul.f32 v44, v1;
	[tilespmem:s28+$0xFFFFFEC0] =	vst v6;
	v6 =	vmul.f32 v46, v43;
	_ =	sdelay $0x1  }
0x311: {  	v6 =	vadd.f32 v6, v47  }
0x312: {  	v50 =	vld [tilespmem:s28+$0xFFFFFEF0]  }
0x313: {  	v49 =	vmul.f32 v44, v2;
	[tilespmem:s28+$0xFFFFFED0] =	vst v6;
	v6 =	vmul.f32 v48, v43;
	_ =	sdelay $0x1  }
0x314: {  	v6 =	vadd.f32 v6, v49  }
0x315: {  	v52 =	vld [tilespmem:s28+$0xFFFFFF00]  }
0x316: {  	v51 =	vmul.f32 v44, v3;
	[tilespmem:s28+$0xFFFFFEE0] =	vst v6;
	v6 =	vmul.f32 v50, v43;
	_ =	sdelay $0x1  }
0x317: {  	v53 =	vbroadcast v4, $0x4;
	v54 =	vbroadcast v5, $0x4;
	v6 =	vadd.f32 v6, v51  }
0x318: {  	v56 =	vld [tilespmem:s28+$0xFFFFFF10]  }
0x319: {  	v55 =	vmul.f32 v54, v0;
	[tilespmem:s28+$0xFFFFFEF0] =	vst v6;
	v6 =	vmul.f32 v52, v53;
	_ =	sdelay $0x1  }
0x31a: {  	v6 =	vadd.f32 v6, v55  }
0x31b: {  	v58 =	vld [tilespmem:s28+$0xFFFFFF20]  }
0x31c: {  	v57 =	vmul.f32 v54, v1;
	[tilespmem:s28+$0xFFFFFF00] =	vst v6;
	v6 =	vmul.f32 v56, v53;
	_ =	sdelay $0x1  }
0x31d: {  	v6 =	vadd.f32 v6, v57  }
0x31e: {  	v60 =	vld [tilespmem:s28+$0xFFFFFF30]  }
0x31f: {  	v59 =	vmul.f32 v54, v2;
	[tilespmem:s28+$0xFFFFFF10] =	vst v6;
	v6 =	vmul.f32 v58, v53;
	_ =	sdelay $0x1  }
0x320: {  	v6 =	vadd.f32 v6, v59  }
0x321: {  	v62 =	vld [tilespmem:s28+$0xFFFFFF40]  }
0x322: {  	v61 =	vmul.f32 v54, v3;
	[tilespmem:s28+$0xFFFFFF20] =	vst v6;
	v6 =	vmul.f32 v60, v53;
	_ =	sdelay $0x1  }
0x323: {  	v63 =	vbroadcast v4, $0x5;
	v12 =	vbroadcast v5, $0x5;
	v6 =	vadd.f32 v6, v61  }
0x324: {  	v14 =	vld [tilespmem:s28+$0xFFFFFF50]  }
0x325: {  	v13 =	vmul.f32 v12, v0;
	[tilespmem:s28+$0xFFFFFF30] =	vst v6;
	v6 =	vmul.f32 v62, v63;
	_ =	sdelay $0x1  }
0x326: {  	v6 =	vadd.f32 v6, v13  }
0x327: {  	v16 =	vld [tilespmem:s28+$0xFFFFFF60]  }
0x328: {  	v15 =	vmul.f32 v12, v1;
	[tilespmem:s28+$0xFFFFFF40] =	vst v6;
	v6 =	vmul.f32 v14, v63;
	_ =	sdelay $0x1  }
0x329: {  	v6 =	vadd.f32 v6, v15  }
0x32a: {  	v18 =	vld [tilespmem:s28+$0xFFFFFF70]  }
0x32b: {  	v17 =	vmul.f32 v12, v2;
	[tilespmem:s28+$0xFFFFFF50] =	vst v6;
	v6 =	vmul.f32 v16, v63;
	_ =	sdelay $0x1  }
0x32c: {  	v6 =	vadd.f32 v6, v17  }
0x32d: {  	v20 =	vld [tilespmem:s28+$0xFFFFFF80]  }
0x32e: {  	v19 =	vmul.f32 v12, v3;
	[tilespmem:s28+$0xFFFFFF60] =	vst v6;
	v6 =	vmul.f32 v18, v63;
	_ =	sdelay $0x1  }
0x32f: {  	v21 =	vbroadcast v4, $0x6;
	v22 =	vbroadcast v5, $0x6;
	v6 =	vadd.f32 v6, v19  }
0x330: {  	v24 =	vld [tilespmem:s28+$0xFFFFFF90]  }
0x331: {  	v23 =	vmul.f32 v22, v0;
	[tilespmem:s28+$0xFFFFFF70] =	vst v6;
	v6 =	vmul.f32 v20, v21;
	_ =	sdelay $0x1  }
0x332: {  	v6 =	vadd.f32 v6, v23  }
0x333: {  	v26 =	vld [tilespmem:s28+$0xFFFFFFA0]  }
0x334: {  	v25 =	vmul.f32 v22, v1;
	[tilespmem:s28+$0xFFFFFF80] =	vst v6;
	v6 =	vmul.f32 v24, v21;
	_ =	sdelay $0x1  }
0x335: {  	v6 =	vadd.f32 v6, v25  }
0x336: {  	v28 =	vld [tilespmem:s28+$0xFFFFFFB0]  }
0x337: {  	v27 =	vmul.f32 v22, v2;
	[tilespmem:s28+$0xFFFFFF90] =	vst v6;
	v6 =	vmul.f32 v26, v21;
	_ =	sdelay $0x1  }
0x338: {  	v6 =	vadd.f32 v6, v27  }
0x339: {  	v30 =	vld [tilespmem:s28+$0xFFFFFFC0]  }
0x33a: {  	v29 =	vmul.f32 v22, v3;
	[tilespmem:s28+$0xFFFFFFA0] =	vst v6;
	v6 =	vmul.f32 v28, v21;
	_ =	sdelay $0x1  }
0x33b: {  	v31 =	vbroadcast v4, $0x7;
	v32 =	vbroadcast v5, $0x7;
	v6 =	vadd.f32 v6, v29  }
0x33c: {  	v34 =	vld [tilespmem:s28+$0xFFFFFFD0]  }
0x33d: {  	v33 =	vmul.f32 v32, v0;
	[tilespmem:s28+$0xFFFFFFB0] =	vst v6;
	v6 =	vmul.f32 v30, v31;
	_ =	sdelay $0x1  }
0x33e: {  	v6 =	vadd.f32 v6, v33  }
0x33f: {  	v36 =	vld [tilespmem:s28+$0xFFFFFFE0]  }
0x340: {  	v35 =	vmul.f32 v32, v1;
	[tilespmem:s28+$0xFFFFFFC0] =	vst v6;
	v6 =	vmul.f32 v34, v31;
	_ =	sdelay $0x1  }
0x341: {  	v6 =	vadd.f32 v6, v35  }
0x342: {  	v38 =	vld [tilespmem:s28+$0xFFFFFFF0]  }
0x343: {  	v37 =	vmul.f32 v32, v2;
	[tilespmem:s28+$0xFFFFFFD0] =	vst v6;
	v6 =	vmul.f32 v36, v31;
	_ =	sdelay $0x1  }
0x344: {  	v6 =	vadd.f32 v6, v37  }
0x345: {  	v40 =	vld [tilespmem:s28+$0x0]  }
0x346: {  	v39 =	vmul.f32 v32, v3;
	[tilespmem:s28+$0xFFFFFFE0] =	vst v6;
	v6 =	vmul.f32 v38, v31;
	_ =	sdelay $0x1  }
0x347: {  	v41 =	vbroadcast v4, $0x8;
	v42 =	vbroadcast v5, $0x8;
	v6 =	vadd.f32 v6, v39  }
0x348: {  	v44 =	vld [tilespmem:s28+$0x10]  }
0x349: {  	v43 =	vmul.f32 v42, v0;
	[tilespmem:s28+$0xFFFFFFF0] =	vst v6;
	v6 =	vmul.f32 v40, v41;
	_ =	sdelay $0x1  }
0x34a: {  	v6 =	vadd.f32 v6, v43  }
0x34b: {  	v46 =	vld [tilespmem:s28+$0x20]  }
0x34c: {  	v45 =	vmul.f32 v42, v1;
	[tilespmem:s28+$0x0] =	vst v6;
	v6 =	vmul.f32 v44, v41;
	_ =	sdelay $0x1  }
0x34d: {  	v6 =	vadd.f32 v6, v45  }
0x34e: {  	v48 =	vld [tilespmem:s28+$0x30]  }
0x34f: {  	v47 =	vmul.f32 v42, v2;
	[tilespmem:s28+$0x10] =	vst v6;
	v6 =	vmul.f32 v46, v41;
	_ =	sdelay $0x1  }
0x350: {  	v6 =	vadd.f32 v6, v47  }
0x351: {  	v50 =	vld [tilespmem:s28+$0x40]  }
0x352: {  	v49 =	vmul.f32 v42, v3;
	[tilespmem:s28+$0x20] =	vst v6;
	v6 =	vmul.f32 v48, v41;
	_ =	sdelay $0x1  }
0x353: {  	v51 =	vbroadcast v4, $0x9;
	v52 =	vbroadcast v5, $0x9;
	v6 =	vadd.f32 v6, v49  }
0x354: {  	v54 =	vld [tilespmem:s28+$0x50]  }
0x355: {  	v53 =	vmul.f32 v52, v0;
	[tilespmem:s28+$0x30] =	vst v6;
	v6 =	vmul.f32 v50, v51;
	_ =	sdelay $0x1  }
0x356: {  	v6 =	vadd.f32 v6, v53  }
0x357: {  	v56 =	vld [tilespmem:s28+$0x60]  }
0x358: {  	v55 =	vmul.f32 v52, v1;
	[tilespmem:s28+$0x40] =	vst v6;
	v6 =	vmul.f32 v54, v51;
	_ =	sdelay $0x1  }
0x359: {  	v6 =	vadd.f32 v6, v55  }
0x35a: {  	v58 =	vld [tilespmem:s28+$0x70]  }
0x35b: {  	v57 =	vmul.f32 v52, v2;
	[tilespmem:s28+$0x50] =	vst v6;
	v6 =	vmul.f32 v56, v51;
	_ =	sdelay $0x1  }
0x35c: {  	v6 =	vadd.f32 v6, v57  }
0x35d: {  	v60 =	vld [tilespmem:s28+$0x80]  }
0x35e: {  	v59 =	vmul.f32 v52, v3;
	[tilespmem:s28+$0x60] =	vst v6;
	v6 =	vmul.f32 v58, v51;
	_ =	sdelay $0x1  }
0x35f: {  	v61 =	vbroadcast v4, $0xA;
	v62 =	vbroadcast v5, $0xA;
	v6 =	vadd.f32 v6, v59  }
0x360: {  	v11 =	vld [tilespmem:s28+$0x90]  }
0x361: {  	v63 =	vmul.f32 v62, v0;
	[tilespmem:s28+$0x70] =	vst v6;
	v6 =	vmul.f32 v60, v61;
	_ =	sdelay $0x1  }
0x362: {  	v6 =	vadd.f32 v6, v63  }
0x363: {  	v13 =	vld [tilespmem:s28+$0xA0]  }
0x364: {  	v12 =	vmul.f32 v62, v1;
	[tilespmem:s28+$0x80] =	vst v6;
	v6 =	vmul.f32 v11, v61;
	_ =	sdelay $0x1  }
0x365: {  	v6 =	vadd.f32 v6, v12  }
0x366: {  	v15 =	vld [tilespmem:s28+$0xB0]  }
0x367: {  	v14 =	vmul.f32 v62, v2;
	[tilespmem:s28+$0x90] =	vst v6;
	v6 =	vmul.f32 v13, v61;
	_ =	sdelay $0x1  }
0x368: {  	v6 =	vadd.f32 v6, v14  }
0x369: {  	v17 =	vld [tilespmem:s28+$0xC0]  }
0x36a: {  	v16 =	vmul.f32 v62, v3;
	[tilespmem:s28+$0xA0] =	vst v6;
	v6 =	vmul.f32 v15, v61;
	_ =	sdelay $0x1  }
0x36b: {  	v18 =	vbroadcast v4, $0xB;
	v19 =	vbroadcast v5, $0xB;
	v6 =	vadd.f32 v6, v16  }
0x36c: {  	v21 =	vld [tilespmem:s28+$0xD0]  }
0x36d: {  	v20 =	vmul.f32 v19, v0;
	[tilespmem:s28+$0xB0] =	vst v6;
	v6 =	vmul.f32 v17, v18;
	_ =	sdelay $0x1  }
0x36e: {  	v6 =	vadd.f32 v6, v20  }
0x36f: {  	v23 =	vld [tilespmem:s28+$0xE0]  }
0x370: {  	v22 =	vmul.f32 v19, v1;
	[tilespmem:s28+$0xC0] =	vst v6;
	v6 =	vmul.f32 v21, v18;
	_ =	sdelay $0x1  }
0x371: {  	v6 =	vadd.f32 v6, v22  }
0x372: {  	v25 =	vld [tilespmem:s28+$0xF0]  }
0x373: {  	v24 =	vmul.f32 v19, v2;
	[tilespmem:s28+$0xD0] =	vst v6;
	v6 =	vmul.f32 v23, v18;
	_ =	sdelay $0x1  }
0x374: {  	v6 =	vadd.f32 v6, v24  }
0x375: {  	v27 =	vld [tilespmem:s28+$0x100]  }
0x376: {  	v26 =	vmul.f32 v19, v3;
	[tilespmem:s28+$0xE0] =	vst v6;
	v6 =	vmul.f32 v25, v18;
	_ =	sdelay $0x1  }
0x377: {  	v28 =	vbroadcast v4, $0xC;
	v29 =	vbroadcast v5, $0xC;
	v6 =	vadd.f32 v6, v26  }
0x378: {  	v31 =	vld [tilespmem:s28+$0x110]  }
0x379: {  	v30 =	vmul.f32 v29, v0;
	[tilespmem:s28+$0xF0] =	vst v6;
	v6 =	vmul.f32 v27, v28;
	_ =	sdelay $0x1  }
0x37a: {  	v6 =	vadd.f32 v6, v30  }
0x37b: {  	v33 =	vld [tilespmem:s28+$0x120]  }
0x37c: {  	v32 =	vmul.f32 v29, v1;
	[tilespmem:s28+$0x100] =	vst v6;
	v6 =	vmul.f32 v31, v28;
	_ =	sdelay $0x1  }
0x37d: {  	v6 =	vadd.f32 v6, v32  }
0x37e: {  	v35 =	vld [tilespmem:s28+$0x130]  }
0x37f: {  	v34 =	vmul.f32 v29, v2;
	[tilespmem:s28+$0x110] =	vst v6;
	v6 =	vmul.f32 v33, v28;
	_ =	sdelay $0x1  }
0x380: {  	v6 =	vadd.f32 v6, v34  }
0x381: {  	v37 =	vld [tilespmem:s28+$0x140]  }
0x382: {  	v36 =	vmul.f32 v29, v3;
	[tilespmem:s28+$0x120] =	vst v6;
	v6 =	vmul.f32 v35, v28;
	_ =	sdelay $0x1  }
0x383: {  	v38 =	vbroadcast v4, $0xD;
	v39 =	vbroadcast v5, $0xD;
	v6 =	vadd.f32 v6, v36  }
0x384: {  	v41 =	vld [tilespmem:s28+$0x150]  }
0x385: {  	v40 =	vmul.f32 v39, v0;
	[tilespmem:s28+$0x130] =	vst v6;
	v6 =	vmul.f32 v37, v38;
	_ =	sdelay $0x1  }
0x386: {  	v6 =	vadd.f32 v6, v40  }
0x387: {  	v43 =	vld [tilespmem:s28+$0x160]  }
0x388: {  	v42 =	vmul.f32 v39, v1;
	[tilespmem:s28+$0x140] =	vst v6;
	v6 =	vmul.f32 v41, v38;
	_ =	sdelay $0x1  }
0x389: {  	v6 =	vadd.f32 v6, v42  }
0x38a: {  	v45 =	vld [tilespmem:s28+$0x170]  }
0x38b: {  	v44 =	vmul.f32 v39, v2;
	[tilespmem:s28+$0x150] =	vst v6;
	v6 =	vmul.f32 v43, v38;
	_ =	sdelay $0x1  }
0x38c: {  	v6 =	vadd.f32 v6, v44  }
0x38d: {  	v47 =	vld [tilespmem:s28+$0x180]  }
0x38e: {  	v46 =	vmul.f32 v39, v3;
	[tilespmem:s28+$0x160] =	vst v6;
	v6 =	vmul.f32 v45, v38;
	_ =	sdelay $0x1  }
0x38f: {  	v48 =	vbroadcast v4, $0xE;
	v49 =	vbroadcast v5, $0xE;
	v6 =	vadd.f32 v6, v46  }
0x390: {  	v51 =	vld [tilespmem:s28+$0x190]  }
0x391: {  	v50 =	vmul.f32 v49, v0;
	[tilespmem:s28+$0x170] =	vst v6;
	v6 =	vmul.f32 v47, v48;
	_ =	sdelay $0x1  }
0x392: {  	v6 =	vadd.f32 v6, v50  }
0x393: {  	v53 =	vld [tilespmem:s28+$0x1A0]  }
0x394: {  	v52 =	vmul.f32 v49, v1;
	[tilespmem:s28+$0x180] =	vst v6;
	v6 =	vmul.f32 v51, v48;
	_ =	sdelay $0x1  }
0x395: {  	v6 =	vadd.f32 v6, v52  }
0x396: {  	v55 =	vld [tilespmem:s28+$0x1B0]  }
0x397: {  	v54 =	vmul.f32 v49, v2;
	[tilespmem:s28+$0x190] =	vst v6;
	v6 =	vmul.f32 v53, v48;
	_ =	sdelay $0x1  }
0x398: {  	v6 =	vadd.f32 v6, v54  }
0x399: {  	v57 =	vld [tilespmem:s28+$0x1C0]  }
0x39a: {  	v56 =	vmul.f32 v49, v3;
	[tilespmem:s28+$0x1A0] =	vst v6;
	v6 =	vmul.f32 v55, v48;
	_ =	sdelay $0x1  }
0x39b: {  	v4 =	vbroadcast v4, $0xF;
	v5 =	vbroadcast v5, $0xF;
	v6 =	vadd.f32 v6, v56  }
0x39c: {  	v59 =	vld [tilespmem:s28+$0x1D0]  }
0x39d: {  	v58 =	vmul.f32 v5, v0;
	[tilespmem:s28+$0x1B0] =	vst v6;
	v6 =	vmul.f32 v57, v4;
	_ =	sdelay $0x1  }
0x39e: {  	v6 =	vadd.f32 v6, v58  }
0x39f: {  	v61 =	vld [tilespmem:s28+$0x1E0]  }
0x3a0: {  	v60 =	vmul.f32 v5, v1;
	v63 =	vld [tilespmem:s28+$0x1F0];
	[tilespmem:s28+$0x1C0] =	vst v6;
	v6 =	vmul.f32 v59, v4;
	_ =	sdelay $0x1  }
0x3a1: {  	v6 =	vadd.f32 v6, v60;
	_ =	sdelay $0x1  }
0x3a2: {  	p1 =	sne.s32 s24, $0x7C0;
	v62 =	vmul.f32 v5, v2;
	[tilespmem:s28+$0x1D0] =	vst v6;
	v6 =	vmul.f32 v61, v4  }
.Ltmp3:
0x3a3: {  	v5 =	vmul.f32 v5, v3;
	v4 =	vmul.f32 v63, v4;
	(pc) =	sbr.rel @p1 .LBB2_8-.Ltmp3, $4  }
0x3a4: {  	v6 =	vadd.f32 v6, v62  }
0x3a5: {  	v4 =	vadd.f32 v4, v5  }
0x3a6: {  	[tilespmem:s28+$0x1E0] =	vst v6  }
0x3a7: {  	s24 =	sadd.s32 $0x40, s24;
	[tilespmem:s28+$0x1F0] =	vst v4;
	s28 =	sadd.s32 $0x400, s28  }
0x3a8: {  	s22 =	sadd.s32 $0x1, s22  }
0x3a9: {  	p1 =	sne.s32 s22, s14  }
.Ltmp4:
0x3aa: {  	_ = 	snop;
	(pc) =	sbr.rel @p1 .LBB2_1-.Ltmp4, $4  }
0x3ab: {  	[hbm4b:s13+s6] =	stream.linear.scatter [tilespmem:s20], [sflag:$0x2], $0x8000, $0x38;
	[tilespmem:$0x9870] =	vst v63  }
0x3ac: {  	_ =	swait.ge [sflag:s15], $0x8000  }
0x3ad: {  	[sflag:s15] =	ssyncset.done $0x0  }
0x3ae: {  	[sflag:s15] =	ssyncadd.s32 $0xFFFF8000  }
0x3af: {  	_ =	sfence.sel $0x180000  }
0x3b0: {  	[bflag:$0x0] =	sbarrier.arrive $0xFFFF  }
0x3b1: {  	_ =	strace $0x90000047  }
0x3b2: {  	s0 =	stileid.u32;
	[bflag:$0x2] =	sbarrier.arrive $0xFFFF  }
0x3b3: {  	p0 =	sne.s32 s0, $0x0;
	s0 =	rddreg [dreg:$0x8]  }
0x3b4: {  	s0 =	sadd.s32 @!p0 $0x100000, s0  }
0x3b5: {  	[sflag:s0] =	ssyncadd.tile.s32 @!p0 $0x1;
	_ =	shalt  }
.Lfunc_end2:
_tile_overlayer_lowered:
.L_overlay_start_2:
0x3b6: {  	(tag) =	ssettag $0x2  }
0x3b7: {  	s0 =	rddreg [dreg:$0x0];
	s2 =	stileid.u32  }
0x3b8: {  	s1 =	rddreg [dreg:$0x1];
	p0 =	sne.s32 s2, $0x0  }
0x3b9: {  	s3 =	rddreg [dreg:$0x2];
	[bflag:$0x3] =	sbarrier.arrive $0xFFFF;
	s2 =	simm.s32 @!p0 $0x1C02  }
0x3ba: {  	[timem:s3], [sflag:s2] =	dma.local @!p0 [hbm:s0], s1  }
0x3bb: {  	s0 =	simm.s32 @!p0 $0x2  }
0x3bc: {  	_ =	swait.ge @!p0 [sflag:s0], s1  }
0x3bd: {  	s1 =	ssub.s32 @!p0 $0x0, s1;
	[sflag:s0] =	ssyncset.done @!p0 $0x0  }
0x3be: {  	[sflag:s0] =	ssyncadd.s32 @!p0 s1  }
0x3bf: {  	[bflag:$0x3] =	sbarrier.arrive $0xFFFF  }
0x3c0: {  	_ =	shalt  }

</sc_bundles>
